<compile_context>
chip_gen: v7x
topology: tpu7x:2x2x1
jax: 0.10.2.dev20260603
libtpu: 0.0.44.dev20260713+nightly
codegen_flags: <defaults>
</compile_context>

<pallas_src>
import functools

import jax
import jax.numpy as jnp
import numpy as np
from jax import lax
from jax.experimental import pallas as pl
from jax.experimental.pallas import tpu as pltpu
from jax.experimental.pallas import tpu_sc as plsc

_GS = 8.0
_NNEG = 16
_SNEG = 8
_B, _N, _C, _H, _W = 4, 512, 128, 64, 64
_HW = _H * _W
_RCH = 128
_NCH = _N // _RCH
_BIGF = 3.0e38
_BIGID = 1.0e9
_RADIUS = np.float32(_GS * np.sqrt(2.0) + 0.1)


def _mmt(a, b):
    return jax.lax.dot_general(
        a, b, (((1,), (1,)), ((), ())),
        preferred_element_type=jnp.float32,
        precision=jax.lax.Precision.DEFAULT)


def _mm(a, b):
    return jax.lax.dot_general(
        a, b, (((1,), (0,)), ((), ())),
        preferred_element_type=jnp.float32,
        precision=jax.lax.Precision.DEFAULT)


def _nearest4(x, y):
    u = jnp.clip(x * (1.0 / _GS) - 0.5, -0.5, 63.5)
    v = jnp.clip(y * (1.0 / _GS) - 0.5, -0.5, 63.5)
    jx = jnp.floor(u)
    jy = jnp.floor(v)
    dists = []
    ids = []
    for dr in (-1.0, 0.0, 1.0, 2.0):
        for dc in (-1.0, 0.0, 1.0, 2.0):
            c = jx + dc
            r = jy + dr
            valid = (c >= 0.0) & (c <= 63.0) & (r >= 0.0) & (r <= 63.0)
            gx = (c + 0.5) * _GS
            gy = (r + 0.5) * _GS
            dx = x - gx
            dy = y - gy
            d = jnp.sqrt(dx * dx + dy * dy + 1e-12)
            dists.append(jnp.where(valid, d, _BIGF))
            ids.append(jnp.where(valid, r * 64.0 + c, _BIGID))
    sels = []
    for _ in range(4):
        m = dists[0]
        for d in dists[1:]:
            m = jnp.minimum(m, d)
        t = [jnp.where(d == m, i, _BIGID) for d, i in zip(dists, ids)]
        sel = t[0]
        for tt in t[1:]:
            sel = jnp.minimum(sel, tt)
        dists = [jnp.where(i == sel, _BIGF, d) for d, i in zip(dists, ids)]
        sels.append(sel)
    return sels


def _k1_body(kp1_ref, cells_ref):
    x = kp1_ref[0, :, 0:1]
    y = kp1_ref[0, :, 1:2]
    sels = _nearest4(x, y)
    for k in range(4):
        cells_ref[0, :, k:k + 1] = sels[k].astype(jnp.int32)


_P = _B * _N
_NW = 32
_PPW = _P // _NW
_TPB = _N // _PPW


def _sc_floor(u):
    t = u.astype(jnp.int32)
    return t - jnp.where(u < t.astype(jnp.float32), 1, 0)


def _sc_gather_body(wx_hbm, wy_hbm, table_hbm, o00, o01, o10, o11,
                    i00, i01, i10, i11, xv, yv, rows_v, sem):
    wid = lax.axis_index("s") * 2 + lax.axis_index("c")
    base = wid * _PPW
    boff = (base // _N) * _HW
    pltpu.sync_copy(wx_hbm.at[pl.ds(base, _PPW)], xv)
    pltpu.sync_copy(wy_hbm.at[pl.ds(base, _PPW)], yv)
    for s in range(_PPW // 16):
        sl = pl.ds(s * 16, 16)
        u = xv[sl] * (1.0 / _GS) - 0.5
        v = yv[sl] * (1.0 / _GS) - 0.5
        x0 = _sc_floor(u)
        y0 = _sc_floor(v)
        x0c = jnp.minimum(jnp.maximum(x0, 0), _W - 1)
        x1c = jnp.minimum(jnp.maximum(x0 + 1, 0), _W - 1)
        y0c = jnp.minimum(jnp.maximum(y0, 0), _H - 1)
        y1c = jnp.minimum(jnp.maximum(y0 + 1, 0), _H - 1)
        i00[sl] = y0c * _W + x0c + boff
        i01[sl] = y0c * _W + x1c + boff
        i10[sl] = y1c * _W + x0c + boff
        i11[sl] = y1c * _W + x1c + boff
    for idx, out in ((i00, o00), (i01, o01), (i10, o10), (i11, o11)):
        pltpu.async_copy(table_hbm.at[idx], rows_v, sem).wait()
        pltpu.sync_copy(rows_v, out.at[pl.ds(base, _PPW)])


def _sc_gather_corners(wx, wy, table):
    fn = functools.partial(
        pl.kernel,
        mesh=plsc.VectorSubcoreMesh(core_axis_name="c", subcore_axis_name="s"),
        out_type=[jax.ShapeDtypeStruct((_P, _C), jnp.float32)] * 4,
        scratch_types=([pltpu.VMEM((_PPW,), jnp.int32)] * 4
                       + [pltpu.VMEM((_PPW,), jnp.float32)] * 2
                       + [pltpu.VMEM((_PPW, _C), jnp.float32),
                          pltpu.SemaphoreType.DMA]),
    )(_sc_gather_body)
    return fn(wx, wy, table)


def _k2_body(kdesc_ref, desc2_ref, wkp1_ref, c00_ref, c01_ref, c10_ref,
             c11_ref, wcx_ref, wcy_ref, wdesc_ref, out_ref):
    wx = wcx_ref[0]
    wy = wcy_ref[0]
    sels = _nearest4(wx, wy)
    iot = jax.lax.broadcasted_iota(jnp.int16, (_RCH, _HW), 1)
    excl = iot == sels[0][:, 0:1].astype(jnp.int16)
    for k in range(4):
        for g in range(4):
            if k == 0 and g == 0:
                continue
            excl = excl | (iot == sels[k][:, g:g + 1].astype(jnp.int16))
    kdesc = kdesc_ref[0]
    sim = 2.0 - 2.0 * _mmt(kdesc, desc2_ref[0])
    sim = jnp.where(excl, _BIGF, sim)
    cx = wkp1_ref[0, :, 0:1] * (1.0 / _GS) - 0.5
    cy = wkp1_ref[0, :, 1:2] * (1.0 / _GS) - 0.5
    x0 = jnp.floor(cx)
    y0 = jnp.floor(cy)
    wx1 = cx - x0
    wx0 = 1.0 - wx1
    wy1 = cy - y0
    wy0 = 1.0 - wy1
    raw = (c00_ref[0] * (wy0 * wx0) + c01_ref[0] * (wy0 * wx1)
           + c10_ref[0] * (wy1 * wx0) + c11_ref[0] * (wy1 * wx1))
    wdesc = raw / jnp.sqrt(jnp.sum(raw * raw, axis=1, keepdims=True) + 1e-8)
    wdesc_ref[0] = wdesc
    pos = 2.0 - 2.0 * jnp.sum(kdesc * wdesc, axis=1, keepdims=True)
    work = sim
    for _ in range(_NNEG):
        m = jnp.min(work, axis=1, keepdims=True)
        work = jnp.where(work == m, _BIGF, work)
    killed = (work == _BIGF) & (sim != _BIGF)
    term = jnp.maximum(pos - sim + 1.0, 0.0) ** 2
    out_ref[0, 0, 0, 0] = jnp.sum(jnp.where(killed, term, 0.0))


def _top8_dots(sim):
    dots = []
    for _ in range(_SNEG):
        m = jnp.min(sim, axis=1, keepdims=True)
        sim = jnp.where(sim == m, _BIGF, sim)
        dots.append(jnp.where(m < 4.5, (2.0 - m) * 0.5, (7.0 - m) * 0.5))
    return dots


def _k3_body(kp1_ref, kp1t_ref, wkp1_ref, wkp1t_ref, kdesc_ref, wdesc_ref,
             out_ref):
    kdesc = kdesc_ref[0]
    wdesc = wdesc_ref[0]
    g1 = _mmt(kdesc, kdesc)
    g2 = _mmt(wdesc, wdesc)
    x = kp1_ref[0, :, 0:1]
    y = kp1_ref[0, :, 1:2]
    xr = kp1t_ref[0, 0:1, :]
    yr = kp1t_ref[0, 1:2, :]
    dx = x - xr
    dy = y - yr
    d1 = jnp.sqrt(dx * dx + dy * dy + 1e-12)
    sim1 = 2.0 - 2.0 * g1 + jnp.where(d1 <= _RADIUS, 5.0, 0.0)
    wx = wkp1_ref[0, :, 0:1]
    wy = wkp1_ref[0, :, 1:2]
    wxr = wkp1t_ref[0, 0:1, :]
    wyr = wkp1t_ref[0, 1:2, :]
    dwx = wx - wxr
    dwy = wy - wyr
    d2 = jnp.sqrt(dwx * dwx + dwy * dwy + 1e-12)
    sim2 = 2.0 - 2.0 * g2 + jnp.where(d2 <= _RADIUS, 5.0, 0.0)
    a = _top8_dots(sim1)
    b = _top8_dots(sim2)
    acc = jnp.zeros((_N, 1), jnp.float32)
    for k in range(_SNEG):
        s = (2.0 - 2.0 * a[k]) - (2.0 - 2.0 * b[k])
        acc = acc + s * s
    out_ref[0, 0, 0] = jnp.sum(jnp.sqrt(acc + 1e-12))


def kernel(kp1, w_kp1, kp1_desc, desc2, homo12):
    b, n, c = kp1_desc.shape
    desc2_flat = jnp.transpose(desc2, (0, 2, 3, 1)).reshape(b, _HW, c)

    c00, c01, c10, c11 = _sc_gather_corners(
        w_kp1[..., 0].reshape(-1), w_kp1[..., 1].reshape(-1),
        desc2_flat.reshape(_B * _HW, _C))
    c00 = c00.reshape(_B, _N, _C)
    c01 = c01.reshape(_B, _N, _C)
    c10 = c10.reshape(_B, _N, _C)
    c11 = c11.reshape(_B, _N, _C)

    cells = pl.pallas_call(
        _k1_body,
        grid=(_B, _NCH),
        in_specs=[
            pl.BlockSpec((1, _RCH, 2), lambda bi, i: (bi, i, 0)),
        ],
        out_specs=pl.BlockSpec((1, _RCH, 4), lambda bi, i: (bi, i, 0)),
        out_shape=jax.ShapeDtypeStruct((_B, _N, 4), jnp.int32),
    )(kp1)

    cc = jnp.remainder(cells, 64).astype(jnp.float32)
    rr = (cells // 64).astype(jnp.float32)
    px = (cc + 0.5) * _GS
    py = (rr + 0.5) * _GS
    pts = jnp.stack([px, py], axis=-1).reshape(b, n * 4, 2)
    ones = jnp.ones(pts.shape[:-1] + (1,), pts.dtype)
    ph = jnp.concatenate([pts, ones], axis=-1)
    wp = jnp.einsum('bij,bnj->bni', homo12, ph)
    wpts = wp[..., :2] / (wp[..., 2:3] + 1e-8)
    wcx = wpts[..., 0].reshape(b, n, 4)
    wcy = wpts[..., 1].reshape(b, n, 4)

    wdesc, fos_parts = pl.pallas_call(
        _k2_body,
        grid=(_B, _NCH),
        in_specs=[
            pl.BlockSpec((1, _RCH, _C), lambda bi, i: (bi, i, 0)),
            pl.BlockSpec((1, _HW, _C), lambda bi, i: (bi, 0, 0)),
            pl.BlockSpec((1, _RCH, 2), lambda bi, i: (bi, i, 0)),
            pl.BlockSpec((1, _RCH, _C), lambda bi, i: (bi, i, 0)),
            pl.BlockSpec((1, _RCH, _C), lambda bi, i: (bi, i, 0)),
            pl.BlockSpec((1, _RCH, _C), lambda bi, i: (bi, i, 0)),
            pl.BlockSpec((1, _RCH, _C), lambda bi, i: (bi, i, 0)),
            pl.BlockSpec((1, _RCH, 4), lambda bi, i: (bi, i, 0)),
            pl.BlockSpec((1, _RCH, 4), lambda bi, i: (bi, i, 0)),
        ],
        out_specs=[
            pl.BlockSpec((1, _RCH, _C), lambda bi, i: (bi, i, 0)),
            pl.BlockSpec((1, 1, 1, 1), lambda bi, i: (bi, i, 0, 0),
                         memory_space=pltpu.SMEM),
        ],
        out_shape=[
            jax.ShapeDtypeStruct((_B, _N, _C), jnp.float32),
            jax.ShapeDtypeStruct((_B, _NCH, 1, 1), jnp.float32),
        ],
    )(kp1_desc, desc2_flat, w_kp1, c00, c01, c10, c11, wcx, wcy)

    kp1_t = jnp.transpose(kp1, (0, 2, 1))
    wkp1_t = jnp.transpose(w_kp1, (0, 2, 1))
    sos_parts = pl.pallas_call(
        _k3_body,
        grid=(_B,),
        in_specs=[
            pl.BlockSpec((1, _N, 2), lambda bi: (bi, 0, 0)),
            pl.BlockSpec((1, 2, _N), lambda bi: (bi, 0, 0)),
            pl.BlockSpec((1, _N, 2), lambda bi: (bi, 0, 0)),
            pl.BlockSpec((1, 2, _N), lambda bi: (bi, 0, 0)),
            pl.BlockSpec((1, _N, _C), lambda bi: (bi, 0, 0)),
            pl.BlockSpec((1, _N, _C), lambda bi: (bi, 0, 0)),
        ],
        out_specs=pl.BlockSpec((1, 1, 1), lambda bi: (bi, 0, 0),
                               memory_space=pltpu.SMEM),
        out_shape=jax.ShapeDtypeStruct((_B, 1, 1), jnp.float32),
    )(kp1, kp1_t, w_kp1, wkp1_t, kp1_desc, wdesc)

    fos = jnp.sum(fos_parts) / (b * n * _NNEG)
    sos = jnp.sum(sos_parts) / (b * n)
    return fos + sos

# --- scband reference (transcript-rebuilt; emitter-appended) ---
"""Pipeline reference for scband-simple-hard-quad-triplet-sosrloss-57982058496724 (READ-ONLY COPY).

The authoritative reference and input builder live on the scoring server;
editing this copy changes nothing except your own understanding.
"""

import jax, jax.numpy as jnp
import numpy as np

GRID_SIZE = 8
MARGIN = 1.0
NUM_NEG = 16
SOS_NEG = 8
LOSS_LAMBDA = 1.0


def l2norm(x, axis=-1, eps=1e-8):
    return x / jnp.sqrt(jnp.sum(x * x, axis=axis, keepdims=True) + eps)


def calculate_similarity_matrix(d1, d2):
    return jnp.einsum('bnc,bmc->bnm', d1, d2)


def calculate_inv_similarity_matrix(d1, d2):
    return 2.0 - 2.0 * calculate_similarity_matrix(d1, d2)


def calculate_inv_similarity_vector(d1, d2):
    return 2.0 - 2.0 * jnp.sum(d1 * d2, axis=-1)


def calculate_distance_matrix(p1, p2):
    diff = p1[:, :, None, :] - p2[:, None, :, :]
    return jnp.sqrt(jnp.sum(diff * diff, axis=-1) + 1e-12)


def create_desc_coordinates_grid(desc, grid_size):
    b, c, h, w = desc.shape
    ys = (jnp.arange(h, dtype=jnp.float32) + 0.5) * grid_size
    xs = (jnp.arange(w, dtype=jnp.float32) + 0.5) * grid_size
    gy, gx = jnp.meshgrid(ys, xs, indexing='ij')
    grid = jnp.stack([gx, gy], axis=-1)
    return jnp.broadcast_to(grid[None], (b, h, w, 2))


def warp_points(points, homo):
    ones = jnp.ones(points.shape[:-1] + (1,), points.dtype)
    ph = jnp.concatenate([points, ones], axis=-1)
    wp = jnp.einsum('bij,bnj->bni', homo, ph)
    return wp[..., :2] / (wp[..., 2:3] + 1e-8)


def sample_descriptors(desc, kp, grid_size):
    b, c, h, w = desc.shape
    coords = kp / grid_size - 0.5
    x = coords[..., 0]
    y = coords[..., 1]
    x0 = jnp.floor(x)
    y0 = jnp.floor(y)
    x1 = x0 + 1.0
    y1 = y0 + 1.0
    wx1 = x - x0
    wx0 = 1.0 - wx1
    wy1 = y - y0
    wy0 = 1.0 - wy1
    x0c = jnp.clip(x0, 0, w - 1).astype(jnp.int32)
    x1c = jnp.clip(x1, 0, w - 1).astype(jnp.int32)
    y0c = jnp.clip(y0, 0, h - 1).astype(jnp.int32)
    y1c = jnp.clip(y1, 0, h - 1).astype(jnp.int32)
    desc_flat = desc.reshape(b, c, h * w)

    def gather(yi, xi):
        idx = yi * w + xi
        return jnp.take_along_axis(desc_flat, idx[:, None, :], axis=2)

    d = (gather(y0c, x0c) * (wy0 * wx0)[:, None, :]
         + gather(y0c, x1c) * (wy0 * wx1)[:, None, :]
         + gather(y1c, x0c) * (wy1 * wx0)[:, None, :]
         + gather(y1c, x1c) * (wy1 * wx1)[:, None, :])
    d = jnp.transpose(d, (0, 2, 1))
    return l2norm(d, axis=-1)


def setup_inputs(seed: int = 0) -> dict:
    key = jax.random.key(seed)
    ks = jax.random.split(key, 5)
    b, n, c, h, w = 4, 512, 128, 64, 64
    img = float(h * GRID_SIZE)
    kp1 = jax.random.uniform(ks[0], (b, n, 2), jnp.float32) * img
    w_kp1 = jax.random.uniform(ks[1], (b, n, 2), jnp.float32) * img
    kp1_desc = jax.random.normal(ks[2], (b, n, c), jnp.float32)
    kp1_desc = kp1_desc / jnp.linalg.norm(kp1_desc, axis=-1, keepdims=True)
    desc2 = jax.random.normal(ks[3], (b, c, h, w), jnp.float32)
    desc2 = desc2 / jnp.linalg.norm(desc2, axis=1, keepdims=True)
    homo12 = jnp.tile(jnp.eye(3, dtype=jnp.float32)[None], (b, 1, 1)) \
        + 0.001 * jax.random.normal(ks[4], (b, 3, 3), jnp.float32)
    return {"kp1": kp1, "w_kp1": w_kp1, "kp1_desc": kp1_desc,
            "desc2": desc2, "homo12": homo12}


def reference(kp1, w_kp1, kp1_desc, desc2, homo12):
    b, n, c = kp1_desc.shape
    w_kp1_desc = sample_descriptors(desc2, w_kp1, GRID_SIZE)
    positive_sim = calculate_inv_similarity_vector(kp1_desc, w_kp1_desc)
    positive_sim = jnp.repeat(positive_sim[..., None], NUM_NEG, axis=-1).reshape(b, n * NUM_NEG)

    coo_grid = create_desc_coordinates_grid(desc2, GRID_SIZE).reshape(b, -1, 2)
    kp1_coo_dist = calculate_distance_matrix(kp1, coo_grid)
    _, kp1_cell_ids = jax.lax.top_k(-kp1_coo_dist, 4)
    kp1_cell_ids = kp1_cell_ids.reshape(b, -1)
    kp1_cells = jnp.take_along_axis(coo_grid, kp1_cell_ids[..., None], axis=1)
    kp1_w_cells = warp_points(kp1_cells, homo12)
    kp1_wc_coo_dist = calculate_distance_matrix(kp1_w_cells, coo_grid)
    _, kp1_w_cell_cell_ids = jax.lax.top_k(-kp1_wc_coo_dist, 4)

    neigh_mask = jnp.zeros_like(kp1_wc_coo_dist)
    bidx = jnp.arange(b)[:, None, None]
    ridx = jnp.arange(kp1_wc_coo_dist.shape[1])[None, :, None]
    neigh_mask = neigh_mask.at[bidx, ridx, kp1_w_cell_cell_ids].set(1.0)
    neigh_mask = neigh_mask.reshape(b, n, 4, -1).sum(axis=2).astype(jnp.float32)

    desc2_flat = jnp.transpose(desc2, (0, 2, 3, 1)).reshape(b, -1, c)
    desc_sim = calculate_inv_similarity_matrix(kp1_desc, desc2_flat)
    desc_sim = desc_sim + neigh_mask * 5
    neg_vals, _ = jax.lax.top_k(-desc_sim, NUM_NEG)
    neg_sim = (-neg_vals).reshape(b, -1)
    fos = jnp.mean(jnp.maximum(positive_sim - neg_sim + MARGIN, 0.0) ** 2) * LOSS_LAMBDA

    radius = GRID_SIZE * np.sqrt(2) + 0.1
    kp1_sim = calculate_inv_similarity_matrix(kp1_desc, kp1_desc)
    kp1_mask = (calculate_distance_matrix(kp1, kp1) <= radius).astype(jnp.float32)
    w_kp1_sim = calculate_inv_similarity_matrix(w_kp1_desc, w_kp1_desc)
    w_kp1_mask = (calculate_distance_matrix(w_kp1, w_kp1) <= radius).astype(jnp.float32)
    kp1_sim = kp1_sim + kp1_mask * 5
    w_kp1_sim = w_kp1_sim + w_kp1_mask * 5
    _, kp1_neg_ids = jax.lax.top_k(-kp1_sim, SOS_NEG)
    _, w_kp1_neg_ids = jax.lax.top_k(-w_kp1_sim, SOS_NEG)
    kp1_neg_ids = kp1_neg_ids.reshape(b, n * SOS_NEG)
    w_kp1_neg_ids = w_kp1_neg_ids.reshape(b, n * SOS_NEG)
    kp1_neg_desc = jnp.take_along_axis(kp1_desc, kp1_neg_ids[..., None], axis=1)
    w_kp1_neg_desc = jnp.take_along_axis(w_kp1_desc, w_kp1_neg_ids[..., None], axis=1)
    kp1_desc_r = jnp.repeat(kp1_desc[:, :, None, :], SOS_NEG, axis=2).reshape(b, n * SOS_NEG, c)
    w_kp1_desc_r = jnp.repeat(w_kp1_desc[:, :, None, :], SOS_NEG, axis=2).reshape(b, n * SOS_NEG, c)
    sos = calculate_inv_similarity_vector(kp1_desc_r, kp1_neg_desc) \
        - calculate_inv_similarity_vector(w_kp1_desc_r, w_kp1_neg_desc)
    sos = jnp.sqrt(jnp.sum((sos ** 2).reshape(b, n, SOS_NEG), axis=-1) + 1e-12).mean()
    loss = (fos + sos) * LOSS_LAMBDA
    return loss

if __name__ == "__main__":
    import jax
    _d = setup_inputs()
    print(jax.jit(kernel)(*tuple(_d.values())))

</pallas_src>

<mosaic_0001>
#map = affine_map<(d0, d1) -> (0)>
#map1 = affine_map<(d0, d1) -> (0, 0)>
module attributes {stable_mosaic.version = 14 : i64} {
  func.func @_sc_gather_body(%arg0: i32, %arg1: i32, %arg2: memref<2048xf32, #tpu.memory_space<hbm>>, %arg3: memref<2048xf32, #tpu.memory_space<hbm>>, %arg4: memref<16384x128xf32, #tpu.memory_space<hbm>>, %arg5: memref<2048x128xf32, #tpu.memory_space<hbm>>, %arg6: memref<2048x128xf32, #tpu.memory_space<hbm>>, %arg7: memref<2048x128xf32, #tpu.memory_space<hbm>>, %arg8: memref<2048x128xf32, #tpu.memory_space<hbm>>, %arg9: memref<64xi32, #tpu.memory_space<vmem>>, %arg10: memref<64xi32, #tpu.memory_space<vmem>>, %arg11: memref<64xi32, #tpu.memory_space<vmem>>, %arg12: memref<64xi32, #tpu.memory_space<vmem>>, %arg13: memref<64xf32, #tpu.memory_space<vmem>>, %arg14: memref<64xf32, #tpu.memory_space<vmem>>, %arg15: memref<64x128xf32, #tpu.memory_space<vmem>>, %arg16: memref<!tpu.dma_semaphore, #tpu.memory_space<semaphore_mem>>) attributes {dimension_semantics = [#tpu.dimension_semantics<core_parallel>, #tpu.dimension_semantics<subcore_parallel>], iteration_bounds = array<i64: 2, 16>, scalar_prefetch = 0 : i64, scratch_operands = 8 : i64, tpu.core_type = #tpu.core_type<sc_vector_subcore>, window_params = [{transform_indices = #map}, {transform_indices = #map}, {transform_indices = #map1}, {transform_indices = #map1}, {transform_indices = #map1}, {transform_indices = #map1}, {transform_indices = #map1}]} {
    %mul3A = arith.constant 2 : i32
    %mul3A_0 = arith.muli %arg1, %mul3A : i32
    %add3A = arith.addi %mul3A_0, %arg0 : i32
    %mul3A_1 = arith.constant 64 : i32
    %mul3A_2 = arith.muli %add3A, %mul3A_1 : i32
    %jit3A = arith.constant 512 : i32
    %div3A = arith.divsi %mul3A_2, %jit3A : i32
    %sign3A = arith.constant 0 : i32
    %sign3A_3 = arith.cmpi sgt, %mul3A_2, %sign3A : i32
    %sign3A_4 = arith.extui %sign3A_3 : i1 to i32
    %sign3A_5 = arith.constant 0 : i32
    %sign3A_6 = arith.cmpi slt, %mul3A_2, %sign3A_5 : i32
    %sign3A_7 = arith.extui %sign3A_6 : i1 to i32
    %sign3A_8 = arith.subi %sign3A_4, %sign3A_7 : i32
    %sign3A_9 = arith.constant 0 : i32
    %sign3A_10 = arith.cmpi sgt, %jit3A, %sign3A_9 : i32
    %sign3A_11 = arith.extui %sign3A_10 : i1 to i32
    %sign3A_12 = arith.constant 0 : i32
    %sign3A_13 = arith.cmpi slt, %jit3A, %sign3A_12 : i32
    %sign3A_14 = arith.extui %sign3A_13 : i1 to i32
    %sign3A_15 = arith.subi %sign3A_11, %sign3A_14 : i32
    %ne3A = arith.cmpi ne, %sign3A_8, %sign3A_15 : i32
    %rem3A = arith.remsi %mul3A_2, %jit3A : i32
    %ne3A_16 = arith.constant 0 : i32
    %ne3A_17 = arith.cmpi ne, %rem3A, %ne3A_16 : i32
    %and3A = arith.andi %ne3A, %ne3A_17 : i1
    %sub3A = arith.constant 1 : i32
    %sub3A_18 = arith.subi %div3A, %sub3A : i32
    %select_n3A = arith.select %and3A, %sub3A_18, %div3A : i32
    %mul3A_19 = arith.constant 4096 : i32
    %mul3A_20 = arith.muli %select_n3A, %mul3A_19 : i32
    "tpu.region"() ({
      %run_scoped3A = tpu.sem_alloc : memref<!tpu.dma_semaphore, #tpu.memory_space<semaphore_mem>>
      %dma_start3A_460 = tpu.memref_slice %arg2[%mul3A_2] : memref<2048xf32, #tpu.memory_space<hbm>> -> memref<64xf32, #tpu.memory_space<hbm>>
      %dma_start3A_461 = tpu.memref_slice %arg2[%mul3A_2] : memref<2048xf32, #tpu.memory_space<hbm>> -> memref<64xf32, #tpu.memory_space<hbm>>
      tpu.enqueue_dma source(%dma_start3A_461 : memref<64xf32, #tpu.memory_space<hbm>>) target(%arg13 : memref<64xf32, #tpu.memory_space<vmem>>) target_semaphore(%run_scoped3A : memref<!tpu.dma_semaphore, #tpu.memory_space<semaphore_mem>>)
      %dma_wait3A_462 = tpu.memref_slice %arg2[%mul3A_2] : memref<2048xf32, #tpu.memory_space<hbm>> -> memref<64xf32, #tpu.memory_space<hbm>>
      %dma_wait3A_463 = tpu.memref_slice %arg2[%mul3A_2] : memref<2048xf32, #tpu.memory_space<hbm>> -> memref<64xf32, #tpu.memory_space<hbm>>
      tpu.wait_dma2 semaphore(%run_scoped3A : memref<!tpu.dma_semaphore, #tpu.memory_space<semaphore_mem>>) src(%dma_wait3A_463 : memref<64xf32, #tpu.memory_space<hbm>>) dst(%arg13 : memref<64xf32, #tpu.memory_space<vmem>>)
      tpu.yield
    }) : () -> ()
    "tpu.region"() ({
      %run_scoped3A = tpu.sem_alloc : memref<!tpu.dma_semaphore, #tpu.memory_space<semaphore_mem>>
      %dma_start3A_460 = tpu.memref_slice %arg3[%mul3A_2] : memref<2048xf32, #tpu.memory_space<hbm>> -> memref<64xf32, #tpu.memory_space<hbm>>
      %dma_start3A_461 = tpu.memref_slice %arg3[%mul3A_2] : memref<2048xf32, #tpu.memory_space<hbm>> -> memref<64xf32, #tpu.memory_space<hbm>>
      tpu.enqueue_dma source(%dma_start3A_461 : memref<64xf32, #tpu.memory_space<hbm>>) target(%arg14 : memref<64xf32, #tpu.memory_space<vmem>>) target_semaphore(%run_scoped3A : memref<!tpu.dma_semaphore, #tpu.memory_space<semaphore_mem>>)
      %dma_wait3A_462 = tpu.memref_slice %arg3[%mul3A_2] : memref<2048xf32, #tpu.memory_space<hbm>> -> memref<64xf32, #tpu.memory_space<hbm>>
      %dma_wait3A_463 = tpu.memref_slice %arg3[%mul3A_2] : memref<2048xf32, #tpu.memory_space<hbm>> -> memref<64xf32, #tpu.memory_space<hbm>>
      tpu.wait_dma2 semaphore(%run_scoped3A : memref<!tpu.dma_semaphore, #tpu.memory_space<semaphore_mem>>) src(%dma_wait3A_463 : memref<64xf32, #tpu.memory_space<hbm>>) dst(%arg14 : memref<64xf32, #tpu.memory_space<vmem>>)
      tpu.yield
    }) : () -> ()
    %get3A = arith.constant 0 : index
    %get3A_21 = tpu.vector_load %arg13[%get3A] {strides = array<i32>} : memref<64xf32, #tpu.memory_space<vmem>>, vector<16xf32>,
    %get3A_22 = vector.shape_cast %get3A_21 : vector<16xf32> to vector<16xf32>
    %mul3A_23 = arith.constant 1.250000e-01 : f32
    %mul3A_24 = vector.broadcast %mul3A_23 : f32 to vector<16xf32>
    %mul3A_25 = arith.mulf %get3A_22, %mul3A_24 : vector<16xf32>
    %sub3A_26 = arith.constant 5.000000e-01 : f32
    %sub3A_27 = vector.broadcast %sub3A_26 : f32 to vector<16xf32>
    %sub3A_28 = arith.subf %mul3A_25, %sub3A_27 : vector<16xf32>
    %get3A_29 = arith.constant 0 : index
    %get3A_30 = tpu.vector_load %arg14[%get3A_29] {strides = array<i32>} : memref<64xf32, #tpu.memory_space<vmem>>, vector<16xf32>,
    %get3A_31 = vector.shape_cast %get3A_30 : vector<16xf32> to vector<16xf32>
    %mul3A_32 = arith.constant 1.250000e-01 : f32
    %mul3A_33 = vector.broadcast %mul3A_32 : f32 to vector<16xf32>
    %mul3A_34 = arith.mulf %get3A_31, %mul3A_33 : vector<16xf32>
    %sub3A_35 = arith.constant 5.000000e-01 : f32
    %sub3A_36 = vector.broadcast %sub3A_35 : f32 to vector<16xf32>
    %sub3A_37 = arith.subf %mul3A_34, %sub3A_36 : vector<16xf32>
    %convert_element_type3A = arith.fptosi %sub3A_28 : vector<16xf32> to vector<16xi32>
    %convert_element_type3A_38 = arith.sitofp %convert_element_type3A : vector<16xi32> to vector<16xf32>
    %lt3A = arith.cmpf olt, %sub3A_28, %convert_element_type3A_38 : vector<16xf32>
    %jit3A_39 = arith.constant 1 : i32
    %jit3A_40 = arith.constant 0 : i32
    %broadcast_in_dim3A = vector.broadcast %jit3A_39 : i32 to vector<16xi32>
    %broadcast_in_dim3A_41 = vector.broadcast %jit3A_40 : i32 to vector<16xi32>
    %select_n3A_42 = arith.select %lt3A, %broadcast_in_dim3A, %broadcast_in_dim3A_41 : vector<16xi1>, vector<16xi32>
    %sub3A_43 = arith.subi %convert_element_type3A, %select_n3A_42 : vector<16xi32>
    %convert_element_type3A_44 = arith.fptosi %sub3A_37 : vector<16xf32> to vector<16xi32>
    %convert_element_type3A_45 = arith.sitofp %convert_element_type3A_44 : vector<16xi32> to vector<16xf32>
    %lt3A_46 = arith.cmpf olt, %sub3A_37, %convert_element_type3A_45 : vector<16xf32>
    %jit3A_47 = arith.constant 1 : i32
    %jit3A_48 = arith.constant 0 : i32
    %broadcast_in_dim3A_49 = vector.broadcast %jit3A_47 : i32 to vector<16xi32>
    %broadcast_in_dim3A_50 = vector.broadcast %jit3A_48 : i32 to vector<16xi32>
    %select_n3A_51 = arith.select %lt3A_46, %broadcast_in_dim3A_49, %broadcast_in_dim3A_50 : vector<16xi1>, vector<16xi32>
    %sub3A_52 = arith.subi %convert_element_type3A_44, %select_n3A_51 : vector<16xi32>
    %max3A = arith.constant 0 : i32
    %max3A_53 = vector.broadcast %max3A : i32 to vector<16xi32>
    %max3A_54 = arith.maxsi %sub3A_43, %max3A_53 : vector<16xi32>
    %min3A = arith.constant 63 : i32
    %min3A_55 = vector.broadcast %min3A : i32 to vector<16xi32>
    %min3A_56 = arith.minsi %max3A_54, %min3A_55 : vector<16xi32>
    %add3A_57 = arith.constant 1 : i32
    %add3A_58 = vector.broadcast %add3A_57 : i32 to vector<16xi32>
    %add3A_59 = arith.addi %sub3A_43, %add3A_58 : vector<16xi32>
    %max3A_60 = arith.constant 0 : i32
    %max3A_61 = vector.broadcast %max3A_60 : i32 to vector<16xi32>
    %max3A_62 = arith.maxsi %add3A_59, %max3A_61 : vector<16xi32>
    %min3A_63 = arith.constant 63 : i32
    %min3A_64 = vector.broadcast %min3A_63 : i32 to vector<16xi32>
    %min3A_65 = arith.minsi %max3A_62, %min3A_64 : vector<16xi32>
    %max3A_66 = arith.constant 0 : i32
    %max3A_67 = vector.broadcast %max3A_66 : i32 to vector<16xi32>
    %max3A_68 = arith.maxsi %sub3A_52, %max3A_67 : vector<16xi32>
    %min3A_69 = arith.constant 63 : i32
    %min3A_70 = vector.broadcast %min3A_69 : i32 to vector<16xi32>
    %min3A_71 = arith.minsi %max3A_68, %min3A_70 : vector<16xi32>
    %add3A_72 = arith.constant 1 : i32
    %add3A_73 = vector.broadcast %add3A_72 : i32 to vector<16xi32>
    %add3A_74 = arith.addi %sub3A_52, %add3A_73 : vector<16xi32>
    %max3A_75 = arith.constant 0 : i32
    %max3A_76 = vector.broadcast %max3A_75 : i32 to vector<16xi32>
    %max3A_77 = arith.maxsi %add3A_74, %max3A_76 : vector<16xi32>
    %min3A_78 = arith.constant 63 : i32
    %min3A_79 = vector.broadcast %min3A_78 : i32 to vector<16xi32>
    %min3A_80 = arith.minsi %max3A_77, %min3A_79 : vector<16xi32>
    %mul3A_81 = arith.constant 64 : i32
    %mul3A_82 = vector.broadcast %mul3A_81 : i32 to vector<16xi32>
    %mul3A_83 = arith.muli %min3A_71, %mul3A_82 : vector<16xi32>
    %add3A_84 = arith.addi %mul3A_83, %min3A_56 : vector<16xi32>
    %add3A_85 = vector.broadcast %mul3A_20 : i32 to vector<16xi32>
    %add3A_86 = arith.addi %add3A_84, %add3A_85 : vector<16xi32>
    %swap3A = arith.constant 0 : index
    %swap3A_87 = tpu.vector_load %arg9[%swap3A] {strides = array<i32>} : memref<64xi32, #tpu.memory_space<vmem>>, vector<16xi32>,
    %swap3A_88 = vector.shape_cast %swap3A_87 : vector<16xi32> to vector<16xi32>
    %swap3A_89 = vector.shape_cast %add3A_86 : vector<16xi32> to vector<16xi32>
    tpu.vector_store %arg9[%swap3A], %swap3A_89 {strides = array<i32>} : memref<64xi32, #tpu.memory_space<vmem>>, vector<16xi32>,
    %mul3A_90 = arith.constant 64 : i32
    %mul3A_91 = vector.broadcast %mul3A_90 : i32 to vector<16xi32>
    %mul3A_92 = arith.muli %min3A_71, %mul3A_91 : vector<16xi32>
    %add3A_93 = arith.addi %mul3A_92, %min3A_65 : vector<16xi32>
    %add3A_94 = vector.broadcast %mul3A_20 : i32 to vector<16xi32>
    %add3A_95 = arith.addi %add3A_93, %add3A_94 : vector<16xi32>
    %swap3A_96 = arith.constant 0 : index
    %swap3A_97 = tpu.vector_load %arg10[%swap3A_96] {strides = array<i32>} : memref<64xi32, #tpu.memory_space<vmem>>, vector<16xi32>,
    %swap3A_98 = vector.shape_cast %swap3A_97 : vector<16xi32> to vector<16xi32>
    %swap3A_99 = vector.shape_cast %add3A_95 : vector<16xi32> to vector<16xi32>
    tpu.vector_store %arg10[%swap3A_96], %swap3A_99 {strides = array<i32>} : memref<64xi32, #tpu.memory_space<vmem>>, vector<16xi32>,
    %mul3A_100 = arith.constant 64 : i32
    %mul3A_101 = vector.broadcast %mul3A_100 : i32 to vector<16xi32>
    %mul3A_102 = arith.muli %min3A_80, %mul3A_101 : vector<16xi32>
    %add3A_103 = arith.addi %mul3A_102, %min3A_56 : vector<16xi32>
    %add3A_104 = vector.broadcast %mul3A_20 : i32 to vector<16xi32>
    %add3A_105 = arith.addi %add3A_103, %add3A_104 : vector<16xi32>
    %swap3A_106 = arith.constant 0 : index
    %swap3A_107 = tpu.vector_load %arg11[%swap3A_106] {strides = array<i32>} : memref<64xi32, #tpu.memory_space<vmem>>, vector<16xi32>,
    %swap3A_108 = vector.shape_cast %swap3A_107 : vector<16xi32> to vector<16xi32>
    %swap3A_109 = vector.shape_cast %add3A_105 : vector<16xi32> to vector<16xi32>
    tpu.vector_store %arg11[%swap3A_106], %swap3A_109 {strides = array<i32>} : memref<64xi32, #tpu.memory_space<vmem>>, vector<16xi32>,
    %mul3A_110 = arith.constant 64 : i32
    %mul3A_111 = vector.broadcast %mul3A_110 : i32 to vector<16xi32>
    %mul3A_112 = arith.muli %min3A_80, %mul3A_111 : vector<16xi32>
    %add3A_113 = arith.addi %mul3A_112, %min3A_65 : vector<16xi32>
    %add3A_114 = vector.broadcast %mul3A_20 : i32 to vector<16xi32>
    %add3A_115 = arith.addi %add3A_113, %add3A_114 : vector<16xi32>
    %swap3A_116 = arith.constant 0 : index
    %swap3A_117 = tpu.vector_load %arg12[%swap3A_116] {strides = array<i32>} : memref<64xi32, #tpu.memory_space<vmem>>, vector<16xi32>,
    %swap3A_118 = vector.shape_cast %swap3A_117 : vector<16xi32> to vector<16xi32>
    %swap3A_119 = vector.shape_cast %add3A_115 : vector<16xi32> to vector<16xi32>
    tpu.vector_store %arg12[%swap3A_116], %swap3A_119 {strides = array<i32>} : memref<64xi32, #tpu.memory_space<vmem>>, vector<16xi32>,
    %get3A_120 = arith.constant 16 : index
    %get3A_121 = tpu.vector_load %arg13[%get3A_120] {strides = array<i32>} : memref<64xf32, #tpu.memory_space<vmem>>, vector<16xf32>,
    %get3A_122 = vector.shape_cast %get3A_121 : vector<16xf32> to vector<16xf32>
    %mul3A_123 = arith.constant 1.250000e-01 : f32
    %mul3A_124 = vector.broadcast %mul3A_123 : f32 to vector<16xf32>
    %mul3A_125 = arith.mulf %get3A_122, %mul3A_124 : vector<16xf32>
    %sub3A_126 = arith.constant 5.000000e-01 : f32
    %sub3A_127 = vector.broadcast %sub3A_126 : f32 to vector<16xf32>
    %sub3A_128 = arith.subf %mul3A_125, %sub3A_127 : vector<16xf32>
    %get3A_129 = arith.constant 16 : index
    %get3A_130 = tpu.vector_load %arg14[%get3A_129] {strides = array<i32>} : memref<64xf32, #tpu.memory_space<vmem>>, vector<16xf32>,
    %get3A_131 = vector.shape_cast %get3A_130 : vector<16xf32> to vector<16xf32>
    %mul3A_132 = arith.constant 1.250000e-01 : f32
    %mul3A_133 = vector.broadcast %mul3A_132 : f32 to vector<16xf32>
    %mul3A_134 = arith.mulf %get3A_131, %mul3A_133 : vector<16xf32>
    %sub3A_135 = arith.constant 5.000000e-01 : f32
    %sub3A_136 = vector.broadcast %sub3A_135 : f32 to vector<16xf32>
    %sub3A_137 = arith.subf %mul3A_134, %sub3A_136 : vector<16xf32>
    %convert_element_type3A_138 = arith.fptosi %sub3A_128 : vector<16xf32> to vector<16xi32>
    %convert_element_type3A_139 = arith.sitofp %convert_element_type3A_138 : vector<16xi32> to vector<16xf32>
    %lt3A_140 = arith.cmpf olt, %sub3A_128, %convert_element_type3A_139 : vector<16xf32>
    %jit3A_141 = arith.constant 1 : i32
    %jit3A_142 = arith.constant 0 : i32
    %broadcast_in_dim3A_143 = vector.broadcast %jit3A_141 : i32 to vector<16xi32>
    %broadcast_in_dim3A_144 = vector.broadcast %jit3A_142 : i32 to vector<16xi32>
    %select_n3A_145 = arith.select %lt3A_140, %broadcast_in_dim3A_143, %broadcast_in_dim3A_144 : vector<16xi1>, vector<16xi32>
    %sub3A_146 = arith.subi %convert_element_type3A_138, %select_n3A_145 : vector<16xi32>
    %convert_element_type3A_147 = arith.fptosi %sub3A_137 : vector<16xf32> to vector<16xi32>
    %convert_element_type3A_148 = arith.sitofp %convert_element_type3A_147 : vector<16xi32> to vector<16xf32>
    %lt3A_149 = arith.cmpf olt, %sub3A_137, %convert_element_type3A_148 : vector<16xf32>
    %jit3A_150 = arith.constant 1 : i32
    %jit3A_151 = arith.constant 0 : i32
    %broadcast_in_dim3A_152 = vector.broadcast %jit3A_150 : i32 to vector<16xi32>
    %broadcast_in_dim3A_153 = vector.broadcast %jit3A_151 : i32 to vector<16xi32>
    %select_n3A_154 = arith.select %lt3A_149, %broadcast_in_dim3A_152, %broadcast_in_dim3A_153 : vector<16xi1>, vector<16xi32>
    %sub3A_155 = arith.subi %convert_element_type3A_147, %select_n3A_154 : vector<16xi32>
    %max3A_156 = arith.constant 0 : i32
    %max3A_157 = vector.broadcast %max3A_156 : i32 to vector<16xi32>
    %max3A_158 = arith.maxsi %sub3A_146, %max3A_157 : vector<16xi32>
    %min3A_159 = arith.constant 63 : i32
    %min3A_160 = vector.broadcast %min3A_159 : i32 to vector<16xi32>
    %min3A_161 = arith.minsi %max3A_158, %min3A_160 : vector<16xi32>
    %add3A_162 = arith.constant 1 : i32
    %add3A_163 = vector.broadcast %add3A_162 : i32 to vector<16xi32>
    %add3A_164 = arith.addi %sub3A_146, %add3A_163 : vector<16xi32>
    %max3A_165 = arith.constant 0 : i32
    %max3A_166 = vector.broadcast %max3A_165 : i32 to vector<16xi32>
    %max3A_167 = arith.maxsi %add3A_164, %max3A_166 : vector<16xi32>
    %min3A_168 = arith.constant 63 : i32
    %min3A_169 = vector.broadcast %min3A_168 : i32 to vector<16xi32>
    %min3A_170 = arith.minsi %max3A_167, %min3A_169 : vector<16xi32>
    %max3A_171 = arith.constant 0 : i32
    %max3A_172 = vector.broadcast %max3A_171 : i32 to vector<16xi32>
    %max3A_173 = arith.maxsi %sub3A_155, %max3A_172 : vector<16xi32>
    %min3A_174 = arith.constant 63 : i32
    %min3A_175 = vector.broadcast %min3A_174 : i32 to vector<16xi32>
    %min3A_176 = arith.minsi %max3A_173, %min3A_175 : vector<16xi32>
    %add3A_177 = arith.constant 1 : i32
    %add3A_178 = vector.broadcast %add3A_177 : i32 to vector<16xi32>
    %add3A_179 = arith.addi %sub3A_155, %add3A_178 : vector<16xi32>
    %max3A_180 = arith.constant 0 : i32
    %max3A_181 = vector.broadcast %max3A_180 : i32 to vector<16xi32>
    %max3A_182 = arith.maxsi %add3A_179, %max3A_181 : vector<16xi32>
    %min3A_183 = arith.constant 63 : i32
    %min3A_184 = vector.broadcast %min3A_183 : i32 to vector<16xi32>
    %min3A_185 = arith.minsi %max3A_182, %min3A_184 : vector<16xi32>
    %mul3A_186 = arith.constant 64 : i32
    %mul3A_187 = vector.broadcast %mul3A_186 : i32 to vector<16xi32>
    %mul3A_188 = arith.muli %min3A_176, %mul3A_187 : vector<16xi32>
    %add3A_189 = arith.addi %mul3A_188, %min3A_161 : vector<16xi32>
    %add3A_190 = vector.broadcast %mul3A_20 : i32 to vector<16xi32>
    %add3A_191 = arith.addi %add3A_189, %add3A_190 : vector<16xi32>
    %swap3A_192 = arith.constant 16 : index
    %swap3A_193 = tpu.vector_load %arg9[%swap3A_192] {strides = array<i32>} : memref<64xi32, #tpu.memory_space<vmem>>, vector<16xi32>,
    %swap3A_194 = vector.shape_cast %swap3A_193 : vector<16xi32> to vector<16xi32>
    %swap3A_195 = vector.shape_cast %add3A_191 : vector<16xi32> to vector<16xi32>
    tpu.vector_store %arg9[%swap3A_192], %swap3A_195 {strides = array<i32>} : memref<64xi32, #tpu.memory_space<vmem>>, vector<16xi32>,
    %mul3A_196 = arith.constant 64 : i32
    %mul3A_197 = vector.broadcast %mul3A_196 : i32 to vector<16xi32>
    %mul3A_198 = arith.muli %min3A_176, %mul3A_197 : vector<16xi32>
    %add3A_199 = arith.addi %mul3A_198, %min3A_170 : vector<16xi32>
    %add3A_200 = vector.broadcast %mul3A_20 : i32 to vector<16xi32>
    %add3A_201 = arith.addi %add3A_199, %add3A_200 : vector<16xi32>
    %swap3A_202 = arith.constant 16 : index
    %swap3A_203 = tpu.vector_load %arg10[%swap3A_202] {strides = array<i32>} : memref<64xi32, #tpu.memory_space<vmem>>, vector<16xi32>,
    %swap3A_204 = vector.shape_cast %swap3A_203 : vector<16xi32> to vector<16xi32>
    %swap3A_205 = vector.shape_cast %add3A_201 : vector<16xi32> to vector<16xi32>
    tpu.vector_store %arg10[%swap3A_202], %swap3A_205 {strides = array<i32>} : memref<64xi32, #tpu.memory_space<vmem>>, vector<16xi32>,
    %mul3A_206 = arith.constant 64 : i32
    %mul3A_207 = vector.broadcast %mul3A_206 : i32 to vector<16xi32>
    %mul3A_208 = arith.muli %min3A_185, %mul3A_207 : vector<16xi32>
    %add3A_209 = arith.addi %mul3A_208, %min3A_161 : vector<16xi32>
    %add3A_210 = vector.broadcast %mul3A_20 : i32 to vector<16xi32>
    %add3A_211 = arith.addi %add3A_209, %add3A_210 : vector<16xi32>
    %swap3A_212 = arith.constant 16 : index
    %swap3A_213 = tpu.vector_load %arg11[%swap3A_212] {strides = array<i32>} : memref<64xi32, #tpu.memory_space<vmem>>, vector<16xi32>,
    %swap3A_214 = vector.shape_cast %swap3A_213 : vector<16xi32> to vector<16xi32>
    %swap3A_215 = vector.shape_cast %add3A_211 : vector<16xi32> to vector<16xi32>
    tpu.vector_store %arg11[%swap3A_212], %swap3A_215 {strides = array<i32>} : memref<64xi32, #tpu.memory_space<vmem>>, vector<16xi32>,
    %mul3A_216 = arith.constant 64 : i32
    %mul3A_217 = vector.broadcast %mul3A_216 : i32 to vector<16xi32>
    %mul3A_218 = arith.muli %min3A_185, %mul3A_217 : vector<16xi32>
    %add3A_219 = arith.addi %mul3A_218, %min3A_170 : vector<16xi32>
    %add3A_220 = vector.broadcast %mul3A_20 : i32 to vector<16xi32>
    %add3A_221 = arith.addi %add3A_219, %add3A_220 : vector<16xi32>
    %swap3A_222 = arith.constant 16 : index
    %swap3A_223 = tpu.vector_load %arg12[%swap3A_222] {strides = array<i32>} : memref<64xi32, #tpu.memory_space<vmem>>, vector<16xi32>,
    %swap3A_224 = vector.shape_cast %swap3A_223 : vector<16xi32> to vector<16xi32>
    %swap3A_225 = vector.shape_cast %add3A_221 : vector<16xi32> to vector<16xi32>
    tpu.vector_store %arg12[%swap3A_222], %swap3A_225 {strides = array<i32>} : memref<64xi32, #tpu.memory_space<vmem>>, vector<16xi32>,
    %get3A_226 = arith.constant 32 : index
    %get3A_227 = tpu.vector_load %arg13[%get3A_226] {strides = array<i32>} : memref<64xf32, #tpu.memory_space<vmem>>, vector<16xf32>,
    %get3A_228 = vector.shape_cast %get3A_227 : vector<16xf32> to vector<16xf32>
    %mul3A_229 = arith.constant 1.250000e-01 : f32
    %mul3A_230 = vector.broadcast %mul3A_229 : f32 to vector<16xf32>
    %mul3A_231 = arith.mulf %get3A_228, %mul3A_230 : vector<16xf32>
    %sub3A_232 = arith.constant 5.000000e-01 : f32
    %sub3A_233 = vector.broadcast %sub3A_232 : f32 to vector<16xf32>
    %sub3A_234 = arith.subf %mul3A_231, %sub3A_233 : vector<16xf32>
    %get3A_235 = arith.constant 32 : index
    %get3A_236 = tpu.vector_load %arg14[%get3A_235] {strides = array<i32>} : memref<64xf32, #tpu.memory_space<vmem>>, vector<16xf32>,
    %get3A_237 = vector.shape_cast %get3A_236 : vector<16xf32> to vector<16xf32>
    %mul3A_238 = arith.constant 1.250000e-01 : f32
    %mul3A_239 = vector.broadcast %mul3A_238 : f32 to vector<16xf32>
    %mul3A_240 = arith.mulf %get3A_237, %mul3A_239 : vector<16xf32>
    %sub3A_241 = arith.constant 5.000000e-01 : f32
    %sub3A_242 = vector.broadcast %sub3A_241 : f32 to vector<16xf32>
    %sub3A_243 = arith.subf %mul3A_240, %sub3A_242 : vector<16xf32>
    %convert_element_type3A_244 = arith.fptosi %sub3A_234 : vector<16xf32> to vector<16xi32>
    %convert_element_type3A_245 = arith.sitofp %convert_element_type3A_244 : vector<16xi32> to vector<16xf32>
    %lt3A_246 = arith.cmpf olt, %sub3A_234, %convert_element_type3A_245 : vector<16xf32>
    %jit3A_247 = arith.constant 1 : i32
    %jit3A_248 = arith.constant 0 : i32
    %broadcast_in_dim3A_249 = vector.broadcast %jit3A_247 : i32 to vector<16xi32>
    %broadcast_in_dim3A_250 = vector.broadcast %jit3A_248 : i32 to vector<16xi32>
    %select_n3A_251 = arith.select %lt3A_246, %broadcast_in_dim3A_249, %broadcast_in_dim3A_250 : vector<16xi1>, vector<16xi32>
    %sub3A_252 = arith.subi %convert_element_type3A_244, %select_n3A_251 : vector<16xi32>
    %convert_element_type3A_253 = arith.fptosi %sub3A_243 : vector<16xf32> to vector<16xi32>
    %convert_element_type3A_254 = arith.sitofp %convert_element_type3A_253 : vector<16xi32> to vector<16xf32>
    %lt3A_255 = arith.cmpf olt, %sub3A_243, %convert_element_type3A_254 : vector<16xf32>
    %jit3A_256 = arith.constant 1 : i32
    %jit3A_257 = arith.constant 0 : i32
    %broadcast_in_dim3A_258 = vector.broadcast %jit3A_256 : i32 to vector<16xi32>
    %broadcast_in_dim3A_259 = vector.broadcast %jit3A_257 : i32 to vector<16xi32>
    %select_n3A_260 = arith.select %lt3A_255, %broadcast_in_dim3A_258, %broadcast_in_dim3A_259 : vector<16xi1>, vector<16xi32>
    %sub3A_261 = arith.subi %convert_element_type3A_253, %select_n3A_260 : vector<16xi32>
    %max3A_262 = arith.constant 0 : i32
    %max3A_263 = vector.broadcast %max3A_262 : i32 to vector<16xi32>
    %max3A_264 = arith.maxsi %sub3A_252, %max3A_263 : vector<16xi32>
    %min3A_265 = arith.constant 63 : i32
    %min3A_266 = vector.broadcast %min3A_265 : i32 to vector<16xi32>
    %min3A_267 = arith.minsi %max3A_264, %min3A_266 : vector<16xi32>
    %add3A_268 = arith.constant 1 : i32
    %add3A_269 = vector.broadcast %add3A_268 : i32 to vector<16xi32>
    %add3A_270 = arith.addi %sub3A_252, %add3A_269 : vector<16xi32>
    %max3A_271 = arith.constant 0 : i32
    %max3A_272 = vector.broadcast %max3A_271 : i32 to vector<16xi32>
    %max3A_273 = arith.maxsi %add3A_270, %max3A_272 : vector<16xi32>
    %min3A_274 = arith.constant 63 : i32
    %min3A_275 = vector.broadcast %min3A_274 : i32 to vector<16xi32>
    %min3A_276 = arith.minsi %max3A_273, %min3A_275 : vector<16xi32>
    %max3A_277 = arith.constant 0 : i32
    %max3A_278 = vector.broadcast %max3A_277 : i32 to vector<16xi32>
    %max3A_279 = arith.maxsi %sub3A_261, %max3A_278 : vector<16xi32>
    %min3A_280 = arith.constant 63 : i32
    %min3A_281 = vector.broadcast %min3A_280 : i32 to vector<16xi32>
    %min3A_282 = arith.minsi %max3A_279, %min3A_281 : vector<16xi32>
    %add3A_283 = arith.constant 1 : i32
    %add3A_284 = vector.broadcast %add3A_283 : i32 to vector<16xi32>
    %add3A_285 = arith.addi %sub3A_261, %add3A_284 : vector<16xi32>
    %max3A_286 = arith.constant 0 : i32
    %max3A_287 = vector.broadcast %max3A_286 : i32 to vector<16xi32>
    %max3A_288 = arith.maxsi %add3A_285, %max3A_287 : vector<16xi32>
    %min3A_289 = arith.constant 63 : i32
    %min3A_290 = vector.broadcast %min3A_289 : i32 to vector<16xi32>
    %min3A_291 = arith.minsi %max3A_288, %min3A_290 : vector<16xi32>
    %mul3A_292 = arith.constant 64 : i32
    %mul3A_293 = vector.broadcast %mul3A_292 : i32 to vector<16xi32>
    %mul3A_294 = arith.muli %min3A_282, %mul3A_293 : vector<16xi32>
    %add3A_295 = arith.addi %mul3A_294, %min3A_267 : vector<16xi32>
    %add3A_296 = vector.broadcast %mul3A_20 : i32 to vector<16xi32>
    %add3A_297 = arith.addi %add3A_295, %add3A_296 : vector<16xi32>
    %swap3A_298 = arith.constant 32 : index
    %swap3A_299 = tpu.vector_load %arg9[%swap3A_298] {strides = array<i32>} : memref<64xi32, #tpu.memory_space<vmem>>, vector<16xi32>,
    %swap3A_300 = vector.shape_cast %swap3A_299 : vector<16xi32> to vector<16xi32>
    %swap3A_301 = vector.shape_cast %add3A_297 : vector<16xi32> to vector<16xi32>
    tpu.vector_store %arg9[%swap3A_298], %swap3A_301 {strides = array<i32>} : memref<64xi32, #tpu.memory_space<vmem>>, vector<16xi32>,
    %mul3A_302 = arith.constant 64 : i32
    %mul3A_303 = vector.broadcast %mul3A_302 : i32 to vector<16xi32>
    %mul3A_304 = arith.muli %min3A_282, %mul3A_303 : vector<16xi32>
    %add3A_305 = arith.addi %mul3A_304, %min3A_276 : vector<16xi32>
    %add3A_306 = vector.broadcast %mul3A_20 : i32 to vector<16xi32>
    %add3A_307 = arith.addi %add3A_305, %add3A_306 : vector<16xi32>
    %swap3A_308 = arith.constant 32 : index
    %swap3A_309 = tpu.vector_load %arg10[%swap3A_308] {strides = array<i32>} : memref<64xi32, #tpu.memory_space<vmem>>, vector<16xi32>,
    %swap3A_310 = vector.shape_cast %swap3A_309 : vector<16xi32> to vector<16xi32>
    %swap3A_311 = vector.shape_cast %add3A_307 : vector<16xi32> to vector<16xi32>
    tpu.vector_store %arg10[%swap3A_308], %swap3A_311 {strides = array<i32>} : memref<64xi32, #tpu.memory_space<vmem>>, vector<16xi32>,
    %mul3A_312 = arith.constant 64 : i32
    %mul3A_313 = vector.broadcast %mul3A_312 : i32 to vector<16xi32>
    %mul3A_314 = arith.muli %min3A_291, %mul3A_313 : vector<16xi32>
    %add3A_315 = arith.addi %mul3A_314, %min3A_267 : vector<16xi32>
    %add3A_316 = vector.broadcast %mul3A_20 : i32 to vector<16xi32>
    %add3A_317 = arith.addi %add3A_315, %add3A_316 : vector<16xi32>
    %swap3A_318 = arith.constant 32 : index
    %swap3A_319 = tpu.vector_load %arg11[%swap3A_318] {strides = array<i32>} : memref<64xi32, #tpu.memory_space<vmem>>, vector<16xi32>,
    %swap3A_320 = vector.shape_cast %swap3A_319 : vector<16xi32> to vector<16xi32>
    %swap3A_321 = vector.shape_cast %add3A_317 : vector<16xi32> to vector<16xi32>
    tpu.vector_store %arg11[%swap3A_318], %swap3A_321 {strides = array<i32>} : memref<64xi32, #tpu.memory_space<vmem>>, vector<16xi32>,
    %mul3A_322 = arith.constant 64 : i32
    %mul3A_323 = vector.broadcast %mul3A_322 : i32 to vector<16xi32>
    %mul3A_324 = arith.muli %min3A_291, %mul3A_323 : vector<16xi32>
    %add3A_325 = arith.addi %mul3A_324, %min3A_276 : vector<16xi32>
    %add3A_326 = vector.broadcast %mul3A_20 : i32 to vector<16xi32>
    %add3A_327 = arith.addi %add3A_325, %add3A_326 : vector<16xi32>
    %swap3A_328 = arith.constant 32 : index
    %swap3A_329 = tpu.vector_load %arg12[%swap3A_328] {strides = array<i32>} : memref<64xi32, #tpu.memory_space<vmem>>, vector<16xi32>,
    %swap3A_330 = vector.shape_cast %swap3A_329 : vector<16xi32> to vector<16xi32>
    %swap3A_331 = vector.shape_cast %add3A_327 : vector<16xi32> to vector<16xi32>
    tpu.vector_store %arg12[%swap3A_328], %swap3A_331 {strides = array<i32>} : memref<64xi32, #tpu.memory_space<vmem>>, vector<16xi32>,
    %get3A_332 = arith.constant 48 : index
    %get3A_333 = tpu.vector_load %arg13[%get3A_332] {strides = array<i32>} : memref<64xf32, #tpu.memory_space<vmem>>, vector<16xf32>,
    %get3A_334 = vector.shape_cast %get3A_333 : vector<16xf32> to vector<16xf32>
    %mul3A_335 = arith.constant 1.250000e-01 : f32
    %mul3A_336 = vector.broadcast %mul3A_335 : f32 to vector<16xf32>
    %mul3A_337 = arith.mulf %get3A_334, %mul3A_336 : vector<16xf32>
    %sub3A_338 = arith.constant 5.000000e-01 : f32
    %sub3A_339 = vector.broadcast %sub3A_338 : f32 to vector<16xf32>
    %sub3A_340 = arith.subf %mul3A_337, %sub3A_339 : vector<16xf32>
    %get3A_341 = arith.constant 48 : index
    %get3A_342 = tpu.vector_load %arg14[%get3A_341] {strides = array<i32>} : memref<64xf32, #tpu.memory_space<vmem>>, vector<16xf32>,
    %get3A_343 = vector.shape_cast %get3A_342 : vector<16xf32> to vector<16xf32>
    %mul3A_344 = arith.constant 1.250000e-01 : f32
    %mul3A_345 = vector.broadcast %mul3A_344 : f32 to vector<16xf32>
    %mul3A_346 = arith.mulf %get3A_343, %mul3A_345 : vector<16xf32>
    %sub3A_347 = arith.constant 5.000000e-01 : f32
    %sub3A_348 = vector.broadcast %sub3A_347 : f32 to vector<16xf32>
    %sub3A_349 = arith.subf %mul3A_346, %sub3A_348 : vector<16xf32>
    %convert_element_type3A_350 = arith.fptosi %sub3A_340 : vector<16xf32> to vector<16xi32>
    %convert_element_type3A_351 = arith.sitofp %convert_element_type3A_350 : vector<16xi32> to vector<16xf32>
    %lt3A_352 = arith.cmpf olt, %sub3A_340, %convert_element_type3A_351 : vector<16xf32>
    %jit3A_353 = arith.constant 1 : i32
    %jit3A_354 = arith.constant 0 : i32
    %broadcast_in_dim3A_355 = vector.broadcast %jit3A_353 : i32 to vector<16xi32>
    %broadcast_in_dim3A_356 = vector.broadcast %jit3A_354 : i32 to vector<16xi32>
    %select_n3A_357 = arith.select %lt3A_352, %broadcast_in_dim3A_355, %broadcast_in_dim3A_356 : vector<16xi1>, vector<16xi32>
    %sub3A_358 = arith.subi %convert_element_type3A_350, %select_n3A_357 : vector<16xi32>
    %convert_element_type3A_359 = arith.fptosi %sub3A_349 : vector<16xf32> to vector<16xi32>
    %convert_element_type3A_360 = arith.sitofp %convert_element_type3A_359 : vector<16xi32> to vector<16xf32>
    %lt3A_361 = arith.cmpf olt, %sub3A_349, %convert_element_type3A_360 : vector<16xf32>
    %jit3A_362 = arith.constant 1 : i32
    %jit3A_363 = arith.constant 0 : i32
    %broadcast_in_dim3A_364 = vector.broadcast %jit3A_362 : i32 to vector<16xi32>
    %broadcast_in_dim3A_365 = vector.broadcast %jit3A_363 : i32 to vector<16xi32>
    %select_n3A_366 = arith.select %lt3A_361, %broadcast_in_dim3A_364, %broadcast_in_dim3A_365 : vector<16xi1>, vector<16xi32>
    %sub3A_367 = arith.subi %convert_element_type3A_359, %select_n3A_366 : vector<16xi32>
    %max3A_368 = arith.constant 0 : i32
    %max3A_369 = vector.broadcast %max3A_368 : i32 to vector<16xi32>
    %max3A_370 = arith.maxsi %sub3A_358, %max3A_369 : vector<16xi32>
    %min3A_371 = arith.constant 63 : i32
    %min3A_372 = vector.broadcast %min3A_371 : i32 to vector<16xi32>
    %min3A_373 = arith.minsi %max3A_370, %min3A_372 : vector<16xi32>
    %add3A_374 = arith.constant 1 : i32
    %add3A_375 = vector.broadcast %add3A_374 : i32 to vector<16xi32>
    %add3A_376 = arith.addi %sub3A_358, %add3A_375 : vector<16xi32>
    %max3A_377 = arith.constant 0 : i32
    %max3A_378 = vector.broadcast %max3A_377 : i32 to vector<16xi32>
    %max3A_379 = arith.maxsi %add3A_376, %max3A_378 : vector<16xi32>
    %min3A_380 = arith.constant 63 : i32
    %min3A_381 = vector.broadcast %min3A_380 : i32 to vector<16xi32>
    %min3A_382 = arith.minsi %max3A_379, %min3A_381 : vector<16xi32>
    %max3A_383 = arith.constant 0 : i32
    %max3A_384 = vector.broadcast %max3A_383 : i32 to vector<16xi32>
    %max3A_385 = arith.maxsi %sub3A_367, %max3A_384 : vector<16xi32>
    %min3A_386 = arith.constant 63 : i32
    %min3A_387 = vector.broadcast %min3A_386 : i32 to vector<16xi32>
    %min3A_388 = arith.minsi %max3A_385, %min3A_387 : vector<16xi32>
    %add3A_389 = arith.constant 1 : i32
    %add3A_390 = vector.broadcast %add3A_389 : i32 to vector<16xi32>
    %add3A_391 = arith.addi %sub3A_367, %add3A_390 : vector<16xi32>
    %max3A_392 = arith.constant 0 : i32
    %max3A_393 = vector.broadcast %max3A_392 : i32 to vector<16xi32>
    %max3A_394 = arith.maxsi %add3A_391, %max3A_393 : vector<16xi32>
    %min3A_395 = arith.constant 63 : i32
    %min3A_396 = vector.broadcast %min3A_395 : i32 to vector<16xi32>
    %min3A_397 = arith.minsi %max3A_394, %min3A_396 : vector<16xi32>
    %mul3A_398 = arith.constant 64 : i32
    %mul3A_399 = vector.broadcast %mul3A_398 : i32 to vector<16xi32>
    %mul3A_400 = arith.muli %min3A_388, %mul3A_399 : vector<16xi32>
    %add3A_401 = arith.addi %mul3A_400, %min3A_373 : vector<16xi32>
    %add3A_402 = vector.broadcast %mul3A_20 : i32 to vector<16xi32>
    %add3A_403 = arith.addi %add3A_401, %add3A_402 : vector<16xi32>
    %swap3A_404 = arith.constant 48 : index
    %swap3A_405 = tpu.vector_load %arg9[%swap3A_404] {strides = array<i32>} : memref<64xi32, #tpu.memory_space<vmem>>, vector<16xi32>,
    %swap3A_406 = vector.shape_cast %swap3A_405 : vector<16xi32> to vector<16xi32>
    %swap3A_407 = vector.shape_cast %add3A_403 : vector<16xi32> to vector<16xi32>
    tpu.vector_store %arg9[%swap3A_404], %swap3A_407 {strides = array<i32>} : memref<64xi32, #tpu.memory_space<vmem>>, vector<16xi32>,
    %mul3A_408 = arith.constant 64 : i32
    %mul3A_409 = vector.broadcast %mul3A_408 : i32 to vector<16xi32>
    %mul3A_410 = arith.muli %min3A_388, %mul3A_409 : vector<16xi32>
    %add3A_411 = arith.addi %mul3A_410, %min3A_382 : vector<16xi32>
    %add3A_412 = vector.broadcast %mul3A_20 : i32 to vector<16xi32>
    %add3A_413 = arith.addi %add3A_411, %add3A_412 : vector<16xi32>
    %swap3A_414 = arith.constant 48 : index
    %swap3A_415 = tpu.vector_load %arg10[%swap3A_414] {strides = array<i32>} : memref<64xi32, #tpu.memory_space<vmem>>, vector<16xi32>,
    %swap3A_416 = vector.shape_cast %swap3A_415 : vector<16xi32> to vector<16xi32>
    %swap3A_417 = vector.shape_cast %add3A_413 : vector<16xi32> to vector<16xi32>
    tpu.vector_store %arg10[%swap3A_414], %swap3A_417 {strides = array<i32>} : memref<64xi32, #tpu.memory_space<vmem>>, vector<16xi32>,
    %mul3A_418 = arith.constant 64 : i32
    %mul3A_419 = vector.broadcast %mul3A_418 : i32 to vector<16xi32>
    %mul3A_420 = arith.muli %min3A_397, %mul3A_419 : vector<16xi32>
    %add3A_421 = arith.addi %mul3A_420, %min3A_373 : vector<16xi32>
    %add3A_422 = vector.broadcast %mul3A_20 : i32 to vector<16xi32>
    %add3A_423 = arith.addi %add3A_421, %add3A_422 : vector<16xi32>
    %swap3A_424 = arith.constant 48 : index
    %swap3A_425 = tpu.vector_load %arg11[%swap3A_424] {strides = array<i32>} : memref<64xi32, #tpu.memory_space<vmem>>, vector<16xi32>,
    %swap3A_426 = vector.shape_cast %swap3A_425 : vector<16xi32> to vector<16xi32>
    %swap3A_427 = vector.shape_cast %add3A_423 : vector<16xi32> to vector<16xi32>
    tpu.vector_store %arg11[%swap3A_424], %swap3A_427 {strides = array<i32>} : memref<64xi32, #tpu.memory_space<vmem>>, vector<16xi32>,
    %mul3A_428 = arith.constant 64 : i32
    %mul3A_429 = vector.broadcast %mul3A_428 : i32 to vector<16xi32>
    %mul3A_430 = arith.muli %min3A_397, %mul3A_429 : vector<16xi32>
    %add3A_431 = arith.addi %mul3A_430, %min3A_382 : vector<16xi32>
    %add3A_432 = vector.broadcast %mul3A_20 : i32 to vector<16xi32>
    %add3A_433 = arith.addi %add3A_431, %add3A_432 : vector<16xi32>
    %swap3A_434 = arith.constant 48 : index
    %swap3A_435 = tpu.vector_load %arg12[%swap3A_434] {strides = array<i32>} : memref<64xi32, #tpu.memory_space<vmem>>, vector<16xi32>,
    %swap3A_436 = vector.shape_cast %swap3A_435 : vector<16xi32> to vector<16xi32>
    %swap3A_437 = vector.shape_cast %add3A_433 : vector<16xi32> to vector<16xi32>
    tpu.vector_store %arg12[%swap3A_434], %swap3A_437 {strides = array<i32>} : memref<64xi32, #tpu.memory_space<vmem>>, vector<16xi32>,
    %dma_start3A = arith.constant 0 : i32
    %dma_start3A_438 = arith.constant 0 : i32
    %dma_start3A_439 = tpu.memref_slice %arg4[%dma_start3A, %dma_start3A_438] : memref<16384x128xf32, #tpu.memory_space<hbm>> -> memref<16384x128xf32, #tpu.memory_space<hbm>>
    tpu.enqueue_indirect_dma source(%dma_start3A_439 : memref<16384x128xf32, #tpu.memory_space<hbm>>) target(%arg15 : memref<64x128xf32, #tpu.memory_space<vmem>>) offsets(%arg9 : memref<64xi32, #tpu.memory_space<vmem>>) semaphore(%arg16 : memref<!tpu.dma_semaphore, #tpu.memory_space<semaphore_mem>>)
    %dma_wait3A = arith.constant 0 : i32
    %dma_wait3A_440 = arith.constant 0 : i32
    %dma_wait3A_441 = tpu.memref_slice %arg4[%dma_wait3A, %dma_wait3A_440] : memref<16384x128xf32, #tpu.memory_space<hbm>> -> memref<16384x128xf32, #tpu.memory_space<hbm>>
    tpu.wait_indirect_dma semaphore(%arg16 : memref<!tpu.dma_semaphore, #tpu.memory_space<semaphore_mem>>) src(%dma_wait3A_441 : memref<16384x128xf32, #tpu.memory_space<hbm>>) dst(%arg15 : memref<64x128xf32, #tpu.memory_space<vmem>>)
    "tpu.region"() ({
      %run_scoped3A = tpu.sem_alloc : memref<!tpu.dma_semaphore, #tpu.memory_space<semaphore_mem>>
      %dma_start3A_460 = arith.constant 0 : i32
      %dma_start3A_461 = tpu.memref_slice %arg5[%mul3A_2, %dma_start3A_460] : memref<2048x128xf32, #tpu.memory_space<hbm>> -> memref<64x128xf32, #tpu.memory_space<hbm>>
      %dma_start3A_462 = arith.constant 0 : i32
      %dma_start3A_463 = tpu.memref_slice %arg5[%mul3A_2, %dma_start3A_462] : memref<2048x128xf32, #tpu.memory_space<hbm>> -> memref<64x128xf32, #tpu.memory_space<hbm>>
      tpu.enqueue_dma source(%arg15 : memref<64x128xf32, #tpu.memory_space<vmem>>) target(%dma_start3A_463 : memref<64x128xf32, #tpu.memory_space<hbm>>) target_semaphore(%run_scoped3A : memref<!tpu.dma_semaphore, #tpu.memory_space<semaphore_mem>>)
      %dma_wait3A_464 = arith.constant 0 : i32
      %dma_wait3A_465 = tpu.memref_slice %arg5[%mul3A_2, %dma_wait3A_464] : memref<2048x128xf32, #tpu.memory_space<hbm>> -> memref<64x128xf32, #tpu.memory_space<hbm>>
      %dma_wait3A_466 = arith.constant 0 : i32
      %dma_wait3A_467 = tpu.memref_slice %arg5[%mul3A_2, %dma_wait3A_466] : memref<2048x128xf32, #tpu.memory_space<hbm>> -> memref<64x128xf32, #tpu.memory_space<hbm>>
      tpu.wait_dma2 semaphore(%run_scoped3A : memref<!tpu.dma_semaphore, #tpu.memory_space<semaphore_mem>>) src(%arg15 : memref<64x128xf32, #tpu.memory_space<vmem>>) dst(%dma_wait3A_467 : memref<64x128xf32, #tpu.memory_space<hbm>>)
      tpu.yield
    }) : () -> ()
    %dma_start3A_442 = arith.constant 0 : i32
    %dma_start3A_443 = arith.constant 0 : i32
    %dma_start3A_444 = tpu.memref_slice %arg4[%dma_start3A_442, %dma_start3A_443] : memref<16384x128xf32, #tpu.memory_space<hbm>> -> memref<16384x128xf32, #tpu.memory_space<hbm>>
    tpu.enqueue_indirect_dma source(%dma_start3A_444 : memref<16384x128xf32, #tpu.memory_space<hbm>>) target(%arg15 : memref<64x128xf32, #tpu.memory_space<vmem>>) offsets(%arg10 : memref<64xi32, #tpu.memory_space<vmem>>) semaphore(%arg16 : memref<!tpu.dma_semaphore, #tpu.memory_space<semaphore_mem>>)
    %dma_wait3A_445 = arith.constant 0 : i32
    %dma_wait3A_446 = arith.constant 0 : i32
    %dma_wait3A_447 = tpu.memref_slice %arg4[%dma_wait3A_445, %dma_wait3A_446] : memref<16384x128xf32, #tpu.memory_space<hbm>> -> memref<16384x128xf32, #tpu.memory_space<hbm>>
    tpu.wait_indirect_dma semaphore(%arg16 : memref<!tpu.dma_semaphore, #tpu.memory_space<semaphore_mem>>) src(%dma_wait3A_447 : memref<16384x128xf32, #tpu.memory_space<hbm>>) dst(%arg15 : memref<64x128xf32, #tpu.memory_space<vmem>>)
    "tpu.region"() ({
      %run_scoped3A = tpu.sem_alloc : memref<!tpu.dma_semaphore, #tpu.memory_space<semaphore_mem>>
      %dma_start3A_460 = arith.constant 0 : i32
      %dma_start3A_461 = tpu.memref_slice %arg6[%mul3A_2, %dma_start3A_460] : memref<2048x128xf32, #tpu.memory_space<hbm>> -> memref<64x128xf32, #tpu.memory_space<hbm>>
      %dma_start3A_462 = arith.constant 0 : i32
      %dma_start3A_463 = tpu.memref_slice %arg6[%mul3A_2, %dma_start3A_462] : memref<2048x128xf32, #tpu.memory_space<hbm>> -> memref<64x128xf32, #tpu.memory_space<hbm>>
      tpu.enqueue_dma source(%arg15 : memref<64x128xf32, #tpu.memory_space<vmem>>) target(%dma_start3A_463 : memref<64x128xf32, #tpu.memory_space<hbm>>) target_semaphore(%run_scoped3A : memref<!tpu.dma_semaphore, #tpu.memory_space<semaphore_mem>>)
      %dma_wait3A_464 = arith.constant 0 : i32
      %dma_wait3A_465 = tpu.memref_slice %arg6[%mul3A_2, %dma_wait3A_464] : memref<2048x128xf32, #tpu.memory_space<hbm>> -> memref<64x128xf32, #tpu.memory_space<hbm>>
      %dma_wait3A_466 = arith.constant 0 : i32
      %dma_wait3A_467 = tpu.memref_slice %arg6[%mul3A_2, %dma_wait3A_466] : memref<2048x128xf32, #tpu.memory_space<hbm>> -> memref<64x128xf32, #tpu.memory_space<hbm>>
      tpu.wait_dma2 semaphore(%run_scoped3A : memref<!tpu.dma_semaphore, #tpu.memory_space<semaphore_mem>>) src(%arg15 : memref<64x128xf32, #tpu.memory_space<vmem>>) dst(%dma_wait3A_467 : memref<64x128xf32, #tpu.memory_space<hbm>>)
      tpu.yield
    }) : () -> ()
    %dma_start3A_448 = arith.constant 0 : i32
    %dma_start3A_449 = arith.constant 0 : i32
    %dma_start3A_450 = tpu.memref_slice %arg4[%dma_start3A_448, %dma_start3A_449] : memref<16384x128xf32, #tpu.memory_space<hbm>> -> memref<16384x128xf32, #tpu.memory_space<hbm>>
    tpu.enqueue_indirect_dma source(%dma_start3A_450 : memref<16384x128xf32, #tpu.memory_space<hbm>>) target(%arg15 : memref<64x128xf32, #tpu.memory_space<vmem>>) offsets(%arg11 : memref<64xi32, #tpu.memory_space<vmem>>) semaphore(%arg16 : memref<!tpu.dma_semaphore, #tpu.memory_space<semaphore_mem>>)
    %dma_wait3A_451 = arith.constant 0 : i32
    %dma_wait3A_452 = arith.constant 0 : i32
    %dma_wait3A_453 = tpu.memref_slice %arg4[%dma_wait3A_451, %dma_wait3A_452] : memref<16384x128xf32, #tpu.memory_space<hbm>> -> memref<16384x128xf32, #tpu.memory_space<hbm>>
    tpu.wait_indirect_dma semaphore(%arg16 : memref<!tpu.dma_semaphore, #tpu.memory_space<semaphore_mem>>) src(%dma_wait3A_453 : memref<16384x128xf32, #tpu.memory_space<hbm>>) dst(%arg15 : memref<64x128xf32, #tpu.memory_space<vmem>>)
    "tpu.region"() ({
      %run_scoped3A = tpu.sem_alloc : memref<!tpu.dma_semaphore, #tpu.memory_space<semaphore_mem>>
      %dma_start3A_460 = arith.constant 0 : i32
      %dma_start3A_461 = tpu.memref_slice %arg7[%mul3A_2, %dma_start3A_460] : memref<2048x128xf32, #tpu.memory_space<hbm>> -> memref<64x128xf32, #tpu.memory_space<hbm>>
      %dma_start3A_462 = arith.constant 0 : i32
      %dma_start3A_463 = tpu.memref_slice %arg7[%mul3A_2, %dma_start3A_462] : memref<2048x128xf32, #tpu.memory_space<hbm>> -> memref<64x128xf32, #tpu.memory_space<hbm>>
      tpu.enqueue_dma source(%arg15 : memref<64x128xf32, #tpu.memory_space<vmem>>) target(%dma_start3A_463 : memref<64x128xf32, #tpu.memory_space<hbm>>) target_semaphore(%run_scoped3A : memref<!tpu.dma_semaphore, #tpu.memory_space<semaphore_mem>>)
      %dma_wait3A_464 = arith.constant 0 : i32
      %dma_wait3A_465 = tpu.memref_slice %arg7[%mul3A_2, %dma_wait3A_464] : memref<2048x128xf32, #tpu.memory_space<hbm>> -> memref<64x128xf32, #tpu.memory_space<hbm>>
      %dma_wait3A_466 = arith.constant 0 : i32
      %dma_wait3A_467 = tpu.memref_slice %arg7[%mul3A_2, %dma_wait3A_466] : memref<2048x128xf32, #tpu.memory_space<hbm>> -> memref<64x128xf32, #tpu.memory_space<hbm>>
      tpu.wait_dma2 semaphore(%run_scoped3A : memref<!tpu.dma_semaphore, #tpu.memory_space<semaphore_mem>>) src(%arg15 : memref<64x128xf32, #tpu.memory_space<vmem>>) dst(%dma_wait3A_467 : memref<64x128xf32, #tpu.memory_space<hbm>>)
      tpu.yield
    }) : () -> ()
    %dma_start3A_454 = arith.constant 0 : i32
    %dma_start3A_455 = arith.constant 0 : i32
    %dma_start3A_456 = tpu.memref_slice %arg4[%dma_start3A_454, %dma_start3A_455] : memref<16384x128xf32, #tpu.memory_space<hbm>> -> memref<16384x128xf32, #tpu.memory_space<hbm>>
    tpu.enqueue_indirect_dma source(%dma_start3A_456 : memref<16384x128xf32, #tpu.memory_space<hbm>>) target(%arg15 : memref<64x128xf32, #tpu.memory_space<vmem>>) offsets(%arg12 : memref<64xi32, #tpu.memory_space<vmem>>) semaphore(%arg16 : memref<!tpu.dma_semaphore, #tpu.memory_space<semaphore_mem>>)
    %dma_wait3A_457 = arith.constant 0 : i32
    %dma_wait3A_458 = arith.constant 0 : i32
    %dma_wait3A_459 = tpu.memref_slice %arg4[%dma_wait3A_457, %dma_wait3A_458] : memref<16384x128xf32, #tpu.memory_space<hbm>> -> memref<16384x128xf32, #tpu.memory_space<hbm>>
    tpu.wait_indirect_dma semaphore(%arg16 : memref<!tpu.dma_semaphore, #tpu.memory_space<semaphore_mem>>) src(%dma_wait3A_459 : memref<16384x128xf32, #tpu.memory_space<hbm>>) dst(%arg15 : memref<64x128xf32, #tpu.memory_space<vmem>>)
    "tpu.region"() ({
      %run_scoped3A = tpu.sem_alloc : memref<!tpu.dma_semaphore, #tpu.memory_space<semaphore_mem>>
      %dma_start3A_460 = arith.constant 0 : i32
      %dma_start3A_461 = tpu.memref_slice %arg8[%mul3A_2, %dma_start3A_460] : memref<2048x128xf32, #tpu.memory_space<hbm>> -> memref<64x128xf32, #tpu.memory_space<hbm>>
      %dma_start3A_462 = arith.constant 0 : i32
      %dma_start3A_463 = tpu.memref_slice %arg8[%mul3A_2, %dma_start3A_462] : memref<2048x128xf32, #tpu.memory_space<hbm>> -> memref<64x128xf32, #tpu.memory_space<hbm>>
      tpu.enqueue_dma source(%arg15 : memref<64x128xf32, #tpu.memory_space<vmem>>) target(%dma_start3A_463 : memref<64x128xf32, #tpu.memory_space<hbm>>) target_semaphore(%run_scoped3A : memref<!tpu.dma_semaphore, #tpu.memory_space<semaphore_mem>>)
      %dma_wait3A_464 = arith.constant 0 : i32
      %dma_wait3A_465 = tpu.memref_slice %arg8[%mul3A_2, %dma_wait3A_464] : memref<2048x128xf32, #tpu.memory_space<hbm>> -> memref<64x128xf32, #tpu.memory_space<hbm>>
      %dma_wait3A_466 = arith.constant 0 : i32
      %dma_wait3A_467 = tpu.memref_slice %arg8[%mul3A_2, %dma_wait3A_466] : memref<2048x128xf32, #tpu.memory_space<hbm>> -> memref<64x128xf32, #tpu.memory_space<hbm>>
      tpu.wait_dma2 semaphore(%run_scoped3A : memref<!tpu.dma_semaphore, #tpu.memory_space<semaphore_mem>>) src(%arg15 : memref<64x128xf32, #tpu.memory_space<vmem>>) dst(%dma_wait3A_467 : memref<64x128xf32, #tpu.memory_space<hbm>>)
      tpu.yield
    }) : () -> ()
    return
  }
}

module attributes {stable_mosaic.version = 14 : i64} {
  func.func @_k1_body(%arg0: i32, %arg1: i32, %arg2: memref<1x128x2xf32, #tpu.memory_space<vmem>>, %arg3: memref<1x128x4xi32, #tpu.memory_space<vmem>>) attributes {dimension_semantics = [#tpu.dimension_semantics<arbitrary>, #tpu.dimension_semantics<arbitrary>], iteration_bounds = array<i64: 4, 4>, scalar_prefetch = 0 : i64, scratch_operands = 0 : i64, tpu.core_type = #tpu.core_type<tc>, window_params = [{transform_indices = @transform_0, window_bounds = array<i64: 1, 128, 2>}, {transform_indices = @transform_1, window_bounds = array<i64: 1, 128, 4>}]} {
    %get3A = arith.constant 0 : index
    %get3A_0 = arith.constant 0 : index
    %get3A_1 = arith.constant 0 : index
    %get3A_2 = vector.load %arg2[%get3A, %get3A_0, %get3A_1] : memref<1x128x2xf32, #tpu.memory_space<vmem>>, vector<1x128x1xf32>
    %get3A_3 = vector.shape_cast %get3A_2 : vector<1x128x1xf32> to vector<128x1xf32>
    %get3A_4 = arith.constant 0 : index
    %get3A_5 = arith.constant 0 : index
    %get3A_6 = arith.constant 1 : index
    %get3A_7 = vector.load %arg2[%get3A_4, %get3A_5, %get3A_6] : memref<1x128x2xf32, #tpu.memory_space<vmem>>, vector<1x128x1xf32>
    %get3A_8 = vector.shape_cast %get3A_7 : vector<1x128x1xf32> to vector<128x1xf32>
    %mul3A = arith.constant 1.250000e-01 : f32
    %mul3A_9 = vector.broadcast %mul3A : f32 to vector<128x1xf32>
    %mul3A_10 = arith.mulf %get3A_3, %mul3A_9 : vector<128x1xf32>
    %sub3A = arith.constant 5.000000e-01 : f32
    %sub3A_11 = vector.broadcast %sub3A : f32 to vector<128x1xf32>
    %sub3A_12 = arith.subf %mul3A_10, %sub3A_11 : vector<128x1xf32>
    %jit3A = arith.constant -5.000000e-01 : f32
    %jit3A_13 = arith.constant 6.350000e+01 : f32
    %max3A = vector.broadcast %jit3A : f32 to vector<128x1xf32>
    %max3A_14 = arith.maximumf %max3A, %sub3A_12 : vector<128x1xf32>
    %min3A = vector.broadcast %jit3A_13 : f32 to vector<128x1xf32>
    %min3A_15 = arith.minimumf %min3A, %max3A_14 : vector<128x1xf32>
    %mul3A_16 = arith.constant 1.250000e-01 : f32
    %mul3A_17 = vector.broadcast %mul3A_16 : f32 to vector<128x1xf32>
    %mul3A_18 = arith.mulf %get3A_8, %mul3A_17 : vector<128x1xf32>
    %sub3A_19 = arith.constant 5.000000e-01 : f32
    %sub3A_20 = vector.broadcast %sub3A_19 : f32 to vector<128x1xf32>
    %sub3A_21 = arith.subf %mul3A_18, %sub3A_20 : vector<128x1xf32>
    %jit3A_22 = arith.constant -5.000000e-01 : f32
    %jit3A_23 = arith.constant 6.350000e+01 : f32
    %max3A_24 = vector.broadcast %jit3A_22 : f32 to vector<128x1xf32>
    %max3A_25 = arith.maximumf %max3A_24, %sub3A_21 : vector<128x1xf32>
    %min3A_26 = vector.broadcast %jit3A_23 : f32 to vector<128x1xf32>
    %min3A_27 = arith.minimumf %min3A_26, %max3A_25 : vector<128x1xf32>
    %floor3A = math.floor %min3A_15 : vector<128x1xf32>
    %floor3A_28 = math.floor %min3A_27 : vector<128x1xf32>
    %add3A = arith.constant -1.000000e+00 : f32
    %add3A_29 = vector.broadcast %add3A : f32 to vector<128x1xf32>
    %add3A_30 = arith.addf %floor3A, %add3A_29 : vector<128x1xf32>
    %add3A_31 = arith.constant -1.000000e+00 : f32
    %add3A_32 = vector.broadcast %add3A_31 : f32 to vector<128x1xf32>
    %add3A_33 = arith.addf %floor3A_28, %add3A_32 : vector<128x1xf32>
    %ge3A = arith.constant 0.000000e+00 : f32
    %ge3A_34 = vector.broadcast %ge3A : f32 to vector<128x1xf32>
    %ge3A_35 = arith.cmpf oge, %add3A_30, %ge3A_34 : vector<128x1xf32>
    %le3A = arith.constant 6.300000e+01 : f32
    %le3A_36 = vector.broadcast %le3A : f32 to vector<128x1xf32>
    %le3A_37 = arith.cmpf ole, %add3A_30, %le3A_36 : vector<128x1xf32>
    %and3A = arith.andi %ge3A_35, %le3A_37 : vector<128x1xi1>
    %ge3A_38 = arith.constant 0.000000e+00 : f32
    %ge3A_39 = vector.broadcast %ge3A_38 : f32 to vector<128x1xf32>
    %ge3A_40 = arith.cmpf oge, %add3A_33, %ge3A_39 : vector<128x1xf32>
    %and3A_41 = arith.andi %and3A, %ge3A_40 : vector<128x1xi1>
    %le3A_42 = arith.constant 6.300000e+01 : f32
    %le3A_43 = vector.broadcast %le3A_42 : f32 to vector<128x1xf32>
    %le3A_44 = arith.cmpf ole, %add3A_33, %le3A_43 : vector<128x1xf32>
    %and3A_45 = arith.andi %and3A_41, %le3A_44 : vector<128x1xi1>
    %add3A_46 = arith.constant 5.000000e-01 : f32
    %add3A_47 = vector.broadcast %add3A_46 : f32 to vector<128x1xf32>
    %add3A_48 = arith.addf %add3A_30, %add3A_47 : vector<128x1xf32>
    %mul3A_49 = arith.constant 8.000000e+00 : f32
    %mul3A_50 = vector.broadcast %mul3A_49 : f32 to vector<128x1xf32>
    %mul3A_51 = arith.mulf %add3A_48, %mul3A_50 : vector<128x1xf32>
    %add3A_52 = arith.constant 5.000000e-01 : f32
    %add3A_53 = vector.broadcast %add3A_52 : f32 to vector<128x1xf32>
    %add3A_54 = arith.addf %add3A_33, %add3A_53 : vector<128x1xf32>
    %mul3A_55 = arith.constant 8.000000e+00 : f32
    %mul3A_56 = vector.broadcast %mul3A_55 : f32 to vector<128x1xf32>
    %mul3A_57 = arith.mulf %add3A_54, %mul3A_56 : vector<128x1xf32>
    %sub3A_58 = arith.subf %get3A_3, %mul3A_51 : vector<128x1xf32>
    %sub3A_59 = arith.subf %get3A_8, %mul3A_57 : vector<128x1xf32>
    %mul3A_60 = arith.mulf %sub3A_58, %sub3A_58 : vector<128x1xf32>
    %mul3A_61 = arith.mulf %sub3A_59, %sub3A_59 : vector<128x1xf32>
    %add3A_62 = arith.addf %mul3A_60, %mul3A_61 : vector<128x1xf32>
    %add3A_63 = arith.constant 9.99999996E-13 : f32
    %add3A_64 = vector.broadcast %add3A_63 : f32 to vector<128x1xf32>
    %add3A_65 = arith.addf %add3A_62, %add3A_64 : vector<128x1xf32>
    %sqrt3A = math.sqrt %add3A_65 : vector<128x1xf32>
    %jit3A_66 = arith.constant 3.000000e+38 : f32
    %broadcast_in_dim3A = vector.broadcast %jit3A_66 : f32 to vector<128x1xf32>
    %select_n3A = arith.select %and3A_45, %sqrt3A, %broadcast_in_dim3A : vector<128x1xi1>, vector<128x1xf32>
    %mul3A_67 = arith.constant 6.400000e+01 : f32
    %mul3A_68 = vector.broadcast %mul3A_67 : f32 to vector<128x1xf32>
    %mul3A_69 = arith.mulf %add3A_33, %mul3A_68 : vector<128x1xf32>
    %add3A_70 = arith.addf %mul3A_69, %add3A_30 : vector<128x1xf32>
    %jit3A_71 = arith.constant 1.000000e+09 : f32
    %broadcast_in_dim3A_72 = vector.broadcast %jit3A_71 : f32 to vector<128x1xf32>
    %select_n3A_73 = arith.select %and3A_45, %add3A_70, %broadcast_in_dim3A_72 : vector<128x1xi1>, vector<128x1xf32>
    %add3A_74 = arith.constant 0.000000e+00 : f32
    %add3A_75 = vector.broadcast %add3A_74 : f32 to vector<128x1xf32>
    %add3A_76 = arith.addf %floor3A, %add3A_75 : vector<128x1xf32>
    %add3A_77 = arith.constant -1.000000e+00 : f32
    %add3A_78 = vector.broadcast %add3A_77 : f32 to vector<128x1xf32>
    %add3A_79 = arith.addf %floor3A_28, %add3A_78 : vector<128x1xf32>
    %ge3A_80 = arith.constant 0.000000e+00 : f32
    %ge3A_81 = vector.broadcast %ge3A_80 : f32 to vector<128x1xf32>
    %ge3A_82 = arith.cmpf oge, %add3A_76, %ge3A_81 : vector<128x1xf32>
    %le3A_83 = arith.constant 6.300000e+01 : f32
    %le3A_84 = vector.broadcast %le3A_83 : f32 to vector<128x1xf32>
    %le3A_85 = arith.cmpf ole, %add3A_76, %le3A_84 : vector<128x1xf32>
    %and3A_86 = arith.andi %ge3A_82, %le3A_85 : vector<128x1xi1>
    %ge3A_87 = arith.constant 0.000000e+00 : f32
    %ge3A_88 = vector.broadcast %ge3A_87 : f32 to vector<128x1xf32>
    %ge3A_89 = arith.cmpf oge, %add3A_79, %ge3A_88 : vector<128x1xf32>
    %and3A_90 = arith.andi %and3A_86, %ge3A_89 : vector<128x1xi1>
    %le3A_91 = arith.constant 6.300000e+01 : f32
    %le3A_92 = vector.broadcast %le3A_91 : f32 to vector<128x1xf32>
    %le3A_93 = arith.cmpf ole, %add3A_79, %le3A_92 : vector<128x1xf32>
    %and3A_94 = arith.andi %and3A_90, %le3A_93 : vector<128x1xi1>
    %add3A_95 = arith.constant 5.000000e-01 : f32
    %add3A_96 = vector.broadcast %add3A_95 : f32 to vector<128x1xf32>
    %add3A_97 = arith.addf %add3A_76, %add3A_96 : vector<128x1xf32>
    %mul3A_98 = arith.constant 8.000000e+00 : f32
    %mul3A_99 = vector.broadcast %mul3A_98 : f32 to vector<128x1xf32>
    %mul3A_100 = arith.mulf %add3A_97, %mul3A_99 : vector<128x1xf32>
    %add3A_101 = arith.constant 5.000000e-01 : f32
    %add3A_102 = vector.broadcast %add3A_101 : f32 to vector<128x1xf32>
    %add3A_103 = arith.addf %add3A_79, %add3A_102 : vector<128x1xf32>
    %mul3A_104 = arith.constant 8.000000e+00 : f32
    %mul3A_105 = vector.broadcast %mul3A_104 : f32 to vector<128x1xf32>
    %mul3A_106 = arith.mulf %add3A_103, %mul3A_105 : vector<128x1xf32>
    %sub3A_107 = arith.subf %get3A_3, %mul3A_100 : vector<128x1xf32>
    %sub3A_108 = arith.subf %get3A_8, %mul3A_106 : vector<128x1xf32>
    %mul3A_109 = arith.mulf %sub3A_107, %sub3A_107 : vector<128x1xf32>
    %mul3A_110 = arith.mulf %sub3A_108, %sub3A_108 : vector<128x1xf32>
    %add3A_111 = arith.addf %mul3A_109, %mul3A_110 : vector<128x1xf32>
    %add3A_112 = arith.constant 9.99999996E-13 : f32
    %add3A_113 = vector.broadcast %add3A_112 : f32 to vector<128x1xf32>
    %add3A_114 = arith.addf %add3A_111, %add3A_113 : vector<128x1xf32>
    %sqrt3A_115 = math.sqrt %add3A_114 : vector<128x1xf32>
    %jit3A_116 = arith.constant 3.000000e+38 : f32
    %broadcast_in_dim3A_117 = vector.broadcast %jit3A_116 : f32 to vector<128x1xf32>
    %select_n3A_118 = arith.select %and3A_94, %sqrt3A_115, %broadcast_in_dim3A_117 : vector<128x1xi1>, vector<128x1xf32>
    %mul3A_119 = arith.constant 6.400000e+01 : f32
    %mul3A_120 = vector.broadcast %mul3A_119 : f32 to vector<128x1xf32>
    %mul3A_121 = arith.mulf %add3A_79, %mul3A_120 : vector<128x1xf32>
    %add3A_122 = arith.addf %mul3A_121, %add3A_76 : vector<128x1xf32>
    %jit3A_123 = arith.constant 1.000000e+09 : f32
    %broadcast_in_dim3A_124 = vector.broadcast %jit3A_123 : f32 to vector<128x1xf32>
    %select_n3A_125 = arith.select %and3A_94, %add3A_122, %broadcast_in_dim3A_124 : vector<128x1xi1>, vector<128x1xf32>
    %add3A_126 = arith.constant 1.000000e+00 : f32
    %add3A_127 = vector.broadcast %add3A_126 : f32 to vector<128x1xf32>
    %add3A_128 = arith.addf %floor3A, %add3A_127 : vector<128x1xf32>
    %add3A_129 = arith.constant -1.000000e+00 : f32
    %add3A_130 = vector.broadcast %add3A_129 : f32 to vector<128x1xf32>
    %add3A_131 = arith.addf %floor3A_28, %add3A_130 : vector<128x1xf32>
    %ge3A_132 = arith.constant 0.000000e+00 : f32
    %ge3A_133 = vector.broadcast %ge3A_132 : f32 to vector<128x1xf32>
    %ge3A_134 = arith.cmpf oge, %add3A_128, %ge3A_133 : vector<128x1xf32>
    %le3A_135 = arith.constant 6.300000e+01 : f32
    %le3A_136 = vector.broadcast %le3A_135 : f32 to vector<128x1xf32>
    %le3A_137 = arith.cmpf ole, %add3A_128, %le3A_136 : vector<128x1xf32>
    %and3A_138 = arith.andi %ge3A_134, %le3A_137 : vector<128x1xi1>
    %ge3A_139 = arith.constant 0.000000e+00 : f32
    %ge3A_140 = vector.broadcast %ge3A_139 : f32 to vector<128x1xf32>
    %ge3A_141 = arith.cmpf oge, %add3A_131, %ge3A_140 : vector<128x1xf32>
    %and3A_142 = arith.andi %and3A_138, %ge3A_141 : vector<128x1xi1>
    %le3A_143 = arith.constant 6.300000e+01 : f32
    %le3A_144 = vector.broadcast %le3A_143 : f32 to vector<128x1xf32>
    %le3A_145 = arith.cmpf ole, %add3A_131, %le3A_144 : vector<128x1xf32>
    %and3A_146 = arith.andi %and3A_142, %le3A_145 : vector<128x1xi1>
    %add3A_147 = arith.constant 5.000000e-01 : f32
    %add3A_148 = vector.broadcast %add3A_147 : f32 to vector<128x1xf32>
    %add3A_149 = arith.addf %add3A_128, %add3A_148 : vector<128x1xf32>
    %mul3A_150 = arith.constant 8.000000e+00 : f32
    %mul3A_151 = vector.broadcast %mul3A_150 : f32 to vector<128x1xf32>
    %mul3A_152 = arith.mulf %add3A_149, %mul3A_151 : vector<128x1xf32>
    %add3A_153 = arith.constant 5.000000e-01 : f32
    %add3A_154 = vector.broadcast %add3A_153 : f32 to vector<128x1xf32>
    %add3A_155 = arith.addf %add3A_131, %add3A_154 : vector<128x1xf32>
    %mul3A_156 = arith.constant 8.000000e+00 : f32
    %mul3A_157 = vector.broadcast %mul3A_156 : f32 to vector<128x1xf32>
    %mul3A_158 = arith.mulf %add3A_155, %mul3A_157 : vector<128x1xf32>
    %sub3A_159 = arith.subf %get3A_3, %mul3A_152 : vector<128x1xf32>
    %sub3A_160 = arith.subf %get3A_8, %mul3A_158 : vector<128x1xf32>
    %mul3A_161 = arith.mulf %sub3A_159, %sub3A_159 : vector<128x1xf32>
    %mul3A_162 = arith.mulf %sub3A_160, %sub3A_160 : vector<128x1xf32>
    %add3A_163 = arith.addf %mul3A_161, %mul3A_162 : vector<128x1xf32>
    %add3A_164 = arith.constant 9.99999996E-13 : f32
    %add3A_165 = vector.broadcast %add3A_164 : f32 to vector<128x1xf32>
    %add3A_166 = arith.addf %add3A_163, %add3A_165 : vector<128x1xf32>
    %sqrt3A_167 = math.sqrt %add3A_166 : vector<128x1xf32>
    %jit3A_168 = arith.constant 3.000000e+38 : f32
    %broadcast_in_dim3A_169 = vector.broadcast %jit3A_168 : f32 to vector<128x1xf32>
    %select_n3A_170 = arith.select %and3A_146, %sqrt3A_167, %broadcast_in_dim3A_169 : vector<128x1xi1>, vector<128x1xf32>
    %mul3A_171 = arith.constant 6.400000e+01 : f32
    %mul3A_172 = vector.broadcast %mul3A_171 : f32 to vector<128x1xf32>
    %mul3A_173 = arith.mulf %add3A_131, %mul3A_172 : vector<128x1xf32>
    %add3A_174 = arith.addf %mul3A_173, %add3A_128 : vector<128x1xf32>
    %jit3A_175 = arith.constant 1.000000e+09 : f32
    %broadcast_in_dim3A_176 = vector.broadcast %jit3A_175 : f32 to vector<128x1xf32>
    %select_n3A_177 = arith.select %and3A_146, %add3A_174, %broadcast_in_dim3A_176 : vector<128x1xi1>, vector<128x1xf32>
    %add3A_178 = arith.constant 2.000000e+00 : f32
    %add3A_179 = vector.broadcast %add3A_178 : f32 to vector<128x1xf32>
    %add3A_180 = arith.addf %floor3A, %add3A_179 : vector<128x1xf32>
    %add3A_181 = arith.constant -1.000000e+00 : f32
    %add3A_182 = vector.broadcast %add3A_181 : f32 to vector<128x1xf32>
    %add3A_183 = arith.addf %floor3A_28, %add3A_182 : vector<128x1xf32>
    %ge3A_184 = arith.constant 0.000000e+00 : f32
    %ge3A_185 = vector.broadcast %ge3A_184 : f32 to vector<128x1xf32>
    %ge3A_186 = arith.cmpf oge, %add3A_180, %ge3A_185 : vector<128x1xf32>
    %le3A_187 = arith.constant 6.300000e+01 : f32
    %le3A_188 = vector.broadcast %le3A_187 : f32 to vector<128x1xf32>
    %le3A_189 = arith.cmpf ole, %add3A_180, %le3A_188 : vector<128x1xf32>
    %and3A_190 = arith.andi %ge3A_186, %le3A_189 : vector<128x1xi1>
    %ge3A_191 = arith.constant 0.000000e+00 : f32
    %ge3A_192 = vector.broadcast %ge3A_191 : f32 to vector<128x1xf32>
    %ge3A_193 = arith.cmpf oge, %add3A_183, %ge3A_192 : vector<128x1xf32>
    %and3A_194 = arith.andi %and3A_190, %ge3A_193 : vector<128x1xi1>
    %le3A_195 = arith.constant 6.300000e+01 : f32
    %le3A_196 = vector.broadcast %le3A_195 : f32 to vector<128x1xf32>
    %le3A_197 = arith.cmpf ole, %add3A_183, %le3A_196 : vector<128x1xf32>
    %and3A_198 = arith.andi %and3A_194, %le3A_197 : vector<128x1xi1>
    %add3A_199 = arith.constant 5.000000e-01 : f32
    %add3A_200 = vector.broadcast %add3A_199 : f32 to vector<128x1xf32>
    %add3A_201 = arith.addf %add3A_180, %add3A_200 : vector<128x1xf32>
    %mul3A_202 = arith.constant 8.000000e+00 : f32
    %mul3A_203 = vector.broadcast %mul3A_202 : f32 to vector<128x1xf32>
    %mul3A_204 = arith.mulf %add3A_201, %mul3A_203 : vector<128x1xf32>
    %add3A_205 = arith.constant 5.000000e-01 : f32
    %add3A_206 = vector.broadcast %add3A_205 : f32 to vector<128x1xf32>
    %add3A_207 = arith.addf %add3A_183, %add3A_206 : vector<128x1xf32>
    %mul3A_208 = arith.constant 8.000000e+00 : f32
    %mul3A_209 = vector.broadcast %mul3A_208 : f32 to vector<128x1xf32>
    %mul3A_210 = arith.mulf %add3A_207, %mul3A_209 : vector<128x1xf32>
    %sub3A_211 = arith.subf %get3A_3, %mul3A_204 : vector<128x1xf32>
    %sub3A_212 = arith.subf %get3A_8, %mul3A_210 : vector<128x1xf32>
    %mul3A_213 = arith.mulf %sub3A_211, %sub3A_211 : vector<128x1xf32>
    %mul3A_214 = arith.mulf %sub3A_212, %sub3A_212 : vector<128x1xf32>
    %add3A_215 = arith.addf %mul3A_213, %mul3A_214 : vector<128x1xf32>
    %add3A_216 = arith.constant 9.99999996E-13 : f32
    %add3A_217 = vector.broadcast %add3A_216 : f32 to vector<128x1xf32>
    %add3A_218 = arith.addf %add3A_215, %add3A_217 : vector<128x1xf32>
    %sqrt3A_219 = math.sqrt %add3A_218 : vector<128x1xf32>
    %jit3A_220 = arith.constant 3.000000e+38 : f32
    %broadcast_in_dim3A_221 = vector.broadcast %jit3A_220 : f32 to vector<128x1xf32>
    %select_n3A_222 = arith.select %and3A_198, %sqrt3A_219, %broadcast_in_dim3A_221 : vector<128x1xi1>, vector<128x1xf32>
    %mul3A_223 = arith.constant 6.400000e+01 : f32
    %mul3A_224 = vector.broadcast %mul3A_223 : f32 to vector<128x1xf32>
    %mul3A_225 = arith.mulf %add3A_183, %mul3A_224 : vector<128x1xf32>
    %add3A_226 = arith.addf %mul3A_225, %add3A_180 : vector<128x1xf32>
    %jit3A_227 = arith.constant 1.000000e+09 : f32
    %broadcast_in_dim3A_228 = vector.broadcast %jit3A_227 : f32 to vector<128x1xf32>
    %select_n3A_229 = arith.select %and3A_198, %add3A_226, %broadcast_in_dim3A_228 : vector<128x1xi1>, vector<128x1xf32>
    %add3A_230 = arith.constant -1.000000e+00 : f32
    %add3A_231 = vector.broadcast %add3A_230 : f32 to vector<128x1xf32>
    %add3A_232 = arith.addf %floor3A, %add3A_231 : vector<128x1xf32>
    %add3A_233 = arith.constant 0.000000e+00 : f32
    %add3A_234 = vector.broadcast %add3A_233 : f32 to vector<128x1xf32>
    %add3A_235 = arith.addf %floor3A_28, %add3A_234 : vector<128x1xf32>
    %ge3A_236 = arith.constant 0.000000e+00 : f32
    %ge3A_237 = vector.broadcast %ge3A_236 : f32 to vector<128x1xf32>
    %ge3A_238 = arith.cmpf oge, %add3A_232, %ge3A_237 : vector<128x1xf32>
    %le3A_239 = arith.constant 6.300000e+01 : f32
    %le3A_240 = vector.broadcast %le3A_239 : f32 to vector<128x1xf32>
    %le3A_241 = arith.cmpf ole, %add3A_232, %le3A_240 : vector<128x1xf32>
    %and3A_242 = arith.andi %ge3A_238, %le3A_241 : vector<128x1xi1>
    %ge3A_243 = arith.constant 0.000000e+00 : f32
    %ge3A_244 = vector.broadcast %ge3A_243 : f32 to vector<128x1xf32>
    %ge3A_245 = arith.cmpf oge, %add3A_235, %ge3A_244 : vector<128x1xf32>
    %and3A_246 = arith.andi %and3A_242, %ge3A_245 : vector<128x1xi1>
    %le3A_247 = arith.constant 6.300000e+01 : f32
    %le3A_248 = vector.broadcast %le3A_247 : f32 to vector<128x1xf32>
    %le3A_249 = arith.cmpf ole, %add3A_235, %le3A_248 : vector<128x1xf32>
    %and3A_250 = arith.andi %and3A_246, %le3A_249 : vector<128x1xi1>
    %add3A_251 = arith.constant 5.000000e-01 : f32
    %add3A_252 = vector.broadcast %add3A_251 : f32 to vector<128x1xf32>
    %add3A_253 = arith.addf %add3A_232, %add3A_252 : vector<128x1xf32>
    %mul3A_254 = arith.constant 8.000000e+00 : f32
    %mul3A_255 = vector.broadcast %mul3A_254 : f32 to vector<128x1xf32>
    %mul3A_256 = arith.mulf %add3A_253, %mul3A_255 : vector<128x1xf32>
    %add3A_257 = arith.constant 5.000000e-01 : f32
    %add3A_258 = vector.broadcast %add3A_257 : f32 to vector<128x1xf32>
    %add3A_259 = arith.addf %add3A_235, %add3A_258 : vector<128x1xf32>
    %mul3A_260 = arith.constant 8.000000e+00 : f32
    %mul3A_261 = vector.broadcast %mul3A_260 : f32 to vector<128x1xf32>
    %mul3A_262 = arith.mulf %add3A_259, %mul3A_261 : vector<128x1xf32>
    %sub3A_263 = arith.subf %get3A_3, %mul3A_256 : vector<128x1xf32>
    %sub3A_264 = arith.subf %get3A_8, %mul3A_262 : vector<128x1xf32>
    %mul3A_265 = arith.mulf %sub3A_263, %sub3A_263 : vector<128x1xf32>
    %mul3A_266 = arith.mulf %sub3A_264, %sub3A_264 : vector<128x1xf32>
    %add3A_267 = arith.addf %mul3A_265, %mul3A_266 : vector<128x1xf32>
    %add3A_268 = arith.constant 9.99999996E-13 : f32
    %add3A_269 = vector.broadcast %add3A_268 : f32 to vector<128x1xf32>
    %add3A_270 = arith.addf %add3A_267, %add3A_269 : vector<128x1xf32>
    %sqrt3A_271 = math.sqrt %add3A_270 : vector<128x1xf32>
    %jit3A_272 = arith.constant 3.000000e+38 : f32
    %broadcast_in_dim3A_273 = vector.broadcast %jit3A_272 : f32 to vector<128x1xf32>
    %select_n3A_274 = arith.select %and3A_250, %sqrt3A_271, %broadcast_in_dim3A_273 : vector<128x1xi1>, vector<128x1xf32>
    %mul3A_275 = arith.constant 6.400000e+01 : f32
    %mul3A_276 = vector.broadcast %mul3A_275 : f32 to vector<128x1xf32>
    %mul3A_277 = arith.mulf %add3A_235, %mul3A_276 : vector<128x1xf32>
    %add3A_278 = arith.addf %mul3A_277, %add3A_232 : vector<128x1xf32>
    %jit3A_279 = arith.constant 1.000000e+09 : f32
    %broadcast_in_dim3A_280 = vector.broadcast %jit3A_279 : f32 to vector<128x1xf32>
    %select_n3A_281 = arith.select %and3A_250, %add3A_278, %broadcast_in_dim3A_280 : vector<128x1xi1>, vector<128x1xf32>
    %add3A_282 = arith.constant 0.000000e+00 : f32
    %add3A_283 = vector.broadcast %add3A_282 : f32 to vector<128x1xf32>
    %add3A_284 = arith.addf %floor3A, %add3A_283 : vector<128x1xf32>
    %add3A_285 = arith.constant 0.000000e+00 : f32
    %add3A_286 = vector.broadcast %add3A_285 : f32 to vector<128x1xf32>
    %add3A_287 = arith.addf %floor3A_28, %add3A_286 : vector<128x1xf32>
    %ge3A_288 = arith.constant 0.000000e+00 : f32
    %ge3A_289 = vector.broadcast %ge3A_288 : f32 to vector<128x1xf32>
    %ge3A_290 = arith.cmpf oge, %add3A_284, %ge3A_289 : vector<128x1xf32>
    %le3A_291 = arith.constant 6.300000e+01 : f32
    %le3A_292 = vector.broadcast %le3A_291 : f32 to vector<128x1xf32>
    %le3A_293 = arith.cmpf ole, %add3A_284, %le3A_292 : vector<128x1xf32>
    %and3A_294 = arith.andi %ge3A_290, %le3A_293 : vector<128x1xi1>
    %ge3A_295 = arith.constant 0.000000e+00 : f32
    %ge3A_296 = vector.broadcast %ge3A_295 : f32 to vector<128x1xf32>
    %ge3A_297 = arith.cmpf oge, %add3A_287, %ge3A_296 : vector<128x1xf32>
    %and3A_298 = arith.andi %and3A_294, %ge3A_297 : vector<128x1xi1>
    %le3A_299 = arith.constant 6.300000e+01 : f32
    %le3A_300 = vector.broadcast %le3A_299 : f32 to vector<128x1xf32>
    %le3A_301 = arith.cmpf ole, %add3A_287, %le3A_300 : vector<128x1xf32>
    %and3A_302 = arith.andi %and3A_298, %le3A_301 : vector<128x1xi1>
    %add3A_303 = arith.constant 5.000000e-01 : f32
    %add3A_304 = vector.broadcast %add3A_303 : f32 to vector<128x1xf32>
    %add3A_305 = arith.addf %add3A_284, %add3A_304 : vector<128x1xf32>
    %mul3A_306 = arith.constant 8.000000e+00 : f32
    %mul3A_307 = vector.broadcast %mul3A_306 : f32 to vector<128x1xf32>
    %mul3A_308 = arith.mulf %add3A_305, %mul3A_307 : vector<128x1xf32>
    %add3A_309 = arith.constant 5.000000e-01 : f32
    %add3A_310 = vector.broadcast %add3A_309 : f32 to vector<128x1xf32>
    %add3A_311 = arith.addf %add3A_287, %add3A_310 : vector<128x1xf32>
    %mul3A_312 = arith.constant 8.000000e+00 : f32
    %mul3A_313 = vector.broadcast %mul3A_312 : f32 to vector<128x1xf32>
    %mul3A_314 = arith.mulf %add3A_311, %mul3A_313 : vector<128x1xf32>
    %sub3A_315 = arith.subf %get3A_3, %mul3A_308 : vector<128x1xf32>
    %sub3A_316 = arith.subf %get3A_8, %mul3A_314 : vector<128x1xf32>
    %mul3A_317 = arith.mulf %sub3A_315, %sub3A_315 : vector<128x1xf32>
    %mul3A_318 = arith.mulf %sub3A_316, %sub3A_316 : vector<128x1xf32>
    %add3A_319 = arith.addf %mul3A_317, %mul3A_318 : vector<128x1xf32>
    %add3A_320 = arith.constant 9.99999996E-13 : f32
    %add3A_321 = vector.broadcast %add3A_320 : f32 to vector<128x1xf32>
    %add3A_322 = arith.addf %add3A_319, %add3A_321 : vector<128x1xf32>
    %sqrt3A_323 = math.sqrt %add3A_322 : vector<128x1xf32>
    %jit3A_324 = arith.constant 3.000000e+38 : f32
    %broadcast_in_dim3A_325 = vector.broadcast %jit3A_324 : f32 to vector<128x1xf32>
    %select_n3A_326 = arith.select %and3A_302, %sqrt3A_323, %broadcast_in_dim3A_325 : vector<128x1xi1>, vector<128x1xf32>
    %mul3A_327 = arith.constant 6.400000e+01 : f32
    %mul3A_328 = vector.broadcast %mul3A_327 : f32 to vector<128x1xf32>
    %mul3A_329 = arith.mulf %add3A_287, %mul3A_328 : vector<128x1xf32>
    %add3A_330 = arith.addf %mul3A_329, %add3A_284 : vector<128x1xf32>
    %jit3A_331 = arith.constant 1.000000e+09 : f32
    %broadcast_in_dim3A_332 = vector.broadcast %jit3A_331 : f32 to vector<128x1xf32>
    %select_n3A_333 = arith.select %and3A_302, %add3A_330, %broadcast_in_dim3A_332 : vector<128x1xi1>, vector<128x1xf32>
    %add3A_334 = arith.constant 1.000000e+00 : f32
    %add3A_335 = vector.broadcast %add3A_334 : f32 to vector<128x1xf32>
    %add3A_336 = arith.addf %floor3A, %add3A_335 : vector<128x1xf32>
    %add3A_337 = arith.constant 0.000000e+00 : f32
    %add3A_338 = vector.broadcast %add3A_337 : f32 to vector<128x1xf32>
    %add3A_339 = arith.addf %floor3A_28, %add3A_338 : vector<128x1xf32>
    %ge3A_340 = arith.constant 0.000000e+00 : f32
    %ge3A_341 = vector.broadcast %ge3A_340 : f32 to vector<128x1xf32>
    %ge3A_342 = arith.cmpf oge, %add3A_336, %ge3A_341 : vector<128x1xf32>
    %le3A_343 = arith.constant 6.300000e+01 : f32
    %le3A_344 = vector.broadcast %le3A_343 : f32 to vector<128x1xf32>
    %le3A_345 = arith.cmpf ole, %add3A_336, %le3A_344 : vector<128x1xf32>
    %and3A_346 = arith.andi %ge3A_342, %le3A_345 : vector<128x1xi1>
    %ge3A_347 = arith.constant 0.000000e+00 : f32
    %ge3A_348 = vector.broadcast %ge3A_347 : f32 to vector<128x1xf32>
    %ge3A_349 = arith.cmpf oge, %add3A_339, %ge3A_348 : vector<128x1xf32>
    %and3A_350 = arith.andi %and3A_346, %ge3A_349 : vector<128x1xi1>
    %le3A_351 = arith.constant 6.300000e+01 : f32
    %le3A_352 = vector.broadcast %le3A_351 : f32 to vector<128x1xf32>
    %le3A_353 = arith.cmpf ole, %add3A_339, %le3A_352 : vector<128x1xf32>
    %and3A_354 = arith.andi %and3A_350, %le3A_353 : vector<128x1xi1>
    %add3A_355 = arith.constant 5.000000e-01 : f32
    %add3A_356 = vector.broadcast %add3A_355 : f32 to vector<128x1xf32>
    %add3A_357 = arith.addf %add3A_336, %add3A_356 : vector<128x1xf32>
    %mul3A_358 = arith.constant 8.000000e+00 : f32
    %mul3A_359 = vector.broadcast %mul3A_358 : f32 to vector<128x1xf32>
    %mul3A_360 = arith.mulf %add3A_357, %mul3A_359 : vector<128x1xf32>
    %add3A_361 = arith.constant 5.000000e-01 : f32
    %add3A_362 = vector.broadcast %add3A_361 : f32 to vector<128x1xf32>
    %add3A_363 = arith.addf %add3A_339, %add3A_362 : vector<128x1xf32>
    %mul3A_364 = arith.constant 8.000000e+00 : f32
    %mul3A_365 = vector.broadcast %mul3A_364 : f32 to vector<128x1xf32>
    %mul3A_366 = arith.mulf %add3A_363, %mul3A_365 : vector<128x1xf32>
    %sub3A_367 = arith.subf %get3A_3, %mul3A_360 : vector<128x1xf32>
    %sub3A_368 = arith.subf %get3A_8, %mul3A_366 : vector<128x1xf32>
    %mul3A_369 = arith.mulf %sub3A_367, %sub3A_367 : vector<128x1xf32>
    %mul3A_370 = arith.mulf %sub3A_368, %sub3A_368 : vector<128x1xf32>
    %add3A_371 = arith.addf %mul3A_369, %mul3A_370 : vector<128x1xf32>
    %add3A_372 = arith.constant 9.99999996E-13 : f32
    %add3A_373 = vector.broadcast %add3A_372 : f32 to vector<128x1xf32>
    %add3A_374 = arith.addf %add3A_371, %add3A_373 : vector<128x1xf32>
    %sqrt3A_375 = math.sqrt %add3A_374 : vector<128x1xf32>
    %jit3A_376 = arith.constant 3.000000e+38 : f32
    %broadcast_in_dim3A_377 = vector.broadcast %jit3A_376 : f32 to vector<128x1xf32>
    %select_n3A_378 = arith.select %and3A_354, %sqrt3A_375, %broadcast_in_dim3A_377 : vector<128x1xi1>, vector<128x1xf32>
    %mul3A_379 = arith.constant 6.400000e+01 : f32
    %mul3A_380 = vector.broadcast %mul3A_379 : f32 to vector<128x1xf32>
    %mul3A_381 = arith.mulf %add3A_339, %mul3A_380 : vector<128x1xf32>
    %add3A_382 = arith.addf %mul3A_381, %add3A_336 : vector<128x1xf32>
    %jit3A_383 = arith.constant 1.000000e+09 : f32
    %broadcast_in_dim3A_384 = vector.broadcast %jit3A_383 : f32 to vector<128x1xf32>
    %select_n3A_385 = arith.select %and3A_354, %add3A_382, %broadcast_in_dim3A_384 : vector<128x1xi1>, vector<128x1xf32>
    %add3A_386 = arith.constant 2.000000e+00 : f32
    %add3A_387 = vector.broadcast %add3A_386 : f32 to vector<128x1xf32>
    %add3A_388 = arith.addf %floor3A, %add3A_387 : vector<128x1xf32>
    %add3A_389 = arith.constant 0.000000e+00 : f32
    %add3A_390 = vector.broadcast %add3A_389 : f32 to vector<128x1xf32>
    %add3A_391 = arith.addf %floor3A_28, %add3A_390 : vector<128x1xf32>
    %ge3A_392 = arith.constant 0.000000e+00 : f32
    %ge3A_393 = vector.broadcast %ge3A_392 : f32 to vector<128x1xf32>
    %ge3A_394 = arith.cmpf oge, %add3A_388, %ge3A_393 : vector<128x1xf32>
    %le3A_395 = arith.constant 6.300000e+01 : f32
    %le3A_396 = vector.broadcast %le3A_395 : f32 to vector<128x1xf32>
    %le3A_397 = arith.cmpf ole, %add3A_388, %le3A_396 : vector<128x1xf32>
    %and3A_398 = arith.andi %ge3A_394, %le3A_397 : vector<128x1xi1>
    %ge3A_399 = arith.constant 0.000000e+00 : f32
    %ge3A_400 = vector.broadcast %ge3A_399 : f32 to vector<128x1xf32>
    %ge3A_401 = arith.cmpf oge, %add3A_391, %ge3A_400 : vector<128x1xf32>
    %and3A_402 = arith.andi %and3A_398, %ge3A_401 : vector<128x1xi1>
    %le3A_403 = arith.constant 6.300000e+01 : f32
    %le3A_404 = vector.broadcast %le3A_403 : f32 to vector<128x1xf32>
    %le3A_405 = arith.cmpf ole, %add3A_391, %le3A_404 : vector<128x1xf32>
    %and3A_406 = arith.andi %and3A_402, %le3A_405 : vector<128x1xi1>
    %add3A_407 = arith.constant 5.000000e-01 : f32
    %add3A_408 = vector.broadcast %add3A_407 : f32 to vector<128x1xf32>
    %add3A_409 = arith.addf %add3A_388, %add3A_408 : vector<128x1xf32>
    %mul3A_410 = arith.constant 8.000000e+00 : f32
    %mul3A_411 = vector.broadcast %mul3A_410 : f32 to vector<128x1xf32>
    %mul3A_412 = arith.mulf %add3A_409, %mul3A_411 : vector<128x1xf32>
    %add3A_413 = arith.constant 5.000000e-01 : f32
    %add3A_414 = vector.broadcast %add3A_413 : f32 to vector<128x1xf32>
    %add3A_415 = arith.addf %add3A_391, %add3A_414 : vector<128x1xf32>
    %mul3A_416 = arith.constant 8.000000e+00 : f32
    %mul3A_417 = vector.broadcast %mul3A_416 : f32 to vector<128x1xf32>
    %mul3A_418 = arith.mulf %add3A_415, %mul3A_417 : vector<128x1xf32>
    %sub3A_419 = arith.subf %get3A_3, %mul3A_412 : vector<128x1xf32>
    %sub3A_420 = arith.subf %get3A_8, %mul3A_418 : vector<128x1xf32>
    %mul3A_421 = arith.mulf %sub3A_419, %sub3A_419 : vector<128x1xf32>
    %mul3A_422 = arith.mulf %sub3A_420, %sub3A_420 : vector<128x1xf32>
    %add3A_423 = arith.addf %mul3A_421, %mul3A_422 : vector<128x1xf32>
    %add3A_424 = arith.constant 9.99999996E-13 : f32
    %add3A_425 = vector.broadcast %add3A_424 : f32 to vector<128x1xf32>
    %add3A_426 = arith.addf %add3A_423, %add3A_425 : vector<128x1xf32>
    %sqrt3A_427 = math.sqrt %add3A_426 : vector<128x1xf32>
    %jit3A_428 = arith.constant 3.000000e+38 : f32
    %broadcast_in_dim3A_429 = vector.broadcast %jit3A_428 : f32 to vector<128x1xf32>
    %select_n3A_430 = arith.select %and3A_406, %sqrt3A_427, %broadcast_in_dim3A_429 : vector<128x1xi1>, vector<128x1xf32>
    %mul3A_431 = arith.constant 6.400000e+01 : f32
    %mul3A_432 = vector.broadcast %mul3A_431 : f32 to vector<128x1xf32>
    %mul3A_433 = arith.mulf %add3A_391, %mul3A_432 : vector<128x1xf32>
    %add3A_434 = arith.addf %mul3A_433, %add3A_388 : vector<128x1xf32>
    %jit3A_435 = arith.constant 1.000000e+09 : f32
    %broadcast_in_dim3A_436 = vector.broadcast %jit3A_435 : f32 to vector<128x1xf32>
    %select_n3A_437 = arith.select %and3A_406, %add3A_434, %broadcast_in_dim3A_436 : vector<128x1xi1>, vector<128x1xf32>
    %add3A_438 = arith.constant -1.000000e+00 : f32
    %add3A_439 = vector.broadcast %add3A_438 : f32 to vector<128x1xf32>
    %add3A_440 = arith.addf %floor3A, %add3A_439 : vector<128x1xf32>
    %add3A_441 = arith.constant 1.000000e+00 : f32
    %add3A_442 = vector.broadcast %add3A_441 : f32 to vector<128x1xf32>
    %add3A_443 = arith.addf %floor3A_28, %add3A_442 : vector<128x1xf32>
    %ge3A_444 = arith.constant 0.000000e+00 : f32
    %ge3A_445 = vector.broadcast %ge3A_444 : f32 to vector<128x1xf32>
    %ge3A_446 = arith.cmpf oge, %add3A_440, %ge3A_445 : vector<128x1xf32>
    %le3A_447 = arith.constant 6.300000e+01 : f32
    %le3A_448 = vector.broadcast %le3A_447 : f32 to vector<128x1xf32>
    %le3A_449 = arith.cmpf ole, %add3A_440, %le3A_448 : vector<128x1xf32>
    %and3A_450 = arith.andi %ge3A_446, %le3A_449 : vector<128x1xi1>
    %ge3A_451 = arith.constant 0.000000e+00 : f32
    %ge3A_452 = vector.broadcast %ge3A_451 : f32 to vector<128x1xf32>
    %ge3A_453 = arith.cmpf oge, %add3A_443, %ge3A_452 : vector<128x1xf32>
    %and3A_454 = arith.andi %and3A_450, %ge3A_453 : vector<128x1xi1>
    %le3A_455 = arith.constant 6.300000e+01 : f32
    %le3A_456 = vector.broadcast %le3A_455 : f32 to vector<128x1xf32>
    %le3A_457 = arith.cmpf ole, %add3A_443, %le3A_456 : vector<128x1xf32>
    %and3A_458 = arith.andi %and3A_454, %le3A_457 : vector<128x1xi1>
    %add3A_459 = arith.constant 5.000000e-01 : f32
    %add3A_460 = vector.broadcast %add3A_459 : f32 to vector<128x1xf32>
    %add3A_461 = arith.addf %add3A_440, %add3A_460 : vector<128x1xf32>
    %mul3A_462 = arith.constant 8.000000e+00 : f32
    %mul3A_463 = vector.broadcast %mul3A_462 : f32 to vector<128x1xf32>
    %mul3A_464 = arith.mulf %add3A_461, %mul3A_463 : vector<128x1xf32>
    %add3A_465 = arith.constant 5.000000e-01 : f32
    %add3A_466 = vector.broadcast %add3A_465 : f32 to vector<128x1xf32>
    %add3A_467 = arith.addf %add3A_443, %add3A_466 : vector<128x1xf32>
    %mul3A_468 = arith.constant 8.000000e+00 : f32
    %mul3A_469 = vector.broadcast %mul3A_468 : f32 to vector<128x1xf32>
    %mul3A_470 = arith.mulf %add3A_467, %mul3A_469 : vector<128x1xf32>
    %sub3A_471 = arith.subf %get3A_3, %mul3A_464 : vector<128x1xf32>
    %sub3A_472 = arith.subf %get3A_8, %mul3A_470 : vector<128x1xf32>
    %mul3A_473 = arith.mulf %sub3A_471, %sub3A_471 : vector<128x1xf32>
    %mul3A_474 = arith.mulf %sub3A_472, %sub3A_472 : vector<128x1xf32>
    %add3A_475 = arith.addf %mul3A_473, %mul3A_474 : vector<128x1xf32>
    %add3A_476 = arith.constant 9.99999996E-13 : f32
    %add3A_477 = vector.broadcast %add3A_476 : f32 to vector<128x1xf32>
    %add3A_478 = arith.addf %add3A_475, %add3A_477 : vector<128x1xf32>
    %sqrt3A_479 = math.sqrt %add3A_478 : vector<128x1xf32>
    %jit3A_480 = arith.constant 3.000000e+38 : f32
    %broadcast_in_dim3A_481 = vector.broadcast %jit3A_480 : f32 to vector<128x1xf32>
    %select_n3A_482 = arith.select %and3A_458, %sqrt3A_479, %broadcast_in_dim3A_481 : vector<128x1xi1>, vector<128x1xf32>
    %mul3A_483 = arith.constant 6.400000e+01 : f32
    %mul3A_484 = vector.broadcast %mul3A_483 : f32 to vector<128x1xf32>
    %mul3A_485 = arith.mulf %add3A_443, %mul3A_484 : vector<128x1xf32>
    %add3A_486 = arith.addf %mul3A_485, %add3A_440 : vector<128x1xf32>
    %jit3A_487 = arith.constant 1.000000e+09 : f32
    %broadcast_in_dim3A_488 = vector.broadcast %jit3A_487 : f32 to vector<128x1xf32>
    %select_n3A_489 = arith.select %and3A_458, %add3A_486, %broadcast_in_dim3A_488 : vector<128x1xi1>, vector<128x1xf32>
    %add3A_490 = arith.constant 0.000000e+00 : f32
    %add3A_491 = vector.broadcast %add3A_490 : f32 to vector<128x1xf32>
    %add3A_492 = arith.addf %floor3A, %add3A_491 : vector<128x1xf32>
    %add3A_493 = arith.constant 1.000000e+00 : f32
    %add3A_494 = vector.broadcast %add3A_493 : f32 to vector<128x1xf32>
    %add3A_495 = arith.addf %floor3A_28, %add3A_494 : vector<128x1xf32>
    %ge3A_496 = arith.constant 0.000000e+00 : f32
    %ge3A_497 = vector.broadcast %ge3A_496 : f32 to vector<128x1xf32>
    %ge3A_498 = arith.cmpf oge, %add3A_492, %ge3A_497 : vector<128x1xf32>
    %le3A_499 = arith.constant 6.300000e+01 : f32
    %le3A_500 = vector.broadcast %le3A_499 : f32 to vector<128x1xf32>
    %le3A_501 = arith.cmpf ole, %add3A_492, %le3A_500 : vector<128x1xf32>
    %and3A_502 = arith.andi %ge3A_498, %le3A_501 : vector<128x1xi1>
    %ge3A_503 = arith.constant 0.000000e+00 : f32
    %ge3A_504 = vector.broadcast %ge3A_503 : f32 to vector<128x1xf32>
    %ge3A_505 = arith.cmpf oge, %add3A_495, %ge3A_504 : vector<128x1xf32>
    %and3A_506 = arith.andi %and3A_502, %ge3A_505 : vector<128x1xi1>
    %le3A_507 = arith.constant 6.300000e+01 : f32
    %le3A_508 = vector.broadcast %le3A_507 : f32 to vector<128x1xf32>
    %le3A_509 = arith.cmpf ole, %add3A_495, %le3A_508 : vector<128x1xf32>
    %and3A_510 = arith.andi %and3A_506, %le3A_509 : vector<128x1xi1>
    %add3A_511 = arith.constant 5.000000e-01 : f32
    %add3A_512 = vector.broadcast %add3A_511 : f32 to vector<128x1xf32>
    %add3A_513 = arith.addf %add3A_492, %add3A_512 : vector<128x1xf32>
    %mul3A_514 = arith.constant 8.000000e+00 : f32
    %mul3A_515 = vector.broadcast %mul3A_514 : f32 to vector<128x1xf32>
    %mul3A_516 = arith.mulf %add3A_513, %mul3A_515 : vector<128x1xf32>
    %add3A_517 = arith.constant 5.000000e-01 : f32
    %add3A_518 = vector.broadcast %add3A_517 : f32 to vector<128x1xf32>
    %add3A_519 = arith.addf %add3A_495, %add3A_518 : vector<128x1xf32>
    %mul3A_520 = arith.constant 8.000000e+00 : f32
    %mul3A_521 = vector.broadcast %mul3A_520 : f32 to vector<128x1xf32>
    %mul3A_522 = arith.mulf %add3A_519, %mul3A_521 : vector<128x1xf32>
    %sub3A_523 = arith.subf %get3A_3, %mul3A_516 : vector<128x1xf32>
    %sub3A_524 = arith.subf %get3A_8, %mul3A_522 : vector<128x1xf32>
    %mul3A_525 = arith.mulf %sub3A_523, %sub3A_523 : vector<128x1xf32>
    %mul3A_526 = arith.mulf %sub3A_524, %sub3A_524 : vector<128x1xf32>
    %add3A_527 = arith.addf %mul3A_525, %mul3A_526 : vector<128x1xf32>
    %add3A_528 = arith.constant 9.99999996E-13 : f32
    %add3A_529 = vector.broadcast %add3A_528 : f32 to vector<128x1xf32>
    %add3A_530 = arith.addf %add3A_527, %add3A_529 : vector<128x1xf32>
    %sqrt3A_531 = math.sqrt %add3A_530 : vector<128x1xf32>
    %jit3A_532 = arith.constant 3.000000e+38 : f32
    %broadcast_in_dim3A_533 = vector.broadcast %jit3A_532 : f32 to vector<128x1xf32>
    %select_n3A_534 = arith.select %and3A_510, %sqrt3A_531, %broadcast_in_dim3A_533 : vector<128x1xi1>, vector<128x1xf32>
    %mul3A_535 = arith.constant 6.400000e+01 : f32
    %mul3A_536 = vector.broadcast %mul3A_535 : f32 to vector<128x1xf32>
    %mul3A_537 = arith.mulf %add3A_495, %mul3A_536 : vector<128x1xf32>
    %add3A_538 = arith.addf %mul3A_537, %add3A_492 : vector<128x1xf32>
    %jit3A_539 = arith.constant 1.000000e+09 : f32
    %broadcast_in_dim3A_540 = vector.broadcast %jit3A_539 : f32 to vector<128x1xf32>
    %select_n3A_541 = arith.select %and3A_510, %add3A_538, %broadcast_in_dim3A_540 : vector<128x1xi1>, vector<128x1xf32>
    %add3A_542 = arith.constant 1.000000e+00 : f32
    %add3A_543 = vector.broadcast %add3A_542 : f32 to vector<128x1xf32>
    %add3A_544 = arith.addf %floor3A, %add3A_543 : vector<128x1xf32>
    %add3A_545 = arith.constant 1.000000e+00 : f32
    %add3A_546 = vector.broadcast %add3A_545 : f32 to vector<128x1xf32>
    %add3A_547 = arith.addf %floor3A_28, %add3A_546 : vector<128x1xf32>
    %ge3A_548 = arith.constant 0.000000e+00 : f32
    %ge3A_549 = vector.broadcast %ge3A_548 : f32 to vector<128x1xf32>
    %ge3A_550 = arith.cmpf oge, %add3A_544, %ge3A_549 : vector<128x1xf32>
    %le3A_551 = arith.constant 6.300000e+01 : f32
    %le3A_552 = vector.broadcast %le3A_551 : f32 to vector<128x1xf32>
    %le3A_553 = arith.cmpf ole, %add3A_544, %le3A_552 : vector<128x1xf32>
    %and3A_554 = arith.andi %ge3A_550, %le3A_553 : vector<128x1xi1>
    %ge3A_555 = arith.constant 0.000000e+00 : f32
    %ge3A_556 = vector.broadcast %ge3A_555 : f32 to vector<128x1xf32>
    %ge3A_557 = arith.cmpf oge, %add3A_547, %ge3A_556 : vector<128x1xf32>
    %and3A_558 = arith.andi %and3A_554, %ge3A_557 : vector<128x1xi1>
    %le3A_559 = arith.constant 6.300000e+01 : f32
    %le3A_560 = vector.broadcast %le3A_559 : f32 to vector<128x1xf32>
    %le3A_561 = arith.cmpf ole, %add3A_547, %le3A_560 : vector<128x1xf32>
    %and3A_562 = arith.andi %and3A_558, %le3A_561 : vector<128x1xi1>
    %add3A_563 = arith.constant 5.000000e-01 : f32
    %add3A_564 = vector.broadcast %add3A_563 : f32 to vector<128x1xf32>
    %add3A_565 = arith.addf %add3A_544, %add3A_564 : vector<128x1xf32>
    %mul3A_566 = arith.constant 8.000000e+00 : f32
    %mul3A_567 = vector.broadcast %mul3A_566 : f32 to vector<128x1xf32>
    %mul3A_568 = arith.mulf %add3A_565, %mul3A_567 : vector<128x1xf32>
    %add3A_569 = arith.constant 5.000000e-01 : f32
    %add3A_570 = vector.broadcast %add3A_569 : f32 to vector<128x1xf32>
    %add3A_571 = arith.addf %add3A_547, %add3A_570 : vector<128x1xf32>
    %mul3A_572 = arith.constant 8.000000e+00 : f32
    %mul3A_573 = vector.broadcast %mul3A_572 : f32 to vector<128x1xf32>
    %mul3A_574 = arith.mulf %add3A_571, %mul3A_573 : vector<128x1xf32>
    %sub3A_575 = arith.subf %get3A_3, %mul3A_568 : vector<128x1xf32>
    %sub3A_576 = arith.subf %get3A_8, %mul3A_574 : vector<128x1xf32>
    %mul3A_577 = arith.mulf %sub3A_575, %sub3A_575 : vector<128x1xf32>
    %mul3A_578 = arith.mulf %sub3A_576, %sub3A_576 : vector<128x1xf32>
    %add3A_579 = arith.addf %mul3A_577, %mul3A_578 : vector<128x1xf32>
    %add3A_580 = arith.constant 9.99999996E-13 : f32
    %add3A_581 = vector.broadcast %add3A_580 : f32 to vector<128x1xf32>
    %add3A_582 = arith.addf %add3A_579, %add3A_581 : vector<128x1xf32>
    %sqrt3A_583 = math.sqrt %add3A_582 : vector<128x1xf32>
    %jit3A_584 = arith.constant 3.000000e+38 : f32
    %broadcast_in_dim3A_585 = vector.broadcast %jit3A_584 : f32 to vector<128x1xf32>
    %select_n3A_586 = arith.select %and3A_562, %sqrt3A_583, %broadcast_in_dim3A_585 : vector<128x1xi1>, vector<128x1xf32>
    %mul3A_587 = arith.constant 6.400000e+01 : f32
    %mul3A_588 = vector.broadcast %mul3A_587 : f32 to vector<128x1xf32>
    %mul3A_589 = arith.mulf %add3A_547, %mul3A_588 : vector<128x1xf32>
    %add3A_590 = arith.addf %mul3A_589, %add3A_544 : vector<128x1xf32>
    %jit3A_591 = arith.constant 1.000000e+09 : f32
    %broadcast_in_dim3A_592 = vector.broadcast %jit3A_591 : f32 to vector<128x1xf32>
    %select_n3A_593 = arith.select %and3A_562, %add3A_590, %broadcast_in_dim3A_592 : vector<128x1xi1>, vector<128x1xf32>
    %add3A_594 = arith.constant 2.000000e+00 : f32
    %add3A_595 = vector.broadcast %add3A_594 : f32 to vector<128x1xf32>
    %add3A_596 = arith.addf %floor3A, %add3A_595 : vector<128x1xf32>
    %add3A_597 = arith.constant 1.000000e+00 : f32
    %add3A_598 = vector.broadcast %add3A_597 : f32 to vector<128x1xf32>
    %add3A_599 = arith.addf %floor3A_28, %add3A_598 : vector<128x1xf32>
    %ge3A_600 = arith.constant 0.000000e+00 : f32
    %ge3A_601 = vector.broadcast %ge3A_600 : f32 to vector<128x1xf32>
    %ge3A_602 = arith.cmpf oge, %add3A_596, %ge3A_601 : vector<128x1xf32>
    %le3A_603 = arith.constant 6.300000e+01 : f32
    %le3A_604 = vector.broadcast %le3A_603 : f32 to vector<128x1xf32>
    %le3A_605 = arith.cmpf ole, %add3A_596, %le3A_604 : vector<128x1xf32>
    %and3A_606 = arith.andi %ge3A_602, %le3A_605 : vector<128x1xi1>
    %ge3A_607 = arith.constant 0.000000e+00 : f32
    %ge3A_608 = vector.broadcast %ge3A_607 : f32 to vector<128x1xf32>
    %ge3A_609 = arith.cmpf oge, %add3A_599, %ge3A_608 : vector<128x1xf32>
    %and3A_610 = arith.andi %and3A_606, %ge3A_609 : vector<128x1xi1>
    %le3A_611 = arith.constant 6.300000e+01 : f32
    %le3A_612 = vector.broadcast %le3A_611 : f32 to vector<128x1xf32>
    %le3A_613 = arith.cmpf ole, %add3A_599, %le3A_612 : vector<128x1xf32>
    %and3A_614 = arith.andi %and3A_610, %le3A_613 : vector<128x1xi1>
    %add3A_615 = arith.constant 5.000000e-01 : f32
    %add3A_616 = vector.broadcast %add3A_615 : f32 to vector<128x1xf32>
    %add3A_617 = arith.addf %add3A_596, %add3A_616 : vector<128x1xf32>
    %mul3A_618 = arith.constant 8.000000e+00 : f32
    %mul3A_619 = vector.broadcast %mul3A_618 : f32 to vector<128x1xf32>
    %mul3A_620 = arith.mulf %add3A_617, %mul3A_619 : vector<128x1xf32>
    %add3A_621 = arith.constant 5.000000e-01 : f32
    %add3A_622 = vector.broadcast %add3A_621 : f32 to vector<128x1xf32>
    %add3A_623 = arith.addf %add3A_599, %add3A_622 : vector<128x1xf32>
    %mul3A_624 = arith.constant 8.000000e+00 : f32
    %mul3A_625 = vector.broadcast %mul3A_624 : f32 to vector<128x1xf32>
    %mul3A_626 = arith.mulf %add3A_623, %mul3A_625 : vector<128x1xf32>
    %sub3A_627 = arith.subf %get3A_3, %mul3A_620 : vector<128x1xf32>
    %sub3A_628 = arith.subf %get3A_8, %mul3A_626 : vector<128x1xf32>
    %mul3A_629 = arith.mulf %sub3A_627, %sub3A_627 : vector<128x1xf32>
    %mul3A_630 = arith.mulf %sub3A_628, %sub3A_628 : vector<128x1xf32>
    %add3A_631 = arith.addf %mul3A_629, %mul3A_630 : vector<128x1xf32>
    %add3A_632 = arith.constant 9.99999996E-13 : f32
    %add3A_633 = vector.broadcast %add3A_632 : f32 to vector<128x1xf32>
    %add3A_634 = arith.addf %add3A_631, %add3A_633 : vector<128x1xf32>
    %sqrt3A_635 = math.sqrt %add3A_634 : vector<128x1xf32>
    %jit3A_636 = arith.constant 3.000000e+38 : f32
    %broadcast_in_dim3A_637 = vector.broadcast %jit3A_636 : f32 to vector<128x1xf32>
    %select_n3A_638 = arith.select %and3A_614, %sqrt3A_635, %broadcast_in_dim3A_637 : vector<128x1xi1>, vector<128x1xf32>
    %mul3A_639 = arith.constant 6.400000e+01 : f32
    %mul3A_640 = vector.broadcast %mul3A_639 : f32 to vector<128x1xf32>
    %mul3A_641 = arith.mulf %add3A_599, %mul3A_640 : vector<128x1xf32>
    %add3A_642 = arith.addf %mul3A_641, %add3A_596 : vector<128x1xf32>
    %jit3A_643 = arith.constant 1.000000e+09 : f32
    %broadcast_in_dim3A_644 = vector.broadcast %jit3A_643 : f32 to vector<128x1xf32>
    %select_n3A_645 = arith.select %and3A_614, %add3A_642, %broadcast_in_dim3A_644 : vector<128x1xi1>, vector<128x1xf32>
    %add3A_646 = arith.constant -1.000000e+00 : f32
    %add3A_647 = vector.broadcast %add3A_646 : f32 to vector<128x1xf32>
    %add3A_648 = arith.addf %floor3A, %add3A_647 : vector<128x1xf32>
    %add3A_649 = arith.constant 2.000000e+00 : f32
    %add3A_650 = vector.broadcast %add3A_649 : f32 to vector<128x1xf32>
    %add3A_651 = arith.addf %floor3A_28, %add3A_650 : vector<128x1xf32>
    %ge3A_652 = arith.constant 0.000000e+00 : f32
    %ge3A_653 = vector.broadcast %ge3A_652 : f32 to vector<128x1xf32>
    %ge3A_654 = arith.cmpf oge, %add3A_648, %ge3A_653 : vector<128x1xf32>
    %le3A_655 = arith.constant 6.300000e+01 : f32
    %le3A_656 = vector.broadcast %le3A_655 : f32 to vector<128x1xf32>
    %le3A_657 = arith.cmpf ole, %add3A_648, %le3A_656 : vector<128x1xf32>
    %and3A_658 = arith.andi %ge3A_654, %le3A_657 : vector<128x1xi1>
    %ge3A_659 = arith.constant 0.000000e+00 : f32
    %ge3A_660 = vector.broadcast %ge3A_659 : f32 to vector<128x1xf32>
    %ge3A_661 = arith.cmpf oge, %add3A_651, %ge3A_660 : vector<128x1xf32>
    %and3A_662 = arith.andi %and3A_658, %ge3A_661 : vector<128x1xi1>
    %le3A_663 = arith.constant 6.300000e+01 : f32
    %le3A_664 = vector.broadcast %le3A_663 : f32 to vector<128x1xf32>
    %le3A_665 = arith.cmpf ole, %add3A_651, %le3A_664 : vector<128x1xf32>
    %and3A_666 = arith.andi %and3A_662, %le3A_665 : vector<128x1xi1>
    %add3A_667 = arith.constant 5.000000e-01 : f32
    %add3A_668 = vector.broadcast %add3A_667 : f32 to vector<128x1xf32>
    %add3A_669 = arith.addf %add3A_648, %add3A_668 : vector<128x1xf32>
    %mul3A_670 = arith.constant 8.000000e+00 : f32
    %mul3A_671 = vector.broadcast %mul3A_670 : f32 to vector<128x1xf32>
    %mul3A_672 = arith.mulf %add3A_669, %mul3A_671 : vector<128x1xf32>
    %add3A_673 = arith.constant 5.000000e-01 : f32
    %add3A_674 = vector.broadcast %add3A_673 : f32 to vector<128x1xf32>
    %add3A_675 = arith.addf %add3A_651, %add3A_674 : vector<128x1xf32>
    %mul3A_676 = arith.constant 8.000000e+00 : f32
    %mul3A_677 = vector.broadcast %mul3A_676 : f32 to vector<128x1xf32>
    %mul3A_678 = arith.mulf %add3A_675, %mul3A_677 : vector<128x1xf32>
    %sub3A_679 = arith.subf %get3A_3, %mul3A_672 : vector<128x1xf32>
    %sub3A_680 = arith.subf %get3A_8, %mul3A_678 : vector<128x1xf32>
    %mul3A_681 = arith.mulf %sub3A_679, %sub3A_679 : vector<128x1xf32>
    %mul3A_682 = arith.mulf %sub3A_680, %sub3A_680 : vector<128x1xf32>
    %add3A_683 = arith.addf %mul3A_681, %mul3A_682 : vector<128x1xf32>
    %add3A_684 = arith.constant 9.99999996E-13 : f32
    %add3A_685 = vector.broadcast %add3A_684 : f32 to vector<128x1xf32>
    %add3A_686 = arith.addf %add3A_683, %add3A_685 : vector<128x1xf32>
    %sqrt3A_687 = math.sqrt %add3A_686 : vector<128x1xf32>
    %jit3A_688 = arith.constant 3.000000e+38 : f32
    %broadcast_in_dim3A_689 = vector.broadcast %jit3A_688 : f32 to vector<128x1xf32>
    %select_n3A_690 = arith.select %and3A_666, %sqrt3A_687, %broadcast_in_dim3A_689 : vector<128x1xi1>, vector<128x1xf32>
    %mul3A_691 = arith.constant 6.400000e+01 : f32
    %mul3A_692 = vector.broadcast %mul3A_691 : f32 to vector<128x1xf32>
    %mul3A_693 = arith.mulf %add3A_651, %mul3A_692 : vector<128x1xf32>
    %add3A_694 = arith.addf %mul3A_693, %add3A_648 : vector<128x1xf32>
    %jit3A_695 = arith.constant 1.000000e+09 : f32
    %broadcast_in_dim3A_696 = vector.broadcast %jit3A_695 : f32 to vector<128x1xf32>
    %select_n3A_697 = arith.select %and3A_666, %add3A_694, %broadcast_in_dim3A_696 : vector<128x1xi1>, vector<128x1xf32>
    %add3A_698 = arith.constant 0.000000e+00 : f32
    %add3A_699 = vector.broadcast %add3A_698 : f32 to vector<128x1xf32>
    %add3A_700 = arith.addf %floor3A, %add3A_699 : vector<128x1xf32>
    %add3A_701 = arith.constant 2.000000e+00 : f32
    %add3A_702 = vector.broadcast %add3A_701 : f32 to vector<128x1xf32>
    %add3A_703 = arith.addf %floor3A_28, %add3A_702 : vector<128x1xf32>
    %ge3A_704 = arith.constant 0.000000e+00 : f32
    %ge3A_705 = vector.broadcast %ge3A_704 : f32 to vector<128x1xf32>
    %ge3A_706 = arith.cmpf oge, %add3A_700, %ge3A_705 : vector<128x1xf32>
    %le3A_707 = arith.constant 6.300000e+01 : f32
    %le3A_708 = vector.broadcast %le3A_707 : f32 to vector<128x1xf32>
    %le3A_709 = arith.cmpf ole, %add3A_700, %le3A_708 : vector<128x1xf32>
    %and3A_710 = arith.andi %ge3A_706, %le3A_709 : vector<128x1xi1>
    %ge3A_711 = arith.constant 0.000000e+00 : f32
    %ge3A_712 = vector.broadcast %ge3A_711 : f32 to vector<128x1xf32>
    %ge3A_713 = arith.cmpf oge, %add3A_703, %ge3A_712 : vector<128x1xf32>
    %and3A_714 = arith.andi %and3A_710, %ge3A_713 : vector<128x1xi1>
    %le3A_715 = arith.constant 6.300000e+01 : f32
    %le3A_716 = vector.broadcast %le3A_715 : f32 to vector<128x1xf32>
    %le3A_717 = arith.cmpf ole, %add3A_703, %le3A_716 : vector<128x1xf32>
    %and3A_718 = arith.andi %and3A_714, %le3A_717 : vector<128x1xi1>
    %add3A_719 = arith.constant 5.000000e-01 : f32
    %add3A_720 = vector.broadcast %add3A_719 : f32 to vector<128x1xf32>
    %add3A_721 = arith.addf %add3A_700, %add3A_720 : vector<128x1xf32>
    %mul3A_722 = arith.constant 8.000000e+00 : f32
    %mul3A_723 = vector.broadcast %mul3A_722 : f32 to vector<128x1xf32>
    %mul3A_724 = arith.mulf %add3A_721, %mul3A_723 : vector<128x1xf32>
    %add3A_725 = arith.constant 5.000000e-01 : f32
    %add3A_726 = vector.broadcast %add3A_725 : f32 to vector<128x1xf32>
    %add3A_727 = arith.addf %add3A_703, %add3A_726 : vector<128x1xf32>
    %mul3A_728 = arith.constant 8.000000e+00 : f32
    %mul3A_729 = vector.broadcast %mul3A_728 : f32 to vector<128x1xf32>
    %mul3A_730 = arith.mulf %add3A_727, %mul3A_729 : vector<128x1xf32>
    %sub3A_731 = arith.subf %get3A_3, %mul3A_724 : vector<128x1xf32>
    %sub3A_732 = arith.subf %get3A_8, %mul3A_730 : vector<128x1xf32>
    %mul3A_733 = arith.mulf %sub3A_731, %sub3A_731 : vector<128x1xf32>
    %mul3A_734 = arith.mulf %sub3A_732, %sub3A_732 : vector<128x1xf32>
    %add3A_735 = arith.addf %mul3A_733, %mul3A_734 : vector<128x1xf32>
    %add3A_736 = arith.constant 9.99999996E-13 : f32
    %add3A_737 = vector.broadcast %add3A_736 : f32 to vector<128x1xf32>
    %add3A_738 = arith.addf %add3A_735, %add3A_737 : vector<128x1xf32>
    %sqrt3A_739 = math.sqrt %add3A_738 : vector<128x1xf32>
    %jit3A_740 = arith.constant 3.000000e+38 : f32
    %broadcast_in_dim3A_741 = vector.broadcast %jit3A_740 : f32 to vector<128x1xf32>
    %select_n3A_742 = arith.select %and3A_718, %sqrt3A_739, %broadcast_in_dim3A_741 : vector<128x1xi1>, vector<128x1xf32>
    %mul3A_743 = arith.constant 6.400000e+01 : f32
    %mul3A_744 = vector.broadcast %mul3A_743 : f32 to vector<128x1xf32>
    %mul3A_745 = arith.mulf %add3A_703, %mul3A_744 : vector<128x1xf32>
    %add3A_746 = arith.addf %mul3A_745, %add3A_700 : vector<128x1xf32>
    %jit3A_747 = arith.constant 1.000000e+09 : f32
    %broadcast_in_dim3A_748 = vector.broadcast %jit3A_747 : f32 to vector<128x1xf32>
    %select_n3A_749 = arith.select %and3A_718, %add3A_746, %broadcast_in_dim3A_748 : vector<128x1xi1>, vector<128x1xf32>
    %add3A_750 = arith.constant 1.000000e+00 : f32
    %add3A_751 = vector.broadcast %add3A_750 : f32 to vector<128x1xf32>
    %add3A_752 = arith.addf %floor3A, %add3A_751 : vector<128x1xf32>
    %add3A_753 = arith.constant 2.000000e+00 : f32
    %add3A_754 = vector.broadcast %add3A_753 : f32 to vector<128x1xf32>
    %add3A_755 = arith.addf %floor3A_28, %add3A_754 : vector<128x1xf32>
    %ge3A_756 = arith.constant 0.000000e+00 : f32
    %ge3A_757 = vector.broadcast %ge3A_756 : f32 to vector<128x1xf32>
    %ge3A_758 = arith.cmpf oge, %add3A_752, %ge3A_757 : vector<128x1xf32>
    %le3A_759 = arith.constant 6.300000e+01 : f32
    %le3A_760 = vector.broadcast %le3A_759 : f32 to vector<128x1xf32>
    %le3A_761 = arith.cmpf ole, %add3A_752, %le3A_760 : vector<128x1xf32>
    %and3A_762 = arith.andi %ge3A_758, %le3A_761 : vector<128x1xi1>
    %ge3A_763 = arith.constant 0.000000e+00 : f32
    %ge3A_764 = vector.broadcast %ge3A_763 : f32 to vector<128x1xf32>
    %ge3A_765 = arith.cmpf oge, %add3A_755, %ge3A_764 : vector<128x1xf32>
    %and3A_766 = arith.andi %and3A_762, %ge3A_765 : vector<128x1xi1>
    %le3A_767 = arith.constant 6.300000e+01 : f32
    %le3A_768 = vector.broadcast %le3A_767 : f32 to vector<128x1xf32>
    %le3A_769 = arith.cmpf ole, %add3A_755, %le3A_768 : vector<128x1xf32>
    %and3A_770 = arith.andi %and3A_766, %le3A_769 : vector<128x1xi1>
    %add3A_771 = arith.constant 5.000000e-01 : f32
    %add3A_772 = vector.broadcast %add3A_771 : f32 to vector<128x1xf32>
    %add3A_773 = arith.addf %add3A_752, %add3A_772 : vector<128x1xf32>
    %mul3A_774 = arith.constant 8.000000e+00 : f32
    %mul3A_775 = vector.broadcast %mul3A_774 : f32 to vector<128x1xf32>
    %mul3A_776 = arith.mulf %add3A_773, %mul3A_775 : vector<128x1xf32>
    %add3A_777 = arith.constant 5.000000e-01 : f32
    %add3A_778 = vector.broadcast %add3A_777 : f32 to vector<128x1xf32>
    %add3A_779 = arith.addf %add3A_755, %add3A_778 : vector<128x1xf32>
    %mul3A_780 = arith.constant 8.000000e+00 : f32
    %mul3A_781 = vector.broadcast %mul3A_780 : f32 to vector<128x1xf32>
    %mul3A_782 = arith.mulf %add3A_779, %mul3A_781 : vector<128x1xf32>
    %sub3A_783 = arith.subf %get3A_3, %mul3A_776 : vector<128x1xf32>
    %sub3A_784 = arith.subf %get3A_8, %mul3A_782 : vector<128x1xf32>
    %mul3A_785 = arith.mulf %sub3A_783, %sub3A_783 : vector<128x1xf32>
    %mul3A_786 = arith.mulf %sub3A_784, %sub3A_784 : vector<128x1xf32>
    %add3A_787 = arith.addf %mul3A_785, %mul3A_786 : vector<128x1xf32>
    %add3A_788 = arith.constant 9.99999996E-13 : f32
    %add3A_789 = vector.broadcast %add3A_788 : f32 to vector<128x1xf32>
    %add3A_790 = arith.addf %add3A_787, %add3A_789 : vector<128x1xf32>
    %sqrt3A_791 = math.sqrt %add3A_790 : vector<128x1xf32>
    %jit3A_792 = arith.constant 3.000000e+38 : f32
    %broadcast_in_dim3A_793 = vector.broadcast %jit3A_792 : f32 to vector<128x1xf32>
    %select_n3A_794 = arith.select %and3A_770, %sqrt3A_791, %broadcast_in_dim3A_793 : vector<128x1xi1>, vector<128x1xf32>
    %mul3A_795 = arith.constant 6.400000e+01 : f32
    %mul3A_796 = vector.broadcast %mul3A_795 : f32 to vector<128x1xf32>
    %mul3A_797 = arith.mulf %add3A_755, %mul3A_796 : vector<128x1xf32>
    %add3A_798 = arith.addf %mul3A_797, %add3A_752 : vector<128x1xf32>
    %jit3A_799 = arith.constant 1.000000e+09 : f32
    %broadcast_in_dim3A_800 = vector.broadcast %jit3A_799 : f32 to vector<128x1xf32>
    %select_n3A_801 = arith.select %and3A_770, %add3A_798, %broadcast_in_dim3A_800 : vector<128x1xi1>, vector<128x1xf32>
    %add3A_802 = arith.constant 2.000000e+00 : f32
    %add3A_803 = vector.broadcast %add3A_802 : f32 to vector<128x1xf32>
    %add3A_804 = arith.addf %floor3A, %add3A_803 : vector<128x1xf32>
    %add3A_805 = arith.constant 2.000000e+00 : f32
    %add3A_806 = vector.broadcast %add3A_805 : f32 to vector<128x1xf32>
    %add3A_807 = arith.addf %floor3A_28, %add3A_806 : vector<128x1xf32>
    %ge3A_808 = arith.constant 0.000000e+00 : f32
    %ge3A_809 = vector.broadcast %ge3A_808 : f32 to vector<128x1xf32>
    %ge3A_810 = arith.cmpf oge, %add3A_804, %ge3A_809 : vector<128x1xf32>
    %le3A_811 = arith.constant 6.300000e+01 : f32
    %le3A_812 = vector.broadcast %le3A_811 : f32 to vector<128x1xf32>
    %le3A_813 = arith.cmpf ole, %add3A_804, %le3A_812 : vector<128x1xf32>
    %and3A_814 = arith.andi %ge3A_810, %le3A_813 : vector<128x1xi1>
    %ge3A_815 = arith.constant 0.000000e+00 : f32
    %ge3A_816 = vector.broadcast %ge3A_815 : f32 to vector<128x1xf32>
    %ge3A_817 = arith.cmpf oge, %add3A_807, %ge3A_816 : vector<128x1xf32>
    %and3A_818 = arith.andi %and3A_814, %ge3A_817 : vector<128x1xi1>
    %le3A_819 = arith.constant 6.300000e+01 : f32
    %le3A_820 = vector.broadcast %le3A_819 : f32 to vector<128x1xf32>
    %le3A_821 = arith.cmpf ole, %add3A_807, %le3A_820 : vector<128x1xf32>
    %and3A_822 = arith.andi %and3A_818, %le3A_821 : vector<128x1xi1>
    %add3A_823 = arith.constant 5.000000e-01 : f32
    %add3A_824 = vector.broadcast %add3A_823 : f32 to vector<128x1xf32>
    %add3A_825 = arith.addf %add3A_804, %add3A_824 : vector<128x1xf32>
    %mul3A_826 = arith.constant 8.000000e+00 : f32
    %mul3A_827 = vector.broadcast %mul3A_826 : f32 to vector<128x1xf32>
    %mul3A_828 = arith.mulf %add3A_825, %mul3A_827 : vector<128x1xf32>
    %add3A_829 = arith.constant 5.000000e-01 : f32
    %add3A_830 = vector.broadcast %add3A_829 : f32 to vector<128x1xf32>
    %add3A_831 = arith.addf %add3A_807, %add3A_830 : vector<128x1xf32>
    %mul3A_832 = arith.constant 8.000000e+00 : f32
    %mul3A_833 = vector.broadcast %mul3A_832 : f32 to vector<128x1xf32>
    %mul3A_834 = arith.mulf %add3A_831, %mul3A_833 : vector<128x1xf32>
    %sub3A_835 = arith.subf %get3A_3, %mul3A_828 : vector<128x1xf32>
    %sub3A_836 = arith.subf %get3A_8, %mul3A_834 : vector<128x1xf32>
    %mul3A_837 = arith.mulf %sub3A_835, %sub3A_835 : vector<128x1xf32>
    %mul3A_838 = arith.mulf %sub3A_836, %sub3A_836 : vector<128x1xf32>
    %add3A_839 = arith.addf %mul3A_837, %mul3A_838 : vector<128x1xf32>
    %add3A_840 = arith.constant 9.99999996E-13 : f32
    %add3A_841 = vector.broadcast %add3A_840 : f32 to vector<128x1xf32>
    %add3A_842 = arith.addf %add3A_839, %add3A_841 : vector<128x1xf32>
    %sqrt3A_843 = math.sqrt %add3A_842 : vector<128x1xf32>
    %jit3A_844 = arith.constant 3.000000e+38 : f32
    %broadcast_in_dim3A_845 = vector.broadcast %jit3A_844 : f32 to vector<128x1xf32>
    %select_n3A_846 = arith.select %and3A_822, %sqrt3A_843, %broadcast_in_dim3A_845 : vector<128x1xi1>, vector<128x1xf32>
    %mul3A_847 = arith.constant 6.400000e+01 : f32
    %mul3A_848 = vector.broadcast %mul3A_847 : f32 to vector<128x1xf32>
    %mul3A_849 = arith.mulf %add3A_807, %mul3A_848 : vector<128x1xf32>
    %add3A_850 = arith.addf %mul3A_849, %add3A_804 : vector<128x1xf32>
    %jit3A_851 = arith.constant 1.000000e+09 : f32
    %broadcast_in_dim3A_852 = vector.broadcast %jit3A_851 : f32 to vector<128x1xf32>
    %select_n3A_853 = arith.select %and3A_822, %add3A_850, %broadcast_in_dim3A_852 : vector<128x1xi1>, vector<128x1xf32>
    %min3A_854 = arith.minimumf %select_n3A, %select_n3A_118 : vector<128x1xf32>
    %min3A_855 = arith.minimumf %min3A_854, %select_n3A_170 : vector<128x1xf32>
    %min3A_856 = arith.minimumf %min3A_855, %select_n3A_222 : vector<128x1xf32>
    %min3A_857 = arith.minimumf %min3A_856, %select_n3A_274 : vector<128x1xf32>
    %min3A_858 = arith.minimumf %min3A_857, %select_n3A_326 : vector<128x1xf32>
    %min3A_859 = arith.minimumf %min3A_858, %select_n3A_378 : vector<128x1xf32>
    %min3A_860 = arith.minimumf %min3A_859, %select_n3A_430 : vector<128x1xf32>
    %min3A_861 = arith.minimumf %min3A_860, %select_n3A_482 : vector<128x1xf32>
    %min3A_862 = arith.minimumf %min3A_861, %select_n3A_534 : vector<128x1xf32>
    %min3A_863 = arith.minimumf %min3A_862, %select_n3A_586 : vector<128x1xf32>
    %min3A_864 = arith.minimumf %min3A_863, %select_n3A_638 : vector<128x1xf32>
    %min3A_865 = arith.minimumf %min3A_864, %select_n3A_690 : vector<128x1xf32>
    %min3A_866 = arith.minimumf %min3A_865, %select_n3A_742 : vector<128x1xf32>
    %min3A_867 = arith.minimumf %min3A_866, %select_n3A_794 : vector<128x1xf32>
    %min3A_868 = arith.minimumf %min3A_867, %select_n3A_846 : vector<128x1xf32>
    %eq3A = arith.cmpf oeq, %select_n3A, %min3A_868 : vector<128x1xf32>
    %jit3A_869 = arith.constant 1.000000e+09 : f32
    %broadcast_in_dim3A_870 = vector.broadcast %jit3A_869 : f32 to vector<128x1xf32>
    %select_n3A_871 = arith.select %eq3A, %select_n3A_73, %broadcast_in_dim3A_870 : vector<128x1xi1>, vector<128x1xf32>
    %eq3A_872 = arith.cmpf oeq, %select_n3A_118, %min3A_868 : vector<128x1xf32>
    %jit3A_873 = arith.constant 1.000000e+09 : f32
    %broadcast_in_dim3A_874 = vector.broadcast %jit3A_873 : f32 to vector<128x1xf32>
    %select_n3A_875 = arith.select %eq3A_872, %select_n3A_125, %broadcast_in_dim3A_874 : vector<128x1xi1>, vector<128x1xf32>
    %eq3A_876 = arith.cmpf oeq, %select_n3A_170, %min3A_868 : vector<128x1xf32>
    %jit3A_877 = arith.constant 1.000000e+09 : f32
    %broadcast_in_dim3A_878 = vector.broadcast %jit3A_877 : f32 to vector<128x1xf32>
    %select_n3A_879 = arith.select %eq3A_876, %select_n3A_177, %broadcast_in_dim3A_878 : vector<128x1xi1>, vector<128x1xf32>
    %eq3A_880 = arith.cmpf oeq, %select_n3A_222, %min3A_868 : vector<128x1xf32>
    %jit3A_881 = arith.constant 1.000000e+09 : f32
    %broadcast_in_dim3A_882 = vector.broadcast %jit3A_881 : f32 to vector<128x1xf32>
    %select_n3A_883 = arith.select %eq3A_880, %select_n3A_229, %broadcast_in_dim3A_882 : vector<128x1xi1>, vector<128x1xf32>
    %eq3A_884 = arith.cmpf oeq, %select_n3A_274, %min3A_868 : vector<128x1xf32>
    %jit3A_885 = arith.constant 1.000000e+09 : f32
    %broadcast_in_dim3A_886 = vector.broadcast %jit3A_885 : f32 to vector<128x1xf32>
    %select_n3A_887 = arith.select %eq3A_884, %select_n3A_281, %broadcast_in_dim3A_886 : vector<128x1xi1>, vector<128x1xf32>
    %eq3A_888 = arith.cmpf oeq, %select_n3A_326, %min3A_868 : vector<128x1xf32>
    %jit3A_889 = arith.constant 1.000000e+09 : f32
    %broadcast_in_dim3A_890 = vector.broadcast %jit3A_889 : f32 to vector<128x1xf32>
    %select_n3A_891 = arith.select %eq3A_888, %select_n3A_333, %broadcast_in_dim3A_890 : vector<128x1xi1>, vector<128x1xf32>
    %eq3A_892 = arith.cmpf oeq, %select_n3A_378, %min3A_868 : vector<128x1xf32>
    %jit3A_893 = arith.constant 1.000000e+09 : f32
    %broadcast_in_dim3A_894 = vector.broadcast %jit3A_893 : f32 to vector<128x1xf32>
    %select_n3A_895 = arith.select %eq3A_892, %select_n3A_385, %broadcast_in_dim3A_894 : vector<128x1xi1>, vector<128x1xf32>
    %eq3A_896 = arith.cmpf oeq, %select_n3A_430, %min3A_868 : vector<128x1xf32>
    %jit3A_897 = arith.constant 1.000000e+09 : f32
    %broadcast_in_dim3A_898 = vector.broadcast %jit3A_897 : f32 to vector<128x1xf32>
    %select_n3A_899 = arith.select %eq3A_896, %select_n3A_437, %broadcast_in_dim3A_898 : vector<128x1xi1>, vector<128x1xf32>
    %eq3A_900 = arith.cmpf oeq, %select_n3A_482, %min3A_868 : vector<128x1xf32>
    %jit3A_901 = arith.constant 1.000000e+09 : f32
    %broadcast_in_dim3A_902 = vector.broadcast %jit3A_901 : f32 to vector<128x1xf32>
    %select_n3A_903 = arith.select %eq3A_900, %select_n3A_489, %broadcast_in_dim3A_902 : vector<128x1xi1>, vector<128x1xf32>
    %eq3A_904 = arith.cmpf oeq, %select_n3A_534, %min3A_868 : vector<128x1xf32>
    %jit3A_905 = arith.constant 1.000000e+09 : f32
    %broadcast_in_dim3A_906 = vector.broadcast %jit3A_905 : f32 to vector<128x1xf32>
    %select_n3A_907 = arith.select %eq3A_904, %select_n3A_541, %broadcast_in_dim3A_906 : vector<128x1xi1>, vector<128x1xf32>
    %eq3A_908 = arith.cmpf oeq, %select_n3A_586, %min3A_868 : vector<128x1xf32>
    %jit3A_909 = arith.constant 1.000000e+09 : f32
    %broadcast_in_dim3A_910 = vector.broadcast %jit3A_909 : f32 to vector<128x1xf32>
    %select_n3A_911 = arith.select %eq3A_908, %select_n3A_593, %broadcast_in_dim3A_910 : vector<128x1xi1>, vector<128x1xf32>
    %eq3A_912 = arith.cmpf oeq, %select_n3A_638, %min3A_868 : vector<128x1xf32>
    %jit3A_913 = arith.constant 1.000000e+09 : f32
    %broadcast_in_dim3A_914 = vector.broadcast %jit3A_913 : f32 to vector<128x1xf32>
    %select_n3A_915 = arith.select %eq3A_912, %select_n3A_645, %broadcast_in_dim3A_914 : vector<128x1xi1>, vector<128x1xf32>
    %eq3A_916 = arith.cmpf oeq, %select_n3A_690, %min3A_868 : vector<128x1xf32>
    %jit3A_917 = arith.constant 1.000000e+09 : f32
    %broadcast_in_dim3A_918 = vector.broadcast %jit3A_917 : f32 to vector<128x1xf32>
    %select_n3A_919 = arith.select %eq3A_916, %select_n3A_697, %broadcast_in_dim3A_918 : vector<128x1xi1>, vector<128x1xf32>
    %eq3A_920 = arith.cmpf oeq, %select_n3A_742, %min3A_868 : vector<128x1xf32>
    %jit3A_921 = arith.constant 1.000000e+09 : f32
    %broadcast_in_dim3A_922 = vector.broadcast %jit3A_921 : f32 to vector<128x1xf32>
    %select_n3A_923 = arith.select %eq3A_920, %select_n3A_749, %broadcast_in_dim3A_922 : vector<128x1xi1>, vector<128x1xf32>
    %eq3A_924 = arith.cmpf oeq, %select_n3A_794, %min3A_868 : vector<128x1xf32>
    %jit3A_925 = arith.constant 1.000000e+09 : f32
    %broadcast_in_dim3A_926 = vector.broadcast %jit3A_925 : f32 to vector<128x1xf32>
    %select_n3A_927 = arith.select %eq3A_924, %select_n3A_801, %broadcast_in_dim3A_926 : vector<128x1xi1>, vector<128x1xf32>
    %eq3A_928 = arith.cmpf oeq, %select_n3A_846, %min3A_868 : vector<128x1xf32>
    %jit3A_929 = arith.constant 1.000000e+09 : f32
    %broadcast_in_dim3A_930 = vector.broadcast %jit3A_929 : f32 to vector<128x1xf32>
    %select_n3A_931 = arith.select %eq3A_928, %select_n3A_853, %broadcast_in_dim3A_930 : vector<128x1xi1>, vector<128x1xf32>
    %min3A_932 = arith.minimumf %select_n3A_871, %select_n3A_875 : vector<128x1xf32>
    %min3A_933 = arith.minimumf %min3A_932, %select_n3A_879 : vector<128x1xf32>
    %min3A_934 = arith.minimumf %min3A_933, %select_n3A_883 : vector<128x1xf32>
    %min3A_935 = arith.minimumf %min3A_934, %select_n3A_887 : vector<128x1xf32>
    %min3A_936 = arith.minimumf %min3A_935, %select_n3A_891 : vector<128x1xf32>
    %min3A_937 = arith.minimumf %min3A_936, %select_n3A_895 : vector<128x1xf32>
    %min3A_938 = arith.minimumf %min3A_937, %select_n3A_899 : vector<128x1xf32>
    %min3A_939 = arith.minimumf %min3A_938, %select_n3A_903 : vector<128x1xf32>
    %min3A_940 = arith.minimumf %min3A_939, %select_n3A_907 : vector<128x1xf32>
    %min3A_941 = arith.minimumf %min3A_940, %select_n3A_911 : vector<128x1xf32>
    %min3A_942 = arith.minimumf %min3A_941, %select_n3A_915 : vector<128x1xf32>
    %min3A_943 = arith.minimumf %min3A_942, %select_n3A_919 : vector<128x1xf32>
    %min3A_944 = arith.minimumf %min3A_943, %select_n3A_923 : vector<128x1xf32>
    %min3A_945 = arith.minimumf %min3A_944, %select_n3A_927 : vector<128x1xf32>
    %min3A_946 = arith.minimumf %min3A_945, %select_n3A_931 : vector<128x1xf32>
    %eq3A_947 = arith.cmpf oeq, %select_n3A_73, %min3A_946 : vector<128x1xf32>
    %jit3A_948 = arith.constant 3.000000e+38 : f32
    %broadcast_in_dim3A_949 = vector.broadcast %jit3A_948 : f32 to vector<128x1xf32>
    %select_n3A_950 = arith.select %eq3A_947, %broadcast_in_dim3A_949, %select_n3A : vector<128x1xi1>, vector<128x1xf32>
    %eq3A_951 = arith.cmpf oeq, %select_n3A_125, %min3A_946 : vector<128x1xf32>
    %jit3A_952 = arith.constant 3.000000e+38 : f32
    %broadcast_in_dim3A_953 = vector.broadcast %jit3A_952 : f32 to vector<128x1xf32>
    %select_n3A_954 = arith.select %eq3A_951, %broadcast_in_dim3A_953, %select_n3A_118 : vector<128x1xi1>, vector<128x1xf32>
    %eq3A_955 = arith.cmpf oeq, %select_n3A_177, %min3A_946 : vector<128x1xf32>
    %jit3A_956 = arith.constant 3.000000e+38 : f32
    %broadcast_in_dim3A_957 = vector.broadcast %jit3A_956 : f32 to vector<128x1xf32>
    %select_n3A_958 = arith.select %eq3A_955, %broadcast_in_dim3A_957, %select_n3A_170 : vector<128x1xi1>, vector<128x1xf32>
    %eq3A_959 = arith.cmpf oeq, %select_n3A_229, %min3A_946 : vector<128x1xf32>
    %jit3A_960 = arith.constant 3.000000e+38 : f32
    %broadcast_in_dim3A_961 = vector.broadcast %jit3A_960 : f32 to vector<128x1xf32>
    %select_n3A_962 = arith.select %eq3A_959, %broadcast_in_dim3A_961, %select_n3A_222 : vector<128x1xi1>, vector<128x1xf32>
    %eq3A_963 = arith.cmpf oeq, %select_n3A_281, %min3A_946 : vector<128x1xf32>
    %jit3A_964 = arith.constant 3.000000e+38 : f32
    %broadcast_in_dim3A_965 = vector.broadcast %jit3A_964 : f32 to vector<128x1xf32>
    %select_n3A_966 = arith.select %eq3A_963, %broadcast_in_dim3A_965, %select_n3A_274 : vector<128x1xi1>, vector<128x1xf32>
    %eq3A_967 = arith.cmpf oeq, %select_n3A_333, %min3A_946 : vector<128x1xf32>
    %jit3A_968 = arith.constant 3.000000e+38 : f32
    %broadcast_in_dim3A_969 = vector.broadcast %jit3A_968 : f32 to vector<128x1xf32>
    %select_n3A_970 = arith.select %eq3A_967, %broadcast_in_dim3A_969, %select_n3A_326 : vector<128x1xi1>, vector<128x1xf32>
    %eq3A_971 = arith.cmpf oeq, %select_n3A_385, %min3A_946 : vector<128x1xf32>
    %jit3A_972 = arith.constant 3.000000e+38 : f32
    %broadcast_in_dim3A_973 = vector.broadcast %jit3A_972 : f32 to vector<128x1xf32>
    %select_n3A_974 = arith.select %eq3A_971, %broadcast_in_dim3A_973, %select_n3A_378 : vector<128x1xi1>, vector<128x1xf32>
    %eq3A_975 = arith.cmpf oeq, %select_n3A_437, %min3A_946 : vector<128x1xf32>
    %jit3A_976 = arith.constant 3.000000e+38 : f32
    %broadcast_in_dim3A_977 = vector.broadcast %jit3A_976 : f32 to vector<128x1xf32>
    %select_n3A_978 = arith.select %eq3A_975, %broadcast_in_dim3A_977, %select_n3A_430 : vector<128x1xi1>, vector<128x1xf32>
    %eq3A_979 = arith.cmpf oeq, %select_n3A_489, %min3A_946 : vector<128x1xf32>
    %jit3A_980 = arith.constant 3.000000e+38 : f32
    %broadcast_in_dim3A_981 = vector.broadcast %jit3A_980 : f32 to vector<128x1xf32>
    %select_n3A_982 = arith.select %eq3A_979, %broadcast_in_dim3A_981, %select_n3A_482 : vector<128x1xi1>, vector<128x1xf32>
    %eq3A_983 = arith.cmpf oeq, %select_n3A_541, %min3A_946 : vector<128x1xf32>
    %jit3A_984 = arith.constant 3.000000e+38 : f32
    %broadcast_in_dim3A_985 = vector.broadcast %jit3A_984 : f32 to vector<128x1xf32>
    %select_n3A_986 = arith.select %eq3A_983, %broadcast_in_dim3A_985, %select_n3A_534 : vector<128x1xi1>, vector<128x1xf32>
    %eq3A_987 = arith.cmpf oeq, %select_n3A_593, %min3A_946 : vector<128x1xf32>
    %jit3A_988 = arith.constant 3.000000e+38 : f32
    %broadcast_in_dim3A_989 = vector.broadcast %jit3A_988 : f32 to vector<128x1xf32>
    %select_n3A_990 = arith.select %eq3A_987, %broadcast_in_dim3A_989, %select_n3A_586 : vector<128x1xi1>, vector<128x1xf32>
    %eq3A_991 = arith.cmpf oeq, %select_n3A_645, %min3A_946 : vector<128x1xf32>
    %jit3A_992 = arith.constant 3.000000e+38 : f32
    %broadcast_in_dim3A_993 = vector.broadcast %jit3A_992 : f32 to vector<128x1xf32>
    %select_n3A_994 = arith.select %eq3A_991, %broadcast_in_dim3A_993, %select_n3A_638 : vector<128x1xi1>, vector<128x1xf32>
    %eq3A_995 = arith.cmpf oeq, %select_n3A_697, %min3A_946 : vector<128x1xf32>
    %jit3A_996 = arith.constant 3.000000e+38 : f32
    %broadcast_in_dim3A_997 = vector.broadcast %jit3A_996 : f32 to vector<128x1xf32>
    %select_n3A_998 = arith.select %eq3A_995, %broadcast_in_dim3A_997, %select_n3A_690 : vector<128x1xi1>, vector<128x1xf32>
    %eq3A_999 = arith.cmpf oeq, %select_n3A_749, %min3A_946 : vector<128x1xf32>
    %jit3A_1000 = arith.constant 3.000000e+38 : f32
    %broadcast_in_dim3A_1001 = vector.broadcast %jit3A_1000 : f32 to vector<128x1xf32>
    %select_n3A_1002 = arith.select %eq3A_999, %broadcast_in_dim3A_1001, %select_n3A_742 : vector<128x1xi1>, vector<128x1xf32>
    %eq3A_1003 = arith.cmpf oeq, %select_n3A_801, %min3A_946 : vector<128x1xf32>
    %jit3A_1004 = arith.constant 3.000000e+38 : f32
    %broadcast_in_dim3A_1005 = vector.broadcast %jit3A_1004 : f32 to vector<128x1xf32>
    %select_n3A_1006 = arith.select %eq3A_1003, %broadcast_in_dim3A_1005, %select_n3A_794 : vector<128x1xi1>, vector<128x1xf32>
    %eq3A_1007 = arith.cmpf oeq, %select_n3A_853, %min3A_946 : vector<128x1xf32>
    %jit3A_1008 = arith.constant 3.000000e+38 : f32
    %broadcast_in_dim3A_1009 = vector.broadcast %jit3A_1008 : f32 to vector<128x1xf32>
    %select_n3A_1010 = arith.select %eq3A_1007, %broadcast_in_dim3A_1009, %select_n3A_846 : vector<128x1xi1>, vector<128x1xf32>
    %min3A_1011 = arith.minimumf %select_n3A_950, %select_n3A_954 : vector<128x1xf32>
    %min3A_1012 = arith.minimumf %min3A_1011, %select_n3A_958 : vector<128x1xf32>
    %min3A_1013 = arith.minimumf %min3A_1012, %select_n3A_962 : vector<128x1xf32>
    %min3A_1014 = arith.minimumf %min3A_1013, %select_n3A_966 : vector<128x1xf32>
    %min3A_1015 = arith.minimumf %min3A_1014, %select_n3A_970 : vector<128x1xf32>
    %min3A_1016 = arith.minimumf %min3A_1015, %select_n3A_974 : vector<128x1xf32>
    %min3A_1017 = arith.minimumf %min3A_1016, %select_n3A_978 : vector<128x1xf32>
    %min3A_1018 = arith.minimumf %min3A_1017, %select_n3A_982 : vector<128x1xf32>
    %min3A_1019 = arith.minimumf %min3A_1018, %select_n3A_986 : vector<128x1xf32>
    %min3A_1020 = arith.minimumf %min3A_1019, %select_n3A_990 : vector<128x1xf32>
    %min3A_1021 = arith.minimumf %min3A_1020, %select_n3A_994 : vector<128x1xf32>
    %min3A_1022 = arith.minimumf %min3A_1021, %select_n3A_998 : vector<128x1xf32>
    %min3A_1023 = arith.minimumf %min3A_1022, %select_n3A_1002 : vector<128x1xf32>
    %min3A_1024 = arith.minimumf %min3A_1023, %select_n3A_1006 : vector<128x1xf32>
    %min3A_1025 = arith.minimumf %min3A_1024, %select_n3A_1010 : vector<128x1xf32>
    %eq3A_1026 = arith.cmpf oeq, %select_n3A_950, %min3A_1025 : vector<128x1xf32>
    %jit3A_1027 = arith.constant 1.000000e+09 : f32
    %broadcast_in_dim3A_1028 = vector.broadcast %jit3A_1027 : f32 to vector<128x1xf32>
    %select_n3A_1029 = arith.select %eq3A_1026, %select_n3A_73, %broadcast_in_dim3A_1028 : vector<128x1xi1>, vector<128x1xf32>
    %eq3A_1030 = arith.cmpf oeq, %select_n3A_954, %min3A_1025 : vector<128x1xf32>
    %jit3A_1031 = arith.constant 1.000000e+09 : f32
    %broadcast_in_dim3A_1032 = vector.broadcast %jit3A_1031 : f32 to vector<128x1xf32>
    %select_n3A_1033 = arith.select %eq3A_1030, %select_n3A_125, %broadcast_in_dim3A_1032 : vector<128x1xi1>, vector<128x1xf32>
    %eq3A_1034 = arith.cmpf oeq, %select_n3A_958, %min3A_1025 : vector<128x1xf32>
    %jit3A_1035 = arith.constant 1.000000e+09 : f32
    %broadcast_in_dim3A_1036 = vector.broadcast %jit3A_1035 : f32 to vector<128x1xf32>
    %select_n3A_1037 = arith.select %eq3A_1034, %select_n3A_177, %broadcast_in_dim3A_1036 : vector<128x1xi1>, vector<128x1xf32>
    %eq3A_1038 = arith.cmpf oeq, %select_n3A_962, %min3A_1025 : vector<128x1xf32>
    %jit3A_1039 = arith.constant 1.000000e+09 : f32
    %broadcast_in_dim3A_1040 = vector.broadcast %jit3A_1039 : f32 to vector<128x1xf32>
    %select_n3A_1041 = arith.select %eq3A_1038, %select_n3A_229, %broadcast_in_dim3A_1040 : vector<128x1xi1>, vector<128x1xf32>
    %eq3A_1042 = arith.cmpf oeq, %select_n3A_966, %min3A_1025 : vector<128x1xf32>
    %jit3A_1043 = arith.constant 1.000000e+09 : f32
    %broadcast_in_dim3A_1044 = vector.broadcast %jit3A_1043 : f32 to vector<128x1xf32>
    %select_n3A_1045 = arith.select %eq3A_1042, %select_n3A_281, %broadcast_in_dim3A_1044 : vector<128x1xi1>, vector<128x1xf32>
    %eq3A_1046 = arith.cmpf oeq, %select_n3A_970, %min3A_1025 : vector<128x1xf32>
    %jit3A_1047 = arith.constant 1.000000e+09 : f32
    %broadcast_in_dim3A_1048 = vector.broadcast %jit3A_1047 : f32 to vector<128x1xf32>
    %select_n3A_1049 = arith.select %eq3A_1046, %select_n3A_333, %broadcast_in_dim3A_1048 : vector<128x1xi1>, vector<128x1xf32>
    %eq3A_1050 = arith.cmpf oeq, %select_n3A_974, %min3A_1025 : vector<128x1xf32>
    %jit3A_1051 = arith.constant 1.000000e+09 : f32
    %broadcast_in_dim3A_1052 = vector.broadcast %jit3A_1051 : f32 to vector<128x1xf32>
    %select_n3A_1053 = arith.select %eq3A_1050, %select_n3A_385, %broadcast_in_dim3A_1052 : vector<128x1xi1>, vector<128x1xf32>
    %eq3A_1054 = arith.cmpf oeq, %select_n3A_978, %min3A_1025 : vector<128x1xf32>
    %jit3A_1055 = arith.constant 1.000000e+09 : f32
    %broadcast_in_dim3A_1056 = vector.broadcast %jit3A_1055 : f32 to vector<128x1xf32>
    %select_n3A_1057 = arith.select %eq3A_1054, %select_n3A_437, %broadcast_in_dim3A_1056 : vector<128x1xi1>, vector<128x1xf32>
    %eq3A_1058 = arith.cmpf oeq, %select_n3A_982, %min3A_1025 : vector<128x1xf32>
    %jit3A_1059 = arith.constant 1.000000e+09 : f32
    %broadcast_in_dim3A_1060 = vector.broadcast %jit3A_1059 : f32 to vector<128x1xf32>
    %select_n3A_1061 = arith.select %eq3A_1058, %select_n3A_489, %broadcast_in_dim3A_1060 : vector<128x1xi1>, vector<128x1xf32>
    %eq3A_1062 = arith.cmpf oeq, %select_n3A_986, %min3A_1025 : vector<128x1xf32>
    %jit3A_1063 = arith.constant 1.000000e+09 : f32
    %broadcast_in_dim3A_1064 = vector.broadcast %jit3A_1063 : f32 to vector<128x1xf32>
    %select_n3A_1065 = arith.select %eq3A_1062, %select_n3A_541, %broadcast_in_dim3A_1064 : vector<128x1xi1>, vector<128x1xf32>
    %eq3A_1066 = arith.cmpf oeq, %select_n3A_990, %min3A_1025 : vector<128x1xf32>
    %jit3A_1067 = arith.constant 1.000000e+09 : f32
    %broadcast_in_dim3A_1068 = vector.broadcast %jit3A_1067 : f32 to vector<128x1xf32>
    %select_n3A_1069 = arith.select %eq3A_1066, %select_n3A_593, %broadcast_in_dim3A_1068 : vector<128x1xi1>, vector<128x1xf32>
    %eq3A_1070 = arith.cmpf oeq, %select_n3A_994, %min3A_1025 : vector<128x1xf32>
    %jit3A_1071 = arith.constant 1.000000e+09 : f32
    %broadcast_in_dim3A_1072 = vector.broadcast %jit3A_1071 : f32 to vector<128x1xf32>
    %select_n3A_1073 = arith.select %eq3A_1070, %select_n3A_645, %broadcast_in_dim3A_1072 : vector<128x1xi1>, vector<128x1xf32>
    %eq3A_1074 = arith.cmpf oeq, %select_n3A_998, %min3A_1025 : vector<128x1xf32>
    %jit3A_1075 = arith.constant 1.000000e+09 : f32
    %broadcast_in_dim3A_1076 = vector.broadcast %jit3A_1075 : f32 to vector<128x1xf32>
    %select_n3A_1077 = arith.select %eq3A_1074, %select_n3A_697, %broadcast_in_dim3A_1076 : vector<128x1xi1>, vector<128x1xf32>
    %eq3A_1078 = arith.cmpf oeq, %select_n3A_1002, %min3A_1025 : vector<128x1xf32>
    %jit3A_1079 = arith.constant 1.000000e+09 : f32
    %broadcast_in_dim3A_1080 = vector.broadcast %jit3A_1079 : f32 to vector<128x1xf32>
    %select_n3A_1081 = arith.select %eq3A_1078, %select_n3A_749, %broadcast_in_dim3A_1080 : vector<128x1xi1>, vector<128x1xf32>
    %eq3A_1082 = arith.cmpf oeq, %select_n3A_1006, %min3A_1025 : vector<128x1xf32>
    %jit3A_1083 = arith.constant 1.000000e+09 : f32
    %broadcast_in_dim3A_1084 = vector.broadcast %jit3A_1083 : f32 to vector<128x1xf32>
    %select_n3A_1085 = arith.select %eq3A_1082, %select_n3A_801, %broadcast_in_dim3A_1084 : vector<128x1xi1>, vector<128x1xf32>
    %eq3A_1086 = arith.cmpf oeq, %select_n3A_1010, %min3A_1025 : vector<128x1xf32>
    %jit3A_1087 = arith.constant 1.000000e+09 : f32
    %broadcast_in_dim3A_1088 = vector.broadcast %jit3A_1087 : f32 to vector<128x1xf32>
    %select_n3A_1089 = arith.select %eq3A_1086, %select_n3A_853, %broadcast_in_dim3A_1088 : vector<128x1xi1>, vector<128x1xf32>
    %min3A_1090 = arith.minimumf %select_n3A_1029, %select_n3A_1033 : vector<128x1xf32>
    %min3A_1091 = arith.minimumf %min3A_1090, %select_n3A_1037 : vector<128x1xf32>
    %min3A_1092 = arith.minimumf %min3A_1091, %select_n3A_1041 : vector<128x1xf32>
    %min3A_1093 = arith.minimumf %min3A_1092, %select_n3A_1045 : vector<128x1xf32>
    %min3A_1094 = arith.minimumf %min3A_1093, %select_n3A_1049 : vector<128x1xf32>
    %min3A_1095 = arith.minimumf %min3A_1094, %select_n3A_1053 : vector<128x1xf32>
    %min3A_1096 = arith.minimumf %min3A_1095, %select_n3A_1057 : vector<128x1xf32>
    %min3A_1097 = arith.minimumf %min3A_1096, %select_n3A_1061 : vector<128x1xf32>
    %min3A_1098 = arith.minimumf %min3A_1097, %select_n3A_1065 : vector<128x1xf32>
    %min3A_1099 = arith.minimumf %min3A_1098, %select_n3A_1069 : vector<128x1xf32>
    %min3A_1100 = arith.minimumf %min3A_1099, %select_n3A_1073 : vector<128x1xf32>
    %min3A_1101 = arith.minimumf %min3A_1100, %select_n3A_1077 : vector<128x1xf32>
    %min3A_1102 = arith.minimumf %min3A_1101, %select_n3A_1081 : vector<128x1xf32>
    %min3A_1103 = arith.minimumf %min3A_1102, %select_n3A_1085 : vector<128x1xf32>
    %min3A_1104 = arith.minimumf %min3A_1103, %select_n3A_1089 : vector<128x1xf32>
    %eq3A_1105 = arith.cmpf oeq, %select_n3A_73, %min3A_1104 : vector<128x1xf32>
    %jit3A_1106 = arith.constant 3.000000e+38 : f32
    %broadcast_in_dim3A_1107 = vector.broadcast %jit3A_1106 : f32 to vector<128x1xf32>
    %select_n3A_1108 = arith.select %eq3A_1105, %broadcast_in_dim3A_1107, %select_n3A_950 : vector<128x1xi1>, vector<128x1xf32>
    %eq3A_1109 = arith.cmpf oeq, %select_n3A_125, %min3A_1104 : vector<128x1xf32>
    %jit3A_1110 = arith.constant 3.000000e+38 : f32
    %broadcast_in_dim3A_1111 = vector.broadcast %jit3A_1110 : f32 to vector<128x1xf32>
    %select_n3A_1112 = arith.select %eq3A_1109, %broadcast_in_dim3A_1111, %select_n3A_954 : vector<128x1xi1>, vector<128x1xf32>
    %eq3A_1113 = arith.cmpf oeq, %select_n3A_177, %min3A_1104 : vector<128x1xf32>
    %jit3A_1114 = arith.constant 3.000000e+38 : f32
    %broadcast_in_dim3A_1115 = vector.broadcast %jit3A_1114 : f32 to vector<128x1xf32>
    %select_n3A_1116 = arith.select %eq3A_1113, %broadcast_in_dim3A_1115, %select_n3A_958 : vector<128x1xi1>, vector<128x1xf32>
    %eq3A_1117 = arith.cmpf oeq, %select_n3A_229, %min3A_1104 : vector<128x1xf32>
    %jit3A_1118 = arith.constant 3.000000e+38 : f32
    %broadcast_in_dim3A_1119 = vector.broadcast %jit3A_1118 : f32 to vector<128x1xf32>
    %select_n3A_1120 = arith.select %eq3A_1117, %broadcast_in_dim3A_1119, %select_n3A_962 : vector<128x1xi1>, vector<128x1xf32>
    %eq3A_1121 = arith.cmpf oeq, %select_n3A_281, %min3A_1104 : vector<128x1xf32>
    %jit3A_1122 = arith.constant 3.000000e+38 : f32
    %broadcast_in_dim3A_1123 = vector.broadcast %jit3A_1122 : f32 to vector<128x1xf32>
    %select_n3A_1124 = arith.select %eq3A_1121, %broadcast_in_dim3A_1123, %select_n3A_966 : vector<128x1xi1>, vector<128x1xf32>
    %eq3A_1125 = arith.cmpf oeq, %select_n3A_333, %min3A_1104 : vector<128x1xf32>
    %jit3A_1126 = arith.constant 3.000000e+38 : f32
    %broadcast_in_dim3A_1127 = vector.broadcast %jit3A_1126 : f32 to vector<128x1xf32>
    %select_n3A_1128 = arith.select %eq3A_1125, %broadcast_in_dim3A_1127, %select_n3A_970 : vector<128x1xi1>, vector<128x1xf32>
    %eq3A_1129 = arith.cmpf oeq, %select_n3A_385, %min3A_1104 : vector<128x1xf32>
    %jit3A_1130 = arith.constant 3.000000e+38 : f32
    %broadcast_in_dim3A_1131 = vector.broadcast %jit3A_1130 : f32 to vector<128x1xf32>
    %select_n3A_1132 = arith.select %eq3A_1129, %broadcast_in_dim3A_1131, %select_n3A_974 : vector<128x1xi1>, vector<128x1xf32>
    %eq3A_1133 = arith.cmpf oeq, %select_n3A_437, %min3A_1104 : vector<128x1xf32>
    %jit3A_1134 = arith.constant 3.000000e+38 : f32
    %broadcast_in_dim3A_1135 = vector.broadcast %jit3A_1134 : f32 to vector<128x1xf32>
    %select_n3A_1136 = arith.select %eq3A_1133, %broadcast_in_dim3A_1135, %select_n3A_978 : vector<128x1xi1>, vector<128x1xf32>
    %eq3A_1137 = arith.cmpf oeq, %select_n3A_489, %min3A_1104 : vector<128x1xf32>
    %jit3A_1138 = arith.constant 3.000000e+38 : f32
    %broadcast_in_dim3A_1139 = vector.broadcast %jit3A_1138 : f32 to vector<128x1xf32>
    %select_n3A_1140 = arith.select %eq3A_1137, %broadcast_in_dim3A_1139, %select_n3A_982 : vector<128x1xi1>, vector<128x1xf32>
    %eq3A_1141 = arith.cmpf oeq, %select_n3A_541, %min3A_1104 : vector<128x1xf32>
    %jit3A_1142 = arith.constant 3.000000e+38 : f32
    %broadcast_in_dim3A_1143 = vector.broadcast %jit3A_1142 : f32 to vector<128x1xf32>
    %select_n3A_1144 = arith.select %eq3A_1141, %broadcast_in_dim3A_1143, %select_n3A_986 : vector<128x1xi1>, vector<128x1xf32>
    %eq3A_1145 = arith.cmpf oeq, %select_n3A_593, %min3A_1104 : vector<128x1xf32>
    %jit3A_1146 = arith.constant 3.000000e+38 : f32
    %broadcast_in_dim3A_1147 = vector.broadcast %jit3A_1146 : f32 to vector<128x1xf32>
    %select_n3A_1148 = arith.select %eq3A_1145, %broadcast_in_dim3A_1147, %select_n3A_990 : vector<128x1xi1>, vector<128x1xf32>
    %eq3A_1149 = arith.cmpf oeq, %select_n3A_645, %min3A_1104 : vector<128x1xf32>
    %jit3A_1150 = arith.constant 3.000000e+38 : f32
    %broadcast_in_dim3A_1151 = vector.broadcast %jit3A_1150 : f32 to vector<128x1xf32>
    %select_n3A_1152 = arith.select %eq3A_1149, %broadcast_in_dim3A_1151, %select_n3A_994 : vector<128x1xi1>, vector<128x1xf32>
    %eq3A_1153 = arith.cmpf oeq, %select_n3A_697, %min3A_1104 : vector<128x1xf32>
    %jit3A_1154 = arith.constant 3.000000e+38 : f32
    %broadcast_in_dim3A_1155 = vector.broadcast %jit3A_1154 : f32 to vector<128x1xf32>
    %select_n3A_1156 = arith.select %eq3A_1153, %broadcast_in_dim3A_1155, %select_n3A_998 : vector<128x1xi1>, vector<128x1xf32>
    %eq3A_1157 = arith.cmpf oeq, %select_n3A_749, %min3A_1104 : vector<128x1xf32>
    %jit3A_1158 = arith.constant 3.000000e+38 : f32
    %broadcast_in_dim3A_1159 = vector.broadcast %jit3A_1158 : f32 to vector<128x1xf32>
    %select_n3A_1160 = arith.select %eq3A_1157, %broadcast_in_dim3A_1159, %select_n3A_1002 : vector<128x1xi1>, vector<128x1xf32>
    %eq3A_1161 = arith.cmpf oeq, %select_n3A_801, %min3A_1104 : vector<128x1xf32>
    %jit3A_1162 = arith.constant 3.000000e+38 : f32
    %broadcast_in_dim3A_1163 = vector.broadcast %jit3A_1162 : f32 to vector<128x1xf32>
    %select_n3A_1164 = arith.select %eq3A_1161, %broadcast_in_dim3A_1163, %select_n3A_1006 : vector<128x1xi1>, vector<128x1xf32>
    %eq3A_1165 = arith.cmpf oeq, %select_n3A_853, %min3A_1104 : vector<128x1xf32>
    %jit3A_1166 = arith.constant 3.000000e+38 : f32
    %broadcast_in_dim3A_1167 = vector.broadcast %jit3A_1166 : f32 to vector<128x1xf32>
    %select_n3A_1168 = arith.select %eq3A_1165, %broadcast_in_dim3A_1167, %select_n3A_1010 : vector<128x1xi1>, vector<128x1xf32>
    %min3A_1169 = arith.minimumf %select_n3A_1108, %select_n3A_1112 : vector<128x1xf32>
    %min3A_1170 = arith.minimumf %min3A_1169, %select_n3A_1116 : vector<128x1xf32>
    %min3A_1171 = arith.minimumf %min3A_1170, %select_n3A_1120 : vector<128x1xf32>
    %min3A_1172 = arith.minimumf %min3A_1171, %select_n3A_1124 : vector<128x1xf32>
    %min3A_1173 = arith.minimumf %min3A_1172, %select_n3A_1128 : vector<128x1xf32>
    %min3A_1174 = arith.minimumf %min3A_1173, %select_n3A_1132 : vector<128x1xf32>
    %min3A_1175 = arith.minimumf %min3A_1174, %select_n3A_1136 : vector<128x1xf32>
    %min3A_1176 = arith.minimumf %min3A_1175, %select_n3A_1140 : vector<128x1xf32>
    %min3A_1177 = arith.minimumf %min3A_1176, %select_n3A_1144 : vector<128x1xf32>
    %min3A_1178 = arith.minimumf %min3A_1177, %select_n3A_1148 : vector<128x1xf32>
    %min3A_1179 = arith.minimumf %min3A_1178, %select_n3A_1152 : vector<128x1xf32>
    %min3A_1180 = arith.minimumf %min3A_1179, %select_n3A_1156 : vector<128x1xf32>
    %min3A_1181 = arith.minimumf %min3A_1180, %select_n3A_1160 : vector<128x1xf32>
    %min3A_1182 = arith.minimumf %min3A_1181, %select_n3A_1164 : vector<128x1xf32>
    %min3A_1183 = arith.minimumf %min3A_1182, %select_n3A_1168 : vector<128x1xf32>
    %eq3A_1184 = arith.cmpf oeq, %select_n3A_1108, %min3A_1183 : vector<128x1xf32>
    %jit3A_1185 = arith.constant 1.000000e+09 : f32
    %broadcast_in_dim3A_1186 = vector.broadcast %jit3A_1185 : f32 to vector<128x1xf32>
    %select_n3A_1187 = arith.select %eq3A_1184, %select_n3A_73, %broadcast_in_dim3A_1186 : vector<128x1xi1>, vector<128x1xf32>
    %eq3A_1188 = arith.cmpf oeq, %select_n3A_1112, %min3A_1183 : vector<128x1xf32>
    %jit3A_1189 = arith.constant 1.000000e+09 : f32
    %broadcast_in_dim3A_1190 = vector.broadcast %jit3A_1189 : f32 to vector<128x1xf32>
    %select_n3A_1191 = arith.select %eq3A_1188, %select_n3A_125, %broadcast_in_dim3A_1190 : vector<128x1xi1>, vector<128x1xf32>
    %eq3A_1192 = arith.cmpf oeq, %select_n3A_1116, %min3A_1183 : vector<128x1xf32>
    %jit3A_1193 = arith.constant 1.000000e+09 : f32
    %broadcast_in_dim3A_1194 = vector.broadcast %jit3A_1193 : f32 to vector<128x1xf32>
    %select_n3A_1195 = arith.select %eq3A_1192, %select_n3A_177, %broadcast_in_dim3A_1194 : vector<128x1xi1>, vector<128x1xf32>
    %eq3A_1196 = arith.cmpf oeq, %select_n3A_1120, %min3A_1183 : vector<128x1xf32>
    %jit3A_1197 = arith.constant 1.000000e+09 : f32
    %broadcast_in_dim3A_1198 = vector.broadcast %jit3A_1197 : f32 to vector<128x1xf32>
    %select_n3A_1199 = arith.select %eq3A_1196, %select_n3A_229, %broadcast_in_dim3A_1198 : vector<128x1xi1>, vector<128x1xf32>
    %eq3A_1200 = arith.cmpf oeq, %select_n3A_1124, %min3A_1183 : vector<128x1xf32>
    %jit3A_1201 = arith.constant 1.000000e+09 : f32
    %broadcast_in_dim3A_1202 = vector.broadcast %jit3A_1201 : f32 to vector<128x1xf32>
    %select_n3A_1203 = arith.select %eq3A_1200, %select_n3A_281, %broadcast_in_dim3A_1202 : vector<128x1xi1>, vector<128x1xf32>
    %eq3A_1204 = arith.cmpf oeq, %select_n3A_1128, %min3A_1183 : vector<128x1xf32>
    %jit3A_1205 = arith.constant 1.000000e+09 : f32
    %broadcast_in_dim3A_1206 = vector.broadcast %jit3A_1205 : f32 to vector<128x1xf32>
    %select_n3A_1207 = arith.select %eq3A_1204, %select_n3A_333, %broadcast_in_dim3A_1206 : vector<128x1xi1>, vector<128x1xf32>
    %eq3A_1208 = arith.cmpf oeq, %select_n3A_1132, %min3A_1183 : vector<128x1xf32>
    %jit3A_1209 = arith.constant 1.000000e+09 : f32
    %broadcast_in_dim3A_1210 = vector.broadcast %jit3A_1209 : f32 to vector<128x1xf32>
    %select_n3A_1211 = arith.select %eq3A_1208, %select_n3A_385, %broadcast_in_dim3A_1210 : vector<128x1xi1>, vector<128x1xf32>
    %eq3A_1212 = arith.cmpf oeq, %select_n3A_1136, %min3A_1183 : vector<128x1xf32>
    %jit3A_1213 = arith.constant 1.000000e+09 : f32
    %broadcast_in_dim3A_1214 = vector.broadcast %jit3A_1213 : f32 to vector<128x1xf32>
    %select_n3A_1215 = arith.select %eq3A_1212, %select_n3A_437, %broadcast_in_dim3A_1214 : vector<128x1xi1>, vector<128x1xf32>
    %eq3A_1216 = arith.cmpf oeq, %select_n3A_1140, %min3A_1183 : vector<128x1xf32>
    %jit3A_1217 = arith.constant 1.000000e+09 : f32
    %broadcast_in_dim3A_1218 = vector.broadcast %jit3A_1217 : f32 to vector<128x1xf32>
    %select_n3A_1219 = arith.select %eq3A_1216, %select_n3A_489, %broadcast_in_dim3A_1218 : vector<128x1xi1>, vector<128x1xf32>
    %eq3A_1220 = arith.cmpf oeq, %select_n3A_1144, %min3A_1183 : vector<128x1xf32>
    %jit3A_1221 = arith.constant 1.000000e+09 : f32
    %broadcast_in_dim3A_1222 = vector.broadcast %jit3A_1221 : f32 to vector<128x1xf32>
    %select_n3A_1223 = arith.select %eq3A_1220, %select_n3A_541, %broadcast_in_dim3A_1222 : vector<128x1xi1>, vector<128x1xf32>
    %eq3A_1224 = arith.cmpf oeq, %select_n3A_1148, %min3A_1183 : vector<128x1xf32>
    %jit3A_1225 = arith.constant 1.000000e+09 : f32
    %broadcast_in_dim3A_1226 = vector.broadcast %jit3A_1225 : f32 to vector<128x1xf32>
    %select_n3A_1227 = arith.select %eq3A_1224, %select_n3A_593, %broadcast_in_dim3A_1226 : vector<128x1xi1>, vector<128x1xf32>
    %eq3A_1228 = arith.cmpf oeq, %select_n3A_1152, %min3A_1183 : vector<128x1xf32>
    %jit3A_1229 = arith.constant 1.000000e+09 : f32
    %broadcast_in_dim3A_1230 = vector.broadcast %jit3A_1229 : f32 to vector<128x1xf32>
    %select_n3A_1231 = arith.select %eq3A_1228, %select_n3A_645, %broadcast_in_dim3A_1230 : vector<128x1xi1>, vector<128x1xf32>
    %eq3A_1232 = arith.cmpf oeq, %select_n3A_1156, %min3A_1183 : vector<128x1xf32>
    %jit3A_1233 = arith.constant 1.000000e+09 : f32
    %broadcast_in_dim3A_1234 = vector.broadcast %jit3A_1233 : f32 to vector<128x1xf32>
    %select_n3A_1235 = arith.select %eq3A_1232, %select_n3A_697, %broadcast_in_dim3A_1234 : vector<128x1xi1>, vector<128x1xf32>
    %eq3A_1236 = arith.cmpf oeq, %select_n3A_1160, %min3A_1183 : vector<128x1xf32>
    %jit3A_1237 = arith.constant 1.000000e+09 : f32
    %broadcast_in_dim3A_1238 = vector.broadcast %jit3A_1237 : f32 to vector<128x1xf32>
    %select_n3A_1239 = arith.select %eq3A_1236, %select_n3A_749, %broadcast_in_dim3A_1238 : vector<128x1xi1>, vector<128x1xf32>
    %eq3A_1240 = arith.cmpf oeq, %select_n3A_1164, %min3A_1183 : vector<128x1xf32>
    %jit3A_1241 = arith.constant 1.000000e+09 : f32
    %broadcast_in_dim3A_1242 = vector.broadcast %jit3A_1241 : f32 to vector<128x1xf32>
    %select_n3A_1243 = arith.select %eq3A_1240, %select_n3A_801, %broadcast_in_dim3A_1242 : vector<128x1xi1>, vector<128x1xf32>
    %eq3A_1244 = arith.cmpf oeq, %select_n3A_1168, %min3A_1183 : vector<128x1xf32>
    %jit3A_1245 = arith.constant 1.000000e+09 : f32
    %broadcast_in_dim3A_1246 = vector.broadcast %jit3A_1245 : f32 to vector<128x1xf32>
    %select_n3A_1247 = arith.select %eq3A_1244, %select_n3A_853, %broadcast_in_dim3A_1246 : vector<128x1xi1>, vector<128x1xf32>
    %min3A_1248 = arith.minimumf %select_n3A_1187, %select_n3A_1191 : vector<128x1xf32>
    %min3A_1249 = arith.minimumf %min3A_1248, %select_n3A_1195 : vector<128x1xf32>
    %min3A_1250 = arith.minimumf %min3A_1249, %select_n3A_1199 : vector<128x1xf32>
    %min3A_1251 = arith.minimumf %min3A_1250, %select_n3A_1203 : vector<128x1xf32>
    %min3A_1252 = arith.minimumf %min3A_1251, %select_n3A_1207 : vector<128x1xf32>
    %min3A_1253 = arith.minimumf %min3A_1252, %select_n3A_1211 : vector<128x1xf32>
    %min3A_1254 = arith.minimumf %min3A_1253, %select_n3A_1215 : vector<128x1xf32>
    %min3A_1255 = arith.minimumf %min3A_1254, %select_n3A_1219 : vector<128x1xf32>
    %min3A_1256 = arith.minimumf %min3A_1255, %select_n3A_1223 : vector<128x1xf32>
    %min3A_1257 = arith.minimumf %min3A_1256, %select_n3A_1227 : vector<128x1xf32>
    %min3A_1258 = arith.minimumf %min3A_1257, %select_n3A_1231 : vector<128x1xf32>
    %min3A_1259 = arith.minimumf %min3A_1258, %select_n3A_1235 : vector<128x1xf32>
    %min3A_1260 = arith.minimumf %min3A_1259, %select_n3A_1239 : vector<128x1xf32>
    %min3A_1261 = arith.minimumf %min3A_1260, %select_n3A_1243 : vector<128x1xf32>
    %min3A_1262 = arith.minimumf %min3A_1261, %select_n3A_1247 : vector<128x1xf32>
    %eq3A_1263 = arith.cmpf oeq, %select_n3A_73, %min3A_1262 : vector<128x1xf32>
    %jit3A_1264 = arith.constant 3.000000e+38 : f32
    %broadcast_in_dim3A_1265 = vector.broadcast %jit3A_1264 : f32 to vector<128x1xf32>
    %select_n3A_1266 = arith.select %eq3A_1263, %broadcast_in_dim3A_1265, %select_n3A_1108 : vector<128x1xi1>, vector<128x1xf32>
    %eq3A_1267 = arith.cmpf oeq, %select_n3A_125, %min3A_1262 : vector<128x1xf32>
    %jit3A_1268 = arith.constant 3.000000e+38 : f32
    %broadcast_in_dim3A_1269 = vector.broadcast %jit3A_1268 : f32 to vector<128x1xf32>
    %select_n3A_1270 = arith.select %eq3A_1267, %broadcast_in_dim3A_1269, %select_n3A_1112 : vector<128x1xi1>, vector<128x1xf32>
    %eq3A_1271 = arith.cmpf oeq, %select_n3A_177, %min3A_1262 : vector<128x1xf32>
    %jit3A_1272 = arith.constant 3.000000e+38 : f32
    %broadcast_in_dim3A_1273 = vector.broadcast %jit3A_1272 : f32 to vector<128x1xf32>
    %select_n3A_1274 = arith.select %eq3A_1271, %broadcast_in_dim3A_1273, %select_n3A_1116 : vector<128x1xi1>, vector<128x1xf32>
    %eq3A_1275 = arith.cmpf oeq, %select_n3A_229, %min3A_1262 : vector<128x1xf32>
    %jit3A_1276 = arith.constant 3.000000e+38 : f32
    %broadcast_in_dim3A_1277 = vector.broadcast %jit3A_1276 : f32 to vector<128x1xf32>
    %select_n3A_1278 = arith.select %eq3A_1275, %broadcast_in_dim3A_1277, %select_n3A_1120 : vector<128x1xi1>, vector<128x1xf32>
    %eq3A_1279 = arith.cmpf oeq, %select_n3A_281, %min3A_1262 : vector<128x1xf32>
    %jit3A_1280 = arith.constant 3.000000e+38 : f32
    %broadcast_in_dim3A_1281 = vector.broadcast %jit3A_1280 : f32 to vector<128x1xf32>
    %select_n3A_1282 = arith.select %eq3A_1279, %broadcast_in_dim3A_1281, %select_n3A_1124 : vector<128x1xi1>, vector<128x1xf32>
    %eq3A_1283 = arith.cmpf oeq, %select_n3A_333, %min3A_1262 : vector<128x1xf32>
    %jit3A_1284 = arith.constant 3.000000e+38 : f32
    %broadcast_in_dim3A_1285 = vector.broadcast %jit3A_1284 : f32 to vector<128x1xf32>
    %select_n3A_1286 = arith.select %eq3A_1283, %broadcast_in_dim3A_1285, %select_n3A_1128 : vector<128x1xi1>, vector<128x1xf32>
    %eq3A_1287 = arith.cmpf oeq, %select_n3A_385, %min3A_1262 : vector<128x1xf32>
    %jit3A_1288 = arith.constant 3.000000e+38 : f32
    %broadcast_in_dim3A_1289 = vector.broadcast %jit3A_1288 : f32 to vector<128x1xf32>
    %select_n3A_1290 = arith.select %eq3A_1287, %broadcast_in_dim3A_1289, %select_n3A_1132 : vector<128x1xi1>, vector<128x1xf32>
    %eq3A_1291 = arith.cmpf oeq, %select_n3A_437, %min3A_1262 : vector<128x1xf32>
    %jit3A_1292 = arith.constant 3.000000e+38 : f32
    %broadcast_in_dim3A_1293 = vector.broadcast %jit3A_1292 : f32 to vector<128x1xf32>
    %select_n3A_1294 = arith.select %eq3A_1291, %broadcast_in_dim3A_1293, %select_n3A_1136 : vector<128x1xi1>, vector<128x1xf32>
    %eq3A_1295 = arith.cmpf oeq, %select_n3A_489, %min3A_1262 : vector<128x1xf32>
    %jit3A_1296 = arith.constant 3.000000e+38 : f32
    %broadcast_in_dim3A_1297 = vector.broadcast %jit3A_1296 : f32 to vector<128x1xf32>
    %select_n3A_1298 = arith.select %eq3A_1295, %broadcast_in_dim3A_1297, %select_n3A_1140 : vector<128x1xi1>, vector<128x1xf32>
    %eq3A_1299 = arith.cmpf oeq, %select_n3A_541, %min3A_1262 : vector<128x1xf32>
    %jit3A_1300 = arith.constant 3.000000e+38 : f32
    %broadcast_in_dim3A_1301 = vector.broadcast %jit3A_1300 : f32 to vector<128x1xf32>
    %select_n3A_1302 = arith.select %eq3A_1299, %broadcast_in_dim3A_1301, %select_n3A_1144 : vector<128x1xi1>, vector<128x1xf32>
    %eq3A_1303 = arith.cmpf oeq, %select_n3A_593, %min3A_1262 : vector<128x1xf32>
    %jit3A_1304 = arith.constant 3.000000e+38 : f32
    %broadcast_in_dim3A_1305 = vector.broadcast %jit3A_1304 : f32 to vector<128x1xf32>
    %select_n3A_1306 = arith.select %eq3A_1303, %broadcast_in_dim3A_1305, %select_n3A_1148 : vector<128x1xi1>, vector<128x1xf32>
    %eq3A_1307 = arith.cmpf oeq, %select_n3A_645, %min3A_1262 : vector<128x1xf32>
    %jit3A_1308 = arith.constant 3.000000e+38 : f32
    %broadcast_in_dim3A_1309 = vector.broadcast %jit3A_1308 : f32 to vector<128x1xf32>
    %select_n3A_1310 = arith.select %eq3A_1307, %broadcast_in_dim3A_1309, %select_n3A_1152 : vector<128x1xi1>, vector<128x1xf32>
    %eq3A_1311 = arith.cmpf oeq, %select_n3A_697, %min3A_1262 : vector<128x1xf32>
    %jit3A_1312 = arith.constant 3.000000e+38 : f32
    %broadcast_in_dim3A_1313 = vector.broadcast %jit3A_1312 : f32 to vector<128x1xf32>
    %select_n3A_1314 = arith.select %eq3A_1311, %broadcast_in_dim3A_1313, %select_n3A_1156 : vector<128x1xi1>, vector<128x1xf32>
    %eq3A_1315 = arith.cmpf oeq, %select_n3A_749, %min3A_1262 : vector<128x1xf32>
    %jit3A_1316 = arith.constant 3.000000e+38 : f32
    %broadcast_in_dim3A_1317 = vector.broadcast %jit3A_1316 : f32 to vector<128x1xf32>
    %select_n3A_1318 = arith.select %eq3A_1315, %broadcast_in_dim3A_1317, %select_n3A_1160 : vector<128x1xi1>, vector<128x1xf32>
    %eq3A_1319 = arith.cmpf oeq, %select_n3A_801, %min3A_1262 : vector<128x1xf32>
    %jit3A_1320 = arith.constant 3.000000e+38 : f32
    %broadcast_in_dim3A_1321 = vector.broadcast %jit3A_1320 : f32 to vector<128x1xf32>
    %select_n3A_1322 = arith.select %eq3A_1319, %broadcast_in_dim3A_1321, %select_n3A_1164 : vector<128x1xi1>, vector<128x1xf32>
    %eq3A_1323 = arith.cmpf oeq, %select_n3A_853, %min3A_1262 : vector<128x1xf32>
    %jit3A_1324 = arith.constant 3.000000e+38 : f32
    %broadcast_in_dim3A_1325 = vector.broadcast %jit3A_1324 : f32 to vector<128x1xf32>
    %select_n3A_1326 = arith.select %eq3A_1323, %broadcast_in_dim3A_1325, %select_n3A_1168 : vector<128x1xi1>, vector<128x1xf32>
    %min3A_1327 = arith.minimumf %select_n3A_1266, %select_n3A_1270 : vector<128x1xf32>
    %min3A_1328 = arith.minimumf %min3A_1327, %select_n3A_1274 : vector<128x1xf32>
    %min3A_1329 = arith.minimumf %min3A_1328, %select_n3A_1278 : vector<128x1xf32>
    %min3A_1330 = arith.minimumf %min3A_1329, %select_n3A_1282 : vector<128x1xf32>
    %min3A_1331 = arith.minimumf %min3A_1330, %select_n3A_1286 : vector<128x1xf32>
    %min3A_1332 = arith.minimumf %min3A_1331, %select_n3A_1290 : vector<128x1xf32>
    %min3A_1333 = arith.minimumf %min3A_1332, %select_n3A_1294 : vector<128x1xf32>
    %min3A_1334 = arith.minimumf %min3A_1333, %select_n3A_1298 : vector<128x1xf32>
    %min3A_1335 = arith.minimumf %min3A_1334, %select_n3A_1302 : vector<128x1xf32>
    %min3A_1336 = arith.minimumf %min3A_1335, %select_n3A_1306 : vector<128x1xf32>
    %min3A_1337 = arith.minimumf %min3A_1336, %select_n3A_1310 : vector<128x1xf32>
    %min3A_1338 = arith.minimumf %min3A_1337, %select_n3A_1314 : vector<128x1xf32>
    %min3A_1339 = arith.minimumf %min3A_1338, %select_n3A_1318 : vector<128x1xf32>
    %min3A_1340 = arith.minimumf %min3A_1339, %select_n3A_1322 : vector<128x1xf32>
    %min3A_1341 = arith.minimumf %min3A_1340, %select_n3A_1326 : vector<128x1xf32>
    %eq3A_1342 = arith.cmpf oeq, %select_n3A_1266, %min3A_1341 : vector<128x1xf32>
    %jit3A_1343 = arith.constant 1.000000e+09 : f32
    %broadcast_in_dim3A_1344 = vector.broadcast %jit3A_1343 : f32 to vector<128x1xf32>
    %select_n3A_1345 = arith.select %eq3A_1342, %select_n3A_73, %broadcast_in_dim3A_1344 : vector<128x1xi1>, vector<128x1xf32>
    %eq3A_1346 = arith.cmpf oeq, %select_n3A_1270, %min3A_1341 : vector<128x1xf32>
    %jit3A_1347 = arith.constant 1.000000e+09 : f32
    %broadcast_in_dim3A_1348 = vector.broadcast %jit3A_1347 : f32 to vector<128x1xf32>
    %select_n3A_1349 = arith.select %eq3A_1346, %select_n3A_125, %broadcast_in_dim3A_1348 : vector<128x1xi1>, vector<128x1xf32>
    %eq3A_1350 = arith.cmpf oeq, %select_n3A_1274, %min3A_1341 : vector<128x1xf32>
    %jit3A_1351 = arith.constant 1.000000e+09 : f32
    %broadcast_in_dim3A_1352 = vector.broadcast %jit3A_1351 : f32 to vector<128x1xf32>
    %select_n3A_1353 = arith.select %eq3A_1350, %select_n3A_177, %broadcast_in_dim3A_1352 : vector<128x1xi1>, vector<128x1xf32>
    %eq3A_1354 = arith.cmpf oeq, %select_n3A_1278, %min3A_1341 : vector<128x1xf32>
    %jit3A_1355 = arith.constant 1.000000e+09 : f32
    %broadcast_in_dim3A_1356 = vector.broadcast %jit3A_1355 : f32 to vector<128x1xf32>
    %select_n3A_1357 = arith.select %eq3A_1354, %select_n3A_229, %broadcast_in_dim3A_1356 : vector<128x1xi1>, vector<128x1xf32>
    %eq3A_1358 = arith.cmpf oeq, %select_n3A_1282, %min3A_1341 : vector<128x1xf32>
    %jit3A_1359 = arith.constant 1.000000e+09 : f32
    %broadcast_in_dim3A_1360 = vector.broadcast %jit3A_1359 : f32 to vector<128x1xf32>
    %select_n3A_1361 = arith.select %eq3A_1358, %select_n3A_281, %broadcast_in_dim3A_1360 : vector<128x1xi1>, vector<128x1xf32>
    %eq3A_1362 = arith.cmpf oeq, %select_n3A_1286, %min3A_1341 : vector<128x1xf32>
    %jit3A_1363 = arith.constant 1.000000e+09 : f32
    %broadcast_in_dim3A_1364 = vector.broadcast %jit3A_1363 : f32 to vector<128x1xf32>
    %select_n3A_1365 = arith.select %eq3A_1362, %select_n3A_333, %broadcast_in_dim3A_1364 : vector<128x1xi1>, vector<128x1xf32>
    %eq3A_1366 = arith.cmpf oeq, %select_n3A_1290, %min3A_1341 : vector<128x1xf32>
    %jit3A_1367 = arith.constant 1.000000e+09 : f32
    %broadcast_in_dim3A_1368 = vector.broadcast %jit3A_1367 : f32 to vector<128x1xf32>
    %select_n3A_1369 = arith.select %eq3A_1366, %select_n3A_385, %broadcast_in_dim3A_1368 : vector<128x1xi1>, vector<128x1xf32>
    %eq3A_1370 = arith.cmpf oeq, %select_n3A_1294, %min3A_1341 : vector<128x1xf32>
    %jit3A_1371 = arith.constant 1.000000e+09 : f32
    %broadcast_in_dim3A_1372 = vector.broadcast %jit3A_1371 : f32 to vector<128x1xf32>
    %select_n3A_1373 = arith.select %eq3A_1370, %select_n3A_437, %broadcast_in_dim3A_1372 : vector<128x1xi1>, vector<128x1xf32>
    %eq3A_1374 = arith.cmpf oeq, %select_n3A_1298, %min3A_1341 : vector<128x1xf32>
    %jit3A_1375 = arith.constant 1.000000e+09 : f32
    %broadcast_in_dim3A_1376 = vector.broadcast %jit3A_1375 : f32 to vector<128x1xf32>
    %select_n3A_1377 = arith.select %eq3A_1374, %select_n3A_489, %broadcast_in_dim3A_1376 : vector<128x1xi1>, vector<128x1xf32>
    %eq3A_1378 = arith.cmpf oeq, %select_n3A_1302, %min3A_1341 : vector<128x1xf32>
    %jit3A_1379 = arith.constant 1.000000e+09 : f32
    %broadcast_in_dim3A_1380 = vector.broadcast %jit3A_1379 : f32 to vector<128x1xf32>
    %select_n3A_1381 = arith.select %eq3A_1378, %select_n3A_541, %broadcast_in_dim3A_1380 : vector<128x1xi1>, vector<128x1xf32>
    %eq3A_1382 = arith.cmpf oeq, %select_n3A_1306, %min3A_1341 : vector<128x1xf32>
    %jit3A_1383 = arith.constant 1.000000e+09 : f32
    %broadcast_in_dim3A_1384 = vector.broadcast %jit3A_1383 : f32 to vector<128x1xf32>
    %select_n3A_1385 = arith.select %eq3A_1382, %select_n3A_593, %broadcast_in_dim3A_1384 : vector<128x1xi1>, vector<128x1xf32>
    %eq3A_1386 = arith.cmpf oeq, %select_n3A_1310, %min3A_1341 : vector<128x1xf32>
    %jit3A_1387 = arith.constant 1.000000e+09 : f32
    %broadcast_in_dim3A_1388 = vector.broadcast %jit3A_1387 : f32 to vector<128x1xf32>
    %select_n3A_1389 = arith.select %eq3A_1386, %select_n3A_645, %broadcast_in_dim3A_1388 : vector<128x1xi1>, vector<128x1xf32>
    %eq3A_1390 = arith.cmpf oeq, %select_n3A_1314, %min3A_1341 : vector<128x1xf32>
    %jit3A_1391 = arith.constant 1.000000e+09 : f32
    %broadcast_in_dim3A_1392 = vector.broadcast %jit3A_1391 : f32 to vector<128x1xf32>
    %select_n3A_1393 = arith.select %eq3A_1390, %select_n3A_697, %broadcast_in_dim3A_1392 : vector<128x1xi1>, vector<128x1xf32>
    %eq3A_1394 = arith.cmpf oeq, %select_n3A_1318, %min3A_1341 : vector<128x1xf32>
    %jit3A_1395 = arith.constant 1.000000e+09 : f32
    %broadcast_in_dim3A_1396 = vector.broadcast %jit3A_1395 : f32 to vector<128x1xf32>
    %select_n3A_1397 = arith.select %eq3A_1394, %select_n3A_749, %broadcast_in_dim3A_1396 : vector<128x1xi1>, vector<128x1xf32>
    %eq3A_1398 = arith.cmpf oeq, %select_n3A_1322, %min3A_1341 : vector<128x1xf32>
    %jit3A_1399 = arith.constant 1.000000e+09 : f32
    %broadcast_in_dim3A_1400 = vector.broadcast %jit3A_1399 : f32 to vector<128x1xf32>
    %select_n3A_1401 = arith.select %eq3A_1398, %select_n3A_801, %broadcast_in_dim3A_1400 : vector<128x1xi1>, vector<128x1xf32>
    %eq3A_1402 = arith.cmpf oeq, %select_n3A_1326, %min3A_1341 : vector<128x1xf32>
    %jit3A_1403 = arith.constant 1.000000e+09 : f32
    %broadcast_in_dim3A_1404 = vector.broadcast %jit3A_1403 : f32 to vector<128x1xf32>
    %select_n3A_1405 = arith.select %eq3A_1402, %select_n3A_853, %broadcast_in_dim3A_1404 : vector<128x1xi1>, vector<128x1xf32>
    %min3A_1406 = arith.minimumf %select_n3A_1345, %select_n3A_1349 : vector<128x1xf32>
    %min3A_1407 = arith.minimumf %min3A_1406, %select_n3A_1353 : vector<128x1xf32>
    %min3A_1408 = arith.minimumf %min3A_1407, %select_n3A_1357 : vector<128x1xf32>
    %min3A_1409 = arith.minimumf %min3A_1408, %select_n3A_1361 : vector<128x1xf32>
    %min3A_1410 = arith.minimumf %min3A_1409, %select_n3A_1365 : vector<128x1xf32>
    %min3A_1411 = arith.minimumf %min3A_1410, %select_n3A_1369 : vector<128x1xf32>
    %min3A_1412 = arith.minimumf %min3A_1411, %select_n3A_1373 : vector<128x1xf32>
    %min3A_1413 = arith.minimumf %min3A_1412, %select_n3A_1377 : vector<128x1xf32>
    %min3A_1414 = arith.minimumf %min3A_1413, %select_n3A_1381 : vector<128x1xf32>
    %min3A_1415 = arith.minimumf %min3A_1414, %select_n3A_1385 : vector<128x1xf32>
    %min3A_1416 = arith.minimumf %min3A_1415, %select_n3A_1389 : vector<128x1xf32>
    %min3A_1417 = arith.minimumf %min3A_1416, %select_n3A_1393 : vector<128x1xf32>
    %min3A_1418 = arith.minimumf %min3A_1417, %select_n3A_1397 : vector<128x1xf32>
    %min3A_1419 = arith.minimumf %min3A_1418, %select_n3A_1401 : vector<128x1xf32>
    %min3A_1420 = arith.minimumf %min3A_1419, %select_n3A_1405 : vector<128x1xf32>
    %convert_element_type3A = arith.fptosi %min3A_946 : vector<128x1xf32> to vector<128x1xi32>
    %swap3A = arith.constant 0 : index
    %swap3A_1421 = arith.constant 0 : index
    %swap3A_1422 = arith.constant 0 : index
    %swap3A_1423 = vector.load %arg3[%swap3A, %swap3A_1421, %swap3A_1422] : memref<1x128x4xi32, #tpu.memory_space<vmem>>, vector<1x128x1xi32>
    %swap3A_1424 = vector.shape_cast %swap3A_1423 : vector<1x128x1xi32> to vector<128x1xi32>
    %swap3A_1425 = vector.shape_cast %convert_element_type3A : vector<128x1xi32> to vector<1x128x1xi32>
    tpu.vector_store %arg3[%swap3A, %swap3A_1421, %swap3A_1422], %swap3A_1425 {strides = array<i32>} : memref<1x128x4xi32, #tpu.memory_space<vmem>>, vector<1x128x1xi32>,
    %convert_element_type3A_1426 = arith.fptosi %min3A_1104 : vector<128x1xf32> to vector<128x1xi32>
    %swap3A_1427 = arith.constant 0 : index
    %swap3A_1428 = arith.constant 0 : index
    %swap3A_1429 = arith.constant 1 : index
    %swap3A_1430 = vector.load %arg3[%swap3A_1427, %swap3A_1428, %swap3A_1429] : memref<1x128x4xi32, #tpu.memory_space<vmem>>, vector<1x128x1xi32>
    %swap3A_1431 = vector.shape_cast %swap3A_1430 : vector<1x128x1xi32> to vector<128x1xi32>
    %swap3A_1432 = vector.shape_cast %convert_element_type3A_1426 : vector<128x1xi32> to vector<1x128x1xi32>
    tpu.vector_store %arg3[%swap3A_1427, %swap3A_1428, %swap3A_1429], %swap3A_1432 {strides = array<i32>} : memref<1x128x4xi32, #tpu.memory_space<vmem>>, vector<1x128x1xi32>,
    %convert_element_type3A_1433 = arith.fptosi %min3A_1262 : vector<128x1xf32> to vector<128x1xi32>
    %swap3A_1434 = arith.constant 0 : index
    %swap3A_1435 = arith.constant 0 : index
    %swap3A_1436 = arith.constant 2 : index
    %swap3A_1437 = vector.load %arg3[%swap3A_1434, %swap3A_1435, %swap3A_1436] : memref<1x128x4xi32, #tpu.memory_space<vmem>>, vector<1x128x1xi32>
    %swap3A_1438 = vector.shape_cast %swap3A_1437 : vector<1x128x1xi32> to vector<128x1xi32>
    %swap3A_1439 = vector.shape_cast %convert_element_type3A_1433 : vector<128x1xi32> to vector<1x128x1xi32>
    tpu.vector_store %arg3[%swap3A_1434, %swap3A_1435, %swap3A_1436], %swap3A_1439 {strides = array<i32>} : memref<1x128x4xi32, #tpu.memory_space<vmem>>, vector<1x128x1xi32>,
    %convert_element_type3A_1440 = arith.fptosi %min3A_1420 : vector<128x1xf32> to vector<128x1xi32>
    %swap3A_1441 = arith.constant 0 : index
    %swap3A_1442 = arith.constant 0 : index
    %swap3A_1443 = arith.constant 3 : index
    %swap3A_1444 = vector.load %arg3[%swap3A_1441, %swap3A_1442, %swap3A_1443] : memref<1x128x4xi32, #tpu.memory_space<vmem>>, vector<1x128x1xi32>
    %swap3A_1445 = vector.shape_cast %swap3A_1444 : vector<1x128x1xi32> to vector<128x1xi32>
    %swap3A_1446 = vector.shape_cast %convert_element_type3A_1440 : vector<128x1xi32> to vector<1x128x1xi32>
    tpu.vector_store %arg3[%swap3A_1441, %swap3A_1442, %swap3A_1443], %swap3A_1446 {strides = array<i32>} : memref<1x128x4xi32, #tpu.memory_space<vmem>>, vector<1x128x1xi32>,
    return
  }
  func.func @transform_0(%arg0: i32, %arg1: i32) -> (i32, i32, i32) {
    %c0_i32 = arith.constant 0 : i32
    %c0_i32_0 = arith.constant 0 : i32
    return %arg0, %arg1, %c0_i32 : i32, i32, i32
  }
  func.func @transform_1(%arg0: i32, %arg1: i32) -> (i32, i32, i32) {
    %c0_i32 = arith.constant 0 : i32
    %c0_i32_0 = arith.constant 0 : i32
    return %arg0, %arg1, %c0_i32 : i32, i32, i32
  }
}

module attributes {stable_mosaic.version = 14 : i64} {
  func.func @_k2_body(%arg0: i32, %arg1: i32, %arg2: memref<1x128x128xf32, #tpu.memory_space<vmem>>, %arg3: memref<1x4096x128xf32, #tpu.memory_space<vmem>>, %arg4: memref<1x128x2xf32, #tpu.memory_space<vmem>>, %arg5: memref<1x128x128xf32, #tpu.memory_space<vmem>>, %arg6: memref<1x128x128xf32, #tpu.memory_space<vmem>>, %arg7: memref<1x128x128xf32, #tpu.memory_space<vmem>>, %arg8: memref<1x128x128xf32, #tpu.memory_space<vmem>>, %arg9: memref<1x128x4xf32, #tpu.memory_space<vmem>>, %arg10: memref<1x128x4xf32, #tpu.memory_space<vmem>>, %arg11: memref<1x128x128xf32, #tpu.memory_space<vmem>>, %arg12: memref<1x1x1x1xf32, #tpu.memory_space<smem>>) attributes {dimension_semantics = [#tpu.dimension_semantics<arbitrary>, #tpu.dimension_semantics<arbitrary>], iteration_bounds = array<i64: 4, 4>, scalar_prefetch = 0 : i64, scratch_operands = 0 : i64, tpu.core_type = #tpu.core_type<tc>, window_params = [{transform_indices = @transform_0, window_bounds = array<i64: 1, 128, 128>}, {transform_indices = @transform_1, window_bounds = array<i64: 1, 4096, 128>}, {transform_indices = @transform_2, window_bounds = array<i64: 1, 128, 2>}, {transform_indices = @transform_3, window_bounds = array<i64: 1, 128, 128>}, {transform_indices = @transform_4, window_bounds = array<i64: 1, 128, 128>}, {transform_indices = @transform_5, window_bounds = array<i64: 1, 128, 128>}, {transform_indices = @transform_6, window_bounds = array<i64: 1, 128, 128>}, {transform_indices = @transform_7, window_bounds = array<i64: 1, 128, 4>}, {transform_indices = @transform_8, window_bounds = array<i64: 1, 128, 4>}, {transform_indices = @transform_9, window_bounds = array<i64: 1, 128, 128>}, {transform_indices = @transform_10, window_bounds = array<i64: 1, 1, 1, 1>}]} {
    %get3A = arith.constant 0 : index
    %get3A_0 = arith.constant 0 : index
    %get3A_1 = arith.constant 0 : index
    %get3A_2 = vector.load %arg9[%get3A, %get3A_0, %get3A_1] : memref<1x128x4xf32, #tpu.memory_space<vmem>>, vector<1x128x4xf32>
    %get3A_3 = vector.shape_cast %get3A_2 : vector<1x128x4xf32> to vector<128x4xf32>
    %get3A_4 = arith.constant 0 : index
    %get3A_5 = arith.constant 0 : index
    %get3A_6 = arith.constant 0 : index
    %get3A_7 = vector.load %arg10[%get3A_4, %get3A_5, %get3A_6] : memref<1x128x4xf32, #tpu.memory_space<vmem>>, vector<1x128x4xf32>
    %get3A_8 = vector.shape_cast %get3A_7 : vector<1x128x4xf32> to vector<128x4xf32>
    %mul3A = arith.constant 1.250000e-01 : f32
    %mul3A_9 = vector.broadcast %mul3A : f32 to vector<128x4xf32>
    %mul3A_10 = arith.mulf %get3A_3, %mul3A_9 : vector<128x4xf32>
    %sub3A = arith.constant 5.000000e-01 : f32
    %sub3A_11 = vector.broadcast %sub3A : f32 to vector<128x4xf32>
    %sub3A_12 = arith.subf %mul3A_10, %sub3A_11 : vector<128x4xf32>
    %jit3A = arith.constant -5.000000e-01 : f32
    %jit3A_13 = arith.constant 6.350000e+01 : f32
    %max3A = vector.broadcast %jit3A : f32 to vector<128x4xf32>
    %max3A_14 = arith.maximumf %max3A, %sub3A_12 : vector<128x4xf32>
    %min3A = vector.broadcast %jit3A_13 : f32 to vector<128x4xf32>
    %min3A_15 = arith.minimumf %min3A, %max3A_14 : vector<128x4xf32>
    %mul3A_16 = arith.constant 1.250000e-01 : f32
    %mul3A_17 = vector.broadcast %mul3A_16 : f32 to vector<128x4xf32>
    %mul3A_18 = arith.mulf %get3A_8, %mul3A_17 : vector<128x4xf32>
    %sub3A_19 = arith.constant 5.000000e-01 : f32
    %sub3A_20 = vector.broadcast %sub3A_19 : f32 to vector<128x4xf32>
    %sub3A_21 = arith.subf %mul3A_18, %sub3A_20 : vector<128x4xf32>
    %jit3A_22 = arith.constant -5.000000e-01 : f32
    %jit3A_23 = arith.constant 6.350000e+01 : f32
    %max3A_24 = vector.broadcast %jit3A_22 : f32 to vector<128x4xf32>
    %max3A_25 = arith.maximumf %max3A_24, %sub3A_21 : vector<128x4xf32>
    %min3A_26 = vector.broadcast %jit3A_23 : f32 to vector<128x4xf32>
    %min3A_27 = arith.minimumf %min3A_26, %max3A_25 : vector<128x4xf32>
    %floor3A = math.floor %min3A_15 : vector<128x4xf32>
    %floor3A_28 = math.floor %min3A_27 : vector<128x4xf32>
    %add3A = arith.constant -1.000000e+00 : f32
    %add3A_29 = vector.broadcast %add3A : f32 to vector<128x4xf32>
    %add3A_30 = arith.addf %floor3A, %add3A_29 : vector<128x4xf32>
    %add3A_31 = arith.constant -1.000000e+00 : f32
    %add3A_32 = vector.broadcast %add3A_31 : f32 to vector<128x4xf32>
    %add3A_33 = arith.addf %floor3A_28, %add3A_32 : vector<128x4xf32>
    %ge3A = arith.constant 0.000000e+00 : f32
    %ge3A_34 = vector.broadcast %ge3A : f32 to vector<128x4xf32>
    %ge3A_35 = arith.cmpf oge, %add3A_30, %ge3A_34 : vector<128x4xf32>
    %le3A = arith.constant 6.300000e+01 : f32
    %le3A_36 = vector.broadcast %le3A : f32 to vector<128x4xf32>
    %le3A_37 = arith.cmpf ole, %add3A_30, %le3A_36 : vector<128x4xf32>
    %and3A = arith.andi %ge3A_35, %le3A_37 : vector<128x4xi1>
    %ge3A_38 = arith.constant 0.000000e+00 : f32
    %ge3A_39 = vector.broadcast %ge3A_38 : f32 to vector<128x4xf32>
    %ge3A_40 = arith.cmpf oge, %add3A_33, %ge3A_39 : vector<128x4xf32>
    %and3A_41 = arith.andi %and3A, %ge3A_40 : vector<128x4xi1>
    %le3A_42 = arith.constant 6.300000e+01 : f32
    %le3A_43 = vector.broadcast %le3A_42 : f32 to vector<128x4xf32>
    %le3A_44 = arith.cmpf ole, %add3A_33, %le3A_43 : vector<128x4xf32>
    %and3A_45 = arith.andi %and3A_41, %le3A_44 : vector<128x4xi1>
    %add3A_46 = arith.constant 5.000000e-01 : f32
    %add3A_47 = vector.broadcast %add3A_46 : f32 to vector<128x4xf32>
    %add3A_48 = arith.addf %add3A_30, %add3A_47 : vector<128x4xf32>
    %mul3A_49 = arith.constant 8.000000e+00 : f32
    %mul3A_50 = vector.broadcast %mul3A_49 : f32 to vector<128x4xf32>
    %mul3A_51 = arith.mulf %add3A_48, %mul3A_50 : vector<128x4xf32>
    %add3A_52 = arith.constant 5.000000e-01 : f32
    %add3A_53 = vector.broadcast %add3A_52 : f32 to vector<128x4xf32>
    %add3A_54 = arith.addf %add3A_33, %add3A_53 : vector<128x4xf32>
    %mul3A_55 = arith.constant 8.000000e+00 : f32
    %mul3A_56 = vector.broadcast %mul3A_55 : f32 to vector<128x4xf32>
    %mul3A_57 = arith.mulf %add3A_54, %mul3A_56 : vector<128x4xf32>
    %sub3A_58 = arith.subf %get3A_3, %mul3A_51 : vector<128x4xf32>
    %sub3A_59 = arith.subf %get3A_8, %mul3A_57 : vector<128x4xf32>
    %mul3A_60 = arith.mulf %sub3A_58, %sub3A_58 : vector<128x4xf32>
    %mul3A_61 = arith.mulf %sub3A_59, %sub3A_59 : vector<128x4xf32>
    %add3A_62 = arith.addf %mul3A_60, %mul3A_61 : vector<128x4xf32>
    %add3A_63 = arith.constant 9.99999996E-13 : f32
    %add3A_64 = vector.broadcast %add3A_63 : f32 to vector<128x4xf32>
    %add3A_65 = arith.addf %add3A_62, %add3A_64 : vector<128x4xf32>
    %sqrt3A = math.sqrt %add3A_65 : vector<128x4xf32>
    %jit3A_66 = arith.constant 3.000000e+38 : f32
    %broadcast_in_dim3A = vector.broadcast %jit3A_66 : f32 to vector<128x4xf32>
    %select_n3A = arith.select %and3A_45, %sqrt3A, %broadcast_in_dim3A : vector<128x4xi1>, vector<128x4xf32>
    %mul3A_67 = arith.constant 6.400000e+01 : f32
    %mul3A_68 = vector.broadcast %mul3A_67 : f32 to vector<128x4xf32>
    %mul3A_69 = arith.mulf %add3A_33, %mul3A_68 : vector<128x4xf32>
    %add3A_70 = arith.addf %mul3A_69, %add3A_30 : vector<128x4xf32>
    %jit3A_71 = arith.constant 1.000000e+09 : f32
    %broadcast_in_dim3A_72 = vector.broadcast %jit3A_71 : f32 to vector<128x4xf32>
    %select_n3A_73 = arith.select %and3A_45, %add3A_70, %broadcast_in_dim3A_72 : vector<128x4xi1>, vector<128x4xf32>
    %add3A_74 = arith.constant 0.000000e+00 : f32
    %add3A_75 = vector.broadcast %add3A_74 : f32 to vector<128x4xf32>
    %add3A_76 = arith.addf %floor3A, %add3A_75 : vector<128x4xf32>
    %add3A_77 = arith.constant -1.000000e+00 : f32
    %add3A_78 = vector.broadcast %add3A_77 : f32 to vector<128x4xf32>
    %add3A_79 = arith.addf %floor3A_28, %add3A_78 : vector<128x4xf32>
    %ge3A_80 = arith.constant 0.000000e+00 : f32
    %ge3A_81 = vector.broadcast %ge3A_80 : f32 to vector<128x4xf32>
    %ge3A_82 = arith.cmpf oge, %add3A_76, %ge3A_81 : vector<128x4xf32>
    %le3A_83 = arith.constant 6.300000e+01 : f32
    %le3A_84 = vector.broadcast %le3A_83 : f32 to vector<128x4xf32>
    %le3A_85 = arith.cmpf ole, %add3A_76, %le3A_84 : vector<128x4xf32>
    %and3A_86 = arith.andi %ge3A_82, %le3A_85 : vector<128x4xi1>
    %ge3A_87 = arith.constant 0.000000e+00 : f32
    %ge3A_88 = vector.broadcast %ge3A_87 : f32 to vector<128x4xf32>
    %ge3A_89 = arith.cmpf oge, %add3A_79, %ge3A_88 : vector<128x4xf32>
    %and3A_90 = arith.andi %and3A_86, %ge3A_89 : vector<128x4xi1>
    %le3A_91 = arith.constant 6.300000e+01 : f32
    %le3A_92 = vector.broadcast %le3A_91 : f32 to vector<128x4xf32>
    %le3A_93 = arith.cmpf ole, %add3A_79, %le3A_92 : vector<128x4xf32>
    %and3A_94 = arith.andi %and3A_90, %le3A_93 : vector<128x4xi1>
    %add3A_95 = arith.constant 5.000000e-01 : f32
    %add3A_96 = vector.broadcast %add3A_95 : f32 to vector<128x4xf32>
    %add3A_97 = arith.addf %add3A_76, %add3A_96 : vector<128x4xf32>
    %mul3A_98 = arith.constant 8.000000e+00 : f32
    %mul3A_99 = vector.broadcast %mul3A_98 : f32 to vector<128x4xf32>
    %mul3A_100 = arith.mulf %add3A_97, %mul3A_99 : vector<128x4xf32>
    %add3A_101 = arith.constant 5.000000e-01 : f32
    %add3A_102 = vector.broadcast %add3A_101 : f32 to vector<128x4xf32>
    %add3A_103 = arith.addf %add3A_79, %add3A_102 : vector<128x4xf32>
    %mul3A_104 = arith.constant 8.000000e+00 : f32
    %mul3A_105 = vector.broadcast %mul3A_104 : f32 to vector<128x4xf32>
    %mul3A_106 = arith.mulf %add3A_103, %mul3A_105 : vector<128x4xf32>
    %sub3A_107 = arith.subf %get3A_3, %mul3A_100 : vector<128x4xf32>
    %sub3A_108 = arith.subf %get3A_8, %mul3A_106 : vector<128x4xf32>
    %mul3A_109 = arith.mulf %sub3A_107, %sub3A_107 : vector<128x4xf32>
    %mul3A_110 = arith.mulf %sub3A_108, %sub3A_108 : vector<128x4xf32>
    %add3A_111 = arith.addf %mul3A_109, %mul3A_110 : vector<128x4xf32>
    %add3A_112 = arith.constant 9.99999996E-13 : f32
    %add3A_113 = vector.broadcast %add3A_112 : f32 to vector<128x4xf32>
    %add3A_114 = arith.addf %add3A_111, %add3A_113 : vector<128x4xf32>
    %sqrt3A_115 = math.sqrt %add3A_114 : vector<128x4xf32>
    %jit3A_116 = arith.constant 3.000000e+38 : f32
    %broadcast_in_dim3A_117 = vector.broadcast %jit3A_116 : f32 to vector<128x4xf32>
    %select_n3A_118 = arith.select %and3A_94, %sqrt3A_115, %broadcast_in_dim3A_117 : vector<128x4xi1>, vector<128x4xf32>
    %mul3A_119 = arith.constant 6.400000e+01 : f32
    %mul3A_120 = vector.broadcast %mul3A_119 : f32 to vector<128x4xf32>
    %mul3A_121 = arith.mulf %add3A_79, %mul3A_120 : vector<128x4xf32>
    %add3A_122 = arith.addf %mul3A_121, %add3A_76 : vector<128x4xf32>
    %jit3A_123 = arith.constant 1.000000e+09 : f32
    %broadcast_in_dim3A_124 = vector.broadcast %jit3A_123 : f32 to vector<128x4xf32>
    %select_n3A_125 = arith.select %and3A_94, %add3A_122, %broadcast_in_dim3A_124 : vector<128x4xi1>, vector<128x4xf32>
    %add3A_126 = arith.constant 1.000000e+00 : f32
    %add3A_127 = vector.broadcast %add3A_126 : f32 to vector<128x4xf32>
    %add3A_128 = arith.addf %floor3A, %add3A_127 : vector<128x4xf32>
    %add3A_129 = arith.constant -1.000000e+00 : f32
    %add3A_130 = vector.broadcast %add3A_129 : f32 to vector<128x4xf32>
    %add3A_131 = arith.addf %floor3A_28, %add3A_130 : vector<128x4xf32>
    %ge3A_132 = arith.constant 0.000000e+00 : f32
    %ge3A_133 = vector.broadcast %ge3A_132 : f32 to vector<128x4xf32>
    %ge3A_134 = arith.cmpf oge, %add3A_128, %ge3A_133 : vector<128x4xf32>
    %le3A_135 = arith.constant 6.300000e+01 : f32
    %le3A_136 = vector.broadcast %le3A_135 : f32 to vector<128x4xf32>
    %le3A_137 = arith.cmpf ole, %add3A_128, %le3A_136 : vector<128x4xf32>
    %and3A_138 = arith.andi %ge3A_134, %le3A_137 : vector<128x4xi1>
    %ge3A_139 = arith.constant 0.000000e+00 : f32
    %ge3A_140 = vector.broadcast %ge3A_139 : f32 to vector<128x4xf32>
    %ge3A_141 = arith.cmpf oge, %add3A_131, %ge3A_140 : vector<128x4xf32>
    %and3A_142 = arith.andi %and3A_138, %ge3A_141 : vector<128x4xi1>
    %le3A_143 = arith.constant 6.300000e+01 : f32
    %le3A_144 = vector.broadcast %le3A_143 : f32 to vector<128x4xf32>
    %le3A_145 = arith.cmpf ole, %add3A_131, %le3A_144 : vector<128x4xf32>
    %and3A_146 = arith.andi %and3A_142, %le3A_145 : vector<128x4xi1>
    %add3A_147 = arith.constant 5.000000e-01 : f32
    %add3A_148 = vector.broadcast %add3A_147 : f32 to vector<128x4xf32>
    %add3A_149 = arith.addf %add3A_128, %add3A_148 : vector<128x4xf32>
    %mul3A_150 = arith.constant 8.000000e+00 : f32
    %mul3A_151 = vector.broadcast %mul3A_150 : f32 to vector<128x4xf32>
    %mul3A_152 = arith.mulf %add3A_149, %mul3A_151 : vector<128x4xf32>
    %add3A_153 = arith.constant 5.000000e-01 : f32
    %add3A_154 = vector.broadcast %add3A_153 : f32 to vector<128x4xf32>
    %add3A_155 = arith.addf %add3A_131, %add3A_154 : vector<128x4xf32>
    %mul3A_156 = arith.constant 8.000000e+00 : f32
    %mul3A_157 = vector.broadcast %mul3A_156 : f32 to vector<128x4xf32>
    %mul3A_158 = arith.mulf %add3A_155, %mul3A_157 : vector<128x4xf32>
    %sub3A_159 = arith.subf %get3A_3, %mul3A_152 : vector<128x4xf32>
    %sub3A_160 = arith.subf %get3A_8, %mul3A_158 : vector<128x4xf32>
    %mul3A_161 = arith.mulf %sub3A_159, %sub3A_159 : vector<128x4xf32>
    %mul3A_162 = arith.mulf %sub3A_160, %sub3A_160 : vector<128x4xf32>
    %add3A_163 = arith.addf %mul3A_161, %mul3A_162 : vector<128x4xf32>
    %add3A_164 = arith.constant 9.99999996E-13 : f32
    %add3A_165 = vector.broadcast %add3A_164 : f32 to vector<128x4xf32>
    %add3A_166 = arith.addf %add3A_163, %add3A_165 : vector<128x4xf32>
    %sqrt3A_167 = math.sqrt %add3A_166 : vector<128x4xf32>
    %jit3A_168 = arith.constant 3.000000e+38 : f32
    %broadcast_in_dim3A_169 = vector.broadcast %jit3A_168 : f32 to vector<128x4xf32>
    %select_n3A_170 = arith.select %and3A_146, %sqrt3A_167, %broadcast_in_dim3A_169 : vector<128x4xi1>, vector<128x4xf32>
    %mul3A_171 = arith.constant 6.400000e+01 : f32
    %mul3A_172 = vector.broadcast %mul3A_171 : f32 to vector<128x4xf32>
    %mul3A_173 = arith.mulf %add3A_131, %mul3A_172 : vector<128x4xf32>
    %add3A_174 = arith.addf %mul3A_173, %add3A_128 : vector<128x4xf32>
    %jit3A_175 = arith.constant 1.000000e+09 : f32
    %broadcast_in_dim3A_176 = vector.broadcast %jit3A_175 : f32 to vector<128x4xf32>
    %select_n3A_177 = arith.select %and3A_146, %add3A_174, %broadcast_in_dim3A_176 : vector<128x4xi1>, vector<128x4xf32>
    %add3A_178 = arith.constant 2.000000e+00 : f32
    %add3A_179 = vector.broadcast %add3A_178 : f32 to vector<128x4xf32>
    %add3A_180 = arith.addf %floor3A, %add3A_179 : vector<128x4xf32>
    %add3A_181 = arith.constant -1.000000e+00 : f32
    %add3A_182 = vector.broadcast %add3A_181 : f32 to vector<128x4xf32>
    %add3A_183 = arith.addf %floor3A_28, %add3A_182 : vector<128x4xf32>
    %ge3A_184 = arith.constant 0.000000e+00 : f32
    %ge3A_185 = vector.broadcast %ge3A_184 : f32 to vector<128x4xf32>
    %ge3A_186 = arith.cmpf oge, %add3A_180, %ge3A_185 : vector<128x4xf32>
    %le3A_187 = arith.constant 6.300000e+01 : f32
    %le3A_188 = vector.broadcast %le3A_187 : f32 to vector<128x4xf32>
    %le3A_189 = arith.cmpf ole, %add3A_180, %le3A_188 : vector<128x4xf32>
    %and3A_190 = arith.andi %ge3A_186, %le3A_189 : vector<128x4xi1>
    %ge3A_191 = arith.constant 0.000000e+00 : f32
    %ge3A_192 = vector.broadcast %ge3A_191 : f32 to vector<128x4xf32>
    %ge3A_193 = arith.cmpf oge, %add3A_183, %ge3A_192 : vector<128x4xf32>
    %and3A_194 = arith.andi %and3A_190, %ge3A_193 : vector<128x4xi1>
    %le3A_195 = arith.constant 6.300000e+01 : f32
    %le3A_196 = vector.broadcast %le3A_195 : f32 to vector<128x4xf32>
    %le3A_197 = arith.cmpf ole, %add3A_183, %le3A_196 : vector<128x4xf32>
    %and3A_198 = arith.andi %and3A_194, %le3A_197 : vector<128x4xi1>
    %add3A_199 = arith.constant 5.000000e-01 : f32
    %add3A_200 = vector.broadcast %add3A_199 : f32 to vector<128x4xf32>
    %add3A_201 = arith.addf %add3A_180, %add3A_200 : vector<128x4xf32>
    %mul3A_202 = arith.constant 8.000000e+00 : f32
    %mul3A_203 = vector.broadcast %mul3A_202 : f32 to vector<128x4xf32>
    %mul3A_204 = arith.mulf %add3A_201, %mul3A_203 : vector<128x4xf32>
    %add3A_205 = arith.constant 5.000000e-01 : f32
    %add3A_206 = vector.broadcast %add3A_205 : f32 to vector<128x4xf32>
    %add3A_207 = arith.addf %add3A_183, %add3A_206 : vector<128x4xf32>
    %mul3A_208 = arith.constant 8.000000e+00 : f32
    %mul3A_209 = vector.broadcast %mul3A_208 : f32 to vector<128x4xf32>
    %mul3A_210 = arith.mulf %add3A_207, %mul3A_209 : vector<128x4xf32>
    %sub3A_211 = arith.subf %get3A_3, %mul3A_204 : vector<128x4xf32>
    %sub3A_212 = arith.subf %get3A_8, %mul3A_210 : vector<128x4xf32>
    %mul3A_213 = arith.mulf %sub3A_211, %sub3A_211 : vector<128x4xf32>
    %mul3A_214 = arith.mulf %sub3A_212, %sub3A_212 : vector<128x4xf32>
    %add3A_215 = arith.addf %mul3A_213, %mul3A_214 : vector<128x4xf32>
    %add3A_216 = arith.constant 9.99999996E-13 : f32
    %add3A_217 = vector.broadcast %add3A_216 : f32 to vector<128x4xf32>
    %add3A_218 = arith.addf %add3A_215, %add3A_217 : vector<128x4xf32>
    %sqrt3A_219 = math.sqrt %add3A_218 : vector<128x4xf32>
    %jit3A_220 = arith.constant 3.000000e+38 : f32
    %broadcast_in_dim3A_221 = vector.broadcast %jit3A_220 : f32 to vector<128x4xf32>
    %select_n3A_222 = arith.select %and3A_198, %sqrt3A_219, %broadcast_in_dim3A_221 : vector<128x4xi1>, vector<128x4xf32>
    %mul3A_223 = arith.constant 6.400000e+01 : f32
    %mul3A_224 = vector.broadcast %mul3A_223 : f32 to vector<128x4xf32>
    %mul3A_225 = arith.mulf %add3A_183, %mul3A_224 : vector<128x4xf32>
    %add3A_226 = arith.addf %mul3A_225, %add3A_180 : vector<128x4xf32>
    %jit3A_227 = arith.constant 1.000000e+09 : f32
    %broadcast_in_dim3A_228 = vector.broadcast %jit3A_227 : f32 to vector<128x4xf32>
    %select_n3A_229 = arith.select %and3A_198, %add3A_226, %broadcast_in_dim3A_228 : vector<128x4xi1>, vector<128x4xf32>
    %add3A_230 = arith.constant -1.000000e+00 : f32
    %add3A_231 = vector.broadcast %add3A_230 : f32 to vector<128x4xf32>
    %add3A_232 = arith.addf %floor3A, %add3A_231 : vector<128x4xf32>
    %add3A_233 = arith.constant 0.000000e+00 : f32
    %add3A_234 = vector.broadcast %add3A_233 : f32 to vector<128x4xf32>
    %add3A_235 = arith.addf %floor3A_28, %add3A_234 : vector<128x4xf32>
    %ge3A_236 = arith.constant 0.000000e+00 : f32
    %ge3A_237 = vector.broadcast %ge3A_236 : f32 to vector<128x4xf32>
    %ge3A_238 = arith.cmpf oge, %add3A_232, %ge3A_237 : vector<128x4xf32>
    %le3A_239 = arith.constant 6.300000e+01 : f32
    %le3A_240 = vector.broadcast %le3A_239 : f32 to vector<128x4xf32>
    %le3A_241 = arith.cmpf ole, %add3A_232, %le3A_240 : vector<128x4xf32>
    %and3A_242 = arith.andi %ge3A_238, %le3A_241 : vector<128x4xi1>
    %ge3A_243 = arith.constant 0.000000e+00 : f32
    %ge3A_244 = vector.broadcast %ge3A_243 : f32 to vector<128x4xf32>
    %ge3A_245 = arith.cmpf oge, %add3A_235, %ge3A_244 : vector<128x4xf32>
    %and3A_246 = arith.andi %and3A_242, %ge3A_245 : vector<128x4xi1>
    %le3A_247 = arith.constant 6.300000e+01 : f32
    %le3A_248 = vector.broadcast %le3A_247 : f32 to vector<128x4xf32>
    %le3A_249 = arith.cmpf ole, %add3A_235, %le3A_248 : vector<128x4xf32>
    %and3A_250 = arith.andi %and3A_246, %le3A_249 : vector<128x4xi1>
    %add3A_251 = arith.constant 5.000000e-01 : f32
    %add3A_252 = vector.broadcast %add3A_251 : f32 to vector<128x4xf32>
    %add3A_253 = arith.addf %add3A_232, %add3A_252 : vector<128x4xf32>
    %mul3A_254 = arith.constant 8.000000e+00 : f32
    %mul3A_255 = vector.broadcast %mul3A_254 : f32 to vector<128x4xf32>
    %mul3A_256 = arith.mulf %add3A_253, %mul3A_255 : vector<128x4xf32>
    %add3A_257 = arith.constant 5.000000e-01 : f32
    %add3A_258 = vector.broadcast %add3A_257 : f32 to vector<128x4xf32>
    %add3A_259 = arith.addf %add3A_235, %add3A_258 : vector<128x4xf32>
    %mul3A_260 = arith.constant 8.000000e+00 : f32
    %mul3A_261 = vector.broadcast %mul3A_260 : f32 to vector<128x4xf32>
    %mul3A_262 = arith.mulf %add3A_259, %mul3A_261 : vector<128x4xf32>
    %sub3A_263 = arith.subf %get3A_3, %mul3A_256 : vector<128x4xf32>
    %sub3A_264 = arith.subf %get3A_8, %mul3A_262 : vector<128x4xf32>
    %mul3A_265 = arith.mulf %sub3A_263, %sub3A_263 : vector<128x4xf32>
    %mul3A_266 = arith.mulf %sub3A_264, %sub3A_264 : vector<128x4xf32>
    %add3A_267 = arith.addf %mul3A_265, %mul3A_266 : vector<128x4xf32>
    %add3A_268 = arith.constant 9.99999996E-13 : f32
    %add3A_269 = vector.broadcast %add3A_268 : f32 to vector<128x4xf32>
    %add3A_270 = arith.addf %add3A_267, %add3A_269 : vector<128x4xf32>
    %sqrt3A_271 = math.sqrt %add3A_270 : vector<128x4xf32>
    %jit3A_272 = arith.constant 3.000000e+38 : f32
    %broadcast_in_dim3A_273 = vector.broadcast %jit3A_272 : f32 to vector<128x4xf32>
    %select_n3A_274 = arith.select %and3A_250, %sqrt3A_271, %broadcast_in_dim3A_273 : vector<128x4xi1>, vector<128x4xf32>
    %mul3A_275 = arith.constant 6.400000e+01 : f32
    %mul3A_276 = vector.broadcast %mul3A_275 : f32 to vector<128x4xf32>
    %mul3A_277 = arith.mulf %add3A_235, %mul3A_276 : vector<128x4xf32>
    %add3A_278 = arith.addf %mul3A_277, %add3A_232 : vector<128x4xf32>
    %jit3A_279 = arith.constant 1.000000e+09 : f32
    %broadcast_in_dim3A_280 = vector.broadcast %jit3A_279 : f32 to vector<128x4xf32>
    %select_n3A_281 = arith.select %and3A_250, %add3A_278, %broadcast_in_dim3A_280 : vector<128x4xi1>, vector<128x4xf32>
    %add3A_282 = arith.constant 0.000000e+00 : f32
    %add3A_283 = vector.broadcast %add3A_282 : f32 to vector<128x4xf32>
    %add3A_284 = arith.addf %floor3A, %add3A_283 : vector<128x4xf32>
    %add3A_285 = arith.constant 0.000000e+00 : f32
    %add3A_286 = vector.broadcast %add3A_285 : f32 to vector<128x4xf32>
    %add3A_287 = arith.addf %floor3A_28, %add3A_286 : vector<128x4xf32>
    %ge3A_288 = arith.constant 0.000000e+00 : f32
    %ge3A_289 = vector.broadcast %ge3A_288 : f32 to vector<128x4xf32>
    %ge3A_290 = arith.cmpf oge, %add3A_284, %ge3A_289 : vector<128x4xf32>
    %le3A_291 = arith.constant 6.300000e+01 : f32
    %le3A_292 = vector.broadcast %le3A_291 : f32 to vector<128x4xf32>
    %le3A_293 = arith.cmpf ole, %add3A_284, %le3A_292 : vector<128x4xf32>
    %and3A_294 = arith.andi %ge3A_290, %le3A_293 : vector<128x4xi1>
    %ge3A_295 = arith.constant 0.000000e+00 : f32
    %ge3A_296 = vector.broadcast %ge3A_295 : f32 to vector<128x4xf32>
    %ge3A_297 = arith.cmpf oge, %add3A_287, %ge3A_296 : vector<128x4xf32>
    %and3A_298 = arith.andi %and3A_294, %ge3A_297 : vector<128x4xi1>
    %le3A_299 = arith.constant 6.300000e+01 : f32
    %le3A_300 = vector.broadcast %le3A_299 : f32 to vector<128x4xf32>
    %le3A_301 = arith.cmpf ole, %add3A_287, %le3A_300 : vector<128x4xf32>
    %and3A_302 = arith.andi %and3A_298, %le3A_301 : vector<128x4xi1>
    %add3A_303 = arith.constant 5.000000e-01 : f32
    %add3A_304 = vector.broadcast %add3A_303 : f32 to vector<128x4xf32>
    %add3A_305 = arith.addf %add3A_284, %add3A_304 : vector<128x4xf32>
    %mul3A_306 = arith.constant 8.000000e+00 : f32
    %mul3A_307 = vector.broadcast %mul3A_306 : f32 to vector<128x4xf32>
    %mul3A_308 = arith.mulf %add3A_305, %mul3A_307 : vector<128x4xf32>
    %add3A_309 = arith.constant 5.000000e-01 : f32
    %add3A_310 = vector.broadcast %add3A_309 : f32 to vector<128x4xf32>
    %add3A_311 = arith.addf %add3A_287, %add3A_310 : vector<128x4xf32>
    %mul3A_312 = arith.constant 8.000000e+00 : f32
    %mul3A_313 = vector.broadcast %mul3A_312 : f32 to vector<128x4xf32>
    %mul3A_314 = arith.mulf %add3A_311, %mul3A_313 : vector<128x4xf32>
    %sub3A_315 = arith.subf %get3A_3, %mul3A_308 : vector<128x4xf32>
    %sub3A_316 = arith.subf %get3A_8, %mul3A_314 : vector<128x4xf32>
    %mul3A_317 = arith.mulf %sub3A_315, %sub3A_315 : vector<128x4xf32>
    %mul3A_318 = arith.mulf %sub3A_316, %sub3A_316 : vector<128x4xf32>
    %add3A_319 = arith.addf %mul3A_317, %mul3A_318 : vector<128x4xf32>
    %add3A_320 = arith.constant 9.99999996E-13 : f32
    %add3A_321 = vector.broadcast %add3A_320 : f32 to vector<128x4xf32>
    %add3A_322 = arith.addf %add3A_319, %add3A_321 : vector<128x4xf32>
    %sqrt3A_323 = math.sqrt %add3A_322 : vector<128x4xf32>
    %jit3A_324 = arith.constant 3.000000e+38 : f32
    %broadcast_in_dim3A_325 = vector.broadcast %jit3A_324 : f32 to vector<128x4xf32>
    %select_n3A_326 = arith.select %and3A_302, %sqrt3A_323, %broadcast_in_dim3A_325 : vector<128x4xi1>, vector<128x4xf32>
    %mul3A_327 = arith.constant 6.400000e+01 : f32
    %mul3A_328 = vector.broadcast %mul3A_327 : f32 to vector<128x4xf32>
    %mul3A_329 = arith.mulf %add3A_287, %mul3A_328 : vector<128x4xf32>
    %add3A_330 = arith.addf %mul3A_329, %add3A_284 : vector<128x4xf32>
    %jit3A_331 = arith.constant 1.000000e+09 : f32
    %broadcast_in_dim3A_332 = vector.broadcast %jit3A_331 : f32 to vector<128x4xf32>
    %select_n3A_333 = arith.select %and3A_302, %add3A_330, %broadcast_in_dim3A_332 : vector<128x4xi1>, vector<128x4xf32>
    %add3A_334 = arith.constant 1.000000e+00 : f32
    %add3A_335 = vector.broadcast %add3A_334 : f32 to vector<128x4xf32>
    %add3A_336 = arith.addf %floor3A, %add3A_335 : vector<128x4xf32>
    %add3A_337 = arith.constant 0.000000e+00 : f32
    %add3A_338 = vector.broadcast %add3A_337 : f32 to vector<128x4xf32>
    %add3A_339 = arith.addf %floor3A_28, %add3A_338 : vector<128x4xf32>
    %ge3A_340 = arith.constant 0.000000e+00 : f32
    %ge3A_341 = vector.broadcast %ge3A_340 : f32 to vector<128x4xf32>
    %ge3A_342 = arith.cmpf oge, %add3A_336, %ge3A_341 : vector<128x4xf32>
    %le3A_343 = arith.constant 6.300000e+01 : f32
    %le3A_344 = vector.broadcast %le3A_343 : f32 to vector<128x4xf32>
    %le3A_345 = arith.cmpf ole, %add3A_336, %le3A_344 : vector<128x4xf32>
    %and3A_346 = arith.andi %ge3A_342, %le3A_345 : vector<128x4xi1>
    %ge3A_347 = arith.constant 0.000000e+00 : f32
    %ge3A_348 = vector.broadcast %ge3A_347 : f32 to vector<128x4xf32>
    %ge3A_349 = arith.cmpf oge, %add3A_339, %ge3A_348 : vector<128x4xf32>
    %and3A_350 = arith.andi %and3A_346, %ge3A_349 : vector<128x4xi1>
    %le3A_351 = arith.constant 6.300000e+01 : f32
    %le3A_352 = vector.broadcast %le3A_351 : f32 to vector<128x4xf32>
    %le3A_353 = arith.cmpf ole, %add3A_339, %le3A_352 : vector<128x4xf32>
    %and3A_354 = arith.andi %and3A_350, %le3A_353 : vector<128x4xi1>
    %add3A_355 = arith.constant 5.000000e-01 : f32
    %add3A_356 = vector.broadcast %add3A_355 : f32 to vector<128x4xf32>
    %add3A_357 = arith.addf %add3A_336, %add3A_356 : vector<128x4xf32>
    %mul3A_358 = arith.constant 8.000000e+00 : f32
    %mul3A_359 = vector.broadcast %mul3A_358 : f32 to vector<128x4xf32>
    %mul3A_360 = arith.mulf %add3A_357, %mul3A_359 : vector<128x4xf32>
    %add3A_361 = arith.constant 5.000000e-01 : f32
    %add3A_362 = vector.broadcast %add3A_361 : f32 to vector<128x4xf32>
    %add3A_363 = arith.addf %add3A_339, %add3A_362 : vector<128x4xf32>
    %mul3A_364 = arith.constant 8.000000e+00 : f32
    %mul3A_365 = vector.broadcast %mul3A_364 : f32 to vector<128x4xf32>
    %mul3A_366 = arith.mulf %add3A_363, %mul3A_365 : vector<128x4xf32>
    %sub3A_367 = arith.subf %get3A_3, %mul3A_360 : vector<128x4xf32>
    %sub3A_368 = arith.subf %get3A_8, %mul3A_366 : vector<128x4xf32>
    %mul3A_369 = arith.mulf %sub3A_367, %sub3A_367 : vector<128x4xf32>
    %mul3A_370 = arith.mulf %sub3A_368, %sub3A_368 : vector<128x4xf32>
    %add3A_371 = arith.addf %mul3A_369, %mul3A_370 : vector<128x4xf32>
    %add3A_372 = arith.constant 9.99999996E-13 : f32
    %add3A_373 = vector.broadcast %add3A_372 : f32 to vector<128x4xf32>
    %add3A_374 = arith.addf %add3A_371, %add3A_373 : vector<128x4xf32>
    %sqrt3A_375 = math.sqrt %add3A_374 : vector<128x4xf32>
    %jit3A_376 = arith.constant 3.000000e+38 : f32
    %broadcast_in_dim3A_377 = vector.broadcast %jit3A_376 : f32 to vector<128x4xf32>
    %select_n3A_378 = arith.select %and3A_354, %sqrt3A_375, %broadcast_in_dim3A_377 : vector<128x4xi1>, vector<128x4xf32>
    %mul3A_379 = arith.constant 6.400000e+01 : f32
    %mul3A_380 = vector.broadcast %mul3A_379 : f32 to vector<128x4xf32>
    %mul3A_381 = arith.mulf %add3A_339, %mul3A_380 : vector<128x4xf32>
    %add3A_382 = arith.addf %mul3A_381, %add3A_336 : vector<128x4xf32>
    %jit3A_383 = arith.constant 1.000000e+09 : f32
    %broadcast_in_dim3A_384 = vector.broadcast %jit3A_383 : f32 to vector<128x4xf32>
    %select_n3A_385 = arith.select %and3A_354, %add3A_382, %broadcast_in_dim3A_384 : vector<128x4xi1>, vector<128x4xf32>
    %add3A_386 = arith.constant 2.000000e+00 : f32
    %add3A_387 = vector.broadcast %add3A_386 : f32 to vector<128x4xf32>
    %add3A_388 = arith.addf %floor3A, %add3A_387 : vector<128x4xf32>
    %add3A_389 = arith.constant 0.000000e+00 : f32
    %add3A_390 = vector.broadcast %add3A_389 : f32 to vector<128x4xf32>
    %add3A_391 = arith.addf %floor3A_28, %add3A_390 : vector<128x4xf32>
    %ge3A_392 = arith.constant 0.000000e+00 : f32
    %ge3A_393 = vector.broadcast %ge3A_392 : f32 to vector<128x4xf32>
    %ge3A_394 = arith.cmpf oge, %add3A_388, %ge3A_393 : vector<128x4xf32>
    %le3A_395 = arith.constant 6.300000e+01 : f32
    %le3A_396 = vector.broadcast %le3A_395 : f32 to vector<128x4xf32>
    %le3A_397 = arith.cmpf ole, %add3A_388, %le3A_396 : vector<128x4xf32>
    %and3A_398 = arith.andi %ge3A_394, %le3A_397 : vector<128x4xi1>
    %ge3A_399 = arith.constant 0.000000e+00 : f32
    %ge3A_400 = vector.broadcast %ge3A_399 : f32 to vector<128x4xf32>
    %ge3A_401 = arith.cmpf oge, %add3A_391, %ge3A_400 : vector<128x4xf32>
    %and3A_402 = arith.andi %and3A_398, %ge3A_401 : vector<128x4xi1>
    %le3A_403 = arith.constant 6.300000e+01 : f32
    %le3A_404 = vector.broadcast %le3A_403 : f32 to vector<128x4xf32>
    %le3A_405 = arith.cmpf ole, %add3A_391, %le3A_404 : vector<128x4xf32>
    %and3A_406 = arith.andi %and3A_402, %le3A_405 : vector<128x4xi1>
    %add3A_407 = arith.constant 5.000000e-01 : f32
    %add3A_408 = vector.broadcast %add3A_407 : f32 to vector<128x4xf32>
    %add3A_409 = arith.addf %add3A_388, %add3A_408 : vector<128x4xf32>
    %mul3A_410 = arith.constant 8.000000e+00 : f32
    %mul3A_411 = vector.broadcast %mul3A_410 : f32 to vector<128x4xf32>
    %mul3A_412 = arith.mulf %add3A_409, %mul3A_411 : vector<128x4xf32>
    %add3A_413 = arith.constant 5.000000e-01 : f32
    %add3A_414 = vector.broadcast %add3A_413 : f32 to vector<128x4xf32>
    %add3A_415 = arith.addf %add3A_391, %add3A_414 : vector<128x4xf32>
    %mul3A_416 = arith.constant 8.000000e+00 : f32
    %mul3A_417 = vector.broadcast %mul3A_416 : f32 to vector<128x4xf32>
    %mul3A_418 = arith.mulf %add3A_415, %mul3A_417 : vector<128x4xf32>
    %sub3A_419 = arith.subf %get3A_3, %mul3A_412 : vector<128x4xf32>
    %sub3A_420 = arith.subf %get3A_8, %mul3A_418 : vector<128x4xf32>
    %mul3A_421 = arith.mulf %sub3A_419, %sub3A_419 : vector<128x4xf32>
    %mul3A_422 = arith.mulf %sub3A_420, %sub3A_420 : vector<128x4xf32>
    %add3A_423 = arith.addf %mul3A_421, %mul3A_422 : vector<128x4xf32>
    %add3A_424 = arith.constant 9.99999996E-13 : f32
    %add3A_425 = vector.broadcast %add3A_424 : f32 to vector<128x4xf32>
    %add3A_426 = arith.addf %add3A_423, %add3A_425 : vector<128x4xf32>
    %sqrt3A_427 = math.sqrt %add3A_426 : vector<128x4xf32>
    %jit3A_428 = arith.constant 3.000000e+38 : f32
    %broadcast_in_dim3A_429 = vector.broadcast %jit3A_428 : f32 to vector<128x4xf32>
    %select_n3A_430 = arith.select %and3A_406, %sqrt3A_427, %broadcast_in_dim3A_429 : vector<128x4xi1>, vector<128x4xf32>
    %mul3A_431 = arith.constant 6.400000e+01 : f32
    %mul3A_432 = vector.broadcast %mul3A_431 : f32 to vector<128x4xf32>
    %mul3A_433 = arith.mulf %add3A_391, %mul3A_432 : vector<128x4xf32>
    %add3A_434 = arith.addf %mul3A_433, %add3A_388 : vector<128x4xf32>
    %jit3A_435 = arith.constant 1.000000e+09 : f32
    %broadcast_in_dim3A_436 = vector.broadcast %jit3A_435 : f32 to vector<128x4xf32>
    %select_n3A_437 = arith.select %and3A_406, %add3A_434, %broadcast_in_dim3A_436 : vector<128x4xi1>, vector<128x4xf32>
    %add3A_438 = arith.constant -1.000000e+00 : f32
    %add3A_439 = vector.broadcast %add3A_438 : f32 to vector<128x4xf32>
    %add3A_440 = arith.addf %floor3A, %add3A_439 : vector<128x4xf32>
    %add3A_441 = arith.constant 1.000000e+00 : f32
    %add3A_442 = vector.broadcast %add3A_441 : f32 to vector<128x4xf32>
    %add3A_443 = arith.addf %floor3A_28, %add3A_442 : vector<128x4xf32>
    %ge3A_444 = arith.constant 0.000000e+00 : f32
    %ge3A_445 = vector.broadcast %ge3A_444 : f32 to vector<128x4xf32>
    %ge3A_446 = arith.cmpf oge, %add3A_440, %ge3A_445 : vector<128x4xf32>
    %le3A_447 = arith.constant 6.300000e+01 : f32
    %le3A_448 = vector.broadcast %le3A_447 : f32 to vector<128x4xf32>
    %le3A_449 = arith.cmpf ole, %add3A_440, %le3A_448 : vector<128x4xf32>
    %and3A_450 = arith.andi %ge3A_446, %le3A_449 : vector<128x4xi1>
    %ge3A_451 = arith.constant 0.000000e+00 : f32
    %ge3A_452 = vector.broadcast %ge3A_451 : f32 to vector<128x4xf32>
    %ge3A_453 = arith.cmpf oge, %add3A_443, %ge3A_452 : vector<128x4xf32>
    %and3A_454 = arith.andi %and3A_450, %ge3A_453 : vector<128x4xi1>
    %le3A_455 = arith.constant 6.300000e+01 : f32
    %le3A_456 = vector.broadcast %le3A_455 : f32 to vector<128x4xf32>
    %le3A_457 = arith.cmpf ole, %add3A_443, %le3A_456 : vector<128x4xf32>
    %and3A_458 = arith.andi %and3A_454, %le3A_457 : vector<128x4xi1>
    %add3A_459 = arith.constant 5.000000e-01 : f32
    %add3A_460 = vector.broadcast %add3A_459 : f32 to vector<128x4xf32>
    %add3A_461 = arith.addf %add3A_440, %add3A_460 : vector<128x4xf32>
    %mul3A_462 = arith.constant 8.000000e+00 : f32
    %mul3A_463 = vector.broadcast %mul3A_462 : f32 to vector<128x4xf32>
    %mul3A_464 = arith.mulf %add3A_461, %mul3A_463 : vector<128x4xf32>
    %add3A_465 = arith.constant 5.000000e-01 : f32
    %add3A_466 = vector.broadcast %add3A_465 : f32 to vector<128x4xf32>
    %add3A_467 = arith.addf %add3A_443, %add3A_466 : vector<128x4xf32>
    %mul3A_468 = arith.constant 8.000000e+00 : f32
    %mul3A_469 = vector.broadcast %mul3A_468 : f32 to vector<128x4xf32>
    %mul3A_470 = arith.mulf %add3A_467, %mul3A_469 : vector<128x4xf32>
    %sub3A_471 = arith.subf %get3A_3, %mul3A_464 : vector<128x4xf32>
    %sub3A_472 = arith.subf %get3A_8, %mul3A_470 : vector<128x4xf32>
    %mul3A_473 = arith.mulf %sub3A_471, %sub3A_471 : vector<128x4xf32>
    %mul3A_474 = arith.mulf %sub3A_472, %sub3A_472 : vector<128x4xf32>
    %add3A_475 = arith.addf %mul3A_473, %mul3A_474 : vector<128x4xf32>
    %add3A_476 = arith.constant 9.99999996E-13 : f32
    %add3A_477 = vector.broadcast %add3A_476 : f32 to vector<128x4xf32>
    %add3A_478 = arith.addf %add3A_475, %add3A_477 : vector<128x4xf32>
    %sqrt3A_479 = math.sqrt %add3A_478 : vector<128x4xf32>
    %jit3A_480 = arith.constant 3.000000e+38 : f32
    %broadcast_in_dim3A_481 = vector.broadcast %jit3A_480 : f32 to vector<128x4xf32>
    %select_n3A_482 = arith.select %and3A_458, %sqrt3A_479, %broadcast_in_dim3A_481 : vector<128x4xi1>, vector<128x4xf32>
    %mul3A_483 = arith.constant 6.400000e+01 : f32
    %mul3A_484 = vector.broadcast %mul3A_483 : f32 to vector<128x4xf32>
    %mul3A_485 = arith.mulf %add3A_443, %mul3A_484 : vector<128x4xf32>
    %add3A_486 = arith.addf %mul3A_485, %add3A_440 : vector<128x4xf32>
    %jit3A_487 = arith.constant 1.000000e+09 : f32
    %broadcast_in_dim3A_488 = vector.broadcast %jit3A_487 : f32 to vector<128x4xf32>
    %select_n3A_489 = arith.select %and3A_458, %add3A_486, %broadcast_in_dim3A_488 : vector<128x4xi1>, vector<128x4xf32>
    %add3A_490 = arith.constant 0.000000e+00 : f32
    %add3A_491 = vector.broadcast %add3A_490 : f32 to vector<128x4xf32>
    %add3A_492 = arith.addf %floor3A, %add3A_491 : vector<128x4xf32>
    %add3A_493 = arith.constant 1.000000e+00 : f32
    %add3A_494 = vector.broadcast %add3A_493 : f32 to vector<128x4xf32>
    %add3A_495 = arith.addf %floor3A_28, %add3A_494 : vector<128x4xf32>
    %ge3A_496 = arith.constant 0.000000e+00 : f32
    %ge3A_497 = vector.broadcast %ge3A_496 : f32 to vector<128x4xf32>
    %ge3A_498 = arith.cmpf oge, %add3A_492, %ge3A_497 : vector<128x4xf32>
    %le3A_499 = arith.constant 6.300000e+01 : f32
    %le3A_500 = vector.broadcast %le3A_499 : f32 to vector<128x4xf32>
    %le3A_501 = arith.cmpf ole, %add3A_492, %le3A_500 : vector<128x4xf32>
    %and3A_502 = arith.andi %ge3A_498, %le3A_501 : vector<128x4xi1>
    %ge3A_503 = arith.constant 0.000000e+00 : f32
    %ge3A_504 = vector.broadcast %ge3A_503 : f32 to vector<128x4xf32>
    %ge3A_505 = arith.cmpf oge, %add3A_495, %ge3A_504 : vector<128x4xf32>
    %and3A_506 = arith.andi %and3A_502, %ge3A_505 : vector<128x4xi1>
    %le3A_507 = arith.constant 6.300000e+01 : f32
    %le3A_508 = vector.broadcast %le3A_507 : f32 to vector<128x4xf32>
    %le3A_509 = arith.cmpf ole, %add3A_495, %le3A_508 : vector<128x4xf32>
    %and3A_510 = arith.andi %and3A_506, %le3A_509 : vector<128x4xi1>
    %add3A_511 = arith.constant 5.000000e-01 : f32
    %add3A_512 = vector.broadcast %add3A_511 : f32 to vector<128x4xf32>
    %add3A_513 = arith.addf %add3A_492, %add3A_512 : vector<128x4xf32>
    %mul3A_514 = arith.constant 8.000000e+00 : f32
    %mul3A_515 = vector.broadcast %mul3A_514 : f32 to vector<128x4xf32>
    %mul3A_516 = arith.mulf %add3A_513, %mul3A_515 : vector<128x4xf32>
    %add3A_517 = arith.constant 5.000000e-01 : f32
    %add3A_518 = vector.broadcast %add3A_517 : f32 to vector<128x4xf32>
    %add3A_519 = arith.addf %add3A_495, %add3A_518 : vector<128x4xf32>
    %mul3A_520 = arith.constant 8.000000e+00 : f32
    %mul3A_521 = vector.broadcast %mul3A_520 : f32 to vector<128x4xf32>
    %mul3A_522 = arith.mulf %add3A_519, %mul3A_521 : vector<128x4xf32>
    %sub3A_523 = arith.subf %get3A_3, %mul3A_516 : vector<128x4xf32>
    %sub3A_524 = arith.subf %get3A_8, %mul3A_522 : vector<128x4xf32>
    %mul3A_525 = arith.mulf %sub3A_523, %sub3A_523 : vector<128x4xf32>
    %mul3A_526 = arith.mulf %sub3A_524, %sub3A_524 : vector<128x4xf32>
    %add3A_527 = arith.addf %mul3A_525, %mul3A_526 : vector<128x4xf32>
    %add3A_528 = arith.constant 9.99999996E-13 : f32
    %add3A_529 = vector.broadcast %add3A_528 : f32 to vector<128x4xf32>
    %add3A_530 = arith.addf %add3A_527, %add3A_529 : vector<128x4xf32>
    %sqrt3A_531 = math.sqrt %add3A_530 : vector<128x4xf32>
    %jit3A_532 = arith.constant 3.000000e+38 : f32
    %broadcast_in_dim3A_533 = vector.broadcast %jit3A_532 : f32 to vector<128x4xf32>
    %select_n3A_534 = arith.select %and3A_510, %sqrt3A_531, %broadcast_in_dim3A_533 : vector<128x4xi1>, vector<128x4xf32>
    %mul3A_535 = arith.constant 6.400000e+01 : f32
    %mul3A_536 = vector.broadcast %mul3A_535 : f32 to vector<128x4xf32>
    %mul3A_537 = arith.mulf %add3A_495, %mul3A_536 : vector<128x4xf32>
    %add3A_538 = arith.addf %mul3A_537, %add3A_492 : vector<128x4xf32>
    %jit3A_539 = arith.constant 1.000000e+09 : f32
    %broadcast_in_dim3A_540 = vector.broadcast %jit3A_539 : f32 to vector<128x4xf32>
    %select_n3A_541 = arith.select %and3A_510, %add3A_538, %broadcast_in_dim3A_540 : vector<128x4xi1>, vector<128x4xf32>
    %add3A_542 = arith.constant 1.000000e+00 : f32
    %add3A_543 = vector.broadcast %add3A_542 : f32 to vector<128x4xf32>
    %add3A_544 = arith.addf %floor3A, %add3A_543 : vector<128x4xf32>
    %add3A_545 = arith.constant 1.000000e+00 : f32
    %add3A_546 = vector.broadcast %add3A_545 : f32 to vector<128x4xf32>
    %add3A_547 = arith.addf %floor3A_28, %add3A_546 : vector<128x4xf32>
    %ge3A_548 = arith.constant 0.000000e+00 : f32
    %ge3A_549 = vector.broadcast %ge3A_548 : f32 to vector<128x4xf32>
    %ge3A_550 = arith.cmpf oge, %add3A_544, %ge3A_549 : vector<128x4xf32>
    %le3A_551 = arith.constant 6.300000e+01 : f32
    %le3A_552 = vector.broadcast %le3A_551 : f32 to vector<128x4xf32>
    %le3A_553 = arith.cmpf ole, %add3A_544, %le3A_552 : vector<128x4xf32>
    %and3A_554 = arith.andi %ge3A_550, %le3A_553 : vector<128x4xi1>
    %ge3A_555 = arith.constant 0.000000e+00 : f32
    %ge3A_556 = vector.broadcast %ge3A_555 : f32 to vector<128x4xf32>
    %ge3A_557 = arith.cmpf oge, %add3A_547, %ge3A_556 : vector<128x4xf32>
    %and3A_558 = arith.andi %and3A_554, %ge3A_557 : vector<128x4xi1>
    %le3A_559 = arith.constant 6.300000e+01 : f32
    %le3A_560 = vector.broadcast %le3A_559 : f32 to vector<128x4xf32>
    %le3A_561 = arith.cmpf ole, %add3A_547, %le3A_560 : vector<128x4xf32>
    %and3A_562 = arith.andi %and3A_558, %le3A_561 : vector<128x4xi1>
    %add3A_563 = arith.constant 5.000000e-01 : f32
    %add3A_564 = vector.broadcast %add3A_563 : f32 to vector<128x4xf32>
    %add3A_565 = arith.addf %add3A_544, %add3A_564 : vector<128x4xf32>
    %mul3A_566 = arith.constant 8.000000e+00 : f32
    %mul3A_567 = vector.broadcast %mul3A_566 : f32 to vector<128x4xf32>
    %mul3A_568 = arith.mulf %add3A_565, %mul3A_567 : vector<128x4xf32>
    %add3A_569 = arith.constant 5.000000e-01 : f32
    %add3A_570 = vector.broadcast %add3A_569 : f32 to vector<128x4xf32>
    %add3A_571 = arith.addf %add3A_547, %add3A_570 : vector<128x4xf32>
    %mul3A_572 = arith.constant 8.000000e+00 : f32
    %mul3A_573 = vector.broadcast %mul3A_572 : f32 to vector<128x4xf32>
    %mul3A_574 = arith.mulf %add3A_571, %mul3A_573 : vector<128x4xf32>
    %sub3A_575 = arith.subf %get3A_3, %mul3A_568 : vector<128x4xf32>
    %sub3A_576 = arith.subf %get3A_8, %mul3A_574 : vector<128x4xf32>
    %mul3A_577 = arith.mulf %sub3A_575, %sub3A_575 : vector<128x4xf32>
    %mul3A_578 = arith.mulf %sub3A_576, %sub3A_576 : vector<128x4xf32>
    %add3A_579 = arith.addf %mul3A_577, %mul3A_578 : vector<128x4xf32>
    %add3A_580 = arith.constant 9.99999996E-13 : f32
    %add3A_581 = vector.broadcast %add3A_580 : f32 to vector<128x4xf32>
    %add3A_582 = arith.addf %add3A_579, %add3A_581 : vector<128x4xf32>
    %sqrt3A_583 = math.sqrt %add3A_582 : vector<128x4xf32>
    %jit3A_584 = arith.constant 3.000000e+38 : f32
    %broadcast_in_dim3A_585 = vector.broadcast %jit3A_584 : f32 to vector<128x4xf32>
    %select_n3A_586 = arith.select %and3A_562, %sqrt3A_583, %broadcast_in_dim3A_585 : vector<128x4xi1>, vector<128x4xf32>
    %mul3A_587 = arith.constant 6.400000e+01 : f32
    %mul3A_588 = vector.broadcast %mul3A_587 : f32 to vector<128x4xf32>
    %mul3A_589 = arith.mulf %add3A_547, %mul3A_588 : vector<128x4xf32>
    %add3A_590 = arith.addf %mul3A_589, %add3A_544 : vector<128x4xf32>
    %jit3A_591 = arith.constant 1.000000e+09 : f32
    %broadcast_in_dim3A_592 = vector.broadcast %jit3A_591 : f32 to vector<128x4xf32>
    %select_n3A_593 = arith.select %and3A_562, %add3A_590, %broadcast_in_dim3A_592 : vector<128x4xi1>, vector<128x4xf32>
    %add3A_594 = arith.constant 2.000000e+00 : f32
    %add3A_595 = vector.broadcast %add3A_594 : f32 to vector<128x4xf32>
    %add3A_596 = arith.addf %floor3A, %add3A_595 : vector<128x4xf32>
    %add3A_597 = arith.constant 1.000000e+00 : f32
    %add3A_598 = vector.broadcast %add3A_597 : f32 to vector<128x4xf32>
    %add3A_599 = arith.addf %floor3A_28, %add3A_598 : vector<128x4xf32>
    %ge3A_600 = arith.constant 0.000000e+00 : f32
    %ge3A_601 = vector.broadcast %ge3A_600 : f32 to vector<128x4xf32>
    %ge3A_602 = arith.cmpf oge, %add3A_596, %ge3A_601 : vector<128x4xf32>
    %le3A_603 = arith.constant 6.300000e+01 : f32
    %le3A_604 = vector.broadcast %le3A_603 : f32 to vector<128x4xf32>
    %le3A_605 = arith.cmpf ole, %add3A_596, %le3A_604 : vector<128x4xf32>
    %and3A_606 = arith.andi %ge3A_602, %le3A_605 : vector<128x4xi1>
    %ge3A_607 = arith.constant 0.000000e+00 : f32
    %ge3A_608 = vector.broadcast %ge3A_607 : f32 to vector<128x4xf32>
    %ge3A_609 = arith.cmpf oge, %add3A_599, %ge3A_608 : vector<128x4xf32>
    %and3A_610 = arith.andi %and3A_606, %ge3A_609 : vector<128x4xi1>
    %le3A_611 = arith.constant 6.300000e+01 : f32
    %le3A_612 = vector.broadcast %le3A_611 : f32 to vector<128x4xf32>
    %le3A_613 = arith.cmpf ole, %add3A_599, %le3A_612 : vector<128x4xf32>
    %and3A_614 = arith.andi %and3A_610, %le3A_613 : vector<128x4xi1>
    %add3A_615 = arith.constant 5.000000e-01 : f32
    %add3A_616 = vector.broadcast %add3A_615 : f32 to vector<128x4xf32>
    %add3A_617 = arith.addf %add3A_596, %add3A_616 : vector<128x4xf32>
    %mul3A_618 = arith.constant 8.000000e+00 : f32
    %mul3A_619 = vector.broadcast %mul3A_618 : f32 to vector<128x4xf32>
    %mul3A_620 = arith.mulf %add3A_617, %mul3A_619 : vector<128x4xf32>
    %add3A_621 = arith.constant 5.000000e-01 : f32
    %add3A_622 = vector.broadcast %add3A_621 : f32 to vector<128x4xf32>
    %add3A_623 = arith.addf %add3A_599, %add3A_622 : vector<128x4xf32>
    %mul3A_624 = arith.constant 8.000000e+00 : f32
    %mul3A_625 = vector.broadcast %mul3A_624 : f32 to vector<128x4xf32>
    %mul3A_626 = arith.mulf %add3A_623, %mul3A_625 : vector<128x4xf32>
    %sub3A_627 = arith.subf %get3A_3, %mul3A_620 : vector<128x4xf32>
    %sub3A_628 = arith.subf %get3A_8, %mul3A_626 : vector<128x4xf32>
    %mul3A_629 = arith.mulf %sub3A_627, %sub3A_627 : vector<128x4xf32>
    %mul3A_630 = arith.mulf %sub3A_628, %sub3A_628 : vector<128x4xf32>
    %add3A_631 = arith.addf %mul3A_629, %mul3A_630 : vector<128x4xf32>
    %add3A_632 = arith.constant 9.99999996E-13 : f32
    %add3A_633 = vector.broadcast %add3A_632 : f32 to vector<128x4xf32>
    %add3A_634 = arith.addf %add3A_631, %add3A_633 : vector<128x4xf32>
    %sqrt3A_635 = math.sqrt %add3A_634 : vector<128x4xf32>
    %jit3A_636 = arith.constant 3.000000e+38 : f32
    %broadcast_in_dim3A_637 = vector.broadcast %jit3A_636 : f32 to vector<128x4xf32>
    %select_n3A_638 = arith.select %and3A_614, %sqrt3A_635, %broadcast_in_dim3A_637 : vector<128x4xi1>, vector<128x4xf32>
    %mul3A_639 = arith.constant 6.400000e+01 : f32
    %mul3A_640 = vector.broadcast %mul3A_639 : f32 to vector<128x4xf32>
    %mul3A_641 = arith.mulf %add3A_599, %mul3A_640 : vector<128x4xf32>
    %add3A_642 = arith.addf %mul3A_641, %add3A_596 : vector<128x4xf32>
    %jit3A_643 = arith.constant 1.000000e+09 : f32
    %broadcast_in_dim3A_644 = vector.broadcast %jit3A_643 : f32 to vector<128x4xf32>
    %select_n3A_645 = arith.select %and3A_614, %add3A_642, %broadcast_in_dim3A_644 : vector<128x4xi1>, vector<128x4xf32>
    %add3A_646 = arith.constant -1.000000e+00 : f32
    %add3A_647 = vector.broadcast %add3A_646 : f32 to vector<128x4xf32>
    %add3A_648 = arith.addf %floor3A, %add3A_647 : vector<128x4xf32>
    %add3A_649 = arith.constant 2.000000e+00 : f32
    %add3A_650 = vector.broadcast %add3A_649 : f32 to vector<128x4xf32>
    %add3A_651 = arith.addf %floor3A_28, %add3A_650 : vector<128x4xf32>
    %ge3A_652 = arith.constant 0.000000e+00 : f32
    %ge3A_653 = vector.broadcast %ge3A_652 : f32 to vector<128x4xf32>
    %ge3A_654 = arith.cmpf oge, %add3A_648, %ge3A_653 : vector<128x4xf32>
    %le3A_655 = arith.constant 6.300000e+01 : f32
    %le3A_656 = vector.broadcast %le3A_655 : f32 to vector<128x4xf32>
    %le3A_657 = arith.cmpf ole, %add3A_648, %le3A_656 : vector<128x4xf32>
    %and3A_658 = arith.andi %ge3A_654, %le3A_657 : vector<128x4xi1>
    %ge3A_659 = arith.constant 0.000000e+00 : f32
    %ge3A_660 = vector.broadcast %ge3A_659 : f32 to vector<128x4xf32>
    %ge3A_661 = arith.cmpf oge, %add3A_651, %ge3A_660 : vector<128x4xf32>
    %and3A_662 = arith.andi %and3A_658, %ge3A_661 : vector<128x4xi1>
    %le3A_663 = arith.constant 6.300000e+01 : f32
    %le3A_664 = vector.broadcast %le3A_663 : f32 to vector<128x4xf32>
    %le3A_665 = arith.cmpf ole, %add3A_651, %le3A_664 : vector<128x4xf32>
    %and3A_666 = arith.andi %and3A_662, %le3A_665 : vector<128x4xi1>
    %add3A_667 = arith.constant 5.000000e-01 : f32
    %add3A_668 = vector.broadcast %add3A_667 : f32 to vector<128x4xf32>
    %add3A_669 = arith.addf %add3A_648, %add3A_668 : vector<128x4xf32>
    %mul3A_670 = arith.constant 8.000000e+00 : f32
    %mul3A_671 = vector.broadcast %mul3A_670 : f32 to vector<128x4xf32>
    %mul3A_672 = arith.mulf %add3A_669, %mul3A_671 : vector<128x4xf32>
    %add3A_673 = arith.constant 5.000000e-01 : f32
    %add3A_674 = vector.broadcast %add3A_673 : f32 to vector<128x4xf32>
    %add3A_675 = arith.addf %add3A_651, %add3A_674 : vector<128x4xf32>
    %mul3A_676 = arith.constant 8.000000e+00 : f32
    %mul3A_677 = vector.broadcast %mul3A_676 : f32 to vector<128x4xf32>
    %mul3A_678 = arith.mulf %add3A_675, %mul3A_677 : vector<128x4xf32>
    %sub3A_679 = arith.subf %get3A_3, %mul3A_672 : vector<128x4xf32>
    %sub3A_680 = arith.subf %get3A_8, %mul3A_678 : vector<128x4xf32>
    %mul3A_681 = arith.mulf %sub3A_679, %sub3A_679 : vector<128x4xf32>
    %mul3A_682 = arith.mulf %sub3A_680, %sub3A_680 : vector<128x4xf32>
    %add3A_683 = arith.addf %mul3A_681, %mul3A_682 : vector<128x4xf32>
    %add3A_684 = arith.constant 9.99999996E-13 : f32
    %add3A_685 = vector.broadcast %add3A_684 : f32 to vector<128x4xf32>
    %add3A_686 = arith.addf %add3A_683, %add3A_685 : vector<128x4xf32>
    %sqrt3A_687 = math.sqrt %add3A_686 : vector<128x4xf32>
    %jit3A_688 = arith.constant 3.000000e+38 : f32
    %broadcast_in_dim3A_689 = vector.broadcast %jit3A_688 : f32 to vector<128x4xf32>
    %select_n3A_690 = arith.select %and3A_666, %sqrt3A_687, %broadcast_in_dim3A_689 : vector<128x4xi1>, vector<128x4xf32>
    %mul3A_691 = arith.constant 6.400000e+01 : f32
    %mul3A_692 = vector.broadcast %mul3A_691 : f32 to vector<128x4xf32>
    %mul3A_693 = arith.mulf %add3A_651, %mul3A_692 : vector<128x4xf32>
    %add3A_694 = arith.addf %mul3A_693, %add3A_648 : vector<128x4xf32>
    %jit3A_695 = arith.constant 1.000000e+09 : f32
    %broadcast_in_dim3A_696 = vector.broadcast %jit3A_695 : f32 to vector<128x4xf32>
    %select_n3A_697 = arith.select %and3A_666, %add3A_694, %broadcast_in_dim3A_696 : vector<128x4xi1>, vector<128x4xf32>
    %add3A_698 = arith.constant 0.000000e+00 : f32
    %add3A_699 = vector.broadcast %add3A_698 : f32 to vector<128x4xf32>
    %add3A_700 = arith.addf %floor3A, %add3A_699 : vector<128x4xf32>
    %add3A_701 = arith.constant 2.000000e+00 : f32
    %add3A_702 = vector.broadcast %add3A_701 : f32 to vector<128x4xf32>
    %add3A_703 = arith.addf %floor3A_28, %add3A_702 : vector<128x4xf32>
    %ge3A_704 = arith.constant 0.000000e+00 : f32
    %ge3A_705 = vector.broadcast %ge3A_704 : f32 to vector<128x4xf32>
    %ge3A_706 = arith.cmpf oge, %add3A_700, %ge3A_705 : vector<128x4xf32>
    %le3A_707 = arith.constant 6.300000e+01 : f32
    %le3A_708 = vector.broadcast %le3A_707 : f32 to vector<128x4xf32>
    %le3A_709 = arith.cmpf ole, %add3A_700, %le3A_708 : vector<128x4xf32>
    %and3A_710 = arith.andi %ge3A_706, %le3A_709 : vector<128x4xi1>
    %ge3A_711 = arith.constant 0.000000e+00 : f32
    %ge3A_712 = vector.broadcast %ge3A_711 : f32 to vector<128x4xf32>
    %ge3A_713 = arith.cmpf oge, %add3A_703, %ge3A_712 : vector<128x4xf32>
    %and3A_714 = arith.andi %and3A_710, %ge3A_713 : vector<128x4xi1>
    %le3A_715 = arith.constant 6.300000e+01 : f32
    %le3A_716 = vector.broadcast %le3A_715 : f32 to vector<128x4xf32>
    %le3A_717 = arith.cmpf ole, %add3A_703, %le3A_716 : vector<128x4xf32>
    %and3A_718 = arith.andi %and3A_714, %le3A_717 : vector<128x4xi1>
    %add3A_719 = arith.constant 5.000000e-01 : f32
    %add3A_720 = vector.broadcast %add3A_719 : f32 to vector<128x4xf32>
    %add3A_721 = arith.addf %add3A_700, %add3A_720 : vector<128x4xf32>
    %mul3A_722 = arith.constant 8.000000e+00 : f32
    %mul3A_723 = vector.broadcast %mul3A_722 : f32 to vector<128x4xf32>
    %mul3A_724 = arith.mulf %add3A_721, %mul3A_723 : vector<128x4xf32>
    %add3A_725 = arith.constant 5.000000e-01 : f32
    %add3A_726 = vector.broadcast %add3A_725 : f32 to vector<128x4xf32>
    %add3A_727 = arith.addf %add3A_703, %add3A_726 : vector<128x4xf32>
    %mul3A_728 = arith.constant 8.000000e+00 : f32
    %mul3A_729 = vector.broadcast %mul3A_728 : f32 to vector<128x4xf32>
    %mul3A_730 = arith.mulf %add3A_727, %mul3A_729 : vector<128x4xf32>
    %sub3A_731 = arith.subf %get3A_3, %mul3A_724 : vector<128x4xf32>
    %sub3A_732 = arith.subf %get3A_8, %mul3A_730 : vector<128x4xf32>
    %mul3A_733 = arith.mulf %sub3A_731, %sub3A_731 : vector<128x4xf32>
    %mul3A_734 = arith.mulf %sub3A_732, %sub3A_732 : vector<128x4xf32>
    %add3A_735 = arith.addf %mul3A_733, %mul3A_734 : vector<128x4xf32>
    %add3A_736 = arith.constant 9.99999996E-13 : f32
    %add3A_737 = vector.broadcast %add3A_736 : f32 to vector<128x4xf32>
    %add3A_738 = arith.addf %add3A_735, %add3A_737 : vector<128x4xf32>
    %sqrt3A_739 = math.sqrt %add3A_738 : vector<128x4xf32>
    %jit3A_740 = arith.constant 3.000000e+38 : f32
    %broadcast_in_dim3A_741 = vector.broadcast %jit3A_740 : f32 to vector<128x4xf32>
    %select_n3A_742 = arith.select %and3A_718, %sqrt3A_739, %broadcast_in_dim3A_741 : vector<128x4xi1>, vector<128x4xf32>
    %mul3A_743 = arith.constant 6.400000e+01 : f32
    %mul3A_744 = vector.broadcast %mul3A_743 : f32 to vector<128x4xf32>
    %mul3A_745 = arith.mulf %add3A_703, %mul3A_744 : vector<128x4xf32>
    %add3A_746 = arith.addf %mul3A_745, %add3A_700 : vector<128x4xf32>
    %jit3A_747 = arith.constant 1.000000e+09 : f32
    %broadcast_in_dim3A_748 = vector.broadcast %jit3A_747 : f32 to vector<128x4xf32>
    %select_n3A_749 = arith.select %and3A_718, %add3A_746, %broadcast_in_dim3A_748 : vector<128x4xi1>, vector<128x4xf32>
    %add3A_750 = arith.constant 1.000000e+00 : f32
    %add3A_751 = vector.broadcast %add3A_750 : f32 to vector<128x4xf32>
    %add3A_752 = arith.addf %floor3A, %add3A_751 : vector<128x4xf32>
    %add3A_753 = arith.constant 2.000000e+00 : f32
    %add3A_754 = vector.broadcast %add3A_753 : f32 to vector<128x4xf32>
    %add3A_755 = arith.addf %floor3A_28, %add3A_754 : vector<128x4xf32>
    %ge3A_756 = arith.constant 0.000000e+00 : f32
    %ge3A_757 = vector.broadcast %ge3A_756 : f32 to vector<128x4xf32>
    %ge3A_758 = arith.cmpf oge, %add3A_752, %ge3A_757 : vector<128x4xf32>
    %le3A_759 = arith.constant 6.300000e+01 : f32
    %le3A_760 = vector.broadcast %le3A_759 : f32 to vector<128x4xf32>
    %le3A_761 = arith.cmpf ole, %add3A_752, %le3A_760 : vector<128x4xf32>
    %and3A_762 = arith.andi %ge3A_758, %le3A_761 : vector<128x4xi1>
    %ge3A_763 = arith.constant 0.000000e+00 : f32
    %ge3A_764 = vector.broadcast %ge3A_763 : f32 to vector<128x4xf32>
    %ge3A_765 = arith.cmpf oge, %add3A_755, %ge3A_764 : vector<128x4xf32>
    %and3A_766 = arith.andi %and3A_762, %ge3A_765 : vector<128x4xi1>
    %le3A_767 = arith.constant 6.300000e+01 : f32
    %le3A_768 = vector.broadcast %le3A_767 : f32 to vector<128x4xf32>
    %le3A_769 = arith.cmpf ole, %add3A_755, %le3A_768 : vector<128x4xf32>
    %and3A_770 = arith.andi %and3A_766, %le3A_769 : vector<128x4xi1>
    %add3A_771 = arith.constant 5.000000e-01 : f32
    %add3A_772 = vector.broadcast %add3A_771 : f32 to vector<128x4xf32>
    %add3A_773 = arith.addf %add3A_752, %add3A_772 : vector<128x4xf32>
    %mul3A_774 = arith.constant 8.000000e+00 : f32
    %mul3A_775 = vector.broadcast %mul3A_774 : f32 to vector<128x4xf32>
    %mul3A_776 = arith.mulf %add3A_773, %mul3A_775 : vector<128x4xf32>
    %add3A_777 = arith.constant 5.000000e-01 : f32
    %add3A_778 = vector.broadcast %add3A_777 : f32 to vector<128x4xf32>
    %add3A_779 = arith.addf %add3A_755, %add3A_778 : vector<128x4xf32>
    %mul3A_780 = arith.constant 8.000000e+00 : f32
    %mul3A_781 = vector.broadcast %mul3A_780 : f32 to vector<128x4xf32>
    %mul3A_782 = arith.mulf %add3A_779, %mul3A_781 : vector<128x4xf32>
    %sub3A_783 = arith.subf %get3A_3, %mul3A_776 : vector<128x4xf32>
    %sub3A_784 = arith.subf %get3A_8, %mul3A_782 : vector<128x4xf32>
    %mul3A_785 = arith.mulf %sub3A_783, %sub3A_783 : vector<128x4xf32>
    %mul3A_786 = arith.mulf %sub3A_784, %sub3A_784 : vector<128x4xf32>
    %add3A_787 = arith.addf %mul3A_785, %mul3A_786 : vector<128x4xf32>
    %add3A_788 = arith.constant 9.99999996E-13 : f32
    %add3A_789 = vector.broadcast %add3A_788 : f32 to vector<128x4xf32>
    %add3A_790 = arith.addf %add3A_787, %add3A_789 : vector<128x4xf32>
    %sqrt3A_791 = math.sqrt %add3A_790 : vector<128x4xf32>
    %jit3A_792 = arith.constant 3.000000e+38 : f32
    %broadcast_in_dim3A_793 = vector.broadcast %jit3A_792 : f32 to vector<128x4xf32>
    %select_n3A_794 = arith.select %and3A_770, %sqrt3A_791, %broadcast_in_dim3A_793 : vector<128x4xi1>, vector<128x4xf32>
    %mul3A_795 = arith.constant 6.400000e+01 : f32
    %mul3A_796 = vector.broadcast %mul3A_795 : f32 to vector<128x4xf32>
    %mul3A_797 = arith.mulf %add3A_755, %mul3A_796 : vector<128x4xf32>
    %add3A_798 = arith.addf %mul3A_797, %add3A_752 : vector<128x4xf32>
    %jit3A_799 = arith.constant 1.000000e+09 : f32
    %broadcast_in_dim3A_800 = vector.broadcast %jit3A_799 : f32 to vector<128x4xf32>
    %select_n3A_801 = arith.select %and3A_770, %add3A_798, %broadcast_in_dim3A_800 : vector<128x4xi1>, vector<128x4xf32>
    %add3A_802 = arith.constant 2.000000e+00 : f32
    %add3A_803 = vector.broadcast %add3A_802 : f32 to vector<128x4xf32>
    %add3A_804 = arith.addf %floor3A, %add3A_803 : vector<128x4xf32>
    %add3A_805 = arith.constant 2.000000e+00 : f32
    %add3A_806 = vector.broadcast %add3A_805 : f32 to vector<128x4xf32>
    %add3A_807 = arith.addf %floor3A_28, %add3A_806 : vector<128x4xf32>
    %ge3A_808 = arith.constant 0.000000e+00 : f32
    %ge3A_809 = vector.broadcast %ge3A_808 : f32 to vector<128x4xf32>
    %ge3A_810 = arith.cmpf oge, %add3A_804, %ge3A_809 : vector<128x4xf32>
    %le3A_811 = arith.constant 6.300000e+01 : f32
    %le3A_812 = vector.broadcast %le3A_811 : f32 to vector<128x4xf32>
    %le3A_813 = arith.cmpf ole, %add3A_804, %le3A_812 : vector<128x4xf32>
    %and3A_814 = arith.andi %ge3A_810, %le3A_813 : vector<128x4xi1>
    %ge3A_815 = arith.constant 0.000000e+00 : f32
    %ge3A_816 = vector.broadcast %ge3A_815 : f32 to vector<128x4xf32>
    %ge3A_817 = arith.cmpf oge, %add3A_807, %ge3A_816 : vector<128x4xf32>
    %and3A_818 = arith.andi %and3A_814, %ge3A_817 : vector<128x4xi1>
    %le3A_819 = arith.constant 6.300000e+01 : f32
    %le3A_820 = vector.broadcast %le3A_819 : f32 to vector<128x4xf32>
    %le3A_821 = arith.cmpf ole, %add3A_807, %le3A_820 : vector<128x4xf32>
    %and3A_822 = arith.andi %and3A_818, %le3A_821 : vector<128x4xi1>
    %add3A_823 = arith.constant 5.000000e-01 : f32
    %add3A_824 = vector.broadcast %add3A_823 : f32 to vector<128x4xf32>
    %add3A_825 = arith.addf %add3A_804, %add3A_824 : vector<128x4xf32>
    %mul3A_826 = arith.constant 8.000000e+00 : f32
    %mul3A_827 = vector.broadcast %mul3A_826 : f32 to vector<128x4xf32>
    %mul3A_828 = arith.mulf %add3A_825, %mul3A_827 : vector<128x4xf32>
    %add3A_829 = arith.constant 5.000000e-01 : f32
    %add3A_830 = vector.broadcast %add3A_829 : f32 to vector<128x4xf32>
    %add3A_831 = arith.addf %add3A_807, %add3A_830 : vector<128x4xf32>
    %mul3A_832 = arith.constant 8.000000e+00 : f32
    %mul3A_833 = vector.broadcast %mul3A_832 : f32 to vector<128x4xf32>
    %mul3A_834 = arith.mulf %add3A_831, %mul3A_833 : vector<128x4xf32>
    %sub3A_835 = arith.subf %get3A_3, %mul3A_828 : vector<128x4xf32>
    %sub3A_836 = arith.subf %get3A_8, %mul3A_834 : vector<128x4xf32>
    %mul3A_837 = arith.mulf %sub3A_835, %sub3A_835 : vector<128x4xf32>
    %mul3A_838 = arith.mulf %sub3A_836, %sub3A_836 : vector<128x4xf32>
    %add3A_839 = arith.addf %mul3A_837, %mul3A_838 : vector<128x4xf32>
    %add3A_840 = arith.constant 9.99999996E-13 : f32
    %add3A_841 = vector.broadcast %add3A_840 : f32 to vector<128x4xf32>
    %add3A_842 = arith.addf %add3A_839, %add3A_841 : vector<128x4xf32>
    %sqrt3A_843 = math.sqrt %add3A_842 : vector<128x4xf32>
    %jit3A_844 = arith.constant 3.000000e+38 : f32
    %broadcast_in_dim3A_845 = vector.broadcast %jit3A_844 : f32 to vector<128x4xf32>
    %select_n3A_846 = arith.select %and3A_822, %sqrt3A_843, %broadcast_in_dim3A_845 : vector<128x4xi1>, vector<128x4xf32>
    %mul3A_847 = arith.constant 6.400000e+01 : f32
    %mul3A_848 = vector.broadcast %mul3A_847 : f32 to vector<128x4xf32>
    %mul3A_849 = arith.mulf %add3A_807, %mul3A_848 : vector<128x4xf32>
    %add3A_850 = arith.addf %mul3A_849, %add3A_804 : vector<128x4xf32>
    %jit3A_851 = arith.constant 1.000000e+09 : f32
    %broadcast_in_dim3A_852 = vector.broadcast %jit3A_851 : f32 to vector<128x4xf32>
    %select_n3A_853 = arith.select %and3A_822, %add3A_850, %broadcast_in_dim3A_852 : vector<128x4xi1>, vector<128x4xf32>
    %min3A_854 = arith.minimumf %select_n3A, %select_n3A_118 : vector<128x4xf32>
    %min3A_855 = arith.minimumf %min3A_854, %select_n3A_170 : vector<128x4xf32>
    %min3A_856 = arith.minimumf %min3A_855, %select_n3A_222 : vector<128x4xf32>
    %min3A_857 = arith.minimumf %min3A_856, %select_n3A_274 : vector<128x4xf32>
    %min3A_858 = arith.minimumf %min3A_857, %select_n3A_326 : vector<128x4xf32>
    %min3A_859 = arith.minimumf %min3A_858, %select_n3A_378 : vector<128x4xf32>
    %min3A_860 = arith.minimumf %min3A_859, %select_n3A_430 : vector<128x4xf32>
    %min3A_861 = arith.minimumf %min3A_860, %select_n3A_482 : vector<128x4xf32>
    %min3A_862 = arith.minimumf %min3A_861, %select_n3A_534 : vector<128x4xf32>
    %min3A_863 = arith.minimumf %min3A_862, %select_n3A_586 : vector<128x4xf32>
    %min3A_864 = arith.minimumf %min3A_863, %select_n3A_638 : vector<128x4xf32>
    %min3A_865 = arith.minimumf %min3A_864, %select_n3A_690 : vector<128x4xf32>
    %min3A_866 = arith.minimumf %min3A_865, %select_n3A_742 : vector<128x4xf32>
    %min3A_867 = arith.minimumf %min3A_866, %select_n3A_794 : vector<128x4xf32>
    %min3A_868 = arith.minimumf %min3A_867, %select_n3A_846 : vector<128x4xf32>
    %eq3A = arith.cmpf oeq, %select_n3A, %min3A_868 : vector<128x4xf32>
    %jit3A_869 = arith.constant 1.000000e+09 : f32
    %broadcast_in_dim3A_870 = vector.broadcast %jit3A_869 : f32 to vector<128x4xf32>
    %select_n3A_871 = arith.select %eq3A, %select_n3A_73, %broadcast_in_dim3A_870 : vector<128x4xi1>, vector<128x4xf32>
    %eq3A_872 = arith.cmpf oeq, %select_n3A_118, %min3A_868 : vector<128x4xf32>
    %jit3A_873 = arith.constant 1.000000e+09 : f32
    %broadcast_in_dim3A_874 = vector.broadcast %jit3A_873 : f32 to vector<128x4xf32>
    %select_n3A_875 = arith.select %eq3A_872, %select_n3A_125, %broadcast_in_dim3A_874 : vector<128x4xi1>, vector<128x4xf32>
    %eq3A_876 = arith.cmpf oeq, %select_n3A_170, %min3A_868 : vector<128x4xf32>
    %jit3A_877 = arith.constant 1.000000e+09 : f32
    %broadcast_in_dim3A_878 = vector.broadcast %jit3A_877 : f32 to vector<128x4xf32>
    %select_n3A_879 = arith.select %eq3A_876, %select_n3A_177, %broadcast_in_dim3A_878 : vector<128x4xi1>, vector<128x4xf32>
    %eq3A_880 = arith.cmpf oeq, %select_n3A_222, %min3A_868 : vector<128x4xf32>
    %jit3A_881 = arith.constant 1.000000e+09 : f32
    %broadcast_in_dim3A_882 = vector.broadcast %jit3A_881 : f32 to vector<128x4xf32>
    %select_n3A_883 = arith.select %eq3A_880, %select_n3A_229, %broadcast_in_dim3A_882 : vector<128x4xi1>, vector<128x4xf32>
    %eq3A_884 = arith.cmpf oeq, %select_n3A_274, %min3A_868 : vector<128x4xf32>
    %jit3A_885 = arith.constant 1.000000e+09 : f32
    %broadcast_in_dim3A_886 = vector.broadcast %jit3A_885 : f32 to vector<128x4xf32>
    %select_n3A_887 = arith.select %eq3A_884, %select_n3A_281, %broadcast_in_dim3A_886 : vector<128x4xi1>, vector<128x4xf32>
    %eq3A_888 = arith.cmpf oeq, %select_n3A_326, %min3A_868 : vector<128x4xf32>
    %jit3A_889 = arith.constant 1.000000e+09 : f32
    %broadcast_in_dim3A_890 = vector.broadcast %jit3A_889 : f32 to vector<128x4xf32>
    %select_n3A_891 = arith.select %eq3A_888, %select_n3A_333, %broadcast_in_dim3A_890 : vector<128x4xi1>, vector<128x4xf32>
    %eq3A_892 = arith.cmpf oeq, %select_n3A_378, %min3A_868 : vector<128x4xf32>
    %jit3A_893 = arith.constant 1.000000e+09 : f32
    %broadcast_in_dim3A_894 = vector.broadcast %jit3A_893 : f32 to vector<128x4xf32>
    %select_n3A_895 = arith.select %eq3A_892, %select_n3A_385, %broadcast_in_dim3A_894 : vector<128x4xi1>, vector<128x4xf32>
    %eq3A_896 = arith.cmpf oeq, %select_n3A_430, %min3A_868 : vector<128x4xf32>
    %jit3A_897 = arith.constant 1.000000e+09 : f32
    %broadcast_in_dim3A_898 = vector.broadcast %jit3A_897 : f32 to vector<128x4xf32>
    %select_n3A_899 = arith.select %eq3A_896, %select_n3A_437, %broadcast_in_dim3A_898 : vector<128x4xi1>, vector<128x4xf32>
    %eq3A_900 = arith.cmpf oeq, %select_n3A_482, %min3A_868 : vector<128x4xf32>
    %jit3A_901 = arith.constant 1.000000e+09 : f32
    %broadcast_in_dim3A_902 = vector.broadcast %jit3A_901 : f32 to vector<128x4xf32>
    %select_n3A_903 = arith.select %eq3A_900, %select_n3A_489, %broadcast_in_dim3A_902 : vector<128x4xi1>, vector<128x4xf32>
    %eq3A_904 = arith.cmpf oeq, %select_n3A_534, %min3A_868 : vector<128x4xf32>
    %jit3A_905 = arith.constant 1.000000e+09 : f32
    %broadcast_in_dim3A_906 = vector.broadcast %jit3A_905 : f32 to vector<128x4xf32>
    %select_n3A_907 = arith.select %eq3A_904, %select_n3A_541, %broadcast_in_dim3A_906 : vector<128x4xi1>, vector<128x4xf32>
    %eq3A_908 = arith.cmpf oeq, %select_n3A_586, %min3A_868 : vector<128x4xf32>
    %jit3A_909 = arith.constant 1.000000e+09 : f32
    %broadcast_in_dim3A_910 = vector.broadcast %jit3A_909 : f32 to vector<128x4xf32>
    %select_n3A_911 = arith.select %eq3A_908, %select_n3A_593, %broadcast_in_dim3A_910 : vector<128x4xi1>, vector<128x4xf32>
    %eq3A_912 = arith.cmpf oeq, %select_n3A_638, %min3A_868 : vector<128x4xf32>
    %jit3A_913 = arith.constant 1.000000e+09 : f32
    %broadcast_in_dim3A_914 = vector.broadcast %jit3A_913 : f32 to vector<128x4xf32>
    %select_n3A_915 = arith.select %eq3A_912, %select_n3A_645, %broadcast_in_dim3A_914 : vector<128x4xi1>, vector<128x4xf32>
    %eq3A_916 = arith.cmpf oeq, %select_n3A_690, %min3A_868 : vector<128x4xf32>
    %jit3A_917 = arith.constant 1.000000e+09 : f32
    %broadcast_in_dim3A_918 = vector.broadcast %jit3A_917 : f32 to vector<128x4xf32>
    %select_n3A_919 = arith.select %eq3A_916, %select_n3A_697, %broadcast_in_dim3A_918 : vector<128x4xi1>, vector<128x4xf32>
    %eq3A_920 = arith.cmpf oeq, %select_n3A_742, %min3A_868 : vector<128x4xf32>
    %jit3A_921 = arith.constant 1.000000e+09 : f32
    %broadcast_in_dim3A_922 = vector.broadcast %jit3A_921 : f32 to vector<128x4xf32>
    %select_n3A_923 = arith.select %eq3A_920, %select_n3A_749, %broadcast_in_dim3A_922 : vector<128x4xi1>, vector<128x4xf32>
    %eq3A_924 = arith.cmpf oeq, %select_n3A_794, %min3A_868 : vector<128x4xf32>
    %jit3A_925 = arith.constant 1.000000e+09 : f32
    %broadcast_in_dim3A_926 = vector.broadcast %jit3A_925 : f32 to vector<128x4xf32>
    %select_n3A_927 = arith.select %eq3A_924, %select_n3A_801, %broadcast_in_dim3A_926 : vector<128x4xi1>, vector<128x4xf32>
    %eq3A_928 = arith.cmpf oeq, %select_n3A_846, %min3A_868 : vector<128x4xf32>
    %jit3A_929 = arith.constant 1.000000e+09 : f32
    %broadcast_in_dim3A_930 = vector.broadcast %jit3A_929 : f32 to vector<128x4xf32>
    %select_n3A_931 = arith.select %eq3A_928, %select_n3A_853, %broadcast_in_dim3A_930 : vector<128x4xi1>, vector<128x4xf32>
    %min3A_932 = arith.minimumf %select_n3A_871, %select_n3A_875 : vector<128x4xf32>
    %min3A_933 = arith.minimumf %min3A_932, %select_n3A_879 : vector<128x4xf32>
    %min3A_934 = arith.minimumf %min3A_933, %select_n3A_883 : vector<128x4xf32>
    %min3A_935 = arith.minimumf %min3A_934, %select_n3A_887 : vector<128x4xf32>
    %min3A_936 = arith.minimumf %min3A_935, %select_n3A_891 : vector<128x4xf32>
    %min3A_937 = arith.minimumf %min3A_936, %select_n3A_895 : vector<128x4xf32>
    %min3A_938 = arith.minimumf %min3A_937, %select_n3A_899 : vector<128x4xf32>
    %min3A_939 = arith.minimumf %min3A_938, %select_n3A_903 : vector<128x4xf32>
    %min3A_940 = arith.minimumf %min3A_939, %select_n3A_907 : vector<128x4xf32>
    %min3A_941 = arith.minimumf %min3A_940, %select_n3A_911 : vector<128x4xf32>
    %min3A_942 = arith.minimumf %min3A_941, %select_n3A_915 : vector<128x4xf32>
    %min3A_943 = arith.minimumf %min3A_942, %select_n3A_919 : vector<128x4xf32>
    %min3A_944 = arith.minimumf %min3A_943, %select_n3A_923 : vector<128x4xf32>
    %min3A_945 = arith.minimumf %min3A_944, %select_n3A_927 : vector<128x4xf32>
    %min3A_946 = arith.minimumf %min3A_945, %select_n3A_931 : vector<128x4xf32>
    %eq3A_947 = arith.cmpf oeq, %select_n3A_73, %min3A_946 : vector<128x4xf32>
    %jit3A_948 = arith.constant 3.000000e+38 : f32
    %broadcast_in_dim3A_949 = vector.broadcast %jit3A_948 : f32 to vector<128x4xf32>
    %select_n3A_950 = arith.select %eq3A_947, %broadcast_in_dim3A_949, %select_n3A : vector<128x4xi1>, vector<128x4xf32>
    %eq3A_951 = arith.cmpf oeq, %select_n3A_125, %min3A_946 : vector<128x4xf32>
    %jit3A_952 = arith.constant 3.000000e+38 : f32
    %broadcast_in_dim3A_953 = vector.broadcast %jit3A_952 : f32 to vector<128x4xf32>
    %select_n3A_954 = arith.select %eq3A_951, %broadcast_in_dim3A_953, %select_n3A_118 : vector<128x4xi1>, vector<128x4xf32>
    %eq3A_955 = arith.cmpf oeq, %select_n3A_177, %min3A_946 : vector<128x4xf32>
    %jit3A_956 = arith.constant 3.000000e+38 : f32
    %broadcast_in_dim3A_957 = vector.broadcast %jit3A_956 : f32 to vector<128x4xf32>
    %select_n3A_958 = arith.select %eq3A_955, %broadcast_in_dim3A_957, %select_n3A_170 : vector<128x4xi1>, vector<128x4xf32>
    %eq3A_959 = arith.cmpf oeq, %select_n3A_229, %min3A_946 : vector<128x4xf32>
    %jit3A_960 = arith.constant 3.000000e+38 : f32
    %broadcast_in_dim3A_961 = vector.broadcast %jit3A_960 : f32 to vector<128x4xf32>
    %select_n3A_962 = arith.select %eq3A_959, %broadcast_in_dim3A_961, %select_n3A_222 : vector<128x4xi1>, vector<128x4xf32>
    %eq3A_963 = arith.cmpf oeq, %select_n3A_281, %min3A_946 : vector<128x4xf32>
    %jit3A_964 = arith.constant 3.000000e+38 : f32
    %broadcast_in_dim3A_965 = vector.broadcast %jit3A_964 : f32 to vector<128x4xf32>
    %select_n3A_966 = arith.select %eq3A_963, %broadcast_in_dim3A_965, %select_n3A_274 : vector<128x4xi1>, vector<128x4xf32>
    %eq3A_967 = arith.cmpf oeq, %select_n3A_333, %min3A_946 : vector<128x4xf32>
    %jit3A_968 = arith.constant 3.000000e+38 : f32
    %broadcast_in_dim3A_969 = vector.broadcast %jit3A_968 : f32 to vector<128x4xf32>
    %select_n3A_970 = arith.select %eq3A_967, %broadcast_in_dim3A_969, %select_n3A_326 : vector<128x4xi1>, vector<128x4xf32>
    %eq3A_971 = arith.cmpf oeq, %select_n3A_385, %min3A_946 : vector<128x4xf32>
    %jit3A_972 = arith.constant 3.000000e+38 : f32
    %broadcast_in_dim3A_973 = vector.broadcast %jit3A_972 : f32 to vector<128x4xf32>
    %select_n3A_974 = arith.select %eq3A_971, %broadcast_in_dim3A_973, %select_n3A_378 : vector<128x4xi1>, vector<128x4xf32>
    %eq3A_975 = arith.cmpf oeq, %select_n3A_437, %min3A_946 : vector<128x4xf32>
    %jit3A_976 = arith.constant 3.000000e+38 : f32
    %broadcast_in_dim3A_977 = vector.broadcast %jit3A_976 : f32 to vector<128x4xf32>
    %select_n3A_978 = arith.select %eq3A_975, %broadcast_in_dim3A_977, %select_n3A_430 : vector<128x4xi1>, vector<128x4xf32>
    %eq3A_979 = arith.cmpf oeq, %select_n3A_489, %min3A_946 : vector<128x4xf32>
    %jit3A_980 = arith.constant 3.000000e+38 : f32
    %broadcast_in_dim3A_981 = vector.broadcast %jit3A_980 : f32 to vector<128x4xf32>
    %select_n3A_982 = arith.select %eq3A_979, %broadcast_in_dim3A_981, %select_n3A_482 : vector<128x4xi1>, vector<128x4xf32>
    %eq3A_983 = arith.cmpf oeq, %select_n3A_541, %min3A_946 : vector<128x4xf32>
    %jit3A_984 = arith.constant 3.000000e+38 : f32
    %broadcast_in_dim3A_985 = vector.broadcast %jit3A_984 : f32 to vector<128x4xf32>
    %select_n3A_986 = arith.select %eq3A_983, %broadcast_in_dim3A_985, %select_n3A_534 : vector<128x4xi1>, vector<128x4xf32>
    %eq3A_987 = arith.cmpf oeq, %select_n3A_593, %min3A_946 : vector<128x4xf32>
    %jit3A_988 = arith.constant 3.000000e+38 : f32
    %broadcast_in_dim3A_989 = vector.broadcast %jit3A_988 : f32 to vector<128x4xf32>
    %select_n3A_990 = arith.select %eq3A_987, %broadcast_in_dim3A_989, %select_n3A_586 : vector<128x4xi1>, vector<128x4xf32>
    %eq3A_991 = arith.cmpf oeq, %select_n3A_645, %min3A_946 : vector<128x4xf32>
    %jit3A_992 = arith.constant 3.000000e+38 : f32
    %broadcast_in_dim3A_993 = vector.broadcast %jit3A_992 : f32 to vector<128x4xf32>
    %select_n3A_994 = arith.select %eq3A_991, %broadcast_in_dim3A_993, %select_n3A_638 : vector<128x4xi1>, vector<128x4xf32>
    %eq3A_995 = arith.cmpf oeq, %select_n3A_697, %min3A_946 : vector<128x4xf32>
    %jit3A_996 = arith.constant 3.000000e+38 : f32
    %broadcast_in_dim3A_997 = vector.broadcast %jit3A_996 : f32 to vector<128x4xf32>
    %select_n3A_998 = arith.select %eq3A_995, %broadcast_in_dim3A_997, %select_n3A_690 : vector<128x4xi1>, vector<128x4xf32>
    %eq3A_999 = arith.cmpf oeq, %select_n3A_749, %min3A_946 : vector<128x4xf32>
    %jit3A_1000 = arith.constant 3.000000e+38 : f32
    %broadcast_in_dim3A_1001 = vector.broadcast %jit3A_1000 : f32 to vector<128x4xf32>
    %select_n3A_1002 = arith.select %eq3A_999, %broadcast_in_dim3A_1001, %select_n3A_742 : vector<128x4xi1>, vector<128x4xf32>
    %eq3A_1003 = arith.cmpf oeq, %select_n3A_801, %min3A_946 : vector<128x4xf32>
    %jit3A_1004 = arith.constant 3.000000e+38 : f32
    %broadcast_in_dim3A_1005 = vector.broadcast %jit3A_1004 : f32 to vector<128x4xf32>
    %select_n3A_1006 = arith.select %eq3A_1003, %broadcast_in_dim3A_1005, %select_n3A_794 : vector<128x4xi1>, vector<128x4xf32>
    %eq3A_1007 = arith.cmpf oeq, %select_n3A_853, %min3A_946 : vector<128x4xf32>
    %jit3A_1008 = arith.constant 3.000000e+38 : f32
    %broadcast_in_dim3A_1009 = vector.broadcast %jit3A_1008 : f32 to vector<128x4xf32>
    %select_n3A_1010 = arith.select %eq3A_1007, %broadcast_in_dim3A_1009, %select_n3A_846 : vector<128x4xi1>, vector<128x4xf32>
    %min3A_1011 = arith.minimumf %select_n3A_950, %select_n3A_954 : vector<128x4xf32>
    %min3A_1012 = arith.minimumf %min3A_1011, %select_n3A_958 : vector<128x4xf32>
    %min3A_1013 = arith.minimumf %min3A_1012, %select_n3A_962 : vector<128x4xf32>
    %min3A_1014 = arith.minimumf %min3A_1013, %select_n3A_966 : vector<128x4xf32>
    %min3A_1015 = arith.minimumf %min3A_1014, %select_n3A_970 : vector<128x4xf32>
    %min3A_1016 = arith.minimumf %min3A_1015, %select_n3A_974 : vector<128x4xf32>
    %min3A_1017 = arith.minimumf %min3A_1016, %select_n3A_978 : vector<128x4xf32>
    %min3A_1018 = arith.minimumf %min3A_1017, %select_n3A_982 : vector<128x4xf32>
    %min3A_1019 = arith.minimumf %min3A_1018, %select_n3A_986 : vector<128x4xf32>
    %min3A_1020 = arith.minimumf %min3A_1019, %select_n3A_990 : vector<128x4xf32>
    %min3A_1021 = arith.minimumf %min3A_1020, %select_n3A_994 : vector<128x4xf32>
    %min3A_1022 = arith.minimumf %min3A_1021, %select_n3A_998 : vector<128x4xf32>
    %min3A_1023 = arith.minimumf %min3A_1022, %select_n3A_1002 : vector<128x4xf32>
    %min3A_1024 = arith.minimumf %min3A_1023, %select_n3A_1006 : vector<128x4xf32>
    %min3A_1025 = arith.minimumf %min3A_1024, %select_n3A_1010 : vector<128x4xf32>
    %eq3A_1026 = arith.cmpf oeq, %select_n3A_950, %min3A_1025 : vector<128x4xf32>
    %jit3A_1027 = arith.constant 1.000000e+09 : f32
    %broadcast_in_dim3A_1028 = vector.broadcast %jit3A_1027 : f32 to vector<128x4xf32>
    %select_n3A_1029 = arith.select %eq3A_1026, %select_n3A_73, %broadcast_in_dim3A_1028 : vector<128x4xi1>, vector<128x4xf32>
    %eq3A_1030 = arith.cmpf oeq, %select_n3A_954, %min3A_1025 : vector<128x4xf32>
    %jit3A_1031 = arith.constant 1.000000e+09 : f32
    %broadcast_in_dim3A_1032 = vector.broadcast %jit3A_1031 : f32 to vector<128x4xf32>
    %select_n3A_1033 = arith.select %eq3A_1030, %select_n3A_125, %broadcast_in_dim3A_1032 : vector<128x4xi1>, vector<128x4xf32>
    %eq3A_1034 = arith.cmpf oeq, %select_n3A_958, %min3A_1025 : vector<128x4xf32>
    %jit3A_1035 = arith.constant 1.000000e+09 : f32
    %broadcast_in_dim3A_1036 = vector.broadcast %jit3A_1035 : f32 to vector<128x4xf32>
    %select_n3A_1037 = arith.select %eq3A_1034, %select_n3A_177, %broadcast_in_dim3A_1036 : vector<128x4xi1>, vector<128x4xf32>
    %eq3A_1038 = arith.cmpf oeq, %select_n3A_962, %min3A_1025 : vector<128x4xf32>
    %jit3A_1039 = arith.constant 1.000000e+09 : f32
    %broadcast_in_dim3A_1040 = vector.broadcast %jit3A_1039 : f32 to vector<128x4xf32>
    %select_n3A_1041 = arith.select %eq3A_1038, %select_n3A_229, %broadcast_in_dim3A_1040 : vector<128x4xi1>, vector<128x4xf32>
    %eq3A_1042 = arith.cmpf oeq, %select_n3A_966, %min3A_1025 : vector<128x4xf32>
    %jit3A_1043 = arith.constant 1.000000e+09 : f32
    %broadcast_in_dim3A_1044 = vector.broadcast %jit3A_1043 : f32 to vector<128x4xf32>
    %select_n3A_1045 = arith.select %eq3A_1042, %select_n3A_281, %broadcast_in_dim3A_1044 : vector<128x4xi1>, vector<128x4xf32>
    %eq3A_1046 = arith.cmpf oeq, %select_n3A_970, %min3A_1025 : vector<128x4xf32>
    %jit3A_1047 = arith.constant 1.000000e+09 : f32
    %broadcast_in_dim3A_1048 = vector.broadcast %jit3A_1047 : f32 to vector<128x4xf32>
    %select_n3A_1049 = arith.select %eq3A_1046, %select_n3A_333, %broadcast_in_dim3A_1048 : vector<128x4xi1>, vector<128x4xf32>
    %eq3A_1050 = arith.cmpf oeq, %select_n3A_974, %min3A_1025 : vector<128x4xf32>
    %jit3A_1051 = arith.constant 1.000000e+09 : f32
    %broadcast_in_dim3A_1052 = vector.broadcast %jit3A_1051 : f32 to vector<128x4xf32>
    %select_n3A_1053 = arith.select %eq3A_1050, %select_n3A_385, %broadcast_in_dim3A_1052 : vector<128x4xi1>, vector<128x4xf32>
    %eq3A_1054 = arith.cmpf oeq, %select_n3A_978, %min3A_1025 : vector<128x4xf32>
    %jit3A_1055 = arith.constant 1.000000e+09 : f32
    %broadcast_in_dim3A_1056 = vector.broadcast %jit3A_1055 : f32 to vector<128x4xf32>
    %select_n3A_1057 = arith.select %eq3A_1054, %select_n3A_437, %broadcast_in_dim3A_1056 : vector<128x4xi1>, vector<128x4xf32>
    %eq3A_1058 = arith.cmpf oeq, %select_n3A_982, %min3A_1025 : vector<128x4xf32>
    %jit3A_1059 = arith.constant 1.000000e+09 : f32
    %broadcast_in_dim3A_1060 = vector.broadcast %jit3A_1059 : f32 to vector<128x4xf32>
    %select_n3A_1061 = arith.select %eq3A_1058, %select_n3A_489, %broadcast_in_dim3A_1060 : vector<128x4xi1>, vector<128x4xf32>
    %eq3A_1062 = arith.cmpf oeq, %select_n3A_986, %min3A_1025 : vector<128x4xf32>
    %jit3A_1063 = arith.constant 1.000000e+09 : f32
    %broadcast_in_dim3A_1064 = vector.broadcast %jit3A_1063 : f32 to vector<128x4xf32>
    %select_n3A_1065 = arith.select %eq3A_1062, %select_n3A_541, %broadcast_in_dim3A_1064 : vector<128x4xi1>, vector<128x4xf32>
    %eq3A_1066 = arith.cmpf oeq, %select_n3A_990, %min3A_1025 : vector<128x4xf32>
    %jit3A_1067 = arith.constant 1.000000e+09 : f32
    %broadcast_in_dim3A_1068 = vector.broadcast %jit3A_1067 : f32 to vector<128x4xf32>
    %select_n3A_1069 = arith.select %eq3A_1066, %select_n3A_593, %broadcast_in_dim3A_1068 : vector<128x4xi1>, vector<128x4xf32>
    %eq3A_1070 = arith.cmpf oeq, %select_n3A_994, %min3A_1025 : vector<128x4xf32>
    %jit3A_1071 = arith.constant 1.000000e+09 : f32
    %broadcast_in_dim3A_1072 = vector.broadcast %jit3A_1071 : f32 to vector<128x4xf32>
    %select_n3A_1073 = arith.select %eq3A_1070, %select_n3A_645, %broadcast_in_dim3A_1072 : vector<128x4xi1>, vector<128x4xf32>
    %eq3A_1074 = arith.cmpf oeq, %select_n3A_998, %min3A_1025 : vector<128x4xf32>
    %jit3A_1075 = arith.constant 1.000000e+09 : f32
    %broadcast_in_dim3A_1076 = vector.broadcast %jit3A_1075 : f32 to vector<128x4xf32>
    %select_n3A_1077 = arith.select %eq3A_1074, %select_n3A_697, %broadcast_in_dim3A_1076 : vector<128x4xi1>, vector<128x4xf32>
    %eq3A_1078 = arith.cmpf oeq, %select_n3A_1002, %min3A_1025 : vector<128x4xf32>
    %jit3A_1079 = arith.constant 1.000000e+09 : f32
    %broadcast_in_dim3A_1080 = vector.broadcast %jit3A_1079 : f32 to vector<128x4xf32>
    %select_n3A_1081 = arith.select %eq3A_1078, %select_n3A_749, %broadcast_in_dim3A_1080 : vector<128x4xi1>, vector<128x4xf32>
    %eq3A_1082 = arith.cmpf oeq, %select_n3A_1006, %min3A_1025 : vector<128x4xf32>
    %jit3A_1083 = arith.constant 1.000000e+09 : f32
    %broadcast_in_dim3A_1084 = vector.broadcast %jit3A_1083 : f32 to vector<128x4xf32>
    %select_n3A_1085 = arith.select %eq3A_1082, %select_n3A_801, %broadcast_in_dim3A_1084 : vector<128x4xi1>, vector<128x4xf32>
    %eq3A_1086 = arith.cmpf oeq, %select_n3A_1010, %min3A_1025 : vector<128x4xf32>
    %jit3A_1087 = arith.constant 1.000000e+09 : f32
    %broadcast_in_dim3A_1088 = vector.broadcast %jit3A_1087 : f32 to vector<128x4xf32>
    %select_n3A_1089 = arith.select %eq3A_1086, %select_n3A_853, %broadcast_in_dim3A_1088 : vector<128x4xi1>, vector<128x4xf32>
    %min3A_1090 = arith.minimumf %select_n3A_1029, %select_n3A_1033 : vector<128x4xf32>
    %min3A_1091 = arith.minimumf %min3A_1090, %select_n3A_1037 : vector<128x4xf32>
    %min3A_1092 = arith.minimumf %min3A_1091, %select_n3A_1041 : vector<128x4xf32>
    %min3A_1093 = arith.minimumf %min3A_1092, %select_n3A_1045 : vector<128x4xf32>
    %min3A_1094 = arith.minimumf %min3A_1093, %select_n3A_1049 : vector<128x4xf32>
    %min3A_1095 = arith.minimumf %min3A_1094, %select_n3A_1053 : vector<128x4xf32>
    %min3A_1096 = arith.minimumf %min3A_1095, %select_n3A_1057 : vector<128x4xf32>
    %min3A_1097 = arith.minimumf %min3A_1096, %select_n3A_1061 : vector<128x4xf32>
    %min3A_1098 = arith.minimumf %min3A_1097, %select_n3A_1065 : vector<128x4xf32>
    %min3A_1099 = arith.minimumf %min3A_1098, %select_n3A_1069 : vector<128x4xf32>
    %min3A_1100 = arith.minimumf %min3A_1099, %select_n3A_1073 : vector<128x4xf32>
    %min3A_1101 = arith.minimumf %min3A_1100, %select_n3A_1077 : vector<128x4xf32>
    %min3A_1102 = arith.minimumf %min3A_1101, %select_n3A_1081 : vector<128x4xf32>
    %min3A_1103 = arith.minimumf %min3A_1102, %select_n3A_1085 : vector<128x4xf32>
    %min3A_1104 = arith.minimumf %min3A_1103, %select_n3A_1089 : vector<128x4xf32>
    %eq3A_1105 = arith.cmpf oeq, %select_n3A_73, %min3A_1104 : vector<128x4xf32>
    %jit3A_1106 = arith.constant 3.000000e+38 : f32
    %broadcast_in_dim3A_1107 = vector.broadcast %jit3A_1106 : f32 to vector<128x4xf32>
    %select_n3A_1108 = arith.select %eq3A_1105, %broadcast_in_dim3A_1107, %select_n3A_950 : vector<128x4xi1>, vector<128x4xf32>
    %eq3A_1109 = arith.cmpf oeq, %select_n3A_125, %min3A_1104 : vector<128x4xf32>
    %jit3A_1110 = arith.constant 3.000000e+38 : f32
    %broadcast_in_dim3A_1111 = vector.broadcast %jit3A_1110 : f32 to vector<128x4xf32>
    %select_n3A_1112 = arith.select %eq3A_1109, %broadcast_in_dim3A_1111, %select_n3A_954 : vector<128x4xi1>, vector<128x4xf32>
    %eq3A_1113 = arith.cmpf oeq, %select_n3A_177, %min3A_1104 : vector<128x4xf32>
    %jit3A_1114 = arith.constant 3.000000e+38 : f32
    %broadcast_in_dim3A_1115 = vector.broadcast %jit3A_1114 : f32 to vector<128x4xf32>
    %select_n3A_1116 = arith.select %eq3A_1113, %broadcast_in_dim3A_1115, %select_n3A_958 : vector<128x4xi1>, vector<128x4xf32>
    %eq3A_1117 = arith.cmpf oeq, %select_n3A_229, %min3A_1104 : vector<128x4xf32>
    %jit3A_1118 = arith.constant 3.000000e+38 : f32
    %broadcast_in_dim3A_1119 = vector.broadcast %jit3A_1118 : f32 to vector<128x4xf32>
    %select_n3A_1120 = arith.select %eq3A_1117, %broadcast_in_dim3A_1119, %select_n3A_962 : vector<128x4xi1>, vector<128x4xf32>
    %eq3A_1121 = arith.cmpf oeq, %select_n3A_281, %min3A_1104 : vector<128x4xf32>
    %jit3A_1122 = arith.constant 3.000000e+38 : f32
    %broadcast_in_dim3A_1123 = vector.broadcast %jit3A_1122 : f32 to vector<128x4xf32>
    %select_n3A_1124 = arith.select %eq3A_1121, %broadcast_in_dim3A_1123, %select_n3A_966 : vector<128x4xi1>, vector<128x4xf32>
    %eq3A_1125 = arith.cmpf oeq, %select_n3A_333, %min3A_1104 : vector<128x4xf32>
    %jit3A_1126 = arith.constant 3.000000e+38 : f32
    %broadcast_in_dim3A_1127 = vector.broadcast %jit3A_1126 : f32 to vector<128x4xf32>
    %select_n3A_1128 = arith.select %eq3A_1125, %broadcast_in_dim3A_1127, %select_n3A_970 : vector<128x4xi1>, vector<128x4xf32>
    %eq3A_1129 = arith.cmpf oeq, %select_n3A_385, %min3A_1104 : vector<128x4xf32>
    %jit3A_1130 = arith.constant 3.000000e+38 : f32
    %broadcast_in_dim3A_1131 = vector.broadcast %jit3A_1130 : f32 to vector<128x4xf32>
    %select_n3A_1132 = arith.select %eq3A_1129, %broadcast_in_dim3A_1131, %select_n3A_974 : vector<128x4xi1>, vector<128x4xf32>
    %eq3A_1133 = arith.cmpf oeq, %select_n3A_437, %min3A_1104 : vector<128x4xf32>
    %jit3A_1134 = arith.constant 3.000000e+38 : f32
    %broadcast_in_dim3A_1135 = vector.broadcast %jit3A_1134 : f32 to vector<128x4xf32>
    %select_n3A_1136 = arith.select %eq3A_1133, %broadcast_in_dim3A_1135, %select_n3A_978 : vector<128x4xi1>, vector<128x4xf32>
    %eq3A_1137 = arith.cmpf oeq, %select_n3A_489, %min3A_1104 : vector<128x4xf32>
    %jit3A_1138 = arith.constant 3.000000e+38 : f32
    %broadcast_in_dim3A_1139 = vector.broadcast %jit3A_1138 : f32 to vector<128x4xf32>
    %select_n3A_1140 = arith.select %eq3A_1137, %broadcast_in_dim3A_1139, %select_n3A_982 : vector<128x4xi1>, vector<128x4xf32>
    %eq3A_1141 = arith.cmpf oeq, %select_n3A_541, %min3A_1104 : vector<128x4xf32>
    %jit3A_1142 = arith.constant 3.000000e+38 : f32
    %broadcast_in_dim3A_1143 = vector.broadcast %jit3A_1142 : f32 to vector<128x4xf32>
    %select_n3A_1144 = arith.select %eq3A_1141, %broadcast_in_dim3A_1143, %select_n3A_986 : vector<128x4xi1>, vector<128x4xf32>
    %eq3A_1145 = arith.cmpf oeq, %select_n3A_593, %min3A_1104 : vector<128x4xf32>
    %jit3A_1146 = arith.constant 3.000000e+38 : f32
    %broadcast_in_dim3A_1147 = vector.broadcast %jit3A_1146 : f32 to vector<128x4xf32>
    %select_n3A_1148 = arith.select %eq3A_1145, %broadcast_in_dim3A_1147, %select_n3A_990 : vector<128x4xi1>, vector<128x4xf32>
    %eq3A_1149 = arith.cmpf oeq, %select_n3A_645, %min3A_1104 : vector<128x4xf32>
    %jit3A_1150 = arith.constant 3.000000e+38 : f32
    %broadcast_in_dim3A_1151 = vector.broadcast %jit3A_1150 : f32 to vector<128x4xf32>
    %select_n3A_1152 = arith.select %eq3A_1149, %broadcast_in_dim3A_1151, %select_n3A_994 : vector<128x4xi1>, vector<128x4xf32>
    %eq3A_1153 = arith.cmpf oeq, %select_n3A_697, %min3A_1104 : vector<128x4xf32>
    %jit3A_1154 = arith.constant 3.000000e+38 : f32
    %broadcast_in_dim3A_1155 = vector.broadcast %jit3A_1154 : f32 to vector<128x4xf32>
    %select_n3A_1156 = arith.select %eq3A_1153, %broadcast_in_dim3A_1155, %select_n3A_998 : vector<128x4xi1>, vector<128x4xf32>
    %eq3A_1157 = arith.cmpf oeq, %select_n3A_749, %min3A_1104 : vector<128x4xf32>
    %jit3A_1158 = arith.constant 3.000000e+38 : f32
    %broadcast_in_dim3A_1159 = vector.broadcast %jit3A_1158 : f32 to vector<128x4xf32>
    %select_n3A_1160 = arith.select %eq3A_1157, %broadcast_in_dim3A_1159, %select_n3A_1002 : vector<128x4xi1>, vector<128x4xf32>
    %eq3A_1161 = arith.cmpf oeq, %select_n3A_801, %min3A_1104 : vector<128x4xf32>
    %jit3A_1162 = arith.constant 3.000000e+38 : f32
    %broadcast_in_dim3A_1163 = vector.broadcast %jit3A_1162 : f32 to vector<128x4xf32>
    %select_n3A_1164 = arith.select %eq3A_1161, %broadcast_in_dim3A_1163, %select_n3A_1006 : vector<128x4xi1>, vector<128x4xf32>
    %eq3A_1165 = arith.cmpf oeq, %select_n3A_853, %min3A_1104 : vector<128x4xf32>
    %jit3A_1166 = arith.constant 3.000000e+38 : f32
    %broadcast_in_dim3A_1167 = vector.broadcast %jit3A_1166 : f32 to vector<128x4xf32>
    %select_n3A_1168 = arith.select %eq3A_1165, %broadcast_in_dim3A_1167, %select_n3A_1010 : vector<128x4xi1>, vector<128x4xf32>
    %min3A_1169 = arith.minimumf %select_n3A_1108, %select_n3A_1112 : vector<128x4xf32>
    %min3A_1170 = arith.minimumf %min3A_1169, %select_n3A_1116 : vector<128x4xf32>
    %min3A_1171 = arith.minimumf %min3A_1170, %select_n3A_1120 : vector<128x4xf32>
    %min3A_1172 = arith.minimumf %min3A_1171, %select_n3A_1124 : vector<128x4xf32>
    %min3A_1173 = arith.minimumf %min3A_1172, %select_n3A_1128 : vector<128x4xf32>
    %min3A_1174 = arith.minimumf %min3A_1173, %select_n3A_1132 : vector<128x4xf32>
    %min3A_1175 = arith.minimumf %min3A_1174, %select_n3A_1136 : vector<128x4xf32>
    %min3A_1176 = arith.minimumf %min3A_1175, %select_n3A_1140 : vector<128x4xf32>
    %min3A_1177 = arith.minimumf %min3A_1176, %select_n3A_1144 : vector<128x4xf32>
    %min3A_1178 = arith.minimumf %min3A_1177, %select_n3A_1148 : vector<128x4xf32>
    %min3A_1179 = arith.minimumf %min3A_1178, %select_n3A_1152 : vector<128x4xf32>
    %min3A_1180 = arith.minimumf %min3A_1179, %select_n3A_1156 : vector<128x4xf32>
    %min3A_1181 = arith.minimumf %min3A_1180, %select_n3A_1160 : vector<128x4xf32>
    %min3A_1182 = arith.minimumf %min3A_1181, %select_n3A_1164 : vector<128x4xf32>
    %min3A_1183 = arith.minimumf %min3A_1182, %select_n3A_1168 : vector<128x4xf32>
    %eq3A_1184 = arith.cmpf oeq, %select_n3A_1108, %min3A_1183 : vector<128x4xf32>
    %jit3A_1185 = arith.constant 1.000000e+09 : f32
    %broadcast_in_dim3A_1186 = vector.broadcast %jit3A_1185 : f32 to vector<128x4xf32>
    %select_n3A_1187 = arith.select %eq3A_1184, %select_n3A_73, %broadcast_in_dim3A_1186 : vector<128x4xi1>, vector<128x4xf32>
    %eq3A_1188 = arith.cmpf oeq, %select_n3A_1112, %min3A_1183 : vector<128x4xf32>
    %jit3A_1189 = arith.constant 1.000000e+09 : f32
    %broadcast_in_dim3A_1190 = vector.broadcast %jit3A_1189 : f32 to vector<128x4xf32>
    %select_n3A_1191 = arith.select %eq3A_1188, %select_n3A_125, %broadcast_in_dim3A_1190 : vector<128x4xi1>, vector<128x4xf32>
    %eq3A_1192 = arith.cmpf oeq, %select_n3A_1116, %min3A_1183 : vector<128x4xf32>
    %jit3A_1193 = arith.constant 1.000000e+09 : f32
    %broadcast_in_dim3A_1194 = vector.broadcast %jit3A_1193 : f32 to vector<128x4xf32>
    %select_n3A_1195 = arith.select %eq3A_1192, %select_n3A_177, %broadcast_in_dim3A_1194 : vector<128x4xi1>, vector<128x4xf32>
    %eq3A_1196 = arith.cmpf oeq, %select_n3A_1120, %min3A_1183 : vector<128x4xf32>
    %jit3A_1197 = arith.constant 1.000000e+09 : f32
    %broadcast_in_dim3A_1198 = vector.broadcast %jit3A_1197 : f32 to vector<128x4xf32>
    %select_n3A_1199 = arith.select %eq3A_1196, %select_n3A_229, %broadcast_in_dim3A_1198 : vector<128x4xi1>, vector<128x4xf32>
    %eq3A_1200 = arith.cmpf oeq, %select_n3A_1124, %min3A_1183 : vector<128x4xf32>
    %jit3A_1201 = arith.constant 1.000000e+09 : f32
    %broadcast_in_dim3A_1202 = vector.broadcast %jit3A_1201 : f32 to vector<128x4xf32>
    %select_n3A_1203 = arith.select %eq3A_1200, %select_n3A_281, %broadcast_in_dim3A_1202 : vector<128x4xi1>, vector<128x4xf32>
    %eq3A_1204 = arith.cmpf oeq, %select_n3A_1128, %min3A_1183 : vector<128x4xf32>
    %jit3A_1205 = arith.constant 1.000000e+09 : f32
    %broadcast_in_dim3A_1206 = vector.broadcast %jit3A_1205 : f32 to vector<128x4xf32>
    %select_n3A_1207 = arith.select %eq3A_1204, %select_n3A_333, %broadcast_in_dim3A_1206 : vector<128x4xi1>, vector<128x4xf32>
    %eq3A_1208 = arith.cmpf oeq, %select_n3A_1132, %min3A_1183 : vector<128x4xf32>
    %jit3A_1209 = arith.constant 1.000000e+09 : f32
    %broadcast_in_dim3A_1210 = vector.broadcast %jit3A_1209 : f32 to vector<128x4xf32>
    %select_n3A_1211 = arith.select %eq3A_1208, %select_n3A_385, %broadcast_in_dim3A_1210 : vector<128x4xi1>, vector<128x4xf32>
    %eq3A_1212 = arith.cmpf oeq, %select_n3A_1136, %min3A_1183 : vector<128x4xf32>
    %jit3A_1213 = arith.constant 1.000000e+09 : f32
    %broadcast_in_dim3A_1214 = vector.broadcast %jit3A_1213 : f32 to vector<128x4xf32>
    %select_n3A_1215 = arith.select %eq3A_1212, %select_n3A_437, %broadcast_in_dim3A_1214 : vector<128x4xi1>, vector<128x4xf32>
    %eq3A_1216 = arith.cmpf oeq, %select_n3A_1140, %min3A_1183 : vector<128x4xf32>
    %jit3A_1217 = arith.constant 1.000000e+09 : f32
    %broadcast_in_dim3A_1218 = vector.broadcast %jit3A_1217 : f32 to vector<128x4xf32>
    %select_n3A_1219 = arith.select %eq3A_1216, %select_n3A_489, %broadcast_in_dim3A_1218 : vector<128x4xi1>, vector<128x4xf32>
    %eq3A_1220 = arith.cmpf oeq, %select_n3A_1144, %min3A_1183 : vector<128x4xf32>
    %jit3A_1221 = arith.constant 1.000000e+09 : f32
    %broadcast_in_dim3A_1222 = vector.broadcast %jit3A_1221 : f32 to vector<128x4xf32>
    %select_n3A_1223 = arith.select %eq3A_1220, %select_n3A_541, %broadcast_in_dim3A_1222 : vector<128x4xi1>, vector<128x4xf32>
    %eq3A_1224 = arith.cmpf oeq, %select_n3A_1148, %min3A_1183 : vector<128x4xf32>
    %jit3A_1225 = arith.constant 1.000000e+09 : f32
    %broadcast_in_dim3A_1226 = vector.broadcast %jit3A_1225 : f32 to vector<128x4xf32>
    %select_n3A_1227 = arith.select %eq3A_1224, %select_n3A_593, %broadcast_in_dim3A_1226 : vector<128x4xi1>, vector<128x4xf32>
    %eq3A_1228 = arith.cmpf oeq, %select_n3A_1152, %min3A_1183 : vector<128x4xf32>
    %jit3A_1229 = arith.constant 1.000000e+09 : f32
    %broadcast_in_dim3A_1230 = vector.broadcast %jit3A_1229 : f32 to vector<128x4xf32>
    %select_n3A_1231 = arith.select %eq3A_1228, %select_n3A_645, %broadcast_in_dim3A_1230 : vector<128x4xi1>, vector<128x4xf32>
    %eq3A_1232 = arith.cmpf oeq, %select_n3A_1156, %min3A_1183 : vector<128x4xf32>
    %jit3A_1233 = arith.constant 1.000000e+09 : f32
    %broadcast_in_dim3A_1234 = vector.broadcast %jit3A_1233 : f32 to vector<128x4xf32>
    %select_n3A_1235 = arith.select %eq3A_1232, %select_n3A_697, %broadcast_in_dim3A_1234 : vector<128x4xi1>, vector<128x4xf32>
    %eq3A_1236 = arith.cmpf oeq, %select_n3A_1160, %min3A_1183 : vector<128x4xf32>
    %jit3A_1237 = arith.constant 1.000000e+09 : f32
    %broadcast_in_dim3A_1238 = vector.broadcast %jit3A_1237 : f32 to vector<128x4xf32>
    %select_n3A_1239 = arith.select %eq3A_1236, %select_n3A_749, %broadcast_in_dim3A_1238 : vector<128x4xi1>, vector<128x4xf32>
    %eq3A_1240 = arith.cmpf oeq, %select_n3A_1164, %min3A_1183 : vector<128x4xf32>
    %jit3A_1241 = arith.constant 1.000000e+09 : f32
    %broadcast_in_dim3A_1242 = vector.broadcast %jit3A_1241 : f32 to vector<128x4xf32>
    %select_n3A_1243 = arith.select %eq3A_1240, %select_n3A_801, %broadcast_in_dim3A_1242 : vector<128x4xi1>, vector<128x4xf32>
    %eq3A_1244 = arith.cmpf oeq, %select_n3A_1168, %min3A_1183 : vector<128x4xf32>
    %jit3A_1245 = arith.constant 1.000000e+09 : f32
    %broadcast_in_dim3A_1246 = vector.broadcast %jit3A_1245 : f32 to vector<128x4xf32>
    %select_n3A_1247 = arith.select %eq3A_1244, %select_n3A_853, %broadcast_in_dim3A_1246 : vector<128x4xi1>, vector<128x4xf32>
    %min3A_1248 = arith.minimumf %select_n3A_1187, %select_n3A_1191 : vector<128x4xf32>
    %min3A_1249 = arith.minimumf %min3A_1248, %select_n3A_1195 : vector<128x4xf32>
    %min3A_1250 = arith.minimumf %min3A_1249, %select_n3A_1199 : vector<128x4xf32>
    %min3A_1251 = arith.minimumf %min3A_1250, %select_n3A_1203 : vector<128x4xf32>
    %min3A_1252 = arith.minimumf %min3A_1251, %select_n3A_1207 : vector<128x4xf32>
    %min3A_1253 = arith.minimumf %min3A_1252, %select_n3A_1211 : vector<128x4xf32>
    %min3A_1254 = arith.minimumf %min3A_1253, %select_n3A_1215 : vector<128x4xf32>
    %min3A_1255 = arith.minimumf %min3A_1254, %select_n3A_1219 : vector<128x4xf32>
    %min3A_1256 = arith.minimumf %min3A_1255, %select_n3A_1223 : vector<128x4xf32>
    %min3A_1257 = arith.minimumf %min3A_1256, %select_n3A_1227 : vector<128x4xf32>
    %min3A_1258 = arith.minimumf %min3A_1257, %select_n3A_1231 : vector<128x4xf32>
    %min3A_1259 = arith.minimumf %min3A_1258, %select_n3A_1235 : vector<128x4xf32>
    %min3A_1260 = arith.minimumf %min3A_1259, %select_n3A_1239 : vector<128x4xf32>
    %min3A_1261 = arith.minimumf %min3A_1260, %select_n3A_1243 : vector<128x4xf32>
    %min3A_1262 = arith.minimumf %min3A_1261, %select_n3A_1247 : vector<128x4xf32>
    %eq3A_1263 = arith.cmpf oeq, %select_n3A_73, %min3A_1262 : vector<128x4xf32>
    %jit3A_1264 = arith.constant 3.000000e+38 : f32
    %broadcast_in_dim3A_1265 = vector.broadcast %jit3A_1264 : f32 to vector<128x4xf32>
    %select_n3A_1266 = arith.select %eq3A_1263, %broadcast_in_dim3A_1265, %select_n3A_1108 : vector<128x4xi1>, vector<128x4xf32>
    %eq3A_1267 = arith.cmpf oeq, %select_n3A_125, %min3A_1262 : vector<128x4xf32>
    %jit3A_1268 = arith.constant 3.000000e+38 : f32
    %broadcast_in_dim3A_1269 = vector.broadcast %jit3A_1268 : f32 to vector<128x4xf32>
    %select_n3A_1270 = arith.select %eq3A_1267, %broadcast_in_dim3A_1269, %select_n3A_1112 : vector<128x4xi1>, vector<128x4xf32>
    %eq3A_1271 = arith.cmpf oeq, %select_n3A_177, %min3A_1262 : vector<128x4xf32>
    %jit3A_1272 = arith.constant 3.000000e+38 : f32
    %broadcast_in_dim3A_1273 = vector.broadcast %jit3A_1272 : f32 to vector<128x4xf32>
    %select_n3A_1274 = arith.select %eq3A_1271, %broadcast_in_dim3A_1273, %select_n3A_1116 : vector<128x4xi1>, vector<128x4xf32>
    %eq3A_1275 = arith.cmpf oeq, %select_n3A_229, %min3A_1262 : vector<128x4xf32>
    %jit3A_1276 = arith.constant 3.000000e+38 : f32
    %broadcast_in_dim3A_1277 = vector.broadcast %jit3A_1276 : f32 to vector<128x4xf32>
    %select_n3A_1278 = arith.select %eq3A_1275, %broadcast_in_dim3A_1277, %select_n3A_1120 : vector<128x4xi1>, vector<128x4xf32>
    %eq3A_1279 = arith.cmpf oeq, %select_n3A_281, %min3A_1262 : vector<128x4xf32>
    %jit3A_1280 = arith.constant 3.000000e+38 : f32
    %broadcast_in_dim3A_1281 = vector.broadcast %jit3A_1280 : f32 to vector<128x4xf32>
    %select_n3A_1282 = arith.select %eq3A_1279, %broadcast_in_dim3A_1281, %select_n3A_1124 : vector<128x4xi1>, vector<128x4xf32>
    %eq3A_1283 = arith.cmpf oeq, %select_n3A_333, %min3A_1262 : vector<128x4xf32>
    %jit3A_1284 = arith.constant 3.000000e+38 : f32
    %broadcast_in_dim3A_1285 = vector.broadcast %jit3A_1284 : f32 to vector<128x4xf32>
    %select_n3A_1286 = arith.select %eq3A_1283, %broadcast_in_dim3A_1285, %select_n3A_1128 : vector<128x4xi1>, vector<128x4xf32>
    %eq3A_1287 = arith.cmpf oeq, %select_n3A_385, %min3A_1262 : vector<128x4xf32>
    %jit3A_1288 = arith.constant 3.000000e+38 : f32
    %broadcast_in_dim3A_1289 = vector.broadcast %jit3A_1288 : f32 to vector<128x4xf32>
    %select_n3A_1290 = arith.select %eq3A_1287, %broadcast_in_dim3A_1289, %select_n3A_1132 : vector<128x4xi1>, vector<128x4xf32>
    %eq3A_1291 = arith.cmpf oeq, %select_n3A_437, %min3A_1262 : vector<128x4xf32>
    %jit3A_1292 = arith.constant 3.000000e+38 : f32
    %broadcast_in_dim3A_1293 = vector.broadcast %jit3A_1292 : f32 to vector<128x4xf32>
    %select_n3A_1294 = arith.select %eq3A_1291, %broadcast_in_dim3A_1293, %select_n3A_1136 : vector<128x4xi1>, vector<128x4xf32>
    %eq3A_1295 = arith.cmpf oeq, %select_n3A_489, %min3A_1262 : vector<128x4xf32>
    %jit3A_1296 = arith.constant 3.000000e+38 : f32
    %broadcast_in_dim3A_1297 = vector.broadcast %jit3A_1296 : f32 to vector<128x4xf32>
    %select_n3A_1298 = arith.select %eq3A_1295, %broadcast_in_dim3A_1297, %select_n3A_1140 : vector<128x4xi1>, vector<128x4xf32>
    %eq3A_1299 = arith.cmpf oeq, %select_n3A_541, %min3A_1262 : vector<128x4xf32>
    %jit3A_1300 = arith.constant 3.000000e+38 : f32
    %broadcast_in_dim3A_1301 = vector.broadcast %jit3A_1300 : f32 to vector<128x4xf32>
    %select_n3A_1302 = arith.select %eq3A_1299, %broadcast_in_dim3A_1301, %select_n3A_1144 : vector<128x4xi1>, vector<128x4xf32>
    %eq3A_1303 = arith.cmpf oeq, %select_n3A_593, %min3A_1262 : vector<128x4xf32>
    %jit3A_1304 = arith.constant 3.000000e+38 : f32
    %broadcast_in_dim3A_1305 = vector.broadcast %jit3A_1304 : f32 to vector<128x4xf32>
    %select_n3A_1306 = arith.select %eq3A_1303, %broadcast_in_dim3A_1305, %select_n3A_1148 : vector<128x4xi1>, vector<128x4xf32>
    %eq3A_1307 = arith.cmpf oeq, %select_n3A_645, %min3A_1262 : vector<128x4xf32>
    %jit3A_1308 = arith.constant 3.000000e+38 : f32
    %broadcast_in_dim3A_1309 = vector.broadcast %jit3A_1308 : f32 to vector<128x4xf32>
    %select_n3A_1310 = arith.select %eq3A_1307, %broadcast_in_dim3A_1309, %select_n3A_1152 : vector<128x4xi1>, vector<128x4xf32>
    %eq3A_1311 = arith.cmpf oeq, %select_n3A_697, %min3A_1262 : vector<128x4xf32>
    %jit3A_1312 = arith.constant 3.000000e+38 : f32
    %broadcast_in_dim3A_1313 = vector.broadcast %jit3A_1312 : f32 to vector<128x4xf32>
    %select_n3A_1314 = arith.select %eq3A_1311, %broadcast_in_dim3A_1313, %select_n3A_1156 : vector<128x4xi1>, vector<128x4xf32>
    %eq3A_1315 = arith.cmpf oeq, %select_n3A_749, %min3A_1262 : vector<128x4xf32>
    %jit3A_1316 = arith.constant 3.000000e+38 : f32
    %broadcast_in_dim3A_1317 = vector.broadcast %jit3A_1316 : f32 to vector<128x4xf32>
    %select_n3A_1318 = arith.select %eq3A_1315, %broadcast_in_dim3A_1317, %select_n3A_1160 : vector<128x4xi1>, vector<128x4xf32>
    %eq3A_1319 = arith.cmpf oeq, %select_n3A_801, %min3A_1262 : vector<128x4xf32>
    %jit3A_1320 = arith.constant 3.000000e+38 : f32
    %broadcast_in_dim3A_1321 = vector.broadcast %jit3A_1320 : f32 to vector<128x4xf32>
    %select_n3A_1322 = arith.select %eq3A_1319, %broadcast_in_dim3A_1321, %select_n3A_1164 : vector<128x4xi1>, vector<128x4xf32>
    %eq3A_1323 = arith.cmpf oeq, %select_n3A_853, %min3A_1262 : vector<128x4xf32>
    %jit3A_1324 = arith.constant 3.000000e+38 : f32
    %broadcast_in_dim3A_1325 = vector.broadcast %jit3A_1324 : f32 to vector<128x4xf32>
    %select_n3A_1326 = arith.select %eq3A_1323, %broadcast_in_dim3A_1325, %select_n3A_1168 : vector<128x4xi1>, vector<128x4xf32>
    %min3A_1327 = arith.minimumf %select_n3A_1266, %select_n3A_1270 : vector<128x4xf32>
    %min3A_1328 = arith.minimumf %min3A_1327, %select_n3A_1274 : vector<128x4xf32>
    %min3A_1329 = arith.minimumf %min3A_1328, %select_n3A_1278 : vector<128x4xf32>
    %min3A_1330 = arith.minimumf %min3A_1329, %select_n3A_1282 : vector<128x4xf32>
    %min3A_1331 = arith.minimumf %min3A_1330, %select_n3A_1286 : vector<128x4xf32>
    %min3A_1332 = arith.minimumf %min3A_1331, %select_n3A_1290 : vector<128x4xf32>
    %min3A_1333 = arith.minimumf %min3A_1332, %select_n3A_1294 : vector<128x4xf32>
    %min3A_1334 = arith.minimumf %min3A_1333, %select_n3A_1298 : vector<128x4xf32>
    %min3A_1335 = arith.minimumf %min3A_1334, %select_n3A_1302 : vector<128x4xf32>
    %min3A_1336 = arith.minimumf %min3A_1335, %select_n3A_1306 : vector<128x4xf32>
    %min3A_1337 = arith.minimumf %min3A_1336, %select_n3A_1310 : vector<128x4xf32>
    %min3A_1338 = arith.minimumf %min3A_1337, %select_n3A_1314 : vector<128x4xf32>
    %min3A_1339 = arith.minimumf %min3A_1338, %select_n3A_1318 : vector<128x4xf32>
    %min3A_1340 = arith.minimumf %min3A_1339, %select_n3A_1322 : vector<128x4xf32>
    %min3A_1341 = arith.minimumf %min3A_1340, %select_n3A_1326 : vector<128x4xf32>
    %eq3A_1342 = arith.cmpf oeq, %select_n3A_1266, %min3A_1341 : vector<128x4xf32>
    %jit3A_1343 = arith.constant 1.000000e+09 : f32
    %broadcast_in_dim3A_1344 = vector.broadcast %jit3A_1343 : f32 to vector<128x4xf32>
    %select_n3A_1345 = arith.select %eq3A_1342, %select_n3A_73, %broadcast_in_dim3A_1344 : vector<128x4xi1>, vector<128x4xf32>
    %eq3A_1346 = arith.cmpf oeq, %select_n3A_1270, %min3A_1341 : vector<128x4xf32>
    %jit3A_1347 = arith.constant 1.000000e+09 : f32
    %broadcast_in_dim3A_1348 = vector.broadcast %jit3A_1347 : f32 to vector<128x4xf32>
    %select_n3A_1349 = arith.select %eq3A_1346, %select_n3A_125, %broadcast_in_dim3A_1348 : vector<128x4xi1>, vector<128x4xf32>
    %eq3A_1350 = arith.cmpf oeq, %select_n3A_1274, %min3A_1341 : vector<128x4xf32>
    %jit3A_1351 = arith.constant 1.000000e+09 : f32
    %broadcast_in_dim3A_1352 = vector.broadcast %jit3A_1351 : f32 to vector<128x4xf32>
    %select_n3A_1353 = arith.select %eq3A_1350, %select_n3A_177, %broadcast_in_dim3A_1352 : vector<128x4xi1>, vector<128x4xf32>
    %eq3A_1354 = arith.cmpf oeq, %select_n3A_1278, %min3A_1341 : vector<128x4xf32>
    %jit3A_1355 = arith.constant 1.000000e+09 : f32
    %broadcast_in_dim3A_1356 = vector.broadcast %jit3A_1355 : f32 to vector<128x4xf32>
    %select_n3A_1357 = arith.select %eq3A_1354, %select_n3A_229, %broadcast_in_dim3A_1356 : vector<128x4xi1>, vector<128x4xf32>
    %eq3A_1358 = arith.cmpf oeq, %select_n3A_1282, %min3A_1341 : vector<128x4xf32>
    %jit3A_1359 = arith.constant 1.000000e+09 : f32
    %broadcast_in_dim3A_1360 = vector.broadcast %jit3A_1359 : f32 to vector<128x4xf32>
    %select_n3A_1361 = arith.select %eq3A_1358, %select_n3A_281, %broadcast_in_dim3A_1360 : vector<128x4xi1>, vector<128x4xf32>
    %eq3A_1362 = arith.cmpf oeq, %select_n3A_1286, %min3A_1341 : vector<128x4xf32>
    %jit3A_1363 = arith.constant 1.000000e+09 : f32
    %broadcast_in_dim3A_1364 = vector.broadcast %jit3A_1363 : f32 to vector<128x4xf32>
    %select_n3A_1365 = arith.select %eq3A_1362, %select_n3A_333, %broadcast_in_dim3A_1364 : vector<128x4xi1>, vector<128x4xf32>
    %eq3A_1366 = arith.cmpf oeq, %select_n3A_1290, %min3A_1341 : vector<128x4xf32>
    %jit3A_1367 = arith.constant 1.000000e+09 : f32
    %broadcast_in_dim3A_1368 = vector.broadcast %jit3A_1367 : f32 to vector<128x4xf32>
    %select_n3A_1369 = arith.select %eq3A_1366, %select_n3A_385, %broadcast_in_dim3A_1368 : vector<128x4xi1>, vector<128x4xf32>
    %eq3A_1370 = arith.cmpf oeq, %select_n3A_1294, %min3A_1341 : vector<128x4xf32>
    %jit3A_1371 = arith.constant 1.000000e+09 : f32
    %broadcast_in_dim3A_1372 = vector.broadcast %jit3A_1371 : f32 to vector<128x4xf32>
    %select_n3A_1373 = arith.select %eq3A_1370, %select_n3A_437, %broadcast_in_dim3A_1372 : vector<128x4xi1>, vector<128x4xf32>
    %eq3A_1374 = arith.cmpf oeq, %select_n3A_1298, %min3A_1341 : vector<128x4xf32>
    %jit3A_1375 = arith.constant 1.000000e+09 : f32
    %broadcast_in_dim3A_1376 = vector.broadcast %jit3A_1375 : f32 to vector<128x4xf32>
    %select_n3A_1377 = arith.select %eq3A_1374, %select_n3A_489, %broadcast_in_dim3A_1376 : vector<128x4xi1>, vector<128x4xf32>
    %eq3A_1378 = arith.cmpf oeq, %select_n3A_1302, %min3A_1341 : vector<128x4xf32>
    %jit3A_1379 = arith.constant 1.000000e+09 : f32
    %broadcast_in_dim3A_1380 = vector.broadcast %jit3A_1379 : f32 to vector<128x4xf32>
    %select_n3A_1381 = arith.select %eq3A_1378, %select_n3A_541, %broadcast_in_dim3A_1380 : vector<128x4xi1>, vector<128x4xf32>
    %eq3A_1382 = arith.cmpf oeq, %select_n3A_1306, %min3A_1341 : vector<128x4xf32>
    %jit3A_1383 = arith.constant 1.000000e+09 : f32
    %broadcast_in_dim3A_1384 = vector.broadcast %jit3A_1383 : f32 to vector<128x4xf32>
    %select_n3A_1385 = arith.select %eq3A_1382, %select_n3A_593, %broadcast_in_dim3A_1384 : vector<128x4xi1>, vector<128x4xf32>
    %eq3A_1386 = arith.cmpf oeq, %select_n3A_1310, %min3A_1341 : vector<128x4xf32>
    %jit3A_1387 = arith.constant 1.000000e+09 : f32
    %broadcast_in_dim3A_1388 = vector.broadcast %jit3A_1387 : f32 to vector<128x4xf32>
    %select_n3A_1389 = arith.select %eq3A_1386, %select_n3A_645, %broadcast_in_dim3A_1388 : vector<128x4xi1>, vector<128x4xf32>
    %eq3A_1390 = arith.cmpf oeq, %select_n3A_1314, %min3A_1341 : vector<128x4xf32>
    %jit3A_1391 = arith.constant 1.000000e+09 : f32
    %broadcast_in_dim3A_1392 = vector.broadcast %jit3A_1391 : f32 to vector<128x4xf32>
    %select_n3A_1393 = arith.select %eq3A_1390, %select_n3A_697, %broadcast_in_dim3A_1392 : vector<128x4xi1>, vector<128x4xf32>
    %eq3A_1394 = arith.cmpf oeq, %select_n3A_1318, %min3A_1341 : vector<128x4xf32>
    %jit3A_1395 = arith.constant 1.000000e+09 : f32
    %broadcast_in_dim3A_1396 = vector.broadcast %jit3A_1395 : f32 to vector<128x4xf32>
    %select_n3A_1397 = arith.select %eq3A_1394, %select_n3A_749, %broadcast_in_dim3A_1396 : vector<128x4xi1>, vector<128x4xf32>
    %eq3A_1398 = arith.cmpf oeq, %select_n3A_1322, %min3A_1341 : vector<128x4xf32>
    %jit3A_1399 = arith.constant 1.000000e+09 : f32
    %broadcast_in_dim3A_1400 = vector.broadcast %jit3A_1399 : f32 to vector<128x4xf32>
    %select_n3A_1401 = arith.select %eq3A_1398, %select_n3A_801, %broadcast_in_dim3A_1400 : vector<128x4xi1>, vector<128x4xf32>
    %eq3A_1402 = arith.cmpf oeq, %select_n3A_1326, %min3A_1341 : vector<128x4xf32>
    %jit3A_1403 = arith.constant 1.000000e+09 : f32
    %broadcast_in_dim3A_1404 = vector.broadcast %jit3A_1403 : f32 to vector<128x4xf32>
    %select_n3A_1405 = arith.select %eq3A_1402, %select_n3A_853, %broadcast_in_dim3A_1404 : vector<128x4xi1>, vector<128x4xf32>
    %min3A_1406 = arith.minimumf %select_n3A_1345, %select_n3A_1349 : vector<128x4xf32>
    %min3A_1407 = arith.minimumf %min3A_1406, %select_n3A_1353 : vector<128x4xf32>
    %min3A_1408 = arith.minimumf %min3A_1407, %select_n3A_1357 : vector<128x4xf32>
    %min3A_1409 = arith.minimumf %min3A_1408, %select_n3A_1361 : vector<128x4xf32>
    %min3A_1410 = arith.minimumf %min3A_1409, %select_n3A_1365 : vector<128x4xf32>
    %min3A_1411 = arith.minimumf %min3A_1410, %select_n3A_1369 : vector<128x4xf32>
    %min3A_1412 = arith.minimumf %min3A_1411, %select_n3A_1373 : vector<128x4xf32>
    %min3A_1413 = arith.minimumf %min3A_1412, %select_n3A_1377 : vector<128x4xf32>
    %min3A_1414 = arith.minimumf %min3A_1413, %select_n3A_1381 : vector<128x4xf32>
    %min3A_1415 = arith.minimumf %min3A_1414, %select_n3A_1385 : vector<128x4xf32>
    %min3A_1416 = arith.minimumf %min3A_1415, %select_n3A_1389 : vector<128x4xf32>
    %min3A_1417 = arith.minimumf %min3A_1416, %select_n3A_1393 : vector<128x4xf32>
    %min3A_1418 = arith.minimumf %min3A_1417, %select_n3A_1397 : vector<128x4xf32>
    %min3A_1419 = arith.minimumf %min3A_1418, %select_n3A_1401 : vector<128x4xf32>
    %min3A_1420 = arith.minimumf %min3A_1419, %select_n3A_1405 : vector<128x4xf32>
    %iota3A = tpu.iota {dimensions = array<i32: 1>} : vector<128x4096xi16>
    %slice3A = vector.extract_strided_slice %min3A_946 {offsets = [0, 0], sizes = [128, 1], strides = [1, 1]} : vector<128x4xf32> to vector<128x1xf32>
    %convert_element_type3A = arith.fptosi %slice3A : vector<128x1xf32> to vector<128x1xi16>
    %eq3A_1421 = vector.broadcast %convert_element_type3A : vector<128x1xi16> to vector<128x4096xi16>
    %eq3A_1422 = arith.cmpi eq, %iota3A, %eq3A_1421 : vector<128x4096xi16>
    %slice3A_1423 = vector.extract_strided_slice %min3A_946 {offsets = [0, 1], sizes = [128, 1], strides = [1, 1]} : vector<128x4xf32> to vector<128x1xf32>
    %convert_element_type3A_1424 = arith.fptosi %slice3A_1423 : vector<128x1xf32> to vector<128x1xi16>
    %eq3A_1425 = vector.broadcast %convert_element_type3A_1424 : vector<128x1xi16> to vector<128x4096xi16>
    %eq3A_1426 = arith.cmpi eq, %iota3A, %eq3A_1425 : vector<128x4096xi16>
    %or3A = arith.ori %eq3A_1422, %eq3A_1426 : vector<128x4096xi1>
    %slice3A_1427 = vector.extract_strided_slice %min3A_946 {offsets = [0, 2], sizes = [128, 1], strides = [1, 1]} : vector<128x4xf32> to vector<128x1xf32>
    %convert_element_type3A_1428 = arith.fptosi %slice3A_1427 : vector<128x1xf32> to vector<128x1xi16>
    %eq3A_1429 = vector.broadcast %convert_element_type3A_1428 : vector<128x1xi16> to vector<128x4096xi16>
    %eq3A_1430 = arith.cmpi eq, %iota3A, %eq3A_1429 : vector<128x4096xi16>
    %or3A_1431 = arith.ori %or3A, %eq3A_1430 : vector<128x4096xi1>
    %slice3A_1432 = vector.extract_strided_slice %min3A_946 {offsets = [0, 3], sizes = [128, 1], strides = [1, 1]} : vector<128x4xf32> to vector<128x1xf32>
    %convert_element_type3A_1433 = arith.fptosi %slice3A_1432 : vector<128x1xf32> to vector<128x1xi16>
    %eq3A_1434 = vector.broadcast %convert_element_type3A_1433 : vector<128x1xi16> to vector<128x4096xi16>
    %eq3A_1435 = arith.cmpi eq, %iota3A, %eq3A_1434 : vector<128x4096xi16>
    %or3A_1436 = arith.ori %or3A_1431, %eq3A_1435 : vector<128x4096xi1>
    %slice3A_1437 = vector.extract_strided_slice %min3A_1104 {offsets = [0, 0], sizes = [128, 1], strides = [1, 1]} : vector<128x4xf32> to vector<128x1xf32>
    %convert_element_type3A_1438 = arith.fptosi %slice3A_1437 : vector<128x1xf32> to vector<128x1xi16>
    %eq3A_1439 = vector.broadcast %convert_element_type3A_1438 : vector<128x1xi16> to vector<128x4096xi16>
    %eq3A_1440 = arith.cmpi eq, %iota3A, %eq3A_1439 : vector<128x4096xi16>
    %or3A_1441 = arith.ori %or3A_1436, %eq3A_1440 : vector<128x4096xi1>
    %slice3A_1442 = vector.extract_strided_slice %min3A_1104 {offsets = [0, 1], sizes = [128, 1], strides = [1, 1]} : vector<128x4xf32> to vector<128x1xf32>
    %convert_element_type3A_1443 = arith.fptosi %slice3A_1442 : vector<128x1xf32> to vector<128x1xi16>
    %eq3A_1444 = vector.broadcast %convert_element_type3A_1443 : vector<128x1xi16> to vector<128x4096xi16>
    %eq3A_1445 = arith.cmpi eq, %iota3A, %eq3A_1444 : vector<128x4096xi16>
    %or3A_1446 = arith.ori %or3A_1441, %eq3A_1445 : vector<128x4096xi1>
    %slice3A_1447 = vector.extract_strided_slice %min3A_1104 {offsets = [0, 2], sizes = [128, 1], strides = [1, 1]} : vector<128x4xf32> to vector<128x1xf32>
    %convert_element_type3A_1448 = arith.fptosi %slice3A_1447 : vector<128x1xf32> to vector<128x1xi16>
    %eq3A_1449 = vector.broadcast %convert_element_type3A_1448 : vector<128x1xi16> to vector<128x4096xi16>
    %eq3A_1450 = arith.cmpi eq, %iota3A, %eq3A_1449 : vector<128x4096xi16>
    %or3A_1451 = arith.ori %or3A_1446, %eq3A_1450 : vector<128x4096xi1>
    %slice3A_1452 = vector.extract_strided_slice %min3A_1104 {offsets = [0, 3], sizes = [128, 1], strides = [1, 1]} : vector<128x4xf32> to vector<128x1xf32>
    %convert_element_type3A_1453 = arith.fptosi %slice3A_1452 : vector<128x1xf32> to vector<128x1xi16>
    %eq3A_1454 = vector.broadcast %convert_element_type3A_1453 : vector<128x1xi16> to vector<128x4096xi16>
    %eq3A_1455 = arith.cmpi eq, %iota3A, %eq3A_1454 : vector<128x4096xi16>
    %or3A_1456 = arith.ori %or3A_1451, %eq3A_1455 : vector<128x4096xi1>
    %slice3A_1457 = vector.extract_strided_slice %min3A_1262 {offsets = [0, 0], sizes = [128, 1], strides = [1, 1]} : vector<128x4xf32> to vector<128x1xf32>
    %convert_element_type3A_1458 = arith.fptosi %slice3A_1457 : vector<128x1xf32> to vector<128x1xi16>
    %eq3A_1459 = vector.broadcast %convert_element_type3A_1458 : vector<128x1xi16> to vector<128x4096xi16>
    %eq3A_1460 = arith.cmpi eq, %iota3A, %eq3A_1459 : vector<128x4096xi16>
    %or3A_1461 = arith.ori %or3A_1456, %eq3A_1460 : vector<128x4096xi1>
    %slice3A_1462 = vector.extract_strided_slice %min3A_1262 {offsets = [0, 1], sizes = [128, 1], strides = [1, 1]} : vector<128x4xf32> to vector<128x1xf32>
    %convert_element_type3A_1463 = arith.fptosi %slice3A_1462 : vector<128x1xf32> to vector<128x1xi16>
    %eq3A_1464 = vector.broadcast %convert_element_type3A_1463 : vector<128x1xi16> to vector<128x4096xi16>
    %eq3A_1465 = arith.cmpi eq, %iota3A, %eq3A_1464 : vector<128x4096xi16>
    %or3A_1466 = arith.ori %or3A_1461, %eq3A_1465 : vector<128x4096xi1>
    %slice3A_1467 = vector.extract_strided_slice %min3A_1262 {offsets = [0, 2], sizes = [128, 1], strides = [1, 1]} : vector<128x4xf32> to vector<128x1xf32>
    %convert_element_type3A_1468 = arith.fptosi %slice3A_1467 : vector<128x1xf32> to vector<128x1xi16>
    %eq3A_1469 = vector.broadcast %convert_element_type3A_1468 : vector<128x1xi16> to vector<128x4096xi16>
    %eq3A_1470 = arith.cmpi eq, %iota3A, %eq3A_1469 : vector<128x4096xi16>
    %or3A_1471 = arith.ori %or3A_1466, %eq3A_1470 : vector<128x4096xi1>
    %slice3A_1472 = vector.extract_strided_slice %min3A_1262 {offsets = [0, 3], sizes = [128, 1], strides = [1, 1]} : vector<128x4xf32> to vector<128x1xf32>
    %convert_element_type3A_1473 = arith.fptosi %slice3A_1472 : vector<128x1xf32> to vector<128x1xi16>
    %eq3A_1474 = vector.broadcast %convert_element_type3A_1473 : vector<128x1xi16> to vector<128x4096xi16>
    %eq3A_1475 = arith.cmpi eq, %iota3A, %eq3A_1474 : vector<128x4096xi16>
    %or3A_1476 = arith.ori %or3A_1471, %eq3A_1475 : vector<128x4096xi1>
    %slice3A_1477 = vector.extract_strided_slice %min3A_1420 {offsets = [0, 0], sizes = [128, 1], strides = [1, 1]} : vector<128x4xf32> to vector<128x1xf32>
    %convert_element_type3A_1478 = arith.fptosi %slice3A_1477 : vector<128x1xf32> to vector<128x1xi16>
    %eq3A_1479 = vector.broadcast %convert_element_type3A_1478 : vector<128x1xi16> to vector<128x4096xi16>
    %eq3A_1480 = arith.cmpi eq, %iota3A, %eq3A_1479 : vector<128x4096xi16>
    %or3A_1481 = arith.ori %or3A_1476, %eq3A_1480 : vector<128x4096xi1>
    %slice3A_1482 = vector.extract_strided_slice %min3A_1420 {offsets = [0, 1], sizes = [128, 1], strides = [1, 1]} : vector<128x4xf32> to vector<128x1xf32>
    %convert_element_type3A_1483 = arith.fptosi %slice3A_1482 : vector<128x1xf32> to vector<128x1xi16>
    %eq3A_1484 = vector.broadcast %convert_element_type3A_1483 : vector<128x1xi16> to vector<128x4096xi16>
    %eq3A_1485 = arith.cmpi eq, %iota3A, %eq3A_1484 : vector<128x4096xi16>
    %or3A_1486 = arith.ori %or3A_1481, %eq3A_1485 : vector<128x4096xi1>
    %slice3A_1487 = vector.extract_strided_slice %min3A_1420 {offsets = [0, 2], sizes = [128, 1], strides = [1, 1]} : vector<128x4xf32> to vector<128x1xf32>
    %convert_element_type3A_1488 = arith.fptosi %slice3A_1487 : vector<128x1xf32> to vector<128x1xi16>
    %eq3A_1489 = vector.broadcast %convert_element_type3A_1488 : vector<128x1xi16> to vector<128x4096xi16>
    %eq3A_1490 = arith.cmpi eq, %iota3A, %eq3A_1489 : vector<128x4096xi16>
    %or3A_1491 = arith.ori %or3A_1486, %eq3A_1490 : vector<128x4096xi1>
    %slice3A_1492 = vector.extract_strided_slice %min3A_1420 {offsets = [0, 3], sizes = [128, 1], strides = [1, 1]} : vector<128x4xf32> to vector<128x1xf32>
    %convert_element_type3A_1493 = arith.fptosi %slice3A_1492 : vector<128x1xf32> to vector<128x1xi16>
    %eq3A_1494 = vector.broadcast %convert_element_type3A_1493 : vector<128x1xi16> to vector<128x4096xi16>
    %eq3A_1495 = arith.cmpi eq, %iota3A, %eq3A_1494 : vector<128x4096xi16>
    %or3A_1496 = arith.ori %or3A_1491, %eq3A_1495 : vector<128x4096xi1>
    %get3A_1497 = arith.constant 0 : index
    %get3A_1498 = arith.constant 0 : index
    %get3A_1499 = arith.constant 0 : index
    %get3A_1500 = vector.load %arg2[%get3A_1497, %get3A_1498, %get3A_1499] : memref<1x128x128xf32, #tpu.memory_space<vmem>>, vector<1x128x128xf32>
    %get3A_1501 = vector.shape_cast %get3A_1500 : vector<1x128x128xf32> to vector<128x128xf32>
    %get3A_1502 = arith.constant 0 : index
    %get3A_1503 = arith.constant 0 : index
    %get3A_1504 = arith.constant 0 : index
    %get3A_1505 = vector.load %arg3[%get3A_1502, %get3A_1503, %get3A_1504] : memref<1x4096x128xf32, #tpu.memory_space<vmem>>, vector<1x4096x128xf32>
    %get3A_1506 = vector.shape_cast %get3A_1505 : vector<1x4096x128xf32> to vector<4096x128xf32>
    %dot_general3A = arith.constant dense<0.000000e+00> : vector<128x4096xf32>
    %dot_general3A_1507 = tpu.matmul %get3A_1501, %get3A_1506, %dot_general3A {dimension_numbers = #tpu.dot_dimension_numbers<[1], [1], [0], [0], [0, 0, 1, 0], [], []>, transpose_lhs_hint = false} : vector<128x128xf32>, vector<4096x128xf32>, vector<128x4096xf32> -> vector<128x4096xf32>
    %mul3A_1508 = arith.constant 2.000000e+00 : f32
    %mul3A_1509 = vector.broadcast %mul3A_1508 : f32 to vector<128x4096xf32>
    %mul3A_1510 = arith.mulf %mul3A_1509, %dot_general3A_1507 : vector<128x4096xf32>
    %sub3A_1511 = arith.constant 2.000000e+00 : f32
    %sub3A_1512 = vector.broadcast %sub3A_1511 : f32 to vector<128x4096xf32>
    %sub3A_1513 = arith.subf %sub3A_1512, %mul3A_1510 : vector<128x4096xf32>
    %jit3A_1514 = arith.constant 3.000000e+38 : f32
    %broadcast_in_dim3A_1515 = vector.broadcast %jit3A_1514 : f32 to vector<128x4096xf32>
    %select_n3A_1516 = arith.select %or3A_1496, %broadcast_in_dim3A_1515, %sub3A_1513 : vector<128x4096xi1>, vector<128x4096xf32>
    %get3A_1517 = arith.constant 0 : index
    %get3A_1518 = arith.constant 0 : index
    %get3A_1519 = arith.constant 0 : index
    %get3A_1520 = vector.load %arg4[%get3A_1517, %get3A_1518, %get3A_1519] : memref<1x128x2xf32, #tpu.memory_space<vmem>>, vector<1x128x1xf32>
    %get3A_1521 = vector.shape_cast %get3A_1520 : vector<1x128x1xf32> to vector<128x1xf32>
    %mul3A_1522 = arith.constant 1.250000e-01 : f32
    %mul3A_1523 = vector.broadcast %mul3A_1522 : f32 to vector<128x1xf32>
    %mul3A_1524 = arith.mulf %get3A_1521, %mul3A_1523 : vector<128x1xf32>
    %sub3A_1525 = arith.constant 5.000000e-01 : f32
    %sub3A_1526 = vector.broadcast %sub3A_1525 : f32 to vector<128x1xf32>
    %sub3A_1527 = arith.subf %mul3A_1524, %sub3A_1526 : vector<128x1xf32>
    %get3A_1528 = arith.constant 0 : index
    %get3A_1529 = arith.constant 0 : index
    %get3A_1530 = arith.constant 1 : index
    %get3A_1531 = vector.load %arg4[%get3A_1528, %get3A_1529, %get3A_1530] : memref<1x128x2xf32, #tpu.memory_space<vmem>>, vector<1x128x1xf32>
    %get3A_1532 = vector.shape_cast %get3A_1531 : vector<1x128x1xf32> to vector<128x1xf32>
    %mul3A_1533 = arith.constant 1.250000e-01 : f32
    %mul3A_1534 = vector.broadcast %mul3A_1533 : f32 to vector<128x1xf32>
    %mul3A_1535 = arith.mulf %get3A_1532, %mul3A_1534 : vector<128x1xf32>
    %sub3A_1536 = arith.constant 5.000000e-01 : f32
    %sub3A_1537 = vector.broadcast %sub3A_1536 : f32 to vector<128x1xf32>
    %sub3A_1538 = arith.subf %mul3A_1535, %sub3A_1537 : vector<128x1xf32>
    %floor3A_1539 = math.floor %sub3A_1527 : vector<128x1xf32>
    %floor3A_1540 = math.floor %sub3A_1538 : vector<128x1xf32>
    %sub3A_1541 = arith.subf %sub3A_1527, %floor3A_1539 : vector<128x1xf32>
    %sub3A_1542 = arith.constant 1.000000e+00 : f32
    %sub3A_1543 = vector.broadcast %sub3A_1542 : f32 to vector<128x1xf32>
    %sub3A_1544 = arith.subf %sub3A_1543, %sub3A_1541 : vector<128x1xf32>
    %sub3A_1545 = arith.subf %sub3A_1538, %floor3A_1540 : vector<128x1xf32>
    %sub3A_1546 = arith.constant 1.000000e+00 : f32
    %sub3A_1547 = vector.broadcast %sub3A_1546 : f32 to vector<128x1xf32>
    %sub3A_1548 = arith.subf %sub3A_1547, %sub3A_1545 : vector<128x1xf32>
    %get3A_1549 = arith.constant 0 : index
    %get3A_1550 = arith.constant 0 : index
    %get3A_1551 = arith.constant 0 : index
    %get3A_1552 = vector.load %arg5[%get3A_1549, %get3A_1550, %get3A_1551] : memref<1x128x128xf32, #tpu.memory_space<vmem>>, vector<1x128x128xf32>
    %get3A_1553 = vector.shape_cast %get3A_1552 : vector<1x128x128xf32> to vector<128x128xf32>
    %mul3A_1554 = arith.mulf %sub3A_1548, %sub3A_1544 : vector<128x1xf32>
    %mul3A_1555 = vector.broadcast %mul3A_1554 : vector<128x1xf32> to vector<128x128xf32>
    %mul3A_1556 = arith.mulf %get3A_1553, %mul3A_1555 : vector<128x128xf32>
    %get3A_1557 = arith.constant 0 : index
    %get3A_1558 = arith.constant 0 : index
    %get3A_1559 = arith.constant 0 : index
    %get3A_1560 = vector.load %arg6[%get3A_1557, %get3A_1558, %get3A_1559] : memref<1x128x128xf32, #tpu.memory_space<vmem>>, vector<1x128x128xf32>
    %get3A_1561 = vector.shape_cast %get3A_1560 : vector<1x128x128xf32> to vector<128x128xf32>
    %mul3A_1562 = arith.mulf %sub3A_1548, %sub3A_1541 : vector<128x1xf32>
    %mul3A_1563 = vector.broadcast %mul3A_1562 : vector<128x1xf32> to vector<128x128xf32>
    %mul3A_1564 = arith.mulf %get3A_1561, %mul3A_1563 : vector<128x128xf32>
    %add3A_1565 = arith.addf %mul3A_1556, %mul3A_1564 : vector<128x128xf32>
    %get3A_1566 = arith.constant 0 : index
    %get3A_1567 = arith.constant 0 : index
    %get3A_1568 = arith.constant 0 : index
    %get3A_1569 = vector.load %arg7[%get3A_1566, %get3A_1567, %get3A_1568] : memref<1x128x128xf32, #tpu.memory_space<vmem>>, vector<1x128x128xf32>
    %get3A_1570 = vector.shape_cast %get3A_1569 : vector<1x128x128xf32> to vector<128x128xf32>
    %mul3A_1571 = arith.mulf %sub3A_1545, %sub3A_1544 : vector<128x1xf32>
    %mul3A_1572 = vector.broadcast %mul3A_1571 : vector<128x1xf32> to vector<128x128xf32>
    %mul3A_1573 = arith.mulf %get3A_1570, %mul3A_1572 : vector<128x128xf32>
    %add3A_1574 = arith.addf %add3A_1565, %mul3A_1573 : vector<128x128xf32>
    %get3A_1575 = arith.constant 0 : index
    %get3A_1576 = arith.constant 0 : index
    %get3A_1577 = arith.constant 0 : index
    %get3A_1578 = vector.load %arg8[%get3A_1575, %get3A_1576, %get3A_1577] : memref<1x128x128xf32, #tpu.memory_space<vmem>>, vector<1x128x128xf32>
    %get3A_1579 = vector.shape_cast %get3A_1578 : vector<1x128x128xf32> to vector<128x128xf32>
    %mul3A_1580 = arith.mulf %sub3A_1545, %sub3A_1541 : vector<128x1xf32>
    %mul3A_1581 = vector.broadcast %mul3A_1580 : vector<128x1xf32> to vector<128x128xf32>
    %mul3A_1582 = arith.mulf %get3A_1579, %mul3A_1581 : vector<128x128xf32>
    %add3A_1583 = arith.addf %add3A_1574, %mul3A_1582 : vector<128x128xf32>
    %mul3A_1584 = arith.mulf %add3A_1583, %add3A_1583 : vector<128x128xf32>
    %reduce_sum3A = arith.constant dense<0.000000e+00> : vector<128xf32>
    %reduce_sum3A_1585 = vector.multi_reduction <add>, %mul3A_1584, %reduce_sum3A [1] : vector<128x128xf32> to vector<128xf32>
    %broadcast_in_dim3A_1586 = vector.shape_cast %reduce_sum3A_1585 : vector<128xf32> to vector<128x1xf32>
    %add3A_1587 = arith.constant 9.99999993E-9 : f32
    %add3A_1588 = vector.broadcast %add3A_1587 : f32 to vector<128x1xf32>
    %add3A_1589 = arith.addf %broadcast_in_dim3A_1586, %add3A_1588 : vector<128x1xf32>
    %sqrt3A_1590 = math.sqrt %add3A_1589 : vector<128x1xf32>
    %div3A = vector.broadcast %sqrt3A_1590 : vector<128x1xf32> to vector<128x128xf32>
    %div3A_1591 = arith.divf %add3A_1583, %div3A : vector<128x128xf32>
    %swap3A = arith.constant 0 : index
    %swap3A_1592 = arith.constant 0 : index
    %swap3A_1593 = arith.constant 0 : index
    %swap3A_1594 = vector.load %arg11[%swap3A, %swap3A_1592, %swap3A_1593] : memref<1x128x128xf32, #tpu.memory_space<vmem>>, vector<1x128x128xf32>
    %swap3A_1595 = vector.shape_cast %swap3A_1594 : vector<1x128x128xf32> to vector<128x128xf32>
    %swap3A_1596 = vector.shape_cast %div3A_1591 : vector<128x128xf32> to vector<1x128x128xf32>
    tpu.vector_store %arg11[%swap3A, %swap3A_1592, %swap3A_1593], %swap3A_1596 {strides = array<i32>} : memref<1x128x128xf32, #tpu.memory_space<vmem>>, vector<1x128x128xf32>,
    %mul3A_1597 = arith.mulf %get3A_1501, %div3A_1591 : vector<128x128xf32>
    %reduce_sum3A_1598 = arith.constant dense<0.000000e+00> : vector<128xf32>
    %reduce_sum3A_1599 = vector.multi_reduction <add>, %mul3A_1597, %reduce_sum3A_1598 [1] : vector<128x128xf32> to vector<128xf32>
    %broadcast_in_dim3A_1600 = vector.shape_cast %reduce_sum3A_1599 : vector<128xf32> to vector<128x1xf32>
    %mul3A_1601 = arith.constant 2.000000e+00 : f32
    %mul3A_1602 = vector.broadcast %mul3A_1601 : f32 to vector<128x1xf32>
    %mul3A_1603 = arith.mulf %mul3A_1602, %broadcast_in_dim3A_1600 : vector<128x1xf32>
    %sub3A_1604 = arith.constant 2.000000e+00 : f32
    %sub3A_1605 = vector.broadcast %sub3A_1604 : f32 to vector<128x1xf32>
    %sub3A_1606 = arith.subf %sub3A_1605, %mul3A_1603 : vector<128x1xf32>
    %reduce_min3A = arith.constant dense<0x7F800000> : vector<128xf32>
    %reduce_min3A_1607 = vector.multi_reduction <minimumf>, %select_n3A_1516, %reduce_min3A [1] : vector<128x4096xf32> to vector<128xf32>
    %broadcast_in_dim3A_1608 = vector.shape_cast %reduce_min3A_1607 : vector<128xf32> to vector<128x1xf32>
    %eq3A_1609 = vector.broadcast %broadcast_in_dim3A_1608 : vector<128x1xf32> to vector<128x4096xf32>
    %eq3A_1610 = arith.cmpf oeq, %select_n3A_1516, %eq3A_1609 : vector<128x4096xf32>
    %jit3A_1611 = arith.constant 3.000000e+38 : f32
    %broadcast_in_dim3A_1612 = vector.broadcast %jit3A_1611 : f32 to vector<128x4096xf32>
    %select_n3A_1613 = arith.select %eq3A_1610, %broadcast_in_dim3A_1612, %select_n3A_1516 : vector<128x4096xi1>, vector<128x4096xf32>
    %reduce_min3A_1614 = arith.constant dense<0x7F800000> : vector<128xf32>
    %reduce_min3A_1615 = vector.multi_reduction <minimumf>, %select_n3A_1613, %reduce_min3A_1614 [1] : vector<128x4096xf32> to vector<128xf32>
    %broadcast_in_dim3A_1616 = vector.shape_cast %reduce_min3A_1615 : vector<128xf32> to vector<128x1xf32>
    %eq3A_1617 = vector.broadcast %broadcast_in_dim3A_1616 : vector<128x1xf32> to vector<128x4096xf32>
    %eq3A_1618 = arith.cmpf oeq, %select_n3A_1613, %eq3A_1617 : vector<128x4096xf32>
    %jit3A_1619 = arith.constant 3.000000e+38 : f32
    %broadcast_in_dim3A_1620 = vector.broadcast %jit3A_1619 : f32 to vector<128x4096xf32>
    %select_n3A_1621 = arith.select %eq3A_1618, %broadcast_in_dim3A_1620, %select_n3A_1613 : vector<128x4096xi1>, vector<128x4096xf32>
    %reduce_min3A_1622 = arith.constant dense<0x7F800000> : vector<128xf32>
    %reduce_min3A_1623 = vector.multi_reduction <minimumf>, %select_n3A_1621, %reduce_min3A_1622 [1] : vector<128x4096xf32> to vector<128xf32>
    %broadcast_in_dim3A_1624 = vector.shape_cast %reduce_min3A_1623 : vector<128xf32> to vector<128x1xf32>
    %eq3A_1625 = vector.broadcast %broadcast_in_dim3A_1624 : vector<128x1xf32> to vector<128x4096xf32>
    %eq3A_1626 = arith.cmpf oeq, %select_n3A_1621, %eq3A_1625 : vector<128x4096xf32>
    %jit3A_1627 = arith.constant 3.000000e+38 : f32
    %broadcast_in_dim3A_1628 = vector.broadcast %jit3A_1627 : f32 to vector<128x4096xf32>
    %select_n3A_1629 = arith.select %eq3A_1626, %broadcast_in_dim3A_1628, %select_n3A_1621 : vector<128x4096xi1>, vector<128x4096xf32>
    %reduce_min3A_1630 = arith.constant dense<0x7F800000> : vector<128xf32>
    %reduce_min3A_1631 = vector.multi_reduction <minimumf>, %select_n3A_1629, %reduce_min3A_1630 [1] : vector<128x4096xf32> to vector<128xf32>
    %broadcast_in_dim3A_1632 = vector.shape_cast %reduce_min3A_1631 : vector<128xf32> to vector<128x1xf32>
    %eq3A_1633 = vector.broadcast %broadcast_in_dim3A_1632 : vector<128x1xf32> to vector<128x4096xf32>
    %eq3A_1634 = arith.cmpf oeq, %select_n3A_1629, %eq3A_1633 : vector<128x4096xf32>
    %jit3A_1635 = arith.constant 3.000000e+38 : f32
    %broadcast_in_dim3A_1636 = vector.broadcast %jit3A_1635 : f32 to vector<128x4096xf32>
    %select_n3A_1637 = arith.select %eq3A_1634, %broadcast_in_dim3A_1636, %select_n3A_1629 : vector<128x4096xi1>, vector<128x4096xf32>
    %reduce_min3A_1638 = arith.constant dense<0x7F800000> : vector<128xf32>
    %reduce_min3A_1639 = vector.multi_reduction <minimumf>, %select_n3A_1637, %reduce_min3A_1638 [1] : vector<128x4096xf32> to vector<128xf32>
    %broadcast_in_dim3A_1640 = vector.shape_cast %reduce_min3A_1639 : vector<128xf32> to vector<128x1xf32>
    %eq3A_1641 = vector.broadcast %broadcast_in_dim3A_1640 : vector<128x1xf32> to vector<128x4096xf32>
    %eq3A_1642 = arith.cmpf oeq, %select_n3A_1637, %eq3A_1641 : vector<128x4096xf32>
    %jit3A_1643 = arith.constant 3.000000e+38 : f32
    %broadcast_in_dim3A_1644 = vector.broadcast %jit3A_1643 : f32 to vector<128x4096xf32>
    %select_n3A_1645 = arith.select %eq3A_1642, %broadcast_in_dim3A_1644, %select_n3A_1637 : vector<128x4096xi1>, vector<128x4096xf32>
    %reduce_min3A_1646 = arith.constant dense<0x7F800000> : vector<128xf32>
    %reduce_min3A_1647 = vector.multi_reduction <minimumf>, %select_n3A_1645, %reduce_min3A_1646 [1] : vector<128x4096xf32> to vector<128xf32>
    %broadcast_in_dim3A_1648 = vector.shape_cast %reduce_min3A_1647 : vector<128xf32> to vector<128x1xf32>
    %eq3A_1649 = vector.broadcast %broadcast_in_dim3A_1648 : vector<128x1xf32> to vector<128x4096xf32>
    %eq3A_1650 = arith.cmpf oeq, %select_n3A_1645, %eq3A_1649 : vector<128x4096xf32>
    %jit3A_1651 = arith.constant 3.000000e+38 : f32
    %broadcast_in_dim3A_1652 = vector.broadcast %jit3A_1651 : f32 to vector<128x4096xf32>
    %select_n3A_1653 = arith.select %eq3A_1650, %broadcast_in_dim3A_1652, %select_n3A_1645 : vector<128x4096xi1>, vector<128x4096xf32>
    %reduce_min3A_1654 = arith.constant dense<0x7F800000> : vector<128xf32>
    %reduce_min3A_1655 = vector.multi_reduction <minimumf>, %select_n3A_1653, %reduce_min3A_1654 [1] : vector<128x4096xf32> to vector<128xf32>
    %broadcast_in_dim3A_1656 = vector.shape_cast %reduce_min3A_1655 : vector<128xf32> to vector<128x1xf32>
    %eq3A_1657 = vector.broadcast %broadcast_in_dim3A_1656 : vector<128x1xf32> to vector<128x4096xf32>
    %eq3A_1658 = arith.cmpf oeq, %select_n3A_1653, %eq3A_1657 : vector<128x4096xf32>
    %jit3A_1659 = arith.constant 3.000000e+38 : f32
    %broadcast_in_dim3A_1660 = vector.broadcast %jit3A_1659 : f32 to vector<128x4096xf32>
    %select_n3A_1661 = arith.select %eq3A_1658, %broadcast_in_dim3A_1660, %select_n3A_1653 : vector<128x4096xi1>, vector<128x4096xf32>
    %reduce_min3A_1662 = arith.constant dense<0x7F800000> : vector<128xf32>
    %reduce_min3A_1663 = vector.multi_reduction <minimumf>, %select_n3A_1661, %reduce_min3A_1662 [1] : vector<128x4096xf32> to vector<128xf32>
    %broadcast_in_dim3A_1664 = vector.shape_cast %reduce_min3A_1663 : vector<128xf32> to vector<128x1xf32>
    %eq3A_1665 = vector.broadcast %broadcast_in_dim3A_1664 : vector<128x1xf32> to vector<128x4096xf32>
    %eq3A_1666 = arith.cmpf oeq, %select_n3A_1661, %eq3A_1665 : vector<128x4096xf32>
    %jit3A_1667 = arith.constant 3.000000e+38 : f32
    %broadcast_in_dim3A_1668 = vector.broadcast %jit3A_1667 : f32 to vector<128x4096xf32>
    %select_n3A_1669 = arith.select %eq3A_1666, %broadcast_in_dim3A_1668, %select_n3A_1661 : vector<128x4096xi1>, vector<128x4096xf32>
    %reduce_min3A_1670 = arith.constant dense<0x7F800000> : vector<128xf32>
    %reduce_min3A_1671 = vector.multi_reduction <minimumf>, %select_n3A_1669, %reduce_min3A_1670 [1] : vector<128x4096xf32> to vector<128xf32>
    %broadcast_in_dim3A_1672 = vector.shape_cast %reduce_min3A_1671 : vector<128xf32> to vector<128x1xf32>
    %eq3A_1673 = vector.broadcast %broadcast_in_dim3A_1672 : vector<128x1xf32> to vector<128x4096xf32>
    %eq3A_1674 = arith.cmpf oeq, %select_n3A_1669, %eq3A_1673 : vector<128x4096xf32>
    %jit3A_1675 = arith.constant 3.000000e+38 : f32
    %broadcast_in_dim3A_1676 = vector.broadcast %jit3A_1675 : f32 to vector<128x4096xf32>
    %select_n3A_1677 = arith.select %eq3A_1674, %broadcast_in_dim3A_1676, %select_n3A_1669 : vector<128x4096xi1>, vector<128x4096xf32>
    %reduce_min3A_1678 = arith.constant dense<0x7F800000> : vector<128xf32>
    %reduce_min3A_1679 = vector.multi_reduction <minimumf>, %select_n3A_1677, %reduce_min3A_1678 [1] : vector<128x4096xf32> to vector<128xf32>
    %broadcast_in_dim3A_1680 = vector.shape_cast %reduce_min3A_1679 : vector<128xf32> to vector<128x1xf32>
    %eq3A_1681 = vector.broadcast %broadcast_in_dim3A_1680 : vector<128x1xf32> to vector<128x4096xf32>
    %eq3A_1682 = arith.cmpf oeq, %select_n3A_1677, %eq3A_1681 : vector<128x4096xf32>
    %jit3A_1683 = arith.constant 3.000000e+38 : f32
    %broadcast_in_dim3A_1684 = vector.broadcast %jit3A_1683 : f32 to vector<128x4096xf32>
    %select_n3A_1685 = arith.select %eq3A_1682, %broadcast_in_dim3A_1684, %select_n3A_1677 : vector<128x4096xi1>, vector<128x4096xf32>
    %reduce_min3A_1686 = arith.constant dense<0x7F800000> : vector<128xf32>
    %reduce_min3A_1687 = vector.multi_reduction <minimumf>, %select_n3A_1685, %reduce_min3A_1686 [1] : vector<128x4096xf32> to vector<128xf32>
    %broadcast_in_dim3A_1688 = vector.shape_cast %reduce_min3A_1687 : vector<128xf32> to vector<128x1xf32>
    %eq3A_1689 = vector.broadcast %broadcast_in_dim3A_1688 : vector<128x1xf32> to vector<128x4096xf32>
    %eq3A_1690 = arith.cmpf oeq, %select_n3A_1685, %eq3A_1689 : vector<128x4096xf32>
    %jit3A_1691 = arith.constant 3.000000e+38 : f32
    %broadcast_in_dim3A_1692 = vector.broadcast %jit3A_1691 : f32 to vector<128x4096xf32>
    %select_n3A_1693 = arith.select %eq3A_1690, %broadcast_in_dim3A_1692, %select_n3A_1685 : vector<128x4096xi1>, vector<128x4096xf32>
    %reduce_min3A_1694 = arith.constant dense<0x7F800000> : vector<128xf32>
    %reduce_min3A_1695 = vector.multi_reduction <minimumf>, %select_n3A_1693, %reduce_min3A_1694 [1] : vector<128x4096xf32> to vector<128xf32>
    %broadcast_in_dim3A_1696 = vector.shape_cast %reduce_min3A_1695 : vector<128xf32> to vector<128x1xf32>
    %eq3A_1697 = vector.broadcast %broadcast_in_dim3A_1696 : vector<128x1xf32> to vector<128x4096xf32>
    %eq3A_1698 = arith.cmpf oeq, %select_n3A_1693, %eq3A_1697 : vector<128x4096xf32>
    %jit3A_1699 = arith.constant 3.000000e+38 : f32
    %broadcast_in_dim3A_1700 = vector.broadcast %jit3A_1699 : f32 to vector<128x4096xf32>
    %select_n3A_1701 = arith.select %eq3A_1698, %broadcast_in_dim3A_1700, %select_n3A_1693 : vector<128x4096xi1>, vector<128x4096xf32>
    %reduce_min3A_1702 = arith.constant dense<0x7F800000> : vector<128xf32>
    %reduce_min3A_1703 = vector.multi_reduction <minimumf>, %select_n3A_1701, %reduce_min3A_1702 [1] : vector<128x4096xf32> to vector<128xf32>
    %broadcast_in_dim3A_1704 = vector.shape_cast %reduce_min3A_1703 : vector<128xf32> to vector<128x1xf32>
    %eq3A_1705 = vector.broadcast %broadcast_in_dim3A_1704 : vector<128x1xf32> to vector<128x4096xf32>
    %eq3A_1706 = arith.cmpf oeq, %select_n3A_1701, %eq3A_1705 : vector<128x4096xf32>
    %jit3A_1707 = arith.constant 3.000000e+38 : f32
    %broadcast_in_dim3A_1708 = vector.broadcast %jit3A_1707 : f32 to vector<128x4096xf32>
    %select_n3A_1709 = arith.select %eq3A_1706, %broadcast_in_dim3A_1708, %select_n3A_1701 : vector<128x4096xi1>, vector<128x4096xf32>
    %reduce_min3A_1710 = arith.constant dense<0x7F800000> : vector<128xf32>
    %reduce_min3A_1711 = vector.multi_reduction <minimumf>, %select_n3A_1709, %reduce_min3A_1710 [1] : vector<128x4096xf32> to vector<128xf32>
    %broadcast_in_dim3A_1712 = vector.shape_cast %reduce_min3A_1711 : vector<128xf32> to vector<128x1xf32>
    %eq3A_1713 = vector.broadcast %broadcast_in_dim3A_1712 : vector<128x1xf32> to vector<128x4096xf32>
    %eq3A_1714 = arith.cmpf oeq, %select_n3A_1709, %eq3A_1713 : vector<128x4096xf32>
    %jit3A_1715 = arith.constant 3.000000e+38 : f32
    %broadcast_in_dim3A_1716 = vector.broadcast %jit3A_1715 : f32 to vector<128x4096xf32>
    %select_n3A_1717 = arith.select %eq3A_1714, %broadcast_in_dim3A_1716, %select_n3A_1709 : vector<128x4096xi1>, vector<128x4096xf32>
    %reduce_min3A_1718 = arith.constant dense<0x7F800000> : vector<128xf32>
    %reduce_min3A_1719 = vector.multi_reduction <minimumf>, %select_n3A_1717, %reduce_min3A_1718 [1] : vector<128x4096xf32> to vector<128xf32>
    %broadcast_in_dim3A_1720 = vector.shape_cast %reduce_min3A_1719 : vector<128xf32> to vector<128x1xf32>
    %eq3A_1721 = vector.broadcast %broadcast_in_dim3A_1720 : vector<128x1xf32> to vector<128x4096xf32>
    %eq3A_1722 = arith.cmpf oeq, %select_n3A_1717, %eq3A_1721 : vector<128x4096xf32>
    %jit3A_1723 = arith.constant 3.000000e+38 : f32
    %broadcast_in_dim3A_1724 = vector.broadcast %jit3A_1723 : f32 to vector<128x4096xf32>
    %select_n3A_1725 = arith.select %eq3A_1722, %broadcast_in_dim3A_1724, %select_n3A_1717 : vector<128x4096xi1>, vector<128x4096xf32>
    %reduce_min3A_1726 = arith.constant dense<0x7F800000> : vector<128xf32>
    %reduce_min3A_1727 = vector.multi_reduction <minimumf>, %select_n3A_1725, %reduce_min3A_1726 [1] : vector<128x4096xf32> to vector<128xf32>
    %broadcast_in_dim3A_1728 = vector.shape_cast %reduce_min3A_1727 : vector<128xf32> to vector<128x1xf32>
    %eq3A_1729 = vector.broadcast %broadcast_in_dim3A_1728 : vector<128x1xf32> to vector<128x4096xf32>
    %eq3A_1730 = arith.cmpf oeq, %select_n3A_1725, %eq3A_1729 : vector<128x4096xf32>
    %jit3A_1731 = arith.constant 3.000000e+38 : f32
    %broadcast_in_dim3A_1732 = vector.broadcast %jit3A_1731 : f32 to vector<128x4096xf32>
    %select_n3A_1733 = arith.select %eq3A_1730, %broadcast_in_dim3A_1732, %select_n3A_1725 : vector<128x4096xi1>, vector<128x4096xf32>
    %eq3A_1734 = arith.constant 3.000000e+38 : f32
    %eq3A_1735 = vector.broadcast %eq3A_1734 : f32 to vector<128x4096xf32>
    %eq3A_1736 = arith.cmpf oeq, %select_n3A_1733, %eq3A_1735 : vector<128x4096xf32>
    %ne3A = arith.constant 3.000000e+38 : f32
    %ne3A_1737 = vector.broadcast %ne3A : f32 to vector<128x4096xf32>
    %ne3A_1738 = arith.cmpf one, %select_n3A_1516, %ne3A_1737 : vector<128x4096xf32>
    %and3A_1739 = arith.andi %eq3A_1736, %ne3A_1738 : vector<128x4096xi1>
    %sub3A_1740 = vector.broadcast %sub3A_1606 : vector<128x1xf32> to vector<128x4096xf32>
    %sub3A_1741 = arith.subf %sub3A_1740, %select_n3A_1516 : vector<128x4096xf32>
    %add3A_1742 = arith.constant 1.000000e+00 : f32
    %add3A_1743 = vector.broadcast %add3A_1742 : f32 to vector<128x4096xf32>
    %add3A_1744 = arith.addf %sub3A_1741, %add3A_1743 : vector<128x4096xf32>
    %max3A_1745 = arith.constant 0.000000e+00 : f32
    %max3A_1746 = vector.broadcast %max3A_1745 : f32 to vector<128x4096xf32>
    %max3A_1747 = arith.maximumf %add3A_1744, %max3A_1746 : vector<128x4096xf32>
    %integer_pow3A = arith.mulf %max3A_1747, %max3A_1747 : vector<128x4096xf32>
    %jit3A_1748 = arith.constant 0.000000e+00 : f32
    %broadcast_in_dim3A_1749 = vector.broadcast %jit3A_1748 : f32 to vector<128x4096xf32>
    %select_n3A_1750 = arith.select %and3A_1739, %integer_pow3A, %broadcast_in_dim3A_1749 : vector<128x4096xi1>, vector<128x4096xf32>
    %reduce_sum3A_1751 = vector.shape_cast %select_n3A_1750 : vector<128x4096xf32> to vector<1x128x4096xf32>
    %reduce_sum3A_1752 = arith.constant dense<0.000000e+00> : vector<1xf32>
    %reduce_sum3A_1753 = vector.multi_reduction <add>, %reduce_sum3A_1751, %reduce_sum3A_1752 [1, 2] : vector<1x128x4096xf32> to vector<1xf32>
    %reduce_sum3A_1754 = vector.shape_cast %reduce_sum3A_1753 : vector<1xf32> to vector<1x1x1xf32>
    %reduce_sum3A_1755 = vector.extract %reduce_sum3A_1754[0, 0, 0] : f32 from vector<1x1x1xf32>
    %swap3A_1756 = arith.constant 0 : index
    %swap3A_1757 = arith.constant 0 : index
    %swap3A_1758 = arith.constant 0 : index
    %swap3A_1759 = arith.constant 0 : index
    %swap3A_1760 = memref.load %arg12[%swap3A_1756, %swap3A_1757, %swap3A_1758, %swap3A_1759] : memref<1x1x1x1xf32, #tpu.memory_space<smem>>
    memref.store %reduce_sum3A_1755, %arg12[%swap3A_1756, %swap3A_1757, %swap3A_1758, %swap3A_1759] : memref<1x1x1x1xf32, #tpu.memory_space<smem>>
    return
  }
  func.func @transform_0(%arg0: i32, %arg1: i32) -> (i32, i32, i32) {
    %c0_i32 = arith.constant 0 : i32
    %c0_i32_0 = arith.constant 0 : i32
    return %arg0, %arg1, %c0_i32 : i32, i32, i32
  }
  func.func @transform_1(%arg0: i32, %arg1: i32) -> (i32, i32, i32) {
    %c0_i32 = arith.constant 0 : i32
    %c0_i32_0 = arith.constant 0 : i32
    %c0_i32_1 = arith.constant 0 : i32
    return %arg0, %c0_i32, %c0_i32_0 : i32, i32, i32
  }
  func.func @transform_2(%arg0: i32, %arg1: i32) -> (i32, i32, i32) {
    %c0_i32 = arith.constant 0 : i32
    %c0_i32_0 = arith.constant 0 : i32
    return %arg0, %arg1, %c0_i32 : i32, i32, i32
  }
  func.func @transform_3(%arg0: i32, %arg1: i32) -> (i32, i32, i32) {
    %c0_i32 = arith.constant 0 : i32
    %c0_i32_0 = arith.constant 0 : i32
    return %arg0, %arg1, %c0_i32 : i32, i32, i32
  }
  func.func @transform_4(%arg0: i32, %arg1: i32) -> (i32, i32, i32) {
    %c0_i32 = arith.constant 0 : i32
    %c0_i32_0 = arith.constant 0 : i32
    return %arg0, %arg1, %c0_i32 : i32, i32, i32
  }
  func.func @transform_5(%arg0: i32, %arg1: i32) -> (i32, i32, i32) {
    %c0_i32 = arith.constant 0 : i32
    %c0_i32_0 = arith.constant 0 : i32
    return %arg0, %arg1, %c0_i32 : i32, i32, i32
  }
  func.func @transform_6(%arg0: i32, %arg1: i32) -> (i32, i32, i32) {
    %c0_i32 = arith.constant 0 : i32
    %c0_i32_0 = arith.constant 0 : i32
    return %arg0, %arg1, %c0_i32 : i32, i32, i32
  }
  func.func @transform_7(%arg0: i32, %arg1: i32) -> (i32, i32, i32) {
    %c0_i32 = arith.constant 0 : i32
    %c0_i32_0 = arith.constant 0 : i32
    return %arg0, %arg1, %c0_i32 : i32, i32, i32
  }
  func.func @transform_8(%arg0: i32, %arg1: i32) -> (i32, i32, i32) {
    %c0_i32 = arith.constant 0 : i32
    %c0_i32_0 = arith.constant 0 : i32
    return %arg0, %arg1, %c0_i32 : i32, i32, i32
  }
  func.func @transform_9(%arg0: i32, %arg1: i32) -> (i32, i32, i32) {
    %c0_i32 = arith.constant 0 : i32
    %c0_i32_0 = arith.constant 0 : i32
    return %arg0, %arg1, %c0_i32 : i32, i32, i32
  }
  func.func @transform_10(%arg0: i32, %arg1: i32) -> (i32, i32, i32, i32) {
    %c0_i32 = arith.constant 0 : i32
    %c0_i32_0 = arith.constant 0 : i32
    %c0_i32_1 = arith.constant 0 : i32
    return %arg0, %arg1, %c0_i32, %c0_i32_0 : i32, i32, i32, i32
  }
}

module attributes {stable_mosaic.version = 14 : i64} {
  func.func @_k3_body(%arg0: i32, %arg1: memref<1x512x2xf32, #tpu.memory_space<vmem>>, %arg2: memref<1x2x512xf32, #tpu.memory_space<vmem>>, %arg3: memref<1x512x2xf32, #tpu.memory_space<vmem>>, %arg4: memref<1x2x512xf32, #tpu.memory_space<vmem>>, %arg5: memref<1x512x128xf32, #tpu.memory_space<vmem>>, %arg6: memref<1x512x128xf32, #tpu.memory_space<vmem>>, %arg7: memref<1x1x1xf32, #tpu.memory_space<smem>>) attributes {dimension_semantics = [#tpu.dimension_semantics<arbitrary>], iteration_bounds = array<i64: 4>, scalar_prefetch = 0 : i64, scratch_operands = 0 : i64, tpu.core_type = #tpu.core_type<tc>, window_params = [{transform_indices = @transform_0, window_bounds = array<i64: 1, 512, 2>}, {transform_indices = @transform_1, window_bounds = array<i64: 1, 2, 512>}, {transform_indices = @transform_2, window_bounds = array<i64: 1, 512, 2>}, {transform_indices = @transform_3, window_bounds = array<i64: 1, 2, 512>}, {transform_indices = @transform_4, window_bounds = array<i64: 1, 512, 128>}, {transform_indices = @transform_5, window_bounds = array<i64: 1, 512, 128>}, {transform_indices = @transform_6, window_bounds = array<i64: 1, 1, 1>}]} {
    %get3A = arith.constant 0 : index
    %get3A_0 = arith.constant 0 : index
    %get3A_1 = arith.constant 0 : index
    %get3A_2 = vector.load %arg5[%get3A, %get3A_0, %get3A_1] : memref<1x512x128xf32, #tpu.memory_space<vmem>>, vector<1x512x128xf32>
    %get3A_3 = vector.shape_cast %get3A_2 : vector<1x512x128xf32> to vector<512x128xf32>
    %get3A_4 = arith.constant 0 : index
    %get3A_5 = arith.constant 0 : index
    %get3A_6 = arith.constant 0 : index
    %get3A_7 = vector.load %arg6[%get3A_4, %get3A_5, %get3A_6] : memref<1x512x128xf32, #tpu.memory_space<vmem>>, vector<1x512x128xf32>
    %get3A_8 = vector.shape_cast %get3A_7 : vector<1x512x128xf32> to vector<512x128xf32>
    %dot_general3A = arith.constant dense<0.000000e+00> : vector<512x512xf32>
    %dot_general3A_9 = tpu.matmul %get3A_3, %get3A_3, %dot_general3A {dimension_numbers = #tpu.dot_dimension_numbers<[1], [1], [0], [0], [0, 0, 1, 0], [], []>, transpose_lhs_hint = false} : vector<512x128xf32>, vector<512x128xf32>, vector<512x512xf32> -> vector<512x512xf32>
    %dot_general3A_10 = arith.constant dense<0.000000e+00> : vector<512x512xf32>
    %dot_general3A_11 = tpu.matmul %get3A_8, %get3A_8, %dot_general3A_10 {dimension_numbers = #tpu.dot_dimension_numbers<[1], [1], [0], [0], [0, 0, 1, 0], [], []>, transpose_lhs_hint = false} : vector<512x128xf32>, vector<512x128xf32>, vector<512x512xf32> -> vector<512x512xf32>
    %get3A_12 = arith.constant 0 : index
    %get3A_13 = arith.constant 0 : index
    %get3A_14 = arith.constant 0 : index
    %get3A_15 = vector.load %arg1[%get3A_12, %get3A_13, %get3A_14] : memref<1x512x2xf32, #tpu.memory_space<vmem>>, vector<1x512x1xf32>
    %get3A_16 = vector.shape_cast %get3A_15 : vector<1x512x1xf32> to vector<512x1xf32>
    %get3A_17 = arith.constant 0 : index
    %get3A_18 = arith.constant 0 : index
    %get3A_19 = arith.constant 1 : index
    %get3A_20 = vector.load %arg1[%get3A_17, %get3A_18, %get3A_19] : memref<1x512x2xf32, #tpu.memory_space<vmem>>, vector<1x512x1xf32>
    %get3A_21 = vector.shape_cast %get3A_20 : vector<1x512x1xf32> to vector<512x1xf32>
    %get3A_22 = arith.constant 0 : index
    %get3A_23 = arith.constant 0 : index
    %get3A_24 = arith.constant 0 : index
    %get3A_25 = vector.load %arg2[%get3A_22, %get3A_23, %get3A_24] : memref<1x2x512xf32, #tpu.memory_space<vmem>>, vector<1x1x512xf32>
    %get3A_26 = vector.shape_cast %get3A_25 : vector<1x1x512xf32> to vector<1x512xf32>
    %get3A_27 = arith.constant 0 : index
    %get3A_28 = arith.constant 1 : index
    %get3A_29 = arith.constant 0 : index
    %get3A_30 = vector.load %arg2[%get3A_27, %get3A_28, %get3A_29] : memref<1x2x512xf32, #tpu.memory_space<vmem>>, vector<1x1x512xf32>
    %get3A_31 = vector.shape_cast %get3A_30 : vector<1x1x512xf32> to vector<1x512xf32>
    %sub3A = vector.broadcast %get3A_16 : vector<512x1xf32> to vector<512x512xf32>
    %sub3A_32 = vector.broadcast %get3A_26 : vector<1x512xf32> to vector<512x512xf32>
    %sub3A_33 = arith.subf %sub3A, %sub3A_32 : vector<512x512xf32>
    %sub3A_34 = vector.broadcast %get3A_21 : vector<512x1xf32> to vector<512x512xf32>
    %sub3A_35 = vector.broadcast %get3A_31 : vector<1x512xf32> to vector<512x512xf32>
    %sub3A_36 = arith.subf %sub3A_34, %sub3A_35 : vector<512x512xf32>
    %mul3A = arith.mulf %sub3A_33, %sub3A_33 : vector<512x512xf32>
    %mul3A_37 = arith.mulf %sub3A_36, %sub3A_36 : vector<512x512xf32>
    %add3A = arith.addf %mul3A, %mul3A_37 : vector<512x512xf32>
    %add3A_38 = arith.constant 9.99999996E-13 : f32
    %add3A_39 = vector.broadcast %add3A_38 : f32 to vector<512x512xf32>
    %add3A_40 = arith.addf %add3A, %add3A_39 : vector<512x512xf32>
    %sqrt3A = math.sqrt %add3A_40 : vector<512x512xf32>
    %mul3A_41 = arith.constant 2.000000e+00 : f32
    %mul3A_42 = vector.broadcast %mul3A_41 : f32 to vector<512x512xf32>
    %mul3A_43 = arith.mulf %mul3A_42, %dot_general3A_9 : vector<512x512xf32>
    %sub3A_44 = arith.constant 2.000000e+00 : f32
    %sub3A_45 = vector.broadcast %sub3A_44 : f32 to vector<512x512xf32>
    %sub3A_46 = arith.subf %sub3A_45, %mul3A_43 : vector<512x512xf32>
    %le3A = arith.constant 11.4137087 : f32
    %le3A_47 = vector.broadcast %le3A : f32 to vector<512x512xf32>
    %le3A_48 = arith.cmpf ole, %sqrt3A, %le3A_47 : vector<512x512xf32>
    %jit3A = arith.constant 5.000000e+00 : f32
    %jit3A_49 = arith.constant 0.000000e+00 : f32
    %broadcast_in_dim3A = vector.broadcast %jit3A : f32 to vector<512x512xf32>
    %broadcast_in_dim3A_50 = vector.broadcast %jit3A_49 : f32 to vector<512x512xf32>
    %select_n3A = arith.select %le3A_48, %broadcast_in_dim3A, %broadcast_in_dim3A_50 : vector<512x512xi1>, vector<512x512xf32>
    %add3A_51 = arith.addf %sub3A_46, %select_n3A : vector<512x512xf32>
    %get3A_52 = arith.constant 0 : index
    %get3A_53 = arith.constant 0 : index
    %get3A_54 = arith.constant 0 : index
    %get3A_55 = vector.load %arg3[%get3A_52, %get3A_53, %get3A_54] : memref<1x512x2xf32, #tpu.memory_space<vmem>>, vector<1x512x1xf32>
    %get3A_56 = vector.shape_cast %get3A_55 : vector<1x512x1xf32> to vector<512x1xf32>
    %get3A_57 = arith.constant 0 : index
    %get3A_58 = arith.constant 0 : index
    %get3A_59 = arith.constant 1 : index
    %get3A_60 = vector.load %arg3[%get3A_57, %get3A_58, %get3A_59] : memref<1x512x2xf32, #tpu.memory_space<vmem>>, vector<1x512x1xf32>
    %get3A_61 = vector.shape_cast %get3A_60 : vector<1x512x1xf32> to vector<512x1xf32>
    %get3A_62 = arith.constant 0 : index
    %get3A_63 = arith.constant 0 : index
    %get3A_64 = arith.constant 0 : index
    %get3A_65 = vector.load %arg4[%get3A_62, %get3A_63, %get3A_64] : memref<1x2x512xf32, #tpu.memory_space<vmem>>, vector<1x1x512xf32>
    %get3A_66 = vector.shape_cast %get3A_65 : vector<1x1x512xf32> to vector<1x512xf32>
    %get3A_67 = arith.constant 0 : index
    %get3A_68 = arith.constant 1 : index
    %get3A_69 = arith.constant 0 : index
    %get3A_70 = vector.load %arg4[%get3A_67, %get3A_68, %get3A_69] : memref<1x2x512xf32, #tpu.memory_space<vmem>>, vector<1x1x512xf32>
    %get3A_71 = vector.shape_cast %get3A_70 : vector<1x1x512xf32> to vector<1x512xf32>
    %sub3A_72 = vector.broadcast %get3A_56 : vector<512x1xf32> to vector<512x512xf32>
    %sub3A_73 = vector.broadcast %get3A_66 : vector<1x512xf32> to vector<512x512xf32>
    %sub3A_74 = arith.subf %sub3A_72, %sub3A_73 : vector<512x512xf32>
    %sub3A_75 = vector.broadcast %get3A_61 : vector<512x1xf32> to vector<512x512xf32>
    %sub3A_76 = vector.broadcast %get3A_71 : vector<1x512xf32> to vector<512x512xf32>
    %sub3A_77 = arith.subf %sub3A_75, %sub3A_76 : vector<512x512xf32>
    %mul3A_78 = arith.mulf %sub3A_74, %sub3A_74 : vector<512x512xf32>
    %mul3A_79 = arith.mulf %sub3A_77, %sub3A_77 : vector<512x512xf32>
    %add3A_80 = arith.addf %mul3A_78, %mul3A_79 : vector<512x512xf32>
    %add3A_81 = arith.constant 9.99999996E-13 : f32
    %add3A_82 = vector.broadcast %add3A_81 : f32 to vector<512x512xf32>
    %add3A_83 = arith.addf %add3A_80, %add3A_82 : vector<512x512xf32>
    %sqrt3A_84 = math.sqrt %add3A_83 : vector<512x512xf32>
    %mul3A_85 = arith.constant 2.000000e+00 : f32
    %mul3A_86 = vector.broadcast %mul3A_85 : f32 to vector<512x512xf32>
    %mul3A_87 = arith.mulf %mul3A_86, %dot_general3A_11 : vector<512x512xf32>
    %sub3A_88 = arith.constant 2.000000e+00 : f32
    %sub3A_89 = vector.broadcast %sub3A_88 : f32 to vector<512x512xf32>
    %sub3A_90 = arith.subf %sub3A_89, %mul3A_87 : vector<512x512xf32>
    %le3A_91 = arith.constant 11.4137087 : f32
    %le3A_92 = vector.broadcast %le3A_91 : f32 to vector<512x512xf32>
    %le3A_93 = arith.cmpf ole, %sqrt3A_84, %le3A_92 : vector<512x512xf32>
    %jit3A_94 = arith.constant 5.000000e+00 : f32
    %jit3A_95 = arith.constant 0.000000e+00 : f32
    %broadcast_in_dim3A_96 = vector.broadcast %jit3A_94 : f32 to vector<512x512xf32>
    %broadcast_in_dim3A_97 = vector.broadcast %jit3A_95 : f32 to vector<512x512xf32>
    %select_n3A_98 = arith.select %le3A_93, %broadcast_in_dim3A_96, %broadcast_in_dim3A_97 : vector<512x512xi1>, vector<512x512xf32>
    %add3A_99 = arith.addf %sub3A_90, %select_n3A_98 : vector<512x512xf32>
    %reduce_min3A = arith.constant dense<0x7F800000> : vector<512xf32>
    %reduce_min3A_100 = vector.multi_reduction <minimumf>, %add3A_51, %reduce_min3A [1] : vector<512x512xf32> to vector<512xf32>
    %broadcast_in_dim3A_101 = vector.shape_cast %reduce_min3A_100 : vector<512xf32> to vector<512x1xf32>
    %eq3A = vector.broadcast %broadcast_in_dim3A_101 : vector<512x1xf32> to vector<512x512xf32>
    %eq3A_102 = arith.cmpf oeq, %add3A_51, %eq3A : vector<512x512xf32>
    %jit3A_103 = arith.constant 3.000000e+38 : f32
    %broadcast_in_dim3A_104 = vector.broadcast %jit3A_103 : f32 to vector<512x512xf32>
    %select_n3A_105 = arith.select %eq3A_102, %broadcast_in_dim3A_104, %add3A_51 : vector<512x512xi1>, vector<512x512xf32>
    %lt3A = arith.constant 4.500000e+00 : f32
    %lt3A_106 = vector.broadcast %lt3A : f32 to vector<512x1xf32>
    %lt3A_107 = arith.cmpf olt, %broadcast_in_dim3A_101, %lt3A_106 : vector<512x1xf32>
    %sub3A_108 = arith.constant 2.000000e+00 : f32
    %sub3A_109 = vector.broadcast %sub3A_108 : f32 to vector<512x1xf32>
    %sub3A_110 = arith.subf %sub3A_109, %broadcast_in_dim3A_101 : vector<512x1xf32>
    %mul3A_111 = arith.constant 5.000000e-01 : f32
    %mul3A_112 = vector.broadcast %mul3A_111 : f32 to vector<512x1xf32>
    %mul3A_113 = arith.mulf %sub3A_110, %mul3A_112 : vector<512x1xf32>
    %sub3A_114 = arith.constant 7.000000e+00 : f32
    %sub3A_115 = vector.broadcast %sub3A_114 : f32 to vector<512x1xf32>
    %sub3A_116 = arith.subf %sub3A_115, %broadcast_in_dim3A_101 : vector<512x1xf32>
    %mul3A_117 = arith.constant 5.000000e-01 : f32
    %mul3A_118 = vector.broadcast %mul3A_117 : f32 to vector<512x1xf32>
    %mul3A_119 = arith.mulf %sub3A_116, %mul3A_118 : vector<512x1xf32>
    %select_n3A_120 = arith.select %lt3A_107, %mul3A_113, %mul3A_119 : vector<512x1xi1>, vector<512x1xf32>
    %reduce_min3A_121 = arith.constant dense<0x7F800000> : vector<512xf32>
    %reduce_min3A_122 = vector.multi_reduction <minimumf>, %select_n3A_105, %reduce_min3A_121 [1] : vector<512x512xf32> to vector<512xf32>
    %broadcast_in_dim3A_123 = vector.shape_cast %reduce_min3A_122 : vector<512xf32> to vector<512x1xf32>
    %eq3A_124 = vector.broadcast %broadcast_in_dim3A_123 : vector<512x1xf32> to vector<512x512xf32>
    %eq3A_125 = arith.cmpf oeq, %select_n3A_105, %eq3A_124 : vector<512x512xf32>
    %jit3A_126 = arith.constant 3.000000e+38 : f32
    %broadcast_in_dim3A_127 = vector.broadcast %jit3A_126 : f32 to vector<512x512xf32>
    %select_n3A_128 = arith.select %eq3A_125, %broadcast_in_dim3A_127, %select_n3A_105 : vector<512x512xi1>, vector<512x512xf32>
    %lt3A_129 = arith.constant 4.500000e+00 : f32
    %lt3A_130 = vector.broadcast %lt3A_129 : f32 to vector<512x1xf32>
    %lt3A_131 = arith.cmpf olt, %broadcast_in_dim3A_123, %lt3A_130 : vector<512x1xf32>
    %sub3A_132 = arith.constant 2.000000e+00 : f32
    %sub3A_133 = vector.broadcast %sub3A_132 : f32 to vector<512x1xf32>
    %sub3A_134 = arith.subf %sub3A_133, %broadcast_in_dim3A_123 : vector<512x1xf32>
    %mul3A_135 = arith.constant 5.000000e-01 : f32
    %mul3A_136 = vector.broadcast %mul3A_135 : f32 to vector<512x1xf32>
    %mul3A_137 = arith.mulf %sub3A_134, %mul3A_136 : vector<512x1xf32>
    %sub3A_138 = arith.constant 7.000000e+00 : f32
    %sub3A_139 = vector.broadcast %sub3A_138 : f32 to vector<512x1xf32>
    %sub3A_140 = arith.subf %sub3A_139, %broadcast_in_dim3A_123 : vector<512x1xf32>
    %mul3A_141 = arith.constant 5.000000e-01 : f32
    %mul3A_142 = vector.broadcast %mul3A_141 : f32 to vector<512x1xf32>
    %mul3A_143 = arith.mulf %sub3A_140, %mul3A_142 : vector<512x1xf32>
    %select_n3A_144 = arith.select %lt3A_131, %mul3A_137, %mul3A_143 : vector<512x1xi1>, vector<512x1xf32>
    %reduce_min3A_145 = arith.constant dense<0x7F800000> : vector<512xf32>
    %reduce_min3A_146 = vector.multi_reduction <minimumf>, %select_n3A_128, %reduce_min3A_145 [1] : vector<512x512xf32> to vector<512xf32>
    %broadcast_in_dim3A_147 = vector.shape_cast %reduce_min3A_146 : vector<512xf32> to vector<512x1xf32>
    %eq3A_148 = vector.broadcast %broadcast_in_dim3A_147 : vector<512x1xf32> to vector<512x512xf32>
    %eq3A_149 = arith.cmpf oeq, %select_n3A_128, %eq3A_148 : vector<512x512xf32>
    %jit3A_150 = arith.constant 3.000000e+38 : f32
    %broadcast_in_dim3A_151 = vector.broadcast %jit3A_150 : f32 to vector<512x512xf32>
    %select_n3A_152 = arith.select %eq3A_149, %broadcast_in_dim3A_151, %select_n3A_128 : vector<512x512xi1>, vector<512x512xf32>
    %lt3A_153 = arith.constant 4.500000e+00 : f32
    %lt3A_154 = vector.broadcast %lt3A_153 : f32 to vector<512x1xf32>
    %lt3A_155 = arith.cmpf olt, %broadcast_in_dim3A_147, %lt3A_154 : vector<512x1xf32>
    %sub3A_156 = arith.constant 2.000000e+00 : f32
    %sub3A_157 = vector.broadcast %sub3A_156 : f32 to vector<512x1xf32>
    %sub3A_158 = arith.subf %sub3A_157, %broadcast_in_dim3A_147 : vector<512x1xf32>
    %mul3A_159 = arith.constant 5.000000e-01 : f32
    %mul3A_160 = vector.broadcast %mul3A_159 : f32 to vector<512x1xf32>
    %mul3A_161 = arith.mulf %sub3A_158, %mul3A_160 : vector<512x1xf32>
    %sub3A_162 = arith.constant 7.000000e+00 : f32
    %sub3A_163 = vector.broadcast %sub3A_162 : f32 to vector<512x1xf32>
    %sub3A_164 = arith.subf %sub3A_163, %broadcast_in_dim3A_147 : vector<512x1xf32>
    %mul3A_165 = arith.constant 5.000000e-01 : f32
    %mul3A_166 = vector.broadcast %mul3A_165 : f32 to vector<512x1xf32>
    %mul3A_167 = arith.mulf %sub3A_164, %mul3A_166 : vector<512x1xf32>
    %select_n3A_168 = arith.select %lt3A_155, %mul3A_161, %mul3A_167 : vector<512x1xi1>, vector<512x1xf32>
    %reduce_min3A_169 = arith.constant dense<0x7F800000> : vector<512xf32>
    %reduce_min3A_170 = vector.multi_reduction <minimumf>, %select_n3A_152, %reduce_min3A_169 [1] : vector<512x512xf32> to vector<512xf32>
    %broadcast_in_dim3A_171 = vector.shape_cast %reduce_min3A_170 : vector<512xf32> to vector<512x1xf32>
    %eq3A_172 = vector.broadcast %broadcast_in_dim3A_171 : vector<512x1xf32> to vector<512x512xf32>
    %eq3A_173 = arith.cmpf oeq, %select_n3A_152, %eq3A_172 : vector<512x512xf32>
    %jit3A_174 = arith.constant 3.000000e+38 : f32
    %broadcast_in_dim3A_175 = vector.broadcast %jit3A_174 : f32 to vector<512x512xf32>
    %select_n3A_176 = arith.select %eq3A_173, %broadcast_in_dim3A_175, %select_n3A_152 : vector<512x512xi1>, vector<512x512xf32>
    %lt3A_177 = arith.constant 4.500000e+00 : f32
    %lt3A_178 = vector.broadcast %lt3A_177 : f32 to vector<512x1xf32>
    %lt3A_179 = arith.cmpf olt, %broadcast_in_dim3A_171, %lt3A_178 : vector<512x1xf32>
    %sub3A_180 = arith.constant 2.000000e+00 : f32
    %sub3A_181 = vector.broadcast %sub3A_180 : f32 to vector<512x1xf32>
    %sub3A_182 = arith.subf %sub3A_181, %broadcast_in_dim3A_171 : vector<512x1xf32>
    %mul3A_183 = arith.constant 5.000000e-01 : f32
    %mul3A_184 = vector.broadcast %mul3A_183 : f32 to vector<512x1xf32>
    %mul3A_185 = arith.mulf %sub3A_182, %mul3A_184 : vector<512x1xf32>
    %sub3A_186 = arith.constant 7.000000e+00 : f32
    %sub3A_187 = vector.broadcast %sub3A_186 : f32 to vector<512x1xf32>
    %sub3A_188 = arith.subf %sub3A_187, %broadcast_in_dim3A_171 : vector<512x1xf32>
    %mul3A_189 = arith.constant 5.000000e-01 : f32
    %mul3A_190 = vector.broadcast %mul3A_189 : f32 to vector<512x1xf32>
    %mul3A_191 = arith.mulf %sub3A_188, %mul3A_190 : vector<512x1xf32>
    %select_n3A_192 = arith.select %lt3A_179, %mul3A_185, %mul3A_191 : vector<512x1xi1>, vector<512x1xf32>
    %reduce_min3A_193 = arith.constant dense<0x7F800000> : vector<512xf32>
    %reduce_min3A_194 = vector.multi_reduction <minimumf>, %select_n3A_176, %reduce_min3A_193 [1] : vector<512x512xf32> to vector<512xf32>
    %broadcast_in_dim3A_195 = vector.shape_cast %reduce_min3A_194 : vector<512xf32> to vector<512x1xf32>
    %eq3A_196 = vector.broadcast %broadcast_in_dim3A_195 : vector<512x1xf32> to vector<512x512xf32>
    %eq3A_197 = arith.cmpf oeq, %select_n3A_176, %eq3A_196 : vector<512x512xf32>
    %jit3A_198 = arith.constant 3.000000e+38 : f32
    %broadcast_in_dim3A_199 = vector.broadcast %jit3A_198 : f32 to vector<512x512xf32>
    %select_n3A_200 = arith.select %eq3A_197, %broadcast_in_dim3A_199, %select_n3A_176 : vector<512x512xi1>, vector<512x512xf32>
    %lt3A_201 = arith.constant 4.500000e+00 : f32
    %lt3A_202 = vector.broadcast %lt3A_201 : f32 to vector<512x1xf32>
    %lt3A_203 = arith.cmpf olt, %broadcast_in_dim3A_195, %lt3A_202 : vector<512x1xf32>
    %sub3A_204 = arith.constant 2.000000e+00 : f32
    %sub3A_205 = vector.broadcast %sub3A_204 : f32 to vector<512x1xf32>
    %sub3A_206 = arith.subf %sub3A_205, %broadcast_in_dim3A_195 : vector<512x1xf32>
    %mul3A_207 = arith.constant 5.000000e-01 : f32
    %mul3A_208 = vector.broadcast %mul3A_207 : f32 to vector<512x1xf32>
    %mul3A_209 = arith.mulf %sub3A_206, %mul3A_208 : vector<512x1xf32>
    %sub3A_210 = arith.constant 7.000000e+00 : f32
    %sub3A_211 = vector.broadcast %sub3A_210 : f32 to vector<512x1xf32>
    %sub3A_212 = arith.subf %sub3A_211, %broadcast_in_dim3A_195 : vector<512x1xf32>
    %mul3A_213 = arith.constant 5.000000e-01 : f32
    %mul3A_214 = vector.broadcast %mul3A_213 : f32 to vector<512x1xf32>
    %mul3A_215 = arith.mulf %sub3A_212, %mul3A_214 : vector<512x1xf32>
    %select_n3A_216 = arith.select %lt3A_203, %mul3A_209, %mul3A_215 : vector<512x1xi1>, vector<512x1xf32>
    %reduce_min3A_217 = arith.constant dense<0x7F800000> : vector<512xf32>
    %reduce_min3A_218 = vector.multi_reduction <minimumf>, %select_n3A_200, %reduce_min3A_217 [1] : vector<512x512xf32> to vector<512xf32>
    %broadcast_in_dim3A_219 = vector.shape_cast %reduce_min3A_218 : vector<512xf32> to vector<512x1xf32>
    %eq3A_220 = vector.broadcast %broadcast_in_dim3A_219 : vector<512x1xf32> to vector<512x512xf32>
    %eq3A_221 = arith.cmpf oeq, %select_n3A_200, %eq3A_220 : vector<512x512xf32>
    %jit3A_222 = arith.constant 3.000000e+38 : f32
    %broadcast_in_dim3A_223 = vector.broadcast %jit3A_222 : f32 to vector<512x512xf32>
    %select_n3A_224 = arith.select %eq3A_221, %broadcast_in_dim3A_223, %select_n3A_200 : vector<512x512xi1>, vector<512x512xf32>
    %lt3A_225 = arith.constant 4.500000e+00 : f32
    %lt3A_226 = vector.broadcast %lt3A_225 : f32 to vector<512x1xf32>
    %lt3A_227 = arith.cmpf olt, %broadcast_in_dim3A_219, %lt3A_226 : vector<512x1xf32>
    %sub3A_228 = arith.constant 2.000000e+00 : f32
    %sub3A_229 = vector.broadcast %sub3A_228 : f32 to vector<512x1xf32>
    %sub3A_230 = arith.subf %sub3A_229, %broadcast_in_dim3A_219 : vector<512x1xf32>
    %mul3A_231 = arith.constant 5.000000e-01 : f32
    %mul3A_232 = vector.broadcast %mul3A_231 : f32 to vector<512x1xf32>
    %mul3A_233 = arith.mulf %sub3A_230, %mul3A_232 : vector<512x1xf32>
    %sub3A_234 = arith.constant 7.000000e+00 : f32
    %sub3A_235 = vector.broadcast %sub3A_234 : f32 to vector<512x1xf32>
    %sub3A_236 = arith.subf %sub3A_235, %broadcast_in_dim3A_219 : vector<512x1xf32>
    %mul3A_237 = arith.constant 5.000000e-01 : f32
    %mul3A_238 = vector.broadcast %mul3A_237 : f32 to vector<512x1xf32>
    %mul3A_239 = arith.mulf %sub3A_236, %mul3A_238 : vector<512x1xf32>
    %select_n3A_240 = arith.select %lt3A_227, %mul3A_233, %mul3A_239 : vector<512x1xi1>, vector<512x1xf32>
    %reduce_min3A_241 = arith.constant dense<0x7F800000> : vector<512xf32>
    %reduce_min3A_242 = vector.multi_reduction <minimumf>, %select_n3A_224, %reduce_min3A_241 [1] : vector<512x512xf32> to vector<512xf32>
    %broadcast_in_dim3A_243 = vector.shape_cast %reduce_min3A_242 : vector<512xf32> to vector<512x1xf32>
    %eq3A_244 = vector.broadcast %broadcast_in_dim3A_243 : vector<512x1xf32> to vector<512x512xf32>
    %eq3A_245 = arith.cmpf oeq, %select_n3A_224, %eq3A_244 : vector<512x512xf32>
    %jit3A_246 = arith.constant 3.000000e+38 : f32
    %broadcast_in_dim3A_247 = vector.broadcast %jit3A_246 : f32 to vector<512x512xf32>
    %select_n3A_248 = arith.select %eq3A_245, %broadcast_in_dim3A_247, %select_n3A_224 : vector<512x512xi1>, vector<512x512xf32>
    %lt3A_249 = arith.constant 4.500000e+00 : f32
    %lt3A_250 = vector.broadcast %lt3A_249 : f32 to vector<512x1xf32>
    %lt3A_251 = arith.cmpf olt, %broadcast_in_dim3A_243, %lt3A_250 : vector<512x1xf32>
    %sub3A_252 = arith.constant 2.000000e+00 : f32
    %sub3A_253 = vector.broadcast %sub3A_252 : f32 to vector<512x1xf32>
    %sub3A_254 = arith.subf %sub3A_253, %broadcast_in_dim3A_243 : vector<512x1xf32>
    %mul3A_255 = arith.constant 5.000000e-01 : f32
    %mul3A_256 = vector.broadcast %mul3A_255 : f32 to vector<512x1xf32>
    %mul3A_257 = arith.mulf %sub3A_254, %mul3A_256 : vector<512x1xf32>
    %sub3A_258 = arith.constant 7.000000e+00 : f32
    %sub3A_259 = vector.broadcast %sub3A_258 : f32 to vector<512x1xf32>
    %sub3A_260 = arith.subf %sub3A_259, %broadcast_in_dim3A_243 : vector<512x1xf32>
    %mul3A_261 = arith.constant 5.000000e-01 : f32
    %mul3A_262 = vector.broadcast %mul3A_261 : f32 to vector<512x1xf32>
    %mul3A_263 = arith.mulf %sub3A_260, %mul3A_262 : vector<512x1xf32>
    %select_n3A_264 = arith.select %lt3A_251, %mul3A_257, %mul3A_263 : vector<512x1xi1>, vector<512x1xf32>
    %reduce_min3A_265 = arith.constant dense<0x7F800000> : vector<512xf32>
    %reduce_min3A_266 = vector.multi_reduction <minimumf>, %select_n3A_248, %reduce_min3A_265 [1] : vector<512x512xf32> to vector<512xf32>
    %broadcast_in_dim3A_267 = vector.shape_cast %reduce_min3A_266 : vector<512xf32> to vector<512x1xf32>
    %lt3A_268 = arith.constant 4.500000e+00 : f32
    %lt3A_269 = vector.broadcast %lt3A_268 : f32 to vector<512x1xf32>
    %lt3A_270 = arith.cmpf olt, %broadcast_in_dim3A_267, %lt3A_269 : vector<512x1xf32>
    %sub3A_271 = arith.constant 2.000000e+00 : f32
    %sub3A_272 = vector.broadcast %sub3A_271 : f32 to vector<512x1xf32>
    %sub3A_273 = arith.subf %sub3A_272, %broadcast_in_dim3A_267 : vector<512x1xf32>
    %mul3A_274 = arith.constant 5.000000e-01 : f32
    %mul3A_275 = vector.broadcast %mul3A_274 : f32 to vector<512x1xf32>
    %mul3A_276 = arith.mulf %sub3A_273, %mul3A_275 : vector<512x1xf32>
    %sub3A_277 = arith.constant 7.000000e+00 : f32
    %sub3A_278 = vector.broadcast %sub3A_277 : f32 to vector<512x1xf32>
    %sub3A_279 = arith.subf %sub3A_278, %broadcast_in_dim3A_267 : vector<512x1xf32>
    %mul3A_280 = arith.constant 5.000000e-01 : f32
    %mul3A_281 = vector.broadcast %mul3A_280 : f32 to vector<512x1xf32>
    %mul3A_282 = arith.mulf %sub3A_279, %mul3A_281 : vector<512x1xf32>
    %select_n3A_283 = arith.select %lt3A_270, %mul3A_276, %mul3A_282 : vector<512x1xi1>, vector<512x1xf32>
    %reduce_min3A_284 = arith.constant dense<0x7F800000> : vector<512xf32>
    %reduce_min3A_285 = vector.multi_reduction <minimumf>, %add3A_99, %reduce_min3A_284 [1] : vector<512x512xf32> to vector<512xf32>
    %broadcast_in_dim3A_286 = vector.shape_cast %reduce_min3A_285 : vector<512xf32> to vector<512x1xf32>
    %eq3A_287 = vector.broadcast %broadcast_in_dim3A_286 : vector<512x1xf32> to vector<512x512xf32>
    %eq3A_288 = arith.cmpf oeq, %add3A_99, %eq3A_287 : vector<512x512xf32>
    %jit3A_289 = arith.constant 3.000000e+38 : f32
    %broadcast_in_dim3A_290 = vector.broadcast %jit3A_289 : f32 to vector<512x512xf32>
    %select_n3A_291 = arith.select %eq3A_288, %broadcast_in_dim3A_290, %add3A_99 : vector<512x512xi1>, vector<512x512xf32>
    %lt3A_292 = arith.constant 4.500000e+00 : f32
    %lt3A_293 = vector.broadcast %lt3A_292 : f32 to vector<512x1xf32>
    %lt3A_294 = arith.cmpf olt, %broadcast_in_dim3A_286, %lt3A_293 : vector<512x1xf32>
    %sub3A_295 = arith.constant 2.000000e+00 : f32
    %sub3A_296 = vector.broadcast %sub3A_295 : f32 to vector<512x1xf32>
    %sub3A_297 = arith.subf %sub3A_296, %broadcast_in_dim3A_286 : vector<512x1xf32>
    %mul3A_298 = arith.constant 5.000000e-01 : f32
    %mul3A_299 = vector.broadcast %mul3A_298 : f32 to vector<512x1xf32>
    %mul3A_300 = arith.mulf %sub3A_297, %mul3A_299 : vector<512x1xf32>
    %sub3A_301 = arith.constant 7.000000e+00 : f32
    %sub3A_302 = vector.broadcast %sub3A_301 : f32 to vector<512x1xf32>
    %sub3A_303 = arith.subf %sub3A_302, %broadcast_in_dim3A_286 : vector<512x1xf32>
    %mul3A_304 = arith.constant 5.000000e-01 : f32
    %mul3A_305 = vector.broadcast %mul3A_304 : f32 to vector<512x1xf32>
    %mul3A_306 = arith.mulf %sub3A_303, %mul3A_305 : vector<512x1xf32>
    %select_n3A_307 = arith.select %lt3A_294, %mul3A_300, %mul3A_306 : vector<512x1xi1>, vector<512x1xf32>
    %reduce_min3A_308 = arith.constant dense<0x7F800000> : vector<512xf32>
    %reduce_min3A_309 = vector.multi_reduction <minimumf>, %select_n3A_291, %reduce_min3A_308 [1] : vector<512x512xf32> to vector<512xf32>
    %broadcast_in_dim3A_310 = vector.shape_cast %reduce_min3A_309 : vector<512xf32> to vector<512x1xf32>
    %eq3A_311 = vector.broadcast %broadcast_in_dim3A_310 : vector<512x1xf32> to vector<512x512xf32>
    %eq3A_312 = arith.cmpf oeq, %select_n3A_291, %eq3A_311 : vector<512x512xf32>
    %jit3A_313 = arith.constant 3.000000e+38 : f32
    %broadcast_in_dim3A_314 = vector.broadcast %jit3A_313 : f32 to vector<512x512xf32>
    %select_n3A_315 = arith.select %eq3A_312, %broadcast_in_dim3A_314, %select_n3A_291 : vector<512x512xi1>, vector<512x512xf32>
    %lt3A_316 = arith.constant 4.500000e+00 : f32
    %lt3A_317 = vector.broadcast %lt3A_316 : f32 to vector<512x1xf32>
    %lt3A_318 = arith.cmpf olt, %broadcast_in_dim3A_310, %lt3A_317 : vector<512x1xf32>
    %sub3A_319 = arith.constant 2.000000e+00 : f32
    %sub3A_320 = vector.broadcast %sub3A_319 : f32 to vector<512x1xf32>
    %sub3A_321 = arith.subf %sub3A_320, %broadcast_in_dim3A_310 : vector<512x1xf32>
    %mul3A_322 = arith.constant 5.000000e-01 : f32
    %mul3A_323 = vector.broadcast %mul3A_322 : f32 to vector<512x1xf32>
    %mul3A_324 = arith.mulf %sub3A_321, %mul3A_323 : vector<512x1xf32>
    %sub3A_325 = arith.constant 7.000000e+00 : f32
    %sub3A_326 = vector.broadcast %sub3A_325 : f32 to vector<512x1xf32>
    %sub3A_327 = arith.subf %sub3A_326, %broadcast_in_dim3A_310 : vector<512x1xf32>
    %mul3A_328 = arith.constant 5.000000e-01 : f32
    %mul3A_329 = vector.broadcast %mul3A_328 : f32 to vector<512x1xf32>
    %mul3A_330 = arith.mulf %sub3A_327, %mul3A_329 : vector<512x1xf32>
    %select_n3A_331 = arith.select %lt3A_318, %mul3A_324, %mul3A_330 : vector<512x1xi1>, vector<512x1xf32>
    %reduce_min3A_332 = arith.constant dense<0x7F800000> : vector<512xf32>
    %reduce_min3A_333 = vector.multi_reduction <minimumf>, %select_n3A_315, %reduce_min3A_332 [1] : vector<512x512xf32> to vector<512xf32>
    %broadcast_in_dim3A_334 = vector.shape_cast %reduce_min3A_333 : vector<512xf32> to vector<512x1xf32>
    %eq3A_335 = vector.broadcast %broadcast_in_dim3A_334 : vector<512x1xf32> to vector<512x512xf32>
    %eq3A_336 = arith.cmpf oeq, %select_n3A_315, %eq3A_335 : vector<512x512xf32>
    %jit3A_337 = arith.constant 3.000000e+38 : f32
    %broadcast_in_dim3A_338 = vector.broadcast %jit3A_337 : f32 to vector<512x512xf32>
    %select_n3A_339 = arith.select %eq3A_336, %broadcast_in_dim3A_338, %select_n3A_315 : vector<512x512xi1>, vector<512x512xf32>
    %lt3A_340 = arith.constant 4.500000e+00 : f32
    %lt3A_341 = vector.broadcast %lt3A_340 : f32 to vector<512x1xf32>
    %lt3A_342 = arith.cmpf olt, %broadcast_in_dim3A_334, %lt3A_341 : vector<512x1xf32>
    %sub3A_343 = arith.constant 2.000000e+00 : f32
    %sub3A_344 = vector.broadcast %sub3A_343 : f32 to vector<512x1xf32>
    %sub3A_345 = arith.subf %sub3A_344, %broadcast_in_dim3A_334 : vector<512x1xf32>
    %mul3A_346 = arith.constant 5.000000e-01 : f32
    %mul3A_347 = vector.broadcast %mul3A_346 : f32 to vector<512x1xf32>
    %mul3A_348 = arith.mulf %sub3A_345, %mul3A_347 : vector<512x1xf32>
    %sub3A_349 = arith.constant 7.000000e+00 : f32
    %sub3A_350 = vector.broadcast %sub3A_349 : f32 to vector<512x1xf32>
    %sub3A_351 = arith.subf %sub3A_350, %broadcast_in_dim3A_334 : vector<512x1xf32>
    %mul3A_352 = arith.constant 5.000000e-01 : f32
    %mul3A_353 = vector.broadcast %mul3A_352 : f32 to vector<512x1xf32>
    %mul3A_354 = arith.mulf %sub3A_351, %mul3A_353 : vector<512x1xf32>
    %select_n3A_355 = arith.select %lt3A_342, %mul3A_348, %mul3A_354 : vector<512x1xi1>, vector<512x1xf32>
    %reduce_min3A_356 = arith.constant dense<0x7F800000> : vector<512xf32>
    %reduce_min3A_357 = vector.multi_reduction <minimumf>, %select_n3A_339, %reduce_min3A_356 [1] : vector<512x512xf32> to vector<512xf32>
    %broadcast_in_dim3A_358 = vector.shape_cast %reduce_min3A_357 : vector<512xf32> to vector<512x1xf32>
    %eq3A_359 = vector.broadcast %broadcast_in_dim3A_358 : vector<512x1xf32> to vector<512x512xf32>
    %eq3A_360 = arith.cmpf oeq, %select_n3A_339, %eq3A_359 : vector<512x512xf32>
    %jit3A_361 = arith.constant 3.000000e+38 : f32
    %broadcast_in_dim3A_362 = vector.broadcast %jit3A_361 : f32 to vector<512x512xf32>
    %select_n3A_363 = arith.select %eq3A_360, %broadcast_in_dim3A_362, %select_n3A_339 : vector<512x512xi1>, vector<512x512xf32>
    %lt3A_364 = arith.constant 4.500000e+00 : f32
    %lt3A_365 = vector.broadcast %lt3A_364 : f32 to vector<512x1xf32>
    %lt3A_366 = arith.cmpf olt, %broadcast_in_dim3A_358, %lt3A_365 : vector<512x1xf32>
    %sub3A_367 = arith.constant 2.000000e+00 : f32
    %sub3A_368 = vector.broadcast %sub3A_367 : f32 to vector<512x1xf32>
    %sub3A_369 = arith.subf %sub3A_368, %broadcast_in_dim3A_358 : vector<512x1xf32>
    %mul3A_370 = arith.constant 5.000000e-01 : f32
    %mul3A_371 = vector.broadcast %mul3A_370 : f32 to vector<512x1xf32>
    %mul3A_372 = arith.mulf %sub3A_369, %mul3A_371 : vector<512x1xf32>
    %sub3A_373 = arith.constant 7.000000e+00 : f32
    %sub3A_374 = vector.broadcast %sub3A_373 : f32 to vector<512x1xf32>
    %sub3A_375 = arith.subf %sub3A_374, %broadcast_in_dim3A_358 : vector<512x1xf32>
    %mul3A_376 = arith.constant 5.000000e-01 : f32
    %mul3A_377 = vector.broadcast %mul3A_376 : f32 to vector<512x1xf32>
    %mul3A_378 = arith.mulf %sub3A_375, %mul3A_377 : vector<512x1xf32>
    %select_n3A_379 = arith.select %lt3A_366, %mul3A_372, %mul3A_378 : vector<512x1xi1>, vector<512x1xf32>
    %reduce_min3A_380 = arith.constant dense<0x7F800000> : vector<512xf32>
    %reduce_min3A_381 = vector.multi_reduction <minimumf>, %select_n3A_363, %reduce_min3A_380 [1] : vector<512x512xf32> to vector<512xf32>
    %broadcast_in_dim3A_382 = vector.shape_cast %reduce_min3A_381 : vector<512xf32> to vector<512x1xf32>
    %eq3A_383 = vector.broadcast %broadcast_in_dim3A_382 : vector<512x1xf32> to vector<512x512xf32>
    %eq3A_384 = arith.cmpf oeq, %select_n3A_363, %eq3A_383 : vector<512x512xf32>
    %jit3A_385 = arith.constant 3.000000e+38 : f32
    %broadcast_in_dim3A_386 = vector.broadcast %jit3A_385 : f32 to vector<512x512xf32>
    %select_n3A_387 = arith.select %eq3A_384, %broadcast_in_dim3A_386, %select_n3A_363 : vector<512x512xi1>, vector<512x512xf32>
    %lt3A_388 = arith.constant 4.500000e+00 : f32
    %lt3A_389 = vector.broadcast %lt3A_388 : f32 to vector<512x1xf32>
    %lt3A_390 = arith.cmpf olt, %broadcast_in_dim3A_382, %lt3A_389 : vector<512x1xf32>
    %sub3A_391 = arith.constant 2.000000e+00 : f32
    %sub3A_392 = vector.broadcast %sub3A_391 : f32 to vector<512x1xf32>
    %sub3A_393 = arith.subf %sub3A_392, %broadcast_in_dim3A_382 : vector<512x1xf32>
    %mul3A_394 = arith.constant 5.000000e-01 : f32
    %mul3A_395 = vector.broadcast %mul3A_394 : f32 to vector<512x1xf32>
    %mul3A_396 = arith.mulf %sub3A_393, %mul3A_395 : vector<512x1xf32>
    %sub3A_397 = arith.constant 7.000000e+00 : f32
    %sub3A_398 = vector.broadcast %sub3A_397 : f32 to vector<512x1xf32>
    %sub3A_399 = arith.subf %sub3A_398, %broadcast_in_dim3A_382 : vector<512x1xf32>
    %mul3A_400 = arith.constant 5.000000e-01 : f32
    %mul3A_401 = vector.broadcast %mul3A_400 : f32 to vector<512x1xf32>
    %mul3A_402 = arith.mulf %sub3A_399, %mul3A_401 : vector<512x1xf32>
    %select_n3A_403 = arith.select %lt3A_390, %mul3A_396, %mul3A_402 : vector<512x1xi1>, vector<512x1xf32>
    %reduce_min3A_404 = arith.constant dense<0x7F800000> : vector<512xf32>
    %reduce_min3A_405 = vector.multi_reduction <minimumf>, %select_n3A_387, %reduce_min3A_404 [1] : vector<512x512xf32> to vector<512xf32>
    %broadcast_in_dim3A_406 = vector.shape_cast %reduce_min3A_405 : vector<512xf32> to vector<512x1xf32>
    %eq3A_407 = vector.broadcast %broadcast_in_dim3A_406 : vector<512x1xf32> to vector<512x512xf32>
    %eq3A_408 = arith.cmpf oeq, %select_n3A_387, %eq3A_407 : vector<512x512xf32>
    %jit3A_409 = arith.constant 3.000000e+38 : f32
    %broadcast_in_dim3A_410 = vector.broadcast %jit3A_409 : f32 to vector<512x512xf32>
    %select_n3A_411 = arith.select %eq3A_408, %broadcast_in_dim3A_410, %select_n3A_387 : vector<512x512xi1>, vector<512x512xf32>
    %lt3A_412 = arith.constant 4.500000e+00 : f32
    %lt3A_413 = vector.broadcast %lt3A_412 : f32 to vector<512x1xf32>
    %lt3A_414 = arith.cmpf olt, %broadcast_in_dim3A_406, %lt3A_413 : vector<512x1xf32>
    %sub3A_415 = arith.constant 2.000000e+00 : f32
    %sub3A_416 = vector.broadcast %sub3A_415 : f32 to vector<512x1xf32>
    %sub3A_417 = arith.subf %sub3A_416, %broadcast_in_dim3A_406 : vector<512x1xf32>
    %mul3A_418 = arith.constant 5.000000e-01 : f32
    %mul3A_419 = vector.broadcast %mul3A_418 : f32 to vector<512x1xf32>
    %mul3A_420 = arith.mulf %sub3A_417, %mul3A_419 : vector<512x1xf32>
    %sub3A_421 = arith.constant 7.000000e+00 : f32
    %sub3A_422 = vector.broadcast %sub3A_421 : f32 to vector<512x1xf32>
    %sub3A_423 = arith.subf %sub3A_422, %broadcast_in_dim3A_406 : vector<512x1xf32>
    %mul3A_424 = arith.constant 5.000000e-01 : f32
    %mul3A_425 = vector.broadcast %mul3A_424 : f32 to vector<512x1xf32>
    %mul3A_426 = arith.mulf %sub3A_423, %mul3A_425 : vector<512x1xf32>
    %select_n3A_427 = arith.select %lt3A_414, %mul3A_420, %mul3A_426 : vector<512x1xi1>, vector<512x1xf32>
    %reduce_min3A_428 = arith.constant dense<0x7F800000> : vector<512xf32>
    %reduce_min3A_429 = vector.multi_reduction <minimumf>, %select_n3A_411, %reduce_min3A_428 [1] : vector<512x512xf32> to vector<512xf32>
    %broadcast_in_dim3A_430 = vector.shape_cast %reduce_min3A_429 : vector<512xf32> to vector<512x1xf32>
    %eq3A_431 = vector.broadcast %broadcast_in_dim3A_430 : vector<512x1xf32> to vector<512x512xf32>
    %eq3A_432 = arith.cmpf oeq, %select_n3A_411, %eq3A_431 : vector<512x512xf32>
    %jit3A_433 = arith.constant 3.000000e+38 : f32
    %broadcast_in_dim3A_434 = vector.broadcast %jit3A_433 : f32 to vector<512x512xf32>
    %select_n3A_435 = arith.select %eq3A_432, %broadcast_in_dim3A_434, %select_n3A_411 : vector<512x512xi1>, vector<512x512xf32>
    %lt3A_436 = arith.constant 4.500000e+00 : f32
    %lt3A_437 = vector.broadcast %lt3A_436 : f32 to vector<512x1xf32>
    %lt3A_438 = arith.cmpf olt, %broadcast_in_dim3A_430, %lt3A_437 : vector<512x1xf32>
    %sub3A_439 = arith.constant 2.000000e+00 : f32
    %sub3A_440 = vector.broadcast %sub3A_439 : f32 to vector<512x1xf32>
    %sub3A_441 = arith.subf %sub3A_440, %broadcast_in_dim3A_430 : vector<512x1xf32>
    %mul3A_442 = arith.constant 5.000000e-01 : f32
    %mul3A_443 = vector.broadcast %mul3A_442 : f32 to vector<512x1xf32>
    %mul3A_444 = arith.mulf %sub3A_441, %mul3A_443 : vector<512x1xf32>
    %sub3A_445 = arith.constant 7.000000e+00 : f32
    %sub3A_446 = vector.broadcast %sub3A_445 : f32 to vector<512x1xf32>
    %sub3A_447 = arith.subf %sub3A_446, %broadcast_in_dim3A_430 : vector<512x1xf32>
    %mul3A_448 = arith.constant 5.000000e-01 : f32
    %mul3A_449 = vector.broadcast %mul3A_448 : f32 to vector<512x1xf32>
    %mul3A_450 = arith.mulf %sub3A_447, %mul3A_449 : vector<512x1xf32>
    %select_n3A_451 = arith.select %lt3A_438, %mul3A_444, %mul3A_450 : vector<512x1xi1>, vector<512x1xf32>
    %reduce_min3A_452 = arith.constant dense<0x7F800000> : vector<512xf32>
    %reduce_min3A_453 = vector.multi_reduction <minimumf>, %select_n3A_435, %reduce_min3A_452 [1] : vector<512x512xf32> to vector<512xf32>
    %broadcast_in_dim3A_454 = vector.shape_cast %reduce_min3A_453 : vector<512xf32> to vector<512x1xf32>
    %lt3A_455 = arith.constant 4.500000e+00 : f32
    %lt3A_456 = vector.broadcast %lt3A_455 : f32 to vector<512x1xf32>
    %lt3A_457 = arith.cmpf olt, %broadcast_in_dim3A_454, %lt3A_456 : vector<512x1xf32>
    %sub3A_458 = arith.constant 2.000000e+00 : f32
    %sub3A_459 = vector.broadcast %sub3A_458 : f32 to vector<512x1xf32>
    %sub3A_460 = arith.subf %sub3A_459, %broadcast_in_dim3A_454 : vector<512x1xf32>
    %mul3A_461 = arith.constant 5.000000e-01 : f32
    %mul3A_462 = vector.broadcast %mul3A_461 : f32 to vector<512x1xf32>
    %mul3A_463 = arith.mulf %sub3A_460, %mul3A_462 : vector<512x1xf32>
    %sub3A_464 = arith.constant 7.000000e+00 : f32
    %sub3A_465 = vector.broadcast %sub3A_464 : f32 to vector<512x1xf32>
    %sub3A_466 = arith.subf %sub3A_465, %broadcast_in_dim3A_454 : vector<512x1xf32>
    %mul3A_467 = arith.constant 5.000000e-01 : f32
    %mul3A_468 = vector.broadcast %mul3A_467 : f32 to vector<512x1xf32>
    %mul3A_469 = arith.mulf %sub3A_466, %mul3A_468 : vector<512x1xf32>
    %select_n3A_470 = arith.select %lt3A_457, %mul3A_463, %mul3A_469 : vector<512x1xi1>, vector<512x1xf32>
    %broadcast_in_dim3A_471 = arith.constant 0.000000e+00 : f32
    %broadcast_in_dim3A_472 = vector.broadcast %broadcast_in_dim3A_471 : f32 to vector<512x1xf32>
    %mul3A_473 = arith.constant 2.000000e+00 : f32
    %mul3A_474 = vector.broadcast %mul3A_473 : f32 to vector<512x1xf32>
    %mul3A_475 = arith.mulf %mul3A_474, %select_n3A_120 : vector<512x1xf32>
    %sub3A_476 = arith.constant 2.000000e+00 : f32
    %sub3A_477 = vector.broadcast %sub3A_476 : f32 to vector<512x1xf32>
    %sub3A_478 = arith.subf %sub3A_477, %mul3A_475 : vector<512x1xf32>
    %mul3A_479 = arith.constant 2.000000e+00 : f32
    %mul3A_480 = vector.broadcast %mul3A_479 : f32 to vector<512x1xf32>
    %mul3A_481 = arith.mulf %mul3A_480, %select_n3A_307 : vector<512x1xf32>
    %sub3A_482 = arith.constant 2.000000e+00 : f32
    %sub3A_483 = vector.broadcast %sub3A_482 : f32 to vector<512x1xf32>
    %sub3A_484 = arith.subf %sub3A_483, %mul3A_481 : vector<512x1xf32>
    %sub3A_485 = arith.subf %sub3A_478, %sub3A_484 : vector<512x1xf32>
    %mul3A_486 = arith.mulf %sub3A_485, %sub3A_485 : vector<512x1xf32>
    %add3A_487 = arith.addf %broadcast_in_dim3A_472, %mul3A_486 : vector<512x1xf32>
    %mul3A_488 = arith.constant 2.000000e+00 : f32
    %mul3A_489 = vector.broadcast %mul3A_488 : f32 to vector<512x1xf32>
    %mul3A_490 = arith.mulf %mul3A_489, %select_n3A_144 : vector<512x1xf32>
    %sub3A_491 = arith.constant 2.000000e+00 : f32
    %sub3A_492 = vector.broadcast %sub3A_491 : f32 to vector<512x1xf32>
    %sub3A_493 = arith.subf %sub3A_492, %mul3A_490 : vector<512x1xf32>
    %mul3A_494 = arith.constant 2.000000e+00 : f32
    %mul3A_495 = vector.broadcast %mul3A_494 : f32 to vector<512x1xf32>
    %mul3A_496 = arith.mulf %mul3A_495, %select_n3A_331 : vector<512x1xf32>
    %sub3A_497 = arith.constant 2.000000e+00 : f32
    %sub3A_498 = vector.broadcast %sub3A_497 : f32 to vector<512x1xf32>
    %sub3A_499 = arith.subf %sub3A_498, %mul3A_496 : vector<512x1xf32>
    %sub3A_500 = arith.subf %sub3A_493, %sub3A_499 : vector<512x1xf32>
    %mul3A_501 = arith.mulf %sub3A_500, %sub3A_500 : vector<512x1xf32>
    %add3A_502 = arith.addf %add3A_487, %mul3A_501 : vector<512x1xf32>
    %mul3A_503 = arith.constant 2.000000e+00 : f32
    %mul3A_504 = vector.broadcast %mul3A_503 : f32 to vector<512x1xf32>
    %mul3A_505 = arith.mulf %mul3A_504, %select_n3A_168 : vector<512x1xf32>
    %sub3A_506 = arith.constant 2.000000e+00 : f32
    %sub3A_507 = vector.broadcast %sub3A_506 : f32 to vector<512x1xf32>
    %sub3A_508 = arith.subf %sub3A_507, %mul3A_505 : vector<512x1xf32>
    %mul3A_509 = arith.constant 2.000000e+00 : f32
    %mul3A_510 = vector.broadcast %mul3A_509 : f32 to vector<512x1xf32>
    %mul3A_511 = arith.mulf %mul3A_510, %select_n3A_355 : vector<512x1xf32>
    %sub3A_512 = arith.constant 2.000000e+00 : f32
    %sub3A_513 = vector.broadcast %sub3A_512 : f32 to vector<512x1xf32>
    %sub3A_514 = arith.subf %sub3A_513, %mul3A_511 : vector<512x1xf32>
    %sub3A_515 = arith.subf %sub3A_508, %sub3A_514 : vector<512x1xf32>
    %mul3A_516 = arith.mulf %sub3A_515, %sub3A_515 : vector<512x1xf32>
    %add3A_517 = arith.addf %add3A_502, %mul3A_516 : vector<512x1xf32>
    %mul3A_518 = arith.constant 2.000000e+00 : f32
    %mul3A_519 = vector.broadcast %mul3A_518 : f32 to vector<512x1xf32>
    %mul3A_520 = arith.mulf %mul3A_519, %select_n3A_192 : vector<512x1xf32>
    %sub3A_521 = arith.constant 2.000000e+00 : f32
    %sub3A_522 = vector.broadcast %sub3A_521 : f32 to vector<512x1xf32>
    %sub3A_523 = arith.subf %sub3A_522, %mul3A_520 : vector<512x1xf32>
    %mul3A_524 = arith.constant 2.000000e+00 : f32
    %mul3A_525 = vector.broadcast %mul3A_524 : f32 to vector<512x1xf32>
    %mul3A_526 = arith.mulf %mul3A_525, %select_n3A_379 : vector<512x1xf32>
    %sub3A_527 = arith.constant 2.000000e+00 : f32
    %sub3A_528 = vector.broadcast %sub3A_527 : f32 to vector<512x1xf32>
    %sub3A_529 = arith.subf %sub3A_528, %mul3A_526 : vector<512x1xf32>
    %sub3A_530 = arith.subf %sub3A_523, %sub3A_529 : vector<512x1xf32>
    %mul3A_531 = arith.mulf %sub3A_530, %sub3A_530 : vector<512x1xf32>
    %add3A_532 = arith.addf %add3A_517, %mul3A_531 : vector<512x1xf32>
    %mul3A_533 = arith.constant 2.000000e+00 : f32
    %mul3A_534 = vector.broadcast %mul3A_533 : f32 to vector<512x1xf32>
    %mul3A_535 = arith.mulf %mul3A_534, %select_n3A_216 : vector<512x1xf32>
    %sub3A_536 = arith.constant 2.000000e+00 : f32
    %sub3A_537 = vector.broadcast %sub3A_536 : f32 to vector<512x1xf32>
    %sub3A_538 = arith.subf %sub3A_537, %mul3A_535 : vector<512x1xf32>
    %mul3A_539 = arith.constant 2.000000e+00 : f32
    %mul3A_540 = vector.broadcast %mul3A_539 : f32 to vector<512x1xf32>
    %mul3A_541 = arith.mulf %mul3A_540, %select_n3A_403 : vector<512x1xf32>
    %sub3A_542 = arith.constant 2.000000e+00 : f32
    %sub3A_543 = vector.broadcast %sub3A_542 : f32 to vector<512x1xf32>
    %sub3A_544 = arith.subf %sub3A_543, %mul3A_541 : vector<512x1xf32>
    %sub3A_545 = arith.subf %sub3A_538, %sub3A_544 : vector<512x1xf32>
    %mul3A_546 = arith.mulf %sub3A_545, %sub3A_545 : vector<512x1xf32>
    %add3A_547 = arith.addf %add3A_532, %mul3A_546 : vector<512x1xf32>
    %mul3A_548 = arith.constant 2.000000e+00 : f32
    %mul3A_549 = vector.broadcast %mul3A_548 : f32 to vector<512x1xf32>
    %mul3A_550 = arith.mulf %mul3A_549, %select_n3A_240 : vector<512x1xf32>
    %sub3A_551 = arith.constant 2.000000e+00 : f32
    %sub3A_552 = vector.broadcast %sub3A_551 : f32 to vector<512x1xf32>
    %sub3A_553 = arith.subf %sub3A_552, %mul3A_550 : vector<512x1xf32>
    %mul3A_554 = arith.constant 2.000000e+00 : f32
    %mul3A_555 = vector.broadcast %mul3A_554 : f32 to vector<512x1xf32>
    %mul3A_556 = arith.mulf %mul3A_555, %select_n3A_427 : vector<512x1xf32>
    %sub3A_557 = arith.constant 2.000000e+00 : f32
    %sub3A_558 = vector.broadcast %sub3A_557 : f32 to vector<512x1xf32>
    %sub3A_559 = arith.subf %sub3A_558, %mul3A_556 : vector<512x1xf32>
    %sub3A_560 = arith.subf %sub3A_553, %sub3A_559 : vector<512x1xf32>
    %mul3A_561 = arith.mulf %sub3A_560, %sub3A_560 : vector<512x1xf32>
    %add3A_562 = arith.addf %add3A_547, %mul3A_561 : vector<512x1xf32>
    %mul3A_563 = arith.constant 2.000000e+00 : f32
    %mul3A_564 = vector.broadcast %mul3A_563 : f32 to vector<512x1xf32>
    %mul3A_565 = arith.mulf %mul3A_564, %select_n3A_264 : vector<512x1xf32>
    %sub3A_566 = arith.constant 2.000000e+00 : f32
    %sub3A_567 = vector.broadcast %sub3A_566 : f32 to vector<512x1xf32>
    %sub3A_568 = arith.subf %sub3A_567, %mul3A_565 : vector<512x1xf32>
    %mul3A_569 = arith.constant 2.000000e+00 : f32
    %mul3A_570 = vector.broadcast %mul3A_569 : f32 to vector<512x1xf32>
    %mul3A_571 = arith.mulf %mul3A_570, %select_n3A_451 : vector<512x1xf32>
    %sub3A_572 = arith.constant 2.000000e+00 : f32
    %sub3A_573 = vector.broadcast %sub3A_572 : f32 to vector<512x1xf32>
    %sub3A_574 = arith.subf %sub3A_573, %mul3A_571 : vector<512x1xf32>
    %sub3A_575 = arith.subf %sub3A_568, %sub3A_574 : vector<512x1xf32>
    %mul3A_576 = arith.mulf %sub3A_575, %sub3A_575 : vector<512x1xf32>
    %add3A_577 = arith.addf %add3A_562, %mul3A_576 : vector<512x1xf32>
    %mul3A_578 = arith.constant 2.000000e+00 : f32
    %mul3A_579 = vector.broadcast %mul3A_578 : f32 to vector<512x1xf32>
    %mul3A_580 = arith.mulf %mul3A_579, %select_n3A_283 : vector<512x1xf32>
    %sub3A_581 = arith.constant 2.000000e+00 : f32
    %sub3A_582 = vector.broadcast %sub3A_581 : f32 to vector<512x1xf32>
    %sub3A_583 = arith.subf %sub3A_582, %mul3A_580 : vector<512x1xf32>
    %mul3A_584 = arith.constant 2.000000e+00 : f32
    %mul3A_585 = vector.broadcast %mul3A_584 : f32 to vector<512x1xf32>
    %mul3A_586 = arith.mulf %mul3A_585, %select_n3A_470 : vector<512x1xf32>
    %sub3A_587 = arith.constant 2.000000e+00 : f32
    %sub3A_588 = vector.broadcast %sub3A_587 : f32 to vector<512x1xf32>
    %sub3A_589 = arith.subf %sub3A_588, %mul3A_586 : vector<512x1xf32>
    %sub3A_590 = arith.subf %sub3A_583, %sub3A_589 : vector<512x1xf32>
    %mul3A_591 = arith.mulf %sub3A_590, %sub3A_590 : vector<512x1xf32>
    %add3A_592 = arith.addf %add3A_577, %mul3A_591 : vector<512x1xf32>
    %add3A_593 = arith.constant 9.99999996E-13 : f32
    %add3A_594 = vector.broadcast %add3A_593 : f32 to vector<512x1xf32>
    %add3A_595 = arith.addf %add3A_592, %add3A_594 : vector<512x1xf32>
    %sqrt3A_596 = math.sqrt %add3A_595 : vector<512x1xf32>
    %reduce_sum3A = vector.shape_cast %sqrt3A_596 : vector<512x1xf32> to vector<1x512x1xf32>
    %reduce_sum3A_597 = arith.constant dense<0.000000e+00> : vector<1xf32>
    %reduce_sum3A_598 = vector.multi_reduction <add>, %reduce_sum3A, %reduce_sum3A_597 [1, 2] : vector<1x512x1xf32> to vector<1xf32>
    %reduce_sum3A_599 = vector.shape_cast %reduce_sum3A_598 : vector<1xf32> to vector<1x1x1xf32>
    %reduce_sum3A_600 = vector.extract %reduce_sum3A_599[0, 0, 0] : f32 from vector<1x1x1xf32>
    %swap3A = arith.constant 0 : index
    %swap3A_601 = arith.constant 0 : index
    %swap3A_602 = arith.constant 0 : index
    %swap3A_603 = memref.load %arg7[%swap3A, %swap3A_601, %swap3A_602] : memref<1x1x1xf32, #tpu.memory_space<smem>>
    memref.store %reduce_sum3A_600, %arg7[%swap3A, %swap3A_601, %swap3A_602] : memref<1x1x1xf32, #tpu.memory_space<smem>>
    return
  }
  func.func @transform_0(%arg0: i32) -> (i32, i32, i32) {
    %c0_i32 = arith.constant 0 : i32
    %c0_i32_0 = arith.constant 0 : i32
    %c0_i32_1 = arith.constant 0 : i32
    return %arg0, %c0_i32, %c0_i32_0 : i32, i32, i32
  }
  func.func @transform_1(%arg0: i32) -> (i32, i32, i32) {
    %c0_i32 = arith.constant 0 : i32
    %c0_i32_0 = arith.constant 0 : i32
    %c0_i32_1 = arith.constant 0 : i32
    return %arg0, %c0_i32, %c0_i32_0 : i32, i32, i32
  }
  func.func @transform_2(%arg0: i32) -> (i32, i32, i32) {
    %c0_i32 = arith.constant 0 : i32
    %c0_i32_0 = arith.constant 0 : i32
    %c0_i32_1 = arith.constant 0 : i32
    return %arg0, %c0_i32, %c0_i32_0 : i32, i32, i32
  }
  func.func @transform_3(%arg0: i32) -> (i32, i32, i32) {
    %c0_i32 = arith.constant 0 : i32
    %c0_i32_0 = arith.constant 0 : i32
    %c0_i32_1 = arith.constant 0 : i32
    return %arg0, %c0_i32, %c0_i32_0 : i32, i32, i32
  }
  func.func @transform_4(%arg0: i32) -> (i32, i32, i32) {
    %c0_i32 = arith.constant 0 : i32
    %c0_i32_0 = arith.constant 0 : i32
    %c0_i32_1 = arith.constant 0 : i32
    return %arg0, %c0_i32, %c0_i32_0 : i32, i32, i32
  }
  func.func @transform_5(%arg0: i32) -> (i32, i32, i32) {
    %c0_i32 = arith.constant 0 : i32
    %c0_i32_0 = arith.constant 0 : i32
    %c0_i32_1 = arith.constant 0 : i32
    return %arg0, %c0_i32, %c0_i32_0 : i32, i32, i32
  }
  func.func @transform_6(%arg0: i32) -> (i32, i32, i32) {
    %c0_i32 = arith.constant 0 : i32
    %c0_i32_0 = arith.constant 0 : i32
    %c0_i32_1 = arith.constant 0 : i32
    return %arg0, %c0_i32, %c0_i32_0 : i32, i32, i32
  }
}

</mosaic_0001>

<sc_bundles>
// kernel: kernel.6.cloned.1.call-start
scs
__scs_entry_jumppad:
0x0: {  	(pc) =	sbr.rel $0x88, $3  }
0x1: {  	(tag) =	ssettag $0x0;
	lr =	simm.s32 $0x1  }
0x2: {  	[smem:$0x3F9C] =	sst lr;
	_ =	strace $0xD0000000  }
0x3: {  	_ = 	snop  }
0x4: {  	_ = 	snop  }
0x5: {  	_ = 	snop  }
0x6: {  	_ = 	snop  }
0x7: {  	_ = 	snop  }
__scs_overlays_trampoline_lowered:
0x8: {  	[smem:$0x3FAB] =	sst s0  }
0x9: {  	[smem:$0x3FAC] =	sst s1  }
0xa: {  	[smem:$0x3FAD] =	sst s2  }
0xb: {  	[smem:$0x3FAE] =	sst s3  }
0xc: {  	[smem:$0x3FAF] =	sst s4  }
0xd: {  	[smem:$0x3FB0] =	sst s5  }
0xe: {  	[smem:$0x3FB1] =	sst s6  }
0xf: {  	[smem:$0x3FB2] =	sst s7  }
0x10: {  	[smem:$0x3FB3] =	sst s8  }
0x11: {  	[smem:$0x3FB4] =	sst s9;
	s0 =	simm.s32 @!p0 $0x0  }
0x12: {  	s1 =	sld [smem:$0x3F9A];
	s0 =	simm.s32 @p0 $0x1  }
0x13: {  	[smem:$0x3FB5] =	sst s0;
	s0 =	simm.s32 @!p1 $0x0  }
0x14: {  	s2 =	sld [smem:$0x3F99];
	s0 =	simm.s32 @p1 $0x1  }
0x15: {  	[smem:$0x3FB6] =	sst s0;
	s0 =	simm.s32 @!p2 $0x0  }
0x16: {  	s3 =	sld [smem:$0x3FDB];
	s0 =	simm.s32 @p2 $0x1  }
0x17: {  	s4 =	simm.s32 $0x1BF5;
	[smem:$0x3FB8] =	sst s0  }
0x18: {  	s0 =	sld [smem:$0x3F9B];
	_ =	swait.ge [sflag:s4], $0x0  }
0x19: {  	s7 =	sld [smem:$0x3F9C]  }
0x1a: {  	s8 =	sadd.s32 $0xFFFFE003, lr  }
0x1b: {  	s9 =	sadd.s32 $0xFFFFFEF7, lr;
	s5 =	simm.s32 $0xFFFFFFFF;
	p2 =	slt.u32 s8, $0xFFFFF086  }
0x1c: {  	p1 =	slt.u32 s9, $0xF7A;
	s5 =	simm.s32 @!p2 $0x0  }
0x1d: {  	s5 =	simm.s32 @p1 $0x1;
	p0 =	seq.s32 s7, s2  }
0x1e: {  	s7 =	smul.u32 @!p0 $0xF7A, s2;
	p2 =	seq.s32 @!p0 s5, $0x0  }
0x1f: {  	s9 =	smul.u32 $0xF7A, s1;
	s8 =	simm.s32 @!p0 $0x1BF5;
	p2 =	por !p2, p0  }
0x20: {  	[sflag:s8] =	ssyncset.s32 @!p0 $0xFFFFF086;
	s6 =	sadd.s32 @!p0 s3, s7;
	s7 =	simm.s32 @!p0 $0x108  }
0x21: {  	s3 =	sadd.s32 s3, s9;
	s6 =	sadd.s32 @!p0 $0x88, s6;
	s7 =	simm.s32 @p2 $0x1082  }
0x22: {  	[simem:s7], [sflag:s8] =	dma.local @!p0 [hbm:s6], $0xF7A  }
0x23: {  	s9 =	sor.u32 $0xD0000000, s2;
	s6 =	simm.s32 $0x108;
	_ =	swait.ge @!p0 [sflag:s8], $0x0  }
0x24: {  	s3 =	sadd.s32 $0x88, s3;
	s6 =	simm.s32 @!p1 $0x1082;
	[sflag:s4] =	ssyncset.s32 $0xFFFFF086  }
0x25: {  	[simem:s6], [sflag:s4] =	dma.local [hbm:s3], $0xF7A  }
0x26: {  	[smem:$0x3F9C] =	sst s1;
	(tag) =	ssettag s2;
	_ =	strace s9  }
0x27: {  	s1 =	sld [smem:$0x3FAC]  }
0x28: {  	s2 =	sld [smem:$0x3FAD]  }
0x29: {  	s4 =	sld [smem:$0x3FAF]  }
0x2a: {  	p0 =	seq.s32 s5, $0x0;
	s5 =	sld [smem:$0x3FB0]  }
0x2b: {  	s6 =	sld [smem:$0x3FB1]  }
0x2c: {  	s7 =	sld [smem:$0x3FB2]  }
0x2d: {  	s3 =	simm.s32 $0x108;
	s8 =	sld [smem:$0x3FB3]  }
0x2e: {  	s3 =	simm.s32 @!p0 $0x1082;
	s9 =	sld [smem:$0x3FB4]  }
0x2f: {  	lr =	sadd.s32 s0, s3;
	s0 =	sld [smem:$0x3FAB]  }
0x30: {  	s3 =	sld [smem:$0x3FAE]  }
0x31: {  	[smem:$0x3FB7] =	sst s10  }
0x32: {  	s10 =	sld [smem:$0x3FB5];
	_ =	sdelay $0x3  }
0x33: {  	p0 =	seq.s32 s10, $0x1;
	s10 =	sld [smem:$0x3FB7];
	_ =	sdelay $0x3  }
0x34: {  	[smem:$0x3FB7] =	sst s10  }
0x35: {  	s10 =	sld [smem:$0x3FB6];
	_ =	sdelay $0x3  }
0x36: {  	p1 =	seq.s32 s10, $0x1;
	s10 =	sld [smem:$0x3FB7];
	_ =	sdelay $0x3  }
0x37: {  	[smem:$0x3FB7] =	sst s10  }
0x38: {  	s10 =	sld [smem:$0x3FB8]  }
0x39: {  	_ = 	snop;
	(pc) =	sbr.ind lr, $3  }
0x3a: {  	_ = 	snop  }
0x3b: {  	_ = 	snop  }
0x3c: {  	p2 =	seq.s32 s10, $0x1;
	s10 =	sld [smem:$0x3FB7]  }
0x3d: {  	_ =	shalt  }
0x3e: {  	_ =	shalt  }
0x3f: {  	_ =	shalt  }
0x40: {  	_ =	shalt  }
0x41: {  	_ =	shalt  }
0x42: {  	_ =	shalt  }
0x43: {  	_ =	shalt  }
0x44: {  	_ =	shalt  }
0x45: {  	_ =	shalt  }
0x46: {  	_ =	shalt  }
0x47: {  	_ =	shalt  }
0x48: {  	_ =	shalt  }
0x49: {  	_ =	shalt  }
0x4a: {  	_ =	shalt  }
0x4b: {  	_ =	shalt  }
0x4c: {  	_ =	shalt  }
0x4d: {  	_ =	shalt  }
0x4e: {  	_ =	shalt  }
0x4f: {  	_ =	shalt  }
0x50: {  	_ =	shalt  }
0x51: {  	_ =	shalt  }
0x52: {  	_ =	shalt  }
0x53: {  	_ =	shalt  }
0x54: {  	_ =	shalt  }
0x55: {  	_ =	shalt  }
0x56: {  	_ =	shalt  }
0x57: {  	_ =	shalt  }
0x58: {  	_ =	shalt  }
0x59: {  	_ =	shalt  }
0x5a: {  	_ =	shalt  }
0x5b: {  	_ =	shalt  }
0x5c: {  	_ =	shalt  }
0x5d: {  	_ =	shalt  }
0x5e: {  	_ =	shalt  }
0x5f: {  	_ =	shalt  }
0x60: {  	_ =	shalt  }
0x61: {  	_ =	shalt  }
0x62: {  	_ =	shalt  }
0x63: {  	_ =	shalt  }
0x64: {  	_ =	shalt  }
0x65: {  	_ =	shalt  }
0x66: {  	_ =	shalt  }
0x67: {  	_ =	shalt  }
0x68: {  	_ =	shalt  }
0x69: {  	_ =	shalt  }
0x6a: {  	_ =	shalt  }
0x6b: {  	_ =	shalt  }
0x6c: {  	_ =	shalt  }
0x6d: {  	_ =	shalt  }
0x6e: {  	_ =	shalt  }
0x6f: {  	_ =	shalt  }
0x70: {  	_ =	shalt  }
0x71: {  	_ =	shalt  }
0x72: {  	_ =	shalt  }
0x73: {  	_ =	shalt  }
0x74: {  	_ =	shalt  }
0x75: {  	_ =	shalt  }
0x76: {  	_ =	shalt  }
0x77: {  	_ =	shalt  }
0x78: {  	_ =	shalt  }
0x79: {  	_ =	shalt  }
0x7a: {  	_ =	shalt  }
0x7b: {  	_ =	shalt  }
0x7c: {  	_ =	shalt  }
0x7d: {  	_ =	shalt  }
0x7e: {  	_ =	shalt  }
0x7f: {  	_ =	shalt  }
0x80: {  	_ =	shalt  }
0x81: {  	_ =	shalt  }
0x82: {  	_ =	shalt  }
0x83: {  	_ =	shalt  }
0x84: {  	_ =	shalt  }
0x85: {  	_ =	shalt  }
0x86: {  	_ =	shalt  }
0x87: {  	_ =	shalt  }
.Lfunc_end0:
.L_simem_size_0:
called_computation_lowered:
.L_overlay_start_0:
0x88: {  	s2 =	sld [smem:$0x3FD9]  }
0x89: {  	s3 =	sld [smem:$0x3FFE];
	_ =	sdelay $0x1  }
0x8a: {  	s1 =	srdreg.scid  }
0x8b: {  	s0 =	sand.u32 $0x1, s1  }
0x8c: {  	s17 =	sshll.u32 s0, $0xA;
	s2 =	sadd.s32 s3, s2  }
0x8d: {  	s2 =	sadd.s32 s2, s17  }
0x8e: {  	[smem:$0x3FC3] =	sst s2  }
0x8f: {  	_ = 	snop  }
0x90: {  	s2 =	sld [smem:$0x3FC6];
	(tm) =	ssettm $0x1  }
0x91: {  	s18 =	sld [smem:$0x3FFB];
	_ =	sdelay $0x3  }
0x92: {  	_ =	strace s18  }
0x93: {  	s3 =	sld [smem:$0x3FFC];
	_ =	sdelay $0x3  }
0x94: {  	_ =	strace s3  }
0x95: {  	s3 =	sld [smem:$0x3FFD];
	_ =	sdelay $0x3  }
0x96: {  	_ =	strace s3  }
0x97: {  	_ =	strace $0x8FFFFFFF  }
0x98: {  	s19 =	sld [smem:$0x3FDB];
	_ =	sdelay $0x1  }
0x99: {  	s4 =	simm.s32 $_scs_section_size  }
0x9a: {  	s5 =	simm.s32 $_size__tile_overlayer_lowered;
	s6 =	simm.s32 $_tile_overlayer_lowered  }
0x9b: {  	s22 =	simm.s32 $0x1BFF;
	s21 =	sshll.u32 s6, $0x1;
	s3 =	sadd.s32 s4, s19  }
0x9c: {  	s7 =	simm.s32 $0x0;
	s20 =	sshll.u32 s5, $0x1;
	s5 =	sadd.s32 s21, s3  }
0x9d: {  	[timem:s7], [sflag:s22] =	dma.local [hbm:s5], s20  }
0x9e: {  	_ =	swait.ge [sflag:s22], s20  }
0x9f: {  	s4 =	ssub.s32 $0x0, s20;
	[sflag:s22] =	ssyncset.done $0x0  }
0xa0: {  	[sflag:s22] =	ssyncadd.s32 s4;
	_ =	sdelay $0x1  }
0xa1: {  	s23 =	simm.s32 $0x1B8B  }
0xa2: {  	_ =	swait.ge [sflag:s23], $0x1  }
0xa3: {  	[sflag:s23] =	ssyncset.done $0x0  }
0xa4: {  	s25 =	simm.s32 $0x1B8E;
	s24 =	sld [smem:$0x3FFE];
	[sflag:s23] =	ssyncadd.s32 $0xFFFFFFFF  }
0xa5: {  	s26 =	simm.s32 $execute0_lowered;
	[smem:$0x3FD2] =	sst s25  }
0xa6: {  	s5 =	sshll.u32 s26, $0x1;
	_ =	strace $0x80000046;
	[dreg:$0x1] =	wrdreg $0xFFFFFFFF  }
0xa7: {  	s28 =	simm.s32 $_size_execute0_lowered;
	s3 =	sadd.s32 s3, s5;
	[dreg:$0x0] =	wrdreg $0x0  }
0xa8: {  	s5 =	sshll.u32 s28, $0x1;
	[dreg:$0x2] =	wrdreg s3  }
0xa9: {  	[dreg:$0x3] =	wrdreg s5  }
0xaa: {  	[dreg:$0x4] =	wrdreg $0xC0  }
0xab: {  	_ =	task [dreg:s7], $0x5FFFF  }
0xac: {  	[dreg:$0x1] =	wrdreg $0xFFFFFFFF  }
0xad: {  	[dreg:$0x0] =	wrdreg $0x60  }
0xae: {  	[dreg:$0x2] =	wrdreg s24  }
0xaf: {  	[dreg:$0x3] =	wrdreg s2  }
0xb0: {  	[dreg:$0x4] =	wrdreg $0x9  }
0xb1: {  	_ =	task.clear_ibuf [dreg:s7], $0x5FFFF;
	_ =	strace $0x90000046  }
0xb2: {  	s29 =	simm.s32 $0x9;
	_ =	strace $0x80000048  }
0xb3: {  	_ =	swait.ge [sflag:s29], $0x1  }
0xb4: {  	[sflag:s29] =	ssyncadd.s32 $0xFFFFFFFF  }
0xb5: {  	_ =	strace $0x90000048  }
0xb6: {  	_ =	sfence  }
0xb7: {  	s30 =	sld [smem:$0x0];
	_ =	sdelay $0x2  }
0xb8: {  	s31 =	sshll.u32 s1, $0xD;
	s1 =	sshrl.u32 s1, $0x2  }
0xb9: {  	s3 =	sand.u32 $0x4000, s31;
	s1 =	sadd.s32 s1, s30  }
0xba: {  	s0 =	sor.u32 s3, s0;
	s1 =	sshll.u32 s1, $0x11  }
0xbb: {  	s0 =	sor.u32 s1, s0  }
0xbc: {  	s0 =	sadd.s32 $0x8F2B, s0  }
0xbd: {  	[sflag:s0] =	ssyncadd.remote.s32 $0x1  }
0xbe: {  	_ =	sfence.sel $0xFFFF  }
0xbf: {  	[dreg:$0x0] =	wrdreg $0xFFFFFFFF;
	(pc) =	sbr.abs _section_cstart, $3  }
0xc0: {  	[dreg:$0x1] =	wrdreg $0xFFFFFFFF  }
0xc1: {  	_ =	task.clear_ibuf [dreg:s7], $0x2FFFF;
	_ =	strace $0x9FFFFFFF  }
0xc2: {  	(tm) =	ssettm $0x7FFFFFFF  }
0xc3: {  	_ =	shalt  }
tec
execute0_lowered:
.L_overlay_start_1:
0x0: {  	(tag) =	ssettag $0x1  }
0x1: {  	s1 =	srdreg.scid  }
0x2: {  	s0 =	stileid.u32;
	s10 =	sand.u32 $0x1, s1  }
0x3: {  	s9 =	rddreg [dreg:$0x0];
	s4 =	sshll.u32 s0, $0x7;
	s5 =	sshll.u32 s10, $0x6  }
0x4: {  	s2 =	rddreg [dreg:$0x1];
	s11 =	sor.u32 s5, s4  }
0x5: {  	s3 =	simm.s32 $0x0;
	s1 =	rddreg [dreg:$0x2];
	s4 =	sshrl.u32 s11, $0x3  }
0x6: {  	s6 =	simm.s32 $0x200;
	[smem:$0x7FF] =	sst s3;
	s7 =	sadd.s32 s4, s9  }
0x7: {  	_ =	strace $0x80000047;
	s4 =	simm.s32 $0x2;
	s5 =	sadd.s32 $0x1400, s7  }
0x8: {  	[tilespmem:s6], [sflag:$0x2] =	stream.linear.gather [hbm4b:s5+s3], $0x40, $0x38;
	[tilespmem:$0x2300] =	vst v63  }
0x9: {  	_ =	swait.ge [sflag:s4], $0x40  }
0xa: {  	[sflag:s4] =	ssyncset.done $0x0  }
0xb: {  	s8 =	simm.s32 $0x280;
	s7 =	sadd.s32 $0x1200, s7;
	[sflag:s4] =	ssyncadd.s32 $0xFFFFFFC0  }
0xc: {  	[tilespmem:s8], [sflag:$0x2] =	stream.linear.gather [hbm4b:s7+s3], $0x40, $0x38;
	[tilespmem:$0x2300] =	vst v63  }
0xd: {  	_ =	swait.ge [sflag:s4], $0x40  }
0xe: {  	[sflag:s4] =	ssyncset.done $0x0  }
0xf: {  	[sflag:s4] =	ssyncadd.s32 $0xFFFFFFC0  }
0x10: {  	v0 =	vld [tilespmem:$0x2B0]  }
0x11: {  	v1 =	vld [tilespmem:$0x2A0]  }
0x12: {  	v2 =	vld [tilespmem:$0x290]  }
0x13: {  	v4 =	vld [tilespmem:$0x220]  }
0x14: {  	v3 =	vld [tilespmem:$0x230]  }
0x15: {  	v8 =	vld [tilespmem:$0x280]  }
0x16: {  	s12 =	sshll.u32 s0, $0xA  }
0x17: {  	s12 =	sand.u32 $0x3000, s12;
	v5 =	vmul.f32 $1.250000000e-01, v0  }
0x18: {  	v6 =	vld [tilespmem:$0x210];
	v0 =	vmov s12;
	v7 =	vmul.f32 $1.250000000e-01, v1;
	v4 =	vmul.f32 $1.250000000e-01, v4  }
0x19: {  	v2 =	vmul.f32 $1.250000000e-01, v2;
	v3 =	vmul.f32 $1.250000000e-01, v3;
	v5 =	vadd.f32 $-5.000000000e-01, v5  }
0x1a: {  	v10 =	vld [tilespmem:$0x200];
	v8 =	vmul.f32 $1.250000000e-01, v8;
	v7 =	vadd.f32 $-5.000000000e-01, v7;
	v4 =	vadd.f32 $-5.000000000e-01, v4  }
0x1b: {  	v1 =	vimm.s32 $0x0;
	v2 =	vadd.f32 $-5.000000000e-01, v2;
	v3 =	vadd.f32 $-5.000000000e-01, v3  }
0x1c: {  	v8 =	vadd.f32 $-5.000000000e-01, v8;
	v9 =	vtrunc.f32 v5;
	v13 =	vtrunc.f32 v4  }
0x1d: {  	v11 =	vcvt.f32.s32 v9;
	vm0 =	vlt.f32 v5, v9;
	v5 =	vmul.f32 $1.250000000e-01, v6  }
0x1e: {  	v9 =	vtrunc.f32 v7;
	v53 =	vcvt.f32.s32 v13;
	v6 =	vsel vm0, $0xFFFFFFFF, v1  }
0x1f: {  	v12 =	vcvt.f32.s32 v9;
	vm0 =	vlt.f32 v7, v9;
	v7 =	vmul.f32 $1.250000000e-01, v10  }
0x20: {  	v10 =	vtrunc.f32 v3;
	v6 =	vadd.s32 v11, v6;
	v5 =	vadd.f32 $-5.000000000e-01, v5  }
0x21: {  	v11 =	vtrunc.f32 v2;
	v9 =	vsel vm0, $0xFFFFFFFF, v1;
	vm1 =	vlt.f32 v3, v10  }
0x22: {  	v10 =	vcvt.f32.s32 v10;
	vm0 =	vgt.s32 v6, $0x0;
	v14 =	vadd.s32 $0x1, v6  }
0x23: {  	v9 =	vadd.s32 v12, v9;
	v16 =	vcvt.f32.s32 v11;
	v18 =	vsel vm1, $0xFFFFFFFF, v1  }
0x24: {  	v3 =	vnsel vm0, $0x0, v6;
	v6 =	vadd.f32 $-5.000000000e-01, v7;
	vm0 =	vgt.s32 v9, $0x0  }
0x25: {  	v7 =	vtrunc.f32 v8;
	v15 =	vtrunc.f32 v5;
	vm1 =	vgt.s32 v14, $0x0  }
0x26: {  	v10 =	vadd.s32 v10, v18;
	v3 =	vmin.u32 v3, $0x3F;
	v12 =	vnsel vm0, $0x0, v9  }
0x27: {  	v9 =	vadd.s32 $0x1, v9;
	vm0 =	vlt.f32 v2, v11;
	vm2 =	vlt.f32 v5, v15  }
0x28: {  	v55 =	vnsel vm1, $0x0, v14;
	v11 =	vtrunc.f32 v6;
	v2 =	vsel vm0, $0xFFFFFFFF, v1  }
0x29: {  	v12 =	vmin.u32 v12, $0x3F;
	vm0 =	vgt.s32 v9, $0x0;
	v3 =	vshll.u32 v3, $0x6  }
0x2a: {  	v17 =	vcvt.f32.s32 v11;
	v12 =	vshll.u32 v12, $0x6;
	v5 =	vnsel vm0, $0x0, v9  }
0x2b: {  	v9 =	vsel vm2, $0xFFFFFFFF, v1;
	vm0 =	vgt.s32 v10, $0x0;
	v2 =	vadd.s32 v16, v2  }
0x2c: {  	v5 =	vmin.u32 v5, $0x3F;
	v54 =	vnsel vm0, $0x0, v10;
	v16 =	vadd.s32 $0x1, v2  }
0x2d: {  	vm0 =	vlt.f32 v4, v13;
	vm2 =	vgt.s32 v2, $0x0;
	v13 =	vmin.u32 v55, $0x3F  }
0x2e: {  	v19 =	vshll.u32 v5, $0x6;
	v5 =	vcvt.f32.s32 v15;
	v4 =	vmin.u32 v54, $0x3F  }
0x2f: {  	v2 =	vnsel vm2, $0x0, v2;
	v13 =	vshll.u32 v13, $0x6;
	v4 =	vor.u32 v0, v4  }
0x30: {  	v58 =	vmin.u32 v2, $0x3F;
	v5 =	vadd.s32 v5, v9;
	v9 =	vadd.s32 $0x1, v10  }
0x31: {  	v10 =	vsel vm0, $0xFFFFFFFF, v1;
	vm0 =	vgt.s32 v16, $0x0;
	v59 =	vshll.u32 v58, $0x6  }
0x32: {  	v61 =	vor.u32 v3, v4;
	v10 =	vadd.s32 v53, v10;
	vm3 =	vgt.s32 v9, $0x0  }
0x33: {  	v56 =	vnsel vm0, $0x0, v16;
	v57 =	vadd.s32 $0x1, v5;
	vm1 =	vgt.s32 v10, $0x0  }
0x34: {  	v9 =	vnsel vm3, $0x0, v9;
	v14 =	vmin.u32 v56, $0x3F;
	v60 =	vadd.s32 $0x1, v10  }
0x35: {  	vm0 =	vgt.s32 v57, $0x0;
	vm2 =	vgt.s32 v60, $0x0;
	v9 =	vmin.u32 v9, $0x3F  }
0x36: {  	v2 =	vshll.u32 v14, $0x6;
	v16 =	vnsel vm2, $0x0, v60;
	v9 =	vor.u32 v0, v9  }
0x37: {  	vm2 =	vgt.s32 v5, $0x0;
	v20 =	vor.u32 v3, v9;
	v9 =	vor.u32 v13, v9  }
0x38: {  	v3 =	vnsel vm0, $0x0, v57;
	v62 =	vmin.u32 v16, $0x3F;
	v13 =	vor.u32 v13, v4  }
0x39: {  	vm0 =	vlt.f32 v6, v11;
	v4 =	vcvt.f32.s32 v7;
	v3 =	vmin.u32 v3, $0x3F  }
0x3a: {  	s10 =	ssub.s32 $0x2, s10;
	v6 =	vsel vm0, $0xFFFFFFFF, v1;
	vm0 =	vlt.f32 v8, v7;
	v11 =	vor.u32 v0, v62  }
0x3b: {  	s31 =	sshrl.u32 s10, $0x1;
	s11 =	sshll.u32 s11, $0x4;
	[tilespmem:$0x30] =	vst v61;
	v7 =	vor.u32 v0, v3;
	v3 =	vadd.s32 v17, v6;
	v6 =	vsel vm0, $0xFFFFFFFF, v1  }
0x3c: {  	s9 =	sadd.s32 s11, s9;
	s11 =	ssub.s32 s10, s31;
	[tilespmem:$0xB0] =	vst v20;
	v63 =	vor.u32 v12, v11;
	v4 =	vadd.s32 v4, v6;
	v6 =	vadd.s32 $0x1, v3  }
0x3d: {  	s19 =	smax.u32 s11, $0x1;
	[tilespmem:$0x1B0] =	vst v9;
	v11 =	vor.u32 v19, v11;
	v8 =	vor.u32 v59, v7;
	vm3 =	vgt.s32 v6, $0x0  }
0x3e: {  	p0 =	sne.s32 s19, $0x1;
	[tilespmem:$0x130] =	vst v13;
	vm0 =	vgt.s32 v3, $0x0;
	v7 =	vor.u32 v2, v7;
	v6 =	vnsel vm3, $0x0, v6  }
.Ltmp0:
0x3f: {  	v9 =	vadd.s32 $0x1, v4;
	[tilespmem:$0x90] =	vst v8;
	v8 =	vnsel vm2, $0x0, v5;
	v6 =	vmin.u32 v6, $0x3F;
	(pc) =	sbr.rel @!p0 .LBB2_2-.Ltmp0, $4  }
0x40: {  	s13 =	simm.s32 $0x1;
	s18 =	simm.s32 $0x80;
	[tilespmem:$0xA0] =	vst v63;
	v5 =	vor.u32 v0, v6;
	v6 =	vmin.u32 v8, $0x3F;
	v8 =	vnsel vm1, $0x0, v10  }
0x41: {  	s17 =	simm.s32 $0x100;
	s16 =	simm.s32 $0x180;
	s15 =	sadd.s32 $0x1600, s9;
	[tilespmem:$0x190] =	vst v7;
	vm1 =	vgt.s32 v9, $0x0;
	v7 =	vor.u32 v0, v6;
	v6 =	vmin.u32 v8, $0x3F  }
0x42: {  	s14 =	sadd.s32 $0x9600, s9;
	s10 =	sadd.s32 $0x11600, s9;
	s9 =	sadd.s32 $0x19600, s9;
	[tilespmem:$0x1A0] =	vst v11;
	v8 =	vnsel vm1, $0x0, v9;
	v9 =	vor.u32 v59, v7;
	v10 =	vor.u32 v0, v6  }
0x43: {  	s11 =	simm.s32 $0x300;
	s19 =	sadd.s32 $0xFFFFFFFF, s19;
	s12 =	simm.s32 $0x40;
	v8 =	vmin.u32 v8, $0x3F;
	[tilespmem:$0x10] =	vst v9;
	v6 =	vor.u32 v12, v10;
	v9 =	vor.u32 v19, v10  }
.LBB2_1:
0x44: {  	p0 =	sne.s32 s19, $0x1;
	s19 =	sadd.s32 $0xFFFFFFFF, s19;
	v3 =	vnsel vm0, $0x0, v3;
	vm0 =	vgt.s32 v4, $0x0;
	v2 =	vor.u32 v2, v7  }
0x45: {  	v3 =	vmin.u32 v3, $0x3F;
	v4 =	vnsel vm0, $0x0, v4;
	[tilespmem:$0x120] =	vst v9  }
0x46: {  	v4 =	vmin.u32 v4, $0x3F;
	[tilespmem:$0x110] =	vst v2  }
0x47: {  	v3 =	vor.u32 v0, v3;
	v2 =	vshll.u32 v4, $0x6;
	v4 =	vshll.u32 v8, $0x6  }
0x48: {  	v7 =	vor.u32 v2, v3;
	v3 =	vor.u32 v4, v3;
	v4 =	vor.u32 v4, v5;
	[tilespmem:$0x20] =	vst v6  }
0x49: {  	v2 =	vor.u32 v2, v5;
	[tilespmem:$0x0] =	vst v7  }
0x4a: {  	[tilespmem:$0x180] =	vst v4  }
0x4b: {  	[tilespmem:$0x100] =	vst v3  }
0x4c: {  	[tilespmem:$0x80] =	vst v2  }
0x4d: {  	[tilespmem:s11], [sflag:$0x1] =	stream.indirect.gather [hbm4b:s2+s12], $0x80, s3, s12, $0xb8;
	[tilespmem:$0x2300] =	vst v63  }
0x4e: {  	_ =	swait.ge [sflag:s13], $0x2000  }
0x4f: {  	[sflag:s13] =	ssyncset.done $0x0  }
0x50: {  	[sflag:s13] =	ssyncadd.s32 $0xFFFFE000  }
0x51: {  	[hbm4b:s15+s3] =	stream.linear.scatter [tilespmem:s11], [sflag:$0x2], $0x2000, $0x38;
	[tilespmem:$0x2300] =	vst v63  }
0x52: {  	_ =	swait.ge [sflag:s4], $0x2000  }
0x53: {  	[sflag:s4] =	ssyncset.done $0x0  }
0x54: {  	[sflag:s4] =	ssyncadd.s32 $0xFFFFE000  }
0x55: {  	[tilespmem:s11], [sflag:$0x1] =	stream.indirect.gather [hbm4b:s2+s12], $0x80, s18, s12, $0xb8;
	[tilespmem:$0x2300] =	vst v63  }
0x56: {  	_ =	swait.ge [sflag:s13], $0x2000  }
0x57: {  	[sflag:s13] =	ssyncset.done $0x0  }
0x58: {  	[sflag:s13] =	ssyncadd.s32 $0xFFFFE000  }
0x59: {  	[hbm4b:s14+s3] =	stream.linear.scatter [tilespmem:s11], [sflag:$0x2], $0x2000, $0x38;
	[tilespmem:$0x2300] =	vst v63  }
0x5a: {  	_ =	swait.ge [sflag:s4], $0x2000  }
0x5b: {  	[sflag:s4] =	ssyncset.done $0x0  }
0x5c: {  	[sflag:s4] =	ssyncadd.s32 $0xFFFFE000  }
0x5d: {  	[tilespmem:s11], [sflag:$0x1] =	stream.indirect.gather [hbm4b:s2+s12], $0x80, s17, s12, $0xb8;
	[tilespmem:$0x2300] =	vst v63  }
0x5e: {  	_ =	swait.ge [sflag:s13], $0x2000  }
0x5f: {  	[sflag:s13] =	ssyncset.done $0x0  }
0x60: {  	[sflag:s13] =	ssyncadd.s32 $0xFFFFE000  }
0x61: {  	[hbm4b:s10+s3] =	stream.linear.scatter [tilespmem:s11], [sflag:$0x2], $0x2000, $0x38;
	[tilespmem:$0x2300] =	vst v63  }
0x62: {  	_ =	swait.ge [sflag:s4], $0x2000  }
0x63: {  	[sflag:s4] =	ssyncset.done $0x0  }
0x64: {  	[sflag:s4] =	ssyncadd.s32 $0xFFFFE000  }
0x65: {  	[tilespmem:s11], [sflag:$0x1] =	stream.indirect.gather [hbm4b:s2+s12], $0x80, s16, s12, $0xb8;
	[tilespmem:$0x2300] =	vst v63  }
0x66: {  	_ =	swait.ge [sflag:s13], $0x2000  }
0x67: {  	[sflag:s13] =	ssyncset.done $0x0  }
0x68: {  	[sflag:s13] =	ssyncadd.s32 $0xFFFFE000  }
0x69: {  	[hbm4b:s9+s3] =	stream.linear.scatter [tilespmem:s11], [sflag:$0x2], $0x2000, $0x38;
	[tilespmem:$0x2300] =	vst v63  }
0x6a: {  	_ =	swait.ge [sflag:s4], $0x2000  }
0x6b: {  	[sflag:s4] =	ssyncset.done $0x0  }
0x6c: {  	[sflag:s4] =	ssyncadd.s32 $0xFFFFE000  }
0x6d: {  	[tilespmem:s6], [sflag:$0x2] =	stream.linear.gather [hbm4b:s5+s3], $0x40, $0x38;
	[tilespmem:$0x2300] =	vst v63  }
0x6e: {  	_ =	swait.ge [sflag:s4], $0x40  }
0x6f: {  	[sflag:s4] =	ssyncset.done $0x0  }
0x70: {  	[sflag:s4] =	ssyncadd.s32 $0xFFFFFFC0  }
0x71: {  	[tilespmem:s8], [sflag:$0x2] =	stream.linear.gather [hbm4b:s7+s3], $0x40, $0x38;
	[tilespmem:$0x2300] =	vst v63  }
0x72: {  	_ =	swait.ge [sflag:s4], $0x40  }
0x73: {  	[sflag:s4] =	ssyncset.done $0x0  }
0x74: {  	[sflag:s4] =	ssyncadd.s32 $0xFFFFFFC0  }
0x75: {  	v2 =	vld [tilespmem:$0x2B0]  }
0x76: {  	v3 =	vld [tilespmem:$0x2A0]  }
0x77: {  	v4 =	vld [tilespmem:$0x290]  }
0x78: {  	v5 =	vld [tilespmem:$0x230]  }
0x79: {  	v6 =	vld [tilespmem:$0x220]  }
0x7a: {  	v7 =	vld [tilespmem:$0x210];
	v2 =	vmul.f32 $1.250000000e-01, v2  }
0x7b: {  	v8 =	vld [tilespmem:$0x200];
	v3 =	vmul.f32 $1.250000000e-01, v3  }
0x7c: {  	v9 =	vld [tilespmem:$0x280];
	v4 =	vmul.f32 $1.250000000e-01, v4;
	v2 =	vadd.f32 $-5.000000000e-01, v2  }
0x7d: {  	v5 =	vmul.f32 $1.250000000e-01, v5  }
0x7e: {  	v3 =	vadd.f32 $-5.000000000e-01, v3;
	v6 =	vmul.f32 $1.250000000e-01, v6;
	v10 =	vtrunc.f32 v2  }
0x7f: {  	v4 =	vadd.f32 $-5.000000000e-01, v4;
	v11 =	vcvt.f32.s32 v10;
	vm0 =	vlt.f32 v2, v10  }
0x80: {  	v2 =	vmul.f32 $1.250000000e-01, v7;
	v6 =	vadd.f32 $-5.000000000e-01, v6;
	v7 =	vsel vm0, $0xFFFFFFFF, v1  }
0x81: {  	v10 =	vtrunc.f32 v3;
	v9 =	vmul.f32 $1.250000000e-01, v9;
	v7 =	vadd.s32 v11, v7  }
0x82: {  	v12 =	vcvt.f32.s32 v10;
	v2 =	vadd.f32 $-5.000000000e-01, v2;
	v11 =	vtrunc.f32 v4  }
0x83: {  	vm0 =	vlt.f32 v3, v10;
	v3 =	vadd.f32 $-5.000000000e-01, v5;
	v13 =	vtrunc.f32 v6  }
0x84: {  	v5 =	vmul.f32 $1.250000000e-01, v8;
	v8 =	vsel vm0, $0xFFFFFFFF, v1;
	vm0 =	vgt.s32 v7, $0x0  }
0x85: {  	v10 =	vtrunc.f32 v3;
	v14 =	vadd.s32 $0x1, v7;
	v9 =	vadd.f32 $-5.000000000e-01, v9  }
0x86: {  	v8 =	vadd.s32 v12, v8;
	vm1 =	vlt.f32 v3, v10;
	v3 =	vnsel vm0, $0x0, v7  }
0x87: {  	v5 =	vadd.f32 $-5.000000000e-01, v5;
	vm0 =	vgt.s32 v8, $0x0;
	v3 =	vmin.u32 v3, $0x3F  }
0x88: {  	v12 =	vnsel vm0, $0x0, v8;
	v8 =	vadd.s32 $0x1, v8;
	v7 =	vtrunc.f32 v9  }
0x89: {  	v16 =	vcvt.f32.s32 v11;
	v15 =	vtrunc.f32 v2;
	vm0 =	vlt.f32 v4, v11  }
0x8a: {  	v4 =	vtrunc.f32 v5;
	v11 =	vsel vm0, $0xFFFFFFFF, v1;
	v12 =	vmin.u32 v12, $0x3F  }
0x8b: {  	v17 =	vcvt.f32.s32 v4;
	vm0 =	vgt.s32 v8, $0x0;
	v12 =	vshll.u32 v12, $0x6  }
0x8c: {  	v10 =	vcvt.f32.s32 v10;
	v18 =	vsel vm1, $0xFFFFFFFF, v1;
	vm1 =	vgt.s32 v14, $0x0  }
0x8d: {  	vm2 =	vlt.f32 v2, v15;
	v3 =	vshll.u32 v3, $0x6;
	v2 =	vnsel vm0, $0x0, v8  }
0x8e: {  	v10 =	vadd.s32 v10, v18;
	v8 =	vsel vm2, $0xFFFFFFFF, v1;
	v2 =	vmin.u32 v2, $0x3F  }
0x8f: {  	v18 =	vcvt.f32.s32 v13;
	vm0 =	vgt.s32 v10, $0x0;
	v19 =	vshll.u32 v2, $0x6  }
0x90: {  	v11 =	vadd.s32 v16, v11;
	v2 =	vcvt.f32.s32 v15;
	v15 =	vnsel vm0, $0x0, v10  }
0x91: {  	v16 =	vadd.s32 $0x1, v11;
	vm0 =	vlt.f32 v6, v13;
	v6 =	vmin.u32 v15, $0x3F  }
0x92: {  	vm2 =	vgt.s32 v11, $0x0;
	v8 =	vadd.s32 v2, v8;
	v2 =	vadd.s32 $0x1, v10  }
0x93: {  	v13 =	vnsel vm1, $0x0, v14;
	v10 =	vsel vm0, $0xFFFFFFFF, v1;
	v6 =	vor.u32 v0, v6  }
0x94: {  	vm0 =	vgt.s32 v16, $0x0;
	v10 =	vadd.s32 v18, v10;
	vm3 =	vgt.s32 v2, $0x0  }
0x95: {  	v14 =	vnsel vm0, $0x0, v16;
	vm1 =	vgt.s32 v10, $0x0;
	v15 =	vnsel vm3, $0x0, v2  }
0x96: {  	v16 =	vadd.s32 $0x1, v8;
	v2 =	vnsel vm2, $0x0, v11;
	v11 =	vmin.u32 v14, $0x3F  }
0x97: {  	vm0 =	vgt.s32 v16, $0x0;
	v14 =	vmin.u32 v2, $0x3F;
	v2 =	vshll.u32 v11, $0x6  }
0x98: {  	v13 =	vmin.u32 v13, $0x3F;
	v11 =	vshll.u32 v14, $0x6;
	v14 =	vadd.s32 $0x1, v10  }
0x99: {  	v18 =	vor.u32 v3, v6;
	v15 =	vmin.u32 v15, $0x3F;
	vm2 =	vgt.s32 v14, $0x0  }
0x9a: {  	v13 =	vshll.u32 v13, $0x6;
	v15 =	vor.u32 v0, v15;
	v14 =	vnsel vm2, $0x0, v14;
	[tilespmem:$0x30] =	vst v18  }
0x9b: {  	v3 =	vor.u32 v3, v15;
	v15 =	vor.u32 v13, v15;
	vm2 =	vgt.s32 v8, $0x0  }
0x9c: {  	v6 =	vor.u32 v13, v6;
	v16 =	vnsel vm0, $0x0, v16;
	v14 =	vmin.u32 v14, $0x3F;
	[tilespmem:$0xB0] =	vst v3  }
0x9d: {  	vm0 =	vlt.f32 v5, v4;
	v4 =	vcvt.f32.s32 v7;
	v3 =	vmin.u32 v16, $0x3F  }
0x9e: {  	v5 =	vsel vm0, $0xFFFFFFFF, v1;
	vm0 =	vlt.f32 v9, v7;
	v7 =	vor.u32 v0, v3  }
0x9f: {  	v3 =	vadd.s32 v17, v5;
	v5 =	vsel vm0, $0xFFFFFFFF, v1;
	v9 =	vor.u32 v11, v7;
	[tilespmem:$0x1B0] =	vst v15  }
0xa0: {  	v13 =	vor.u32 v0, v14;
	v4 =	vadd.s32 v4, v5;
	v5 =	vadd.s32 $0x1, v3;
	[tilespmem:$0x130] =	vst v6  }
0xa1: {  	vm0 =	vgt.s32 v3, $0x0;
	vm3 =	vgt.s32 v5, $0x0;
	v6 =	vor.u32 v2, v7;
	[tilespmem:$0x90] =	vst v9  }
0xa2: {  	v5 =	vnsel vm3, $0x0, v5;
	v7 =	vor.u32 v12, v13;
	v9 =	vadd.s32 $0x1, v4  }
.Ltmp1:
0xa3: {  	v8 =	vnsel vm2, $0x0, v8;
	v13 =	vor.u32 v19, v13;
	v5 =	vmin.u32 v5, $0x3F;
	[tilespmem:$0xA0] =	vst v7;
	(pc) =	sbr.rel @p0 .LBB2_1-.Ltmp1, $4  }
0xa4: {  	v5 =	vor.u32 v0, v5;
	v7 =	vmin.u32 v8, $0x3F;
	[tilespmem:$0x190] =	vst v6;
	v6 =	vnsel vm1, $0x0, v10  }
0xa5: {  	vm1 =	vgt.s32 v9, $0x0;
	v7 =	vor.u32 v0, v7;
	v6 =	vmin.u32 v6, $0x3F;
	[tilespmem:$0x1A0] =	vst v13  }
0xa6: {  	v8 =	vnsel vm1, $0x0, v9;
	v9 =	vor.u32 v11, v7;
	v10 =	vor.u32 v0, v6  }
0xa7: {  	v8 =	vmin.u32 v8, $0x3F;
	[tilespmem:$0x10] =	vst v9;
	v6 =	vor.u32 v12, v10;
	v9 =	vor.u32 v19, v10  }
.LBB2_2:
0xa8: {  	vm1 =	vgt.s32 v4, $0x0  }
0xa9: {  	v1 =	vnsel vm0, $0x0, v3;
	v2 =	vor.u32 v2, v7;
	[tilespmem:$0x120] =	vst v9;
	v59 =	vnsel vm1, $0x0, v4  }
0xaa: {  	v61 =	vshll.u32 v8, $0x6;
	[tilespmem:$0x20] =	vst v6;
	v1 =	vmin.u32 v1, $0x3F;
	v3 =	vmin.u32 v59, $0x3F  }
0xab: {  	[tilespmem:$0x110] =	vst v2;
	v62 =	vor.u32 v61, v5;
	v0 =	vor.u32 v0, v1;
	v60 =	vshll.u32 v3, $0x6  }
0xac: {  	[tilespmem:$0x180] =	vst v62;
	v3 =	vor.u32 v60, v0  }
0xad: {  	v0 =	vor.u32 v61, v0;
	[tilespmem:$0x0] =	vst v3  }
0xae: {  	v63 =	vor.u32 v60, v5;
	[tilespmem:$0x100] =	vst v0  }
0xaf: {  	[tilespmem:$0x80] =	vst v63  }
0xb0: {  	[tilespmem:s11], [sflag:$0x1] =	stream.indirect.gather [hbm4b:s2+s12], $0x80, s3, s12, $0xb8;
	[tilespmem:$0x2300] =	vst v63  }
0xb1: {  	_ =	swait.ge [sflag:s13], $0x2000  }
0xb2: {  	[sflag:s13] =	ssyncset.done $0x0  }
0xb3: {  	[sflag:s13] =	ssyncadd.s32 $0xFFFFE000  }
0xb4: {  	[hbm4b:s15+s3] =	stream.linear.scatter [tilespmem:s11], [sflag:$0x2], $0x2000, $0x38;
	[tilespmem:$0x2300] =	vst v63  }
0xb5: {  	_ =	swait.ge [sflag:s4], $0x2000  }
0xb6: {  	[sflag:s4] =	ssyncset.done $0x0  }
0xb7: {  	[sflag:s4] =	ssyncadd.s32 $0xFFFFE000  }
0xb8: {  	[tilespmem:s11], [sflag:$0x1] =	stream.indirect.gather [hbm4b:s2+s12], $0x80, s18, s12, $0xb8;
	[tilespmem:$0x2300] =	vst v63  }
0xb9: {  	_ =	swait.ge [sflag:s13], $0x2000  }
0xba: {  	[sflag:s13] =	ssyncset.done $0x0  }
0xbb: {  	[sflag:s13] =	ssyncadd.s32 $0xFFFFE000  }
0xbc: {  	[hbm4b:s14+s3] =	stream.linear.scatter [tilespmem:s11], [sflag:$0x2], $0x2000, $0x38;
	[tilespmem:$0x2300] =	vst v63  }
0xbd: {  	_ =	swait.ge [sflag:s4], $0x2000  }
0xbe: {  	[sflag:s4] =	ssyncset.done $0x0  }
0xbf: {  	[sflag:s4] =	ssyncadd.s32 $0xFFFFE000  }
0xc0: {  	[tilespmem:s11], [sflag:$0x1] =	stream.indirect.gather [hbm4b:s2+s12], $0x80, s17, s12, $0xb8;
	[tilespmem:$0x2300] =	vst v63  }
0xc1: {  	_ =	swait.ge [sflag:s13], $0x2000  }
0xc2: {  	[sflag:s13] =	ssyncset.done $0x0  }
0xc3: {  	[sflag:s13] =	ssyncadd.s32 $0xFFFFE000  }
0xc4: {  	[hbm4b:s10+s3] =	stream.linear.scatter [tilespmem:s11], [sflag:$0x2], $0x2000, $0x38;
	[tilespmem:$0x2300] =	vst v63  }
0xc5: {  	_ =	swait.ge [sflag:s4], $0x2000  }
0xc6: {  	[sflag:s4] =	ssyncset.done $0x0  }
0xc7: {  	[sflag:s4] =	ssyncadd.s32 $0xFFFFE000  }
0xc8: {  	[tilespmem:s11], [sflag:$0x1] =	stream.indirect.gather [hbm4b:s2+s12], $0x80, s16, s12, $0xb8;
	[tilespmem:$0x2300] =	vst v63  }
0xc9: {  	_ =	swait.ge [sflag:s13], $0x2000  }
0xca: {  	[sflag:s13] =	ssyncset.done $0x0  }
0xcb: {  	[sflag:s13] =	ssyncadd.s32 $0xFFFFE000  }
0xcc: {  	[hbm4b:s9+s3] =	stream.linear.scatter [tilespmem:s11], [sflag:$0x2], $0x2000, $0x38;
	[tilespmem:$0x2300] =	vst v63  }
0xcd: {  	_ =	swait.ge [sflag:s4], $0x2000  }
0xce: {  	[sflag:s4] =	ssyncset.done $0x0  }
0xcf: {  	[sflag:s4] =	ssyncadd.s32 $0xFFFFE000  }
0xd0: {  	_ =	sfence.sel $0x180000  }
0xd1: {  	[bflag:$0x0] =	sbarrier.arrive $0xFFFF  }
0xd2: {  	p0 =	sne.s32 s0, $0x0;
	_ =	strace $0x90000047  }
0xd3: {  	s0 =	sadd.s32 @!p0 $0x100000, s1;
	[bflag:$0x2] =	sbarrier.arrive $0xFFFF  }
0xd4: {  	[sflag:s0] =	ssyncadd.tile.s32 @!p0 $0x1;
	_ =	shalt  }
.Lfunc_end2:
_tile_overlayer_lowered:
.L_overlay_start_2:
0xd5: {  	(tag) =	ssettag $0x2  }
0xd6: {  	s0 =	rddreg [dreg:$0x0];
	s2 =	stileid.u32  }
0xd7: {  	s1 =	rddreg [dreg:$0x1];
	p0 =	sne.s32 s2, $0x0  }
0xd8: {  	s3 =	rddreg [dreg:$0x2];
	[bflag:$0x3] =	sbarrier.arrive $0xFFFF;
	s2 =	simm.s32 @!p0 $0x1C02  }
0xd9: {  	[timem:s3], [sflag:s2] =	dma.local @!p0 [hbm:s0], s1  }
0xda: {  	s0 =	simm.s32 @!p0 $0x2  }
0xdb: {  	_ =	swait.ge @!p0 [sflag:s0], s1  }
0xdc: {  	s1 =	ssub.s32 @!p0 $0x0, s1;
	[sflag:s0] =	ssyncset.done @!p0 $0x0  }
0xdd: {  	[sflag:s0] =	ssyncadd.s32 @!p0 s1  }
0xde: {  	[bflag:$0x3] =	sbarrier.arrive $0xFFFF  }
0xdf: {  	_ =	shalt  }

</sc_bundles>
